<compile_context>
chip_gen: v7x
topology: tpu7x:2x2x1
jax: 0.10.2.dev20260603
libtpu: 0.0.44.dev20260713+nightly
codegen_flags: <defaults>
</compile_context>

<pallas_src>
import functools

import jax
import jax.numpy as jnp
from jax import lax
from jax.experimental import pallas as pl
from jax.experimental.pallas import tpu as pltpu
from jax.experimental.pallas import tpu_sc as plsc

N = 10000
E = 320000
D = 128
H = 32
G = 64
FH = 12
TV = 4

NP = 10240
NW = 32
CE = 128
EP = E + N
CPT = -(-EP // (NW * CE))
EPAD = NW * CPT * CE
ROWS_PT = NP // 16

NB = 10
BNP = NP // NB

_NEG = -1e30


def _t1_body(x_ref, w_ref, as_ref, ad_ref, h_ref, als_ref, ald_ref,
             ma_ref, mb_ref):
    i = pl.program_id(0)
    h = x_ref[...] @ w_ref[...]
    h_ref[...] = h
    als = h @ as_ref[...]
    ald = h @ ad_ref[...]
    rid = i * BNP + lax.broadcasted_iota(jnp.int32, (BNP, 1), 0)
    mask = rid < N
    als_ref[...] = jnp.where(mask, als, _NEG)
    ald_ref[...] = jnp.where(mask, ald, _NEG)

    @pl.when(i == 0)
    def _():
        ma_ref[...] = jnp.full((1, 1), -jnp.inf, jnp.float32)
        mb_ref[...] = jnp.full((1, 1), -jnp.inf, jnp.float32)

    ma_ref[...] = jnp.maximum(ma_ref[...], jnp.max(jnp.where(mask, als, -jnp.inf)))
    mb_ref[...] = jnp.maximum(mb_ref[...], jnp.max(jnp.where(mask, ald, -jnp.inf)))


def _t1(x, W, a_s, a_d):
    return pl.pallas_call(
        _t1_body,
        grid=(NB,),
        in_specs=[
            pl.BlockSpec((BNP, D), lambda i: (i, 0)),
            pl.BlockSpec((D, H), lambda i: (0, 0)),
            pl.BlockSpec((H, 1), lambda i: (0, 0)),
            pl.BlockSpec((H, 1), lambda i: (0, 0)),
        ],
        out_specs=[
            pl.BlockSpec((BNP, H), lambda i: (i, 0)),
            pl.BlockSpec((BNP, 1), lambda i: (i, 0)),
            pl.BlockSpec((BNP, 1), lambda i: (i, 0)),
            pl.BlockSpec((1, 1), lambda i: (0, 0)),
            pl.BlockSpec((1, 1), lambda i: (0, 0)),
        ],
        out_shape=[
            jax.ShapeDtypeStruct((NP, H), jnp.float32),
            jax.ShapeDtypeStruct((NP, 1), jnp.float32),
            jax.ShapeDtypeStruct((NP, 1), jnp.float32),
            jax.ShapeDtypeStruct((1, 1), jnp.float32),
            jax.ShapeDtypeStruct((1, 1), jnp.float32),
        ],
    )(x, W, a_s, a_d)


def _tmid_body(a_ref, s_ref, b_ref, w_ref, as_ref, ad_ref,
               h_ref, als_ref, ald_ref, ma_ref, mb_ref):
    i = pl.program_id(0)
    a = a_ref[...]
    s = s_ref[...]
    denom = (s[0] + s[1] + 1e-16)[:, None]
    pre = (a[0] + a[1]) / denom + b_ref[...]
    act = 0.5 * pre * (1.0 + lax.erf(pre * (2.0 ** -0.5)))
    h = act @ w_ref[...]
    h_ref[...] = h
    als = h @ as_ref[...]
    ald = h @ ad_ref[...]
    rid = i * BNP + lax.broadcasted_iota(jnp.int32, (BNP, 1), 0)
    mask = rid < N
    als_ref[...] = jnp.where(mask, als, _NEG)
    ald_ref[...] = jnp.where(mask, ald, _NEG)

    @pl.when(i == 0)
    def _():
        ma_ref[...] = jnp.full((1, 1), -jnp.inf, jnp.float32)
        mb_ref[...] = jnp.full((1, 1), -jnp.inf, jnp.float32)

    ma_ref[...] = jnp.maximum(ma_ref[...], jnp.max(jnp.where(mask, als, -jnp.inf)))
    mb_ref[...] = jnp.maximum(mb_ref[...], jnp.max(jnp.where(mask, ald, -jnp.inf)))


def _tmid(acc, s, b, W, a_s, a_d):
    return pl.pallas_call(
        _tmid_body,
        grid=(NB,),
        in_specs=[
            pl.BlockSpec((2, BNP, H), lambda i: (0, i, 0)),
            pl.BlockSpec((2, BNP), lambda i: (0, i)),
            pl.BlockSpec((1, H), lambda i: (0, 0)),
            pl.BlockSpec((H, H), lambda i: (0, 0)),
            pl.BlockSpec((H, 1), lambda i: (0, 0)),
            pl.BlockSpec((H, 1), lambda i: (0, 0)),
        ],
        out_specs=[
            pl.BlockSpec((BNP, H), lambda i: (i, 0)),
            pl.BlockSpec((BNP, 1), lambda i: (i, 0)),
            pl.BlockSpec((BNP, 1), lambda i: (i, 0)),
            pl.BlockSpec((1, 1), lambda i: (0, 0)),
            pl.BlockSpec((1, 1), lambda i: (0, 0)),
        ],
        out_shape=[
            jax.ShapeDtypeStruct((NP, H), jnp.float32),
            jax.ShapeDtypeStruct((NP, 1), jnp.float32),
            jax.ShapeDtypeStruct((NP, 1), jnp.float32),
            jax.ShapeDtypeStruct((1, 1), jnp.float32),
            jax.ShapeDtypeStruct((1, 1), jnp.float32),
        ],
    )(acc, s, b, W, a_s, a_d)


def _tf_body(a_ref, s_ref, bb_ref, b3_ref, wr_ref, br_ref,
             wm0_ref, bm0_ref, wm1_ref, bm1_ref, wl_ref, bl_ref,
             out_ref, sum_s, cnt_s, mx_s):
    i = pl.program_id(0)

    @pl.when(i == 0)
    def _():
        sum_s[...] = jnp.zeros((G, H), jnp.float32)
        cnt_s[...] = jnp.zeros((G, 1), jnp.float32)
        mx_s[...] = jnp.full((G, H), -jnp.inf, jnp.float32)

    a = a_ref[...]
    s = s_ref[...]
    denom = (s[0] + s[1] + 1e-16)[:, None]
    h = (a[0] + a[1]) / denom + b3_ref[...]
    bb = bb_ref[...]
    oh = (bb == lax.broadcasted_iota(jnp.int32, (1, G), 1)).astype(jnp.float32)
    sum_s[...] += lax.dot_general(oh, h, (((0,), (0,)), ((), ())))
    cnt_s[...] += jnp.sum(oh, axis=0)[:, None]
    for g in range(G):
        mg = jnp.where(bb == g, h, -jnp.inf)
        mx_s[g:g + 1, :] = jnp.maximum(mx_s[g:g + 1, :],
                                       jnp.max(mg, axis=0, keepdims=True))

    @pl.when(i == NB - 1)
    def _():
        mean = sum_s[...] / jnp.maximum(cnt_s[...], 1.0)
        mxf = jnp.where(jnp.isfinite(mx_s[...]), mx_s[...], 0.0)
        z = jnp.concatenate([mean, mxf], axis=1)
        z = z @ wr_ref[...] + br_ref[...]
        z = jnp.maximum(z @ wm0_ref[...] + bm0_ref[...], 0.0)
        z = jnp.maximum(z @ wm1_ref[...] + bm1_ref[...], 0.0)
        out_ref[...] = z @ wl_ref[...] + bl_ref[...]


def _tfinal(acc, s, bb, b3, Wr, br, Wm0, bm0, Wm1, bm1, Wl, bl):
    full = lambda i: (0, 0)
    return pl.pallas_call(
        _tf_body,
        grid=(NB,),
        in_specs=[
            pl.BlockSpec((2, BNP, H), lambda i: (0, i, 0)),
            pl.BlockSpec((2, BNP), lambda i: (0, i)),
            pl.BlockSpec((BNP, 1), lambda i: (i, 0)),
            pl.BlockSpec((1, H), full),
            pl.BlockSpec((2 * H, H), full),
            pl.BlockSpec((1, H), full),
            pl.BlockSpec((H, H), full),
            pl.BlockSpec((1, H), full),
            pl.BlockSpec((H, H), full),
            pl.BlockSpec((1, H), full),
            pl.BlockSpec((H, TV * FH), full),
            pl.BlockSpec((1, TV * FH), full),
        ],
        out_specs=pl.BlockSpec((G, TV * FH), full),
        out_shape=jax.ShapeDtypeStruct((G, TV * FH), jnp.float32),
        scratch_shapes=[
            pltpu.VMEM((G, H), jnp.float32),
            pltpu.VMEM((G, 1), jnp.float32),
            pltpu.VMEM((G, H), jnp.float32),
        ],
    )(acc, s, bb, b3, Wr, br, Wm0, bm0, Wm1, bm1, Wl, bl)


def _sc_make():
    mesh = plsc.VectorSubcoreMesh(core_axis_name="c", subcore_axis_name="s",
                                  num_cores=2, num_subcores=16)

    @functools.partial(
        pl.kernel,
        out_type=[
            jax.ShapeDtypeStruct((2, NP, H), jnp.float32),
            jax.ShapeDtypeStruct((2, NP), jnp.float32),
        ],
        mesh=mesh,
        compiler_params=pltpu.CompilerParams(needs_layout_passes=False,
                                             use_tc_tiling_on_sc=False),
        scratch_types=[
            pltpu.VMEM((NP,), jnp.float32),
            pltpu.VMEM((NP,), jnp.float32),
            pltpu.VMEM((16,), jnp.float32),
            pltpu.VMEM((CPT, CE), jnp.int32),
            pltpu.VMEM((CPT, CE), jnp.int32),
            pltpu.VMEM((CE,), jnp.float32),
            pltpu.VMEM((CE, H), jnp.float32),
            pltpu.VMEM((ROWS_PT,), jnp.float32),
            pltpu.VMEM_SHARED((NP, H), jnp.float32),
            pltpu.VMEM_SHARED((NP,), jnp.float32),
            pltpu.SemaphoreType.DMA,
        ],
    )
    def sc_fn(als_hbm, ald_hbm, c_hbm, h_hbm, src_hbm, dst_hbm,
              out_hbm, s_hbm,
              als_v, ald_v, c_v, src_v, dst_v, ex_v, rows_v, z640,
              out_sh, s_sh, sem_g):
        cid = lax.axis_index("c")
        tid = lax.axis_index("s")
        wid = tid * 2 + cid
        zero16 = jnp.zeros((16,), jnp.float32)

        def zrow(r, _):
            rows_v[r, pl.ds(0, 16)] = zero16
            rows_v[r, pl.ds(16, 16)] = zero16
            return 0

        lax.fori_loop(0, CE, zrow, 0)

        def z6(k, _):
            z640[pl.ds(k * 16, 16)] = zero16
            return 0

        lax.fori_loop(0, ROWS_PT // 16, z6, 0)

        pltpu.sync_copy(als_hbm, als_v)
        pltpu.sync_copy(ald_hbm, ald_v)
        pltpu.sync_copy(c_hbm, c_v)
        pltpu.sync_copy(src_hbm.at[wid], src_v)
        pltpu.sync_copy(dst_hbm.at[wid], dst_v)

        base = tid * ROWS_PT
        pltpu.sync_copy(z640, s_sh.at[pl.ds(base, ROWS_PT)])
        for k in range(ROWS_PT // CE):
            pltpu.sync_copy(rows_v, out_sh.at[pl.ds(base + k * CE, CE)])
        plsc.subcore_barrier()

        cvec = c_v[...]

        def chunk(j, _):
            g = pltpu.async_copy(h_hbm.at[src_v.at[j]], rows_v, sem_g)

            for k in range(CE // 16):
                s16 = src_v[j, pl.ds(k * 16, 16)]
                d16 = dst_v[j, pl.ds(k * 16, 16)]
                av = plsc.load_gather(als_v, [s16])
                bv = plsc.load_gather(ald_v, [d16])
                e = av + bv
                e = jnp.maximum(e, 0.2 * e)
                ex_v[pl.ds(k * 16, 16)] = jnp.exp(e - cvec)

            g.wait()

            def srow(rr, _):
                r0 = rr * 4
                for c in range(4):
                    exr = plsc.load_gather(ex_v, [lax.broadcast(r0 + c, (16,))])
                    rows_v[r0 + c, pl.ds(0, 16)] = rows_v[r0 + c, pl.ds(0, 16)] * exr
                    rows_v[r0 + c, pl.ds(16, 16)] = rows_v[r0 + c, pl.ds(16, 16)] * exr
                return 0

            lax.fori_loop(0, CE // 4, srow, 0)

            pltpu.sync_copy(ex_v, s_sh.at[dst_v.at[j]], add=True)
            pltpu.sync_copy(rows_v, out_sh.at[dst_v.at[j]], add=True)
            return 0

        lax.fori_loop(0, CPT, chunk, 0)
        plsc.subcore_barrier()

        pltpu.sync_copy(s_sh.at[pl.ds(base, ROWS_PT)], z640)
        pltpu.sync_copy(z640, s_hbm.at[cid, pl.ds(base, ROWS_PT)])
        for k in range(ROWS_PT // CE):
            pltpu.sync_copy(out_sh.at[pl.ds(base + k * CE, CE)], rows_v)
            pltpu.sync_copy(rows_v, out_hbm.at[cid, pl.ds(base + k * CE, CE)])

    return sc_fn


_SC_CACHE = []


def _sc_fn():
    if not _SC_CACHE:
        _SC_CACHE.append(_sc_make())
    return _SC_CACHE[0]


def _sc_layer(h, als, ald, ma, mb, srcs, dsts):
    m = ma[0, 0] + mb[0, 0]
    c = jnp.where(m >= 0.0, m, 0.2 * m)
    c16 = jnp.full((16,), c, jnp.float32)
    return _sc_fn()(als.reshape(NP), ald.reshape(NP), c16, h, srcs, dsts)


def kernel(x, edge_index, batch, W1, as1, ad1, b1, W2, as2, ad2, b2,
           W3, as3, ad3, b3, Wr, br, Wm0, bm0, Wm1, bm1, Wl, bl):
    loops = jnp.arange(N, dtype=edge_index.dtype)
    src = jnp.concatenate([edge_index[0], loops,
                           jnp.full((EPAD - EP,), N, edge_index.dtype)])
    dst = jnp.concatenate([edge_index[1], loops,
                           jnp.full((EPAD - EP,), N, edge_index.dtype)])
    srcs = src.reshape(NW, CPT, CE)
    dsts = dst.reshape(NW, CPT, CE)
    x_p = jnp.concatenate([x, jnp.zeros((NP - N, D), jnp.float32)], axis=0)
    batch_p = jnp.concatenate([batch, jnp.full((NP - N,), G, batch.dtype)])
    batch_p = batch_p.reshape(NP, 1)

    h1, als1, ald1, ma1, mb1 = _t1(x_p, W1, as1.reshape(H, 1), ad1.reshape(H, 1))
    acc, s = _sc_layer(h1, als1, ald1, ma1, mb1, srcs, dsts)

    h2, als2, ald2, ma2, mb2 = _tmid(acc, s, b1.reshape(1, H), W2,
                                     as2.reshape(H, 1), ad2.reshape(H, 1))
    acc, s = _sc_layer(h2, als2, ald2, ma2, mb2, srcs, dsts)

    h3, als3, ald3, ma3, mb3 = _tmid(acc, s, b2.reshape(1, H), W3,
                                     as3.reshape(H, 1), ad3.reshape(H, 1))
    acc, s = _sc_layer(h3, als3, ald3, ma3, mb3, srcs, dsts)

    z = _tfinal(acc, s, batch_p, b3.reshape(1, H),
                Wr, br.reshape(1, H), Wm0, bm0.reshape(1, H),
                Wm1, bm1.reshape(1, H), Wl, bl.reshape(1, TV * FH))
    return z.reshape(G, FH, TV)

# --- scband reference (transcript-rebuilt; emitter-appended) ---
"""Pipeline reference for scband-graph-model-11836929868640 (READ-ONLY COPY).

The authoritative reference and input builder live on the scoring server;
editing this copy changes nothing except your own understanding.
"""

import jax, jax.numpy as jnp
import numpy as np

N = 10000
E = 320000
D = 128
H = 32
G = 64
FH = 12
TV = 4


def setup_inputs(seed: int = 0):
    key = jax.random.key(seed)
    ks = jax.random.split(key, 24)

    def lin_w(k, fin, fout):
        return (jax.random.normal(k, (fin, fout), dtype=jnp.float32) / np.sqrt(fin)).astype(jnp.float32)

    def vec(k, n):
        return (jax.random.normal(k, (n,), dtype=jnp.float32) * 0.1).astype(jnp.float32)

    inp = {}
    inp['x'] = jax.random.normal(ks[0], (N, D), dtype=jnp.float32)
    inp['edge_index'] = jax.random.randint(ks[1], (2, E), 0, N, dtype=jnp.int32)
    inp['batch'] = jnp.sort(jax.random.randint(ks[2], (N,), 0, G, dtype=jnp.int32))
    # GATConv 1 (in=D, out=H, heads=1)
    inp['W1'] = lin_w(ks[3], D, H); inp['as1'] = vec(ks[4], H); inp['ad1'] = vec(ks[5], H); inp['b1'] = jnp.zeros((H,), jnp.float32)
    # GATConv 2
    inp['W2'] = lin_w(ks[6], H, H); inp['as2'] = vec(ks[7], H); inp['ad2'] = vec(ks[8], H); inp['b2'] = jnp.zeros((H,), jnp.float32)
    # GATConv 3
    inp['W3'] = lin_w(ks[9], H, H); inp['as3'] = vec(ks[10], H); inp['ad3'] = vec(ks[11], H); inp['b3'] = jnp.zeros((H,), jnp.float32)
    # lin_reduce: 2H -> H
    inp['Wr'] = lin_w(ks[12], 2 * H, H); inp['br'] = jnp.zeros((H,), jnp.float32)
    # MLP (n_layers=2): H->H, H->H, relu after each
    inp['Wm0'] = lin_w(ks[13], H, H); inp['bm0'] = jnp.zeros((H,), jnp.float32)
    inp['Wm1'] = lin_w(ks[14], H, H); inp['bm1'] = jnp.zeros((H,), jnp.float32)
    # final lin: H -> TV*FH
    inp['Wl'] = lin_w(ks[15], H, TV * FH); inp['bl'] = jnp.zeros((TV * FH,), jnp.float32)
    return inp


def reference(x, edge_index, batch, W1, as1, ad1, b1, W2, as2, ad2, b2, W3, as3, ad3, b3, Wr, br, Wm0, bm0, Wm1, bm1, Wl, bl):
    # PyG GATConv adds self-loops by default
    loops = jnp.arange(N, dtype=edge_index.dtype)
    src = jnp.concatenate([edge_index[0], loops])
    dst = jnp.concatenate([edge_index[1], loops])

    def gat(h_in, W, a_s, a_d, b):
        h = h_in @ W
        als = (h * a_s).sum(-1)
        ald = (h * a_d).sum(-1)
        e = jax.nn.leaky_relu(als[src] + ald[dst], negative_slope=0.2)
        m = jax.ops.segment_max(e, dst, num_segments=N)
        m = jnp.where(jnp.isfinite(m), m, 0.0)
        ex = jnp.exp(e - m[dst])
        s = jax.ops.segment_sum(ex, dst, num_segments=N)
        alpha = ex / (s[dst] + 1e-16)
        out = jax.ops.segment_sum(h[src] * alpha[:, None], dst, num_segments=N)
        return out + b

    h = jax.nn.gelu(gat(x, W1, as1, ad1, b1), approximate=False)
    h = jax.nn.gelu(gat(h, W2, as2, ad2, b2), approximate=False)
    h = gat(h, W3, as3, ad3, b3)

    ones = jnp.ones((N,), jnp.float32)
    cnt = jax.ops.segment_sum(ones, batch, num_segments=G)
    x_mean = jax.ops.segment_sum(h, batch, num_segments=G) / jnp.maximum(cnt, 1.0)[:, None]
    x_max = jax.ops.segment_max(h, batch, num_segments=G)
    x_max = jnp.where(jnp.isfinite(x_max), x_max, 0.0)

    z = jnp.concatenate([x_mean, x_max], axis=1)
    z = z @ Wr + br
    z = jax.nn.relu(z @ Wm0 + bm0)
    z = jax.nn.relu(z @ Wm1 + bm1)
    z = z @ Wl + bl
    return z.reshape(G, FH, TV)

if __name__ == "__main__":
    import jax
    _d = setup_inputs()
    print(jax.jit(kernel)(*tuple(_d.values())))

</pallas_src>

<mosaic_0001>
#map = affine_map<(d0, d1) -> (0)>
#map1 = affine_map<(d0, d1) -> (0, 0)>
#map2 = affine_map<(d0, d1) -> (0, 0, 0)>
module attributes {stable_mosaic.version = 14 : i64} {
  func.func @sc_fn(%arg0: i32, %arg1: i32, %arg2: memref<10240xf32, #tpu.memory_space<hbm>>, %arg3: memref<10240xf32, #tpu.memory_space<hbm>>, %arg4: memref<16xf32, #tpu.memory_space<hbm>>, %arg5: memref<10240x32xf32, #tpu.memory_space<hbm>>, %arg6: memref<32x81x128xi32, #tpu.memory_space<hbm>>, %arg7: memref<32x81x128xi32, #tpu.memory_space<hbm>>, %arg8: memref<2x10240x32xf32, #tpu.memory_space<hbm>>, %arg9: memref<2x10240xf32, #tpu.memory_space<hbm>>, %arg10: memref<10240xf32, #tpu.memory_space<vmem>>, %arg11: memref<10240xf32, #tpu.memory_space<vmem>>, %arg12: memref<16xf32, #tpu.memory_space<vmem>>, %arg13: memref<81x128xi32, #tpu.memory_space<vmem>>, %arg14: memref<81x128xi32, #tpu.memory_space<vmem>>, %arg15: memref<128xf32, #tpu.memory_space<vmem>>, %arg16: memref<128x32xf32, #tpu.memory_space<vmem>>, %arg17: memref<640xf32, #tpu.memory_space<vmem>>, %arg18: memref<10240x32xf32, #tpu.memory_space<vmem_shared>>, %arg19: memref<10240xf32, #tpu.memory_space<vmem_shared>>, %arg20: memref<!tpu.dma_semaphore, #tpu.memory_space<semaphore_mem>>) attributes {dimension_semantics = [#tpu.dimension_semantics<core_parallel>, #tpu.dimension_semantics<subcore_parallel>], iteration_bounds = array<i64: 2, 16>, scalar_prefetch = 0 : i64, scratch_operands = 11 : i64, tpu.core_type = #tpu.core_type<sc_vector_subcore>, window_params = [{transform_indices = #map}, {transform_indices = #map}, {transform_indices = #map}, {transform_indices = #map1}, {transform_indices = #map2}, {transform_indices = #map2}, {transform_indices = #map2}, {transform_indices = #map1}]} {
    %mul3A = arith.constant 2 : i32
    %mul3A_0 = arith.muli %arg1, %mul3A : i32
    %add3A = arith.addi %mul3A_0, %arg0 : i32
    %broadcast_in_dim3A = arith.constant 0.000000e+00 : f32
    %broadcast_in_dim3A_1 = vector.broadcast %broadcast_in_dim3A : f32 to vector<16xf32>
    %scan3A = arith.constant 0 : i32
    %scan3A_2 = arith.constant 0 : i32
    %scan3A_3 = arith.constant 128 : i32
    %scan3A_4 = arith.addi %scan3A_2, %scan3A_3 : i32
    %scan3A_5 = arith.constant 1 : i32
    %scan3A_6 = scf.for %scan3A_56 = %scan3A_2 to %scan3A_4 step %scan3A_5 iter_args(%scan3A_57 = %scan3A) -> (i32)  : i32 {
      %swap3A = arith.index_cast %scan3A_56 : i32 to index
      %swap3A_58 = arith.constant 0 : index
      %swap3A_59 = tpu.vector_load %arg16[%swap3A, %swap3A_58] {strides = array<i32>} : memref<128x32xf32, #tpu.memory_space<vmem>>, vector<16xf32>,
      tpu.vector_store %arg16[%swap3A, %swap3A_58], %broadcast_in_dim3A_1 {strides = array<i32>} : memref<128x32xf32, #tpu.memory_space<vmem>>, vector<16xf32>,
      %swap3A_60 = arith.index_cast %scan3A_56 : i32 to index
      %swap3A_61 = arith.constant 16 : index
      %swap3A_62 = tpu.vector_load %arg16[%swap3A_60, %swap3A_61] {strides = array<i32>} : memref<128x32xf32, #tpu.memory_space<vmem>>, vector<16xf32>,
      tpu.vector_store %arg16[%swap3A_60, %swap3A_61], %broadcast_in_dim3A_1 {strides = array<i32>} : memref<128x32xf32, #tpu.memory_space<vmem>>, vector<16xf32>,
      %scan3A_63 = arith.constant 0 : i32
      scf.yield %scan3A_63 : i32
    }
    %scan3A_7 = arith.constant 128 : i32
    %scan3A_8 = arith.constant 0 : i32
    %scan3A_9 = arith.constant 0 : i32
    %scan3A_10 = arith.constant 40 : i32
    %scan3A_11 = arith.addi %scan3A_9, %scan3A_10 : i32
    %scan3A_12 = arith.constant 1 : i32
    %scan3A_13 = scf.for %scan3A_56 = %scan3A_9 to %scan3A_11 step %scan3A_12 iter_args(%scan3A_57 = %scan3A_8) -> (i32)  : i32 {
      %mul3A_58 = arith.constant 16 : i32
      %mul3A_59 = arith.muli %scan3A_56, %mul3A_58 : i32
      %swap3A = arith.index_cast %mul3A_59 : i32 to index
      %swap3A_60 = tpu.vector_load %arg17[%swap3A] {strides = array<i32>} : memref<640xf32, #tpu.memory_space<vmem>>, vector<16xf32>,
      tpu.vector_store %arg17[%swap3A], %broadcast_in_dim3A_1 {strides = array<i32>} : memref<640xf32, #tpu.memory_space<vmem>>, vector<16xf32>,
      %scan3A_61 = arith.constant 0 : i32
      scf.yield %scan3A_61 : i32
    }
    %scan3A_14 = arith.constant 40 : i32
    "tpu.region"() ({
      %run_scoped3A = tpu.sem_alloc : memref<!tpu.dma_semaphore, #tpu.memory_space<semaphore_mem>>
      tpu.enqueue_dma source(%arg2 : memref<10240xf32, #tpu.memory_space<hbm>>) target(%arg10 : memref<10240xf32, #tpu.memory_space<vmem>>) target_semaphore(%run_scoped3A : memref<!tpu.dma_semaphore, #tpu.memory_space<semaphore_mem>>)
      tpu.wait_dma2 semaphore(%run_scoped3A : memref<!tpu.dma_semaphore, #tpu.memory_space<semaphore_mem>>) src(%arg2 : memref<10240xf32, #tpu.memory_space<hbm>>) dst(%arg10 : memref<10240xf32, #tpu.memory_space<vmem>>)
      tpu.yield
    }) : () -> ()
    "tpu.region"() ({
      %run_scoped3A = tpu.sem_alloc : memref<!tpu.dma_semaphore, #tpu.memory_space<semaphore_mem>>
      tpu.enqueue_dma source(%arg3 : memref<10240xf32, #tpu.memory_space<hbm>>) target(%arg11 : memref<10240xf32, #tpu.memory_space<vmem>>) target_semaphore(%run_scoped3A : memref<!tpu.dma_semaphore, #tpu.memory_space<semaphore_mem>>)
      tpu.wait_dma2 semaphore(%run_scoped3A : memref<!tpu.dma_semaphore, #tpu.memory_space<semaphore_mem>>) src(%arg3 : memref<10240xf32, #tpu.memory_space<hbm>>) dst(%arg11 : memref<10240xf32, #tpu.memory_space<vmem>>)
      tpu.yield
    }) : () -> ()
    "tpu.region"() ({
      %run_scoped3A = tpu.sem_alloc : memref<!tpu.dma_semaphore, #tpu.memory_space<semaphore_mem>>
      tpu.enqueue_dma source(%arg4 : memref<16xf32, #tpu.memory_space<hbm>>) target(%arg12 : memref<16xf32, #tpu.memory_space<vmem>>) target_semaphore(%run_scoped3A : memref<!tpu.dma_semaphore, #tpu.memory_space<semaphore_mem>>)
      tpu.wait_dma2 semaphore(%run_scoped3A : memref<!tpu.dma_semaphore, #tpu.memory_space<semaphore_mem>>) src(%arg4 : memref<16xf32, #tpu.memory_space<hbm>>) dst(%arg12 : memref<16xf32, #tpu.memory_space<vmem>>)
      tpu.yield
    }) : () -> ()
    "tpu.region"() ({
      %run_scoped3A = tpu.sem_alloc : memref<!tpu.dma_semaphore, #tpu.memory_space<semaphore_mem>>
      %dma_start3A = arith.constant 0 : i32
      %dma_start3A_56 = arith.constant 0 : i32
      %dma_start3A_57 = tpu.memref_slice %arg6[%add3A, %dma_start3A, %dma_start3A_56] : memref<32x81x128xi32, #tpu.memory_space<hbm>> -> memref<1x81x128xi32, #tpu.memory_space<hbm>>
      %dma_start3A_58 = tpu.memref_squeeze %dma_start3A_57 : memref<1x81x128xi32, #tpu.memory_space<hbm>> -> memref<81x128xi32, #tpu.memory_space<hbm>>
      %dma_start3A_59 = arith.constant 0 : i32
      %dma_start3A_60 = arith.constant 0 : i32
      %dma_start3A_61 = tpu.memref_slice %arg6[%add3A, %dma_start3A_59, %dma_start3A_60] : memref<32x81x128xi32, #tpu.memory_space<hbm>> -> memref<1x81x128xi32, #tpu.memory_space<hbm>>
      %dma_start3A_62 = tpu.memref_squeeze %dma_start3A_61 : memref<1x81x128xi32, #tpu.memory_space<hbm>> -> memref<81x128xi32, #tpu.memory_space<hbm>>
      tpu.enqueue_dma source(%dma_start3A_62 : memref<81x128xi32, #tpu.memory_space<hbm>>) target(%arg13 : memref<81x128xi32, #tpu.memory_space<vmem>>) target_semaphore(%run_scoped3A : memref<!tpu.dma_semaphore, #tpu.memory_space<semaphore_mem>>)
      %dma_wait3A = arith.constant 0 : i32
      %dma_wait3A_63 = arith.constant 0 : i32
      %dma_wait3A_64 = tpu.memref_slice %arg6[%add3A, %dma_wait3A, %dma_wait3A_63] : memref<32x81x128xi32, #tpu.memory_space<hbm>> -> memref<1x81x128xi32, #tpu.memory_space<hbm>>
      %dma_wait3A_65 = tpu.memref_squeeze %dma_wait3A_64 : memref<1x81x128xi32, #tpu.memory_space<hbm>> -> memref<81x128xi32, #tpu.memory_space<hbm>>
      %dma_wait3A_66 = arith.constant 0 : i32
      %dma_wait3A_67 = arith.constant 0 : i32
      %dma_wait3A_68 = tpu.memref_slice %arg6[%add3A, %dma_wait3A_66, %dma_wait3A_67] : memref<32x81x128xi32, #tpu.memory_space<hbm>> -> memref<1x81x128xi32, #tpu.memory_space<hbm>>
      %dma_wait3A_69 = tpu.memref_squeeze %dma_wait3A_68 : memref<1x81x128xi32, #tpu.memory_space<hbm>> -> memref<81x128xi32, #tpu.memory_space<hbm>>
      tpu.wait_dma2 semaphore(%run_scoped3A : memref<!tpu.dma_semaphore, #tpu.memory_space<semaphore_mem>>) src(%dma_wait3A_69 : memref<81x128xi32, #tpu.memory_space<hbm>>) dst(%arg13 : memref<81x128xi32, #tpu.memory_space<vmem>>)
      tpu.yield
    }) : () -> ()
    "tpu.region"() ({
      %run_scoped3A = tpu.sem_alloc : memref<!tpu.dma_semaphore, #tpu.memory_space<semaphore_mem>>
      %dma_start3A = arith.constant 0 : i32
      %dma_start3A_56 = arith.constant 0 : i32
      %dma_start3A_57 = tpu.memref_slice %arg7[%add3A, %dma_start3A, %dma_start3A_56] : memref<32x81x128xi32, #tpu.memory_space<hbm>> -> memref<1x81x128xi32, #tpu.memory_space<hbm>>
      %dma_start3A_58 = tpu.memref_squeeze %dma_start3A_57 : memref<1x81x128xi32, #tpu.memory_space<hbm>> -> memref<81x128xi32, #tpu.memory_space<hbm>>
      %dma_start3A_59 = arith.constant 0 : i32
      %dma_start3A_60 = arith.constant 0 : i32
      %dma_start3A_61 = tpu.memref_slice %arg7[%add3A, %dma_start3A_59, %dma_start3A_60] : memref<32x81x128xi32, #tpu.memory_space<hbm>> -> memref<1x81x128xi32, #tpu.memory_space<hbm>>
      %dma_start3A_62 = tpu.memref_squeeze %dma_start3A_61 : memref<1x81x128xi32, #tpu.memory_space<hbm>> -> memref<81x128xi32, #tpu.memory_space<hbm>>
      tpu.enqueue_dma source(%dma_start3A_62 : memref<81x128xi32, #tpu.memory_space<hbm>>) target(%arg14 : memref<81x128xi32, #tpu.memory_space<vmem>>) target_semaphore(%run_scoped3A : memref<!tpu.dma_semaphore, #tpu.memory_space<semaphore_mem>>)
      %dma_wait3A = arith.constant 0 : i32
      %dma_wait3A_63 = arith.constant 0 : i32
      %dma_wait3A_64 = tpu.memref_slice %arg7[%add3A, %dma_wait3A, %dma_wait3A_63] : memref<32x81x128xi32, #tpu.memory_space<hbm>> -> memref<1x81x128xi32, #tpu.memory_space<hbm>>
      %dma_wait3A_65 = tpu.memref_squeeze %dma_wait3A_64 : memref<1x81x128xi32, #tpu.memory_space<hbm>> -> memref<81x128xi32, #tpu.memory_space<hbm>>
      %dma_wait3A_66 = arith.constant 0 : i32
      %dma_wait3A_67 = arith.constant 0 : i32
      %dma_wait3A_68 = tpu.memref_slice %arg7[%add3A, %dma_wait3A_66, %dma_wait3A_67] : memref<32x81x128xi32, #tpu.memory_space<hbm>> -> memref<1x81x128xi32, #tpu.memory_space<hbm>>
      %dma_wait3A_69 = tpu.memref_squeeze %dma_wait3A_68 : memref<1x81x128xi32, #tpu.memory_space<hbm>> -> memref<81x128xi32, #tpu.memory_space<hbm>>
      tpu.wait_dma2 semaphore(%run_scoped3A : memref<!tpu.dma_semaphore, #tpu.memory_space<semaphore_mem>>) src(%dma_wait3A_69 : memref<81x128xi32, #tpu.memory_space<hbm>>) dst(%arg14 : memref<81x128xi32, #tpu.memory_space<vmem>>)
      tpu.yield
    }) : () -> ()
    %mul3A_15 = arith.constant 640 : i32
    %mul3A_16 = arith.muli %arg1, %mul3A_15 : i32
    "tpu.region"() ({
      %run_scoped3A = tpu.sem_alloc : memref<!tpu.dma_semaphore, #tpu.memory_space<semaphore_mem>>
      %dma_start3A = tpu.memref_slice %arg19[%mul3A_16] : memref<10240xf32, #tpu.memory_space<vmem_shared>> -> memref<640xf32, #tpu.memory_space<vmem_shared>>
      %dma_start3A_56 = tpu.memref_slice %arg19[%mul3A_16] : memref<10240xf32, #tpu.memory_space<vmem_shared>> -> memref<640xf32, #tpu.memory_space<vmem_shared>>
      tpu.enqueue_dma source(%arg17 : memref<640xf32, #tpu.memory_space<vmem>>) target(%dma_start3A_56 : memref<640xf32, #tpu.memory_space<vmem_shared>>) target_semaphore(%run_scoped3A : memref<!tpu.dma_semaphore, #tpu.memory_space<semaphore_mem>>)
      %dma_wait3A = tpu.memref_slice %arg19[%mul3A_16] : memref<10240xf32, #tpu.memory_space<vmem_shared>> -> memref<640xf32, #tpu.memory_space<vmem_shared>>
      %dma_wait3A_57 = tpu.memref_slice %arg19[%mul3A_16] : memref<10240xf32, #tpu.memory_space<vmem_shared>> -> memref<640xf32, #tpu.memory_space<vmem_shared>>
      tpu.wait_dma2 semaphore(%run_scoped3A : memref<!tpu.dma_semaphore, #tpu.memory_space<semaphore_mem>>) src(%arg17 : memref<640xf32, #tpu.memory_space<vmem>>) dst(%dma_wait3A_57 : memref<640xf32, #tpu.memory_space<vmem_shared>>)
      tpu.yield
    }) : () -> ()
    %add3A_17 = arith.constant 0 : i32
    %add3A_18 = arith.addi %mul3A_16, %add3A_17 : i32
    "tpu.region"() ({
      %run_scoped3A = tpu.sem_alloc : memref<!tpu.dma_semaphore, #tpu.memory_space<semaphore_mem>>
      %dma_start3A = arith.constant 0 : i32
      %dma_start3A_56 = tpu.memref_slice %arg18[%add3A_18, %dma_start3A] : memref<10240x32xf32, #tpu.memory_space<vmem_shared>> -> memref<128x32xf32, #tpu.memory_space<vmem_shared>>
      %dma_start3A_57 = arith.constant 0 : i32
      %dma_start3A_58 = tpu.memref_slice %arg18[%add3A_18, %dma_start3A_57] : memref<10240x32xf32, #tpu.memory_space<vmem_shared>> -> memref<128x32xf32, #tpu.memory_space<vmem_shared>>
      tpu.enqueue_dma source(%arg16 : memref<128x32xf32, #tpu.memory_space<vmem>>) target(%dma_start3A_58 : memref<128x32xf32, #tpu.memory_space<vmem_shared>>) target_semaphore(%run_scoped3A : memref<!tpu.dma_semaphore, #tpu.memory_space<semaphore_mem>>)
      %dma_wait3A = arith.constant 0 : i32
      %dma_wait3A_59 = tpu.memref_slice %arg18[%add3A_18, %dma_wait3A] : memref<10240x32xf32, #tpu.memory_space<vmem_shared>> -> memref<128x32xf32, #tpu.memory_space<vmem_shared>>
      %dma_wait3A_60 = arith.constant 0 : i32
      %dma_wait3A_61 = tpu.memref_slice %arg18[%add3A_18, %dma_wait3A_60] : memref<10240x32xf32, #tpu.memory_space<vmem_shared>> -> memref<128x32xf32, #tpu.memory_space<vmem_shared>>
      tpu.wait_dma2 semaphore(%run_scoped3A : memref<!tpu.dma_semaphore, #tpu.memory_space<semaphore_mem>>) src(%arg16 : memref<128x32xf32, #tpu.memory_space<vmem>>) dst(%dma_wait3A_61 : memref<128x32xf32, #tpu.memory_space<vmem_shared>>)
      tpu.yield
    }) : () -> ()
    %add3A_19 = arith.constant 128 : i32
    %add3A_20 = arith.addi %mul3A_16, %add3A_19 : i32
    "tpu.region"() ({
      %run_scoped3A = tpu.sem_alloc : memref<!tpu.dma_semaphore, #tpu.memory_space<semaphore_mem>>
      %dma_start3A = arith.constant 0 : i32
      %dma_start3A_56 = tpu.memref_slice %arg18[%add3A_20, %dma_start3A] : memref<10240x32xf32, #tpu.memory_space<vmem_shared>> -> memref<128x32xf32, #tpu.memory_space<vmem_shared>>
      %dma_start3A_57 = arith.constant 0 : i32
      %dma_start3A_58 = tpu.memref_slice %arg18[%add3A_20, %dma_start3A_57] : memref<10240x32xf32, #tpu.memory_space<vmem_shared>> -> memref<128x32xf32, #tpu.memory_space<vmem_shared>>
      tpu.enqueue_dma source(%arg16 : memref<128x32xf32, #tpu.memory_space<vmem>>) target(%dma_start3A_58 : memref<128x32xf32, #tpu.memory_space<vmem_shared>>) target_semaphore(%run_scoped3A : memref<!tpu.dma_semaphore, #tpu.memory_space<semaphore_mem>>)
      %dma_wait3A = arith.constant 0 : i32
      %dma_wait3A_59 = tpu.memref_slice %arg18[%add3A_20, %dma_wait3A] : memref<10240x32xf32, #tpu.memory_space<vmem_shared>> -> memref<128x32xf32, #tpu.memory_space<vmem_shared>>
      %dma_wait3A_60 = arith.constant 0 : i32
      %dma_wait3A_61 = tpu.memref_slice %arg18[%add3A_20, %dma_wait3A_60] : memref<10240x32xf32, #tpu.memory_space<vmem_shared>> -> memref<128x32xf32, #tpu.memory_space<vmem_shared>>
      tpu.wait_dma2 semaphore(%run_scoped3A : memref<!tpu.dma_semaphore, #tpu.memory_space<semaphore_mem>>) src(%arg16 : memref<128x32xf32, #tpu.memory_space<vmem>>) dst(%dma_wait3A_61 : memref<128x32xf32, #tpu.memory_space<vmem_shared>>)
      tpu.yield
    }) : () -> ()
    %add3A_21 = arith.constant 256 : i32
    %add3A_22 = arith.addi %mul3A_16, %add3A_21 : i32
    "tpu.region"() ({
      %run_scoped3A = tpu.sem_alloc : memref<!tpu.dma_semaphore, #tpu.memory_space<semaphore_mem>>
      %dma_start3A = arith.constant 0 : i32
      %dma_start3A_56 = tpu.memref_slice %arg18[%add3A_22, %dma_start3A] : memref<10240x32xf32, #tpu.memory_space<vmem_shared>> -> memref<128x32xf32, #tpu.memory_space<vmem_shared>>
      %dma_start3A_57 = arith.constant 0 : i32
      %dma_start3A_58 = tpu.memref_slice %arg18[%add3A_22, %dma_start3A_57] : memref<10240x32xf32, #tpu.memory_space<vmem_shared>> -> memref<128x32xf32, #tpu.memory_space<vmem_shared>>
      tpu.enqueue_dma source(%arg16 : memref<128x32xf32, #tpu.memory_space<vmem>>) target(%dma_start3A_58 : memref<128x32xf32, #tpu.memory_space<vmem_shared>>) target_semaphore(%run_scoped3A : memref<!tpu.dma_semaphore, #tpu.memory_space<semaphore_mem>>)
      %dma_wait3A = arith.constant 0 : i32
      %dma_wait3A_59 = tpu.memref_slice %arg18[%add3A_22, %dma_wait3A] : memref<10240x32xf32, #tpu.memory_space<vmem_shared>> -> memref<128x32xf32, #tpu.memory_space<vmem_shared>>
      %dma_wait3A_60 = arith.constant 0 : i32
      %dma_wait3A_61 = tpu.memref_slice %arg18[%add3A_22, %dma_wait3A_60] : memref<10240x32xf32, #tpu.memory_space<vmem_shared>> -> memref<128x32xf32, #tpu.memory_space<vmem_shared>>
      tpu.wait_dma2 semaphore(%run_scoped3A : memref<!tpu.dma_semaphore, #tpu.memory_space<semaphore_mem>>) src(%arg16 : memref<128x32xf32, #tpu.memory_space<vmem>>) dst(%dma_wait3A_61 : memref<128x32xf32, #tpu.memory_space<vmem_shared>>)
      tpu.yield
    }) : () -> ()
    %add3A_23 = arith.constant 384 : i32
    %add3A_24 = arith.addi %mul3A_16, %add3A_23 : i32
    "tpu.region"() ({
      %run_scoped3A = tpu.sem_alloc : memref<!tpu.dma_semaphore, #tpu.memory_space<semaphore_mem>>
      %dma_start3A = arith.constant 0 : i32
      %dma_start3A_56 = tpu.memref_slice %arg18[%add3A_24, %dma_start3A] : memref<10240x32xf32, #tpu.memory_space<vmem_shared>> -> memref<128x32xf32, #tpu.memory_space<vmem_shared>>
      %dma_start3A_57 = arith.constant 0 : i32
      %dma_start3A_58 = tpu.memref_slice %arg18[%add3A_24, %dma_start3A_57] : memref<10240x32xf32, #tpu.memory_space<vmem_shared>> -> memref<128x32xf32, #tpu.memory_space<vmem_shared>>
      tpu.enqueue_dma source(%arg16 : memref<128x32xf32, #tpu.memory_space<vmem>>) target(%dma_start3A_58 : memref<128x32xf32, #tpu.memory_space<vmem_shared>>) target_semaphore(%run_scoped3A : memref<!tpu.dma_semaphore, #tpu.memory_space<semaphore_mem>>)
      %dma_wait3A = arith.constant 0 : i32
      %dma_wait3A_59 = tpu.memref_slice %arg18[%add3A_24, %dma_wait3A] : memref<10240x32xf32, #tpu.memory_space<vmem_shared>> -> memref<128x32xf32, #tpu.memory_space<vmem_shared>>
      %dma_wait3A_60 = arith.constant 0 : i32
      %dma_wait3A_61 = tpu.memref_slice %arg18[%add3A_24, %dma_wait3A_60] : memref<10240x32xf32, #tpu.memory_space<vmem_shared>> -> memref<128x32xf32, #tpu.memory_space<vmem_shared>>
      tpu.wait_dma2 semaphore(%run_scoped3A : memref<!tpu.dma_semaphore, #tpu.memory_space<semaphore_mem>>) src(%arg16 : memref<128x32xf32, #tpu.memory_space<vmem>>) dst(%dma_wait3A_61 : memref<128x32xf32, #tpu.memory_space<vmem_shared>>)
      tpu.yield
    }) : () -> ()
    %add3A_25 = arith.constant 512 : i32
    %add3A_26 = arith.addi %mul3A_16, %add3A_25 : i32
    "tpu.region"() ({
      %run_scoped3A = tpu.sem_alloc : memref<!tpu.dma_semaphore, #tpu.memory_space<semaphore_mem>>
      %dma_start3A = arith.constant 0 : i32
      %dma_start3A_56 = tpu.memref_slice %arg18[%add3A_26, %dma_start3A] : memref<10240x32xf32, #tpu.memory_space<vmem_shared>> -> memref<128x32xf32, #tpu.memory_space<vmem_shared>>
      %dma_start3A_57 = arith.constant 0 : i32
      %dma_start3A_58 = tpu.memref_slice %arg18[%add3A_26, %dma_start3A_57] : memref<10240x32xf32, #tpu.memory_space<vmem_shared>> -> memref<128x32xf32, #tpu.memory_space<vmem_shared>>
      tpu.enqueue_dma source(%arg16 : memref<128x32xf32, #tpu.memory_space<vmem>>) target(%dma_start3A_58 : memref<128x32xf32, #tpu.memory_space<vmem_shared>>) target_semaphore(%run_scoped3A : memref<!tpu.dma_semaphore, #tpu.memory_space<semaphore_mem>>)
      %dma_wait3A = arith.constant 0 : i32
      %dma_wait3A_59 = tpu.memref_slice %arg18[%add3A_26, %dma_wait3A] : memref<10240x32xf32, #tpu.memory_space<vmem_shared>> -> memref<128x32xf32, #tpu.memory_space<vmem_shared>>
      %dma_wait3A_60 = arith.constant 0 : i32
      %dma_wait3A_61 = tpu.memref_slice %arg18[%add3A_26, %dma_wait3A_60] : memref<10240x32xf32, #tpu.memory_space<vmem_shared>> -> memref<128x32xf32, #tpu.memory_space<vmem_shared>>
      tpu.wait_dma2 semaphore(%run_scoped3A : memref<!tpu.dma_semaphore, #tpu.memory_space<semaphore_mem>>) src(%arg16 : memref<128x32xf32, #tpu.memory_space<vmem>>) dst(%dma_wait3A_61 : memref<128x32xf32, #tpu.memory_space<vmem_shared>>)
      tpu.yield
    }) : () -> ()
    %barrier3A = arith.constant 0 : index
    tpu.barrier barrier_id(%barrier3A)
    %get3A = arith.constant 0 : index
    %get3A_27 = tpu.vector_load %arg12[%get3A] {strides = array<i32>} : memref<16xf32, #tpu.memory_space<vmem>>, vector<16xf32>,
    %scan3A_28 = arith.constant 0 : i32
    %scan3A_29 = arith.constant 0 : i32
    %scan3A_30 = arith.constant 81 : i32
    %scan3A_31 = arith.addi %scan3A_29, %scan3A_30 : i32
    %scan3A_32 = arith.constant 1 : i32
    %scan3A_33 = scf.for %scan3A_56 = %scan3A_29 to %scan3A_31 step %scan3A_32 iter_args(%scan3A_57 = %scan3A_28) -> (i32)  : i32 {
      %dma_start3A = arith.constant 0 : i32
      %dma_start3A_58 = tpu.memref_slice %arg13[%scan3A_56, %dma_start3A] : memref<81x128xi32, #tpu.memory_space<vmem>> -> memref<1x128xi32, #tpu.memory_space<vmem>>
      %dma_start3A_59 = tpu.memref_squeeze %dma_start3A_58 : memref<1x128xi32, #tpu.memory_space<vmem>> -> memref<128xi32, #tpu.memory_space<vmem>>
      %dma_start3A_60 = arith.constant 0 : i32
      %dma_start3A_61 = arith.constant 0 : i32
      %dma_start3A_62 = tpu.memref_slice %arg5[%dma_start3A_60, %dma_start3A_61] : memref<10240x32xf32, #tpu.memory_space<hbm>> -> memref<10240x32xf32, #tpu.memory_space<hbm>>
      tpu.enqueue_indirect_dma source(%dma_start3A_62 : memref<10240x32xf32, #tpu.memory_space<hbm>>) target(%arg16 : memref<128x32xf32, #tpu.memory_space<vmem>>) offsets(%dma_start3A_59 : memref<128xi32, #tpu.memory_space<vmem>>) semaphore(%arg20 : memref<!tpu.dma_semaphore, #tpu.memory_space<semaphore_mem>>)
      %get3A_63 = arith.index_cast %scan3A_56 : i32 to index
      %get3A_64 = arith.constant 0 : index
      %get3A_65 = tpu.vector_load %arg13[%get3A_63, %get3A_64] {strides = array<i32>} : memref<81x128xi32, #tpu.memory_space<vmem>>, vector<16xi32>,
      %get3A_66 = arith.index_cast %scan3A_56 : i32 to index
      %get3A_67 = arith.constant 0 : index
      %get3A_68 = tpu.vector_load %arg14[%get3A_66, %get3A_67] {strides = array<i32>} : memref<81x128xi32, #tpu.memory_space<vmem>>, vector<16xi32>,
      %gather3A = tpu.vector_load_idx %arg10[%get3A_65] : memref<10240xf32, #tpu.memory_space<vmem>>[vector<16xi32>], vector<16xf32>,
      %gather3A_69 = tpu.vector_load_idx %arg11[%get3A_68] : memref<10240xf32, #tpu.memory_space<vmem>>[vector<16xi32>], vector<16xf32>,
      %add3A_70 = arith.addf %gather3A, %gather3A_69 : vector<16xf32>
      %mul3A_71 = arith.constant 2.000000e-01 : f32
      %mul3A_72 = vector.broadcast %mul3A_71 : f32 to vector<16xf32>
      %mul3A_73 = arith.mulf %mul3A_72, %add3A_70 : vector<16xf32>
      %max3A = arith.maximumf %add3A_70, %mul3A_73 : vector<16xf32>
      %sub3A = arith.subf %max3A, %get3A_27 : vector<16xf32>
      %exp3A = math.exp %sub3A : vector<16xf32>
      %swap3A = arith.constant 0 : index
      %swap3A_74 = tpu.vector_load %arg15[%swap3A] {strides = array<i32>} : memref<128xf32, #tpu.memory_space<vmem>>, vector<16xf32>,
      tpu.vector_store %arg15[%swap3A], %exp3A {strides = array<i32>} : memref<128xf32, #tpu.memory_space<vmem>>, vector<16xf32>,
      %get3A_75 = arith.index_cast %scan3A_56 : i32 to index
      %get3A_76 = arith.constant 16 : index
      %get3A_77 = tpu.vector_load %arg13[%get3A_75, %get3A_76] {strides = array<i32>} : memref<81x128xi32, #tpu.memory_space<vmem>>, vector<16xi32>,
      %get3A_78 = arith.index_cast %scan3A_56 : i32 to index
      %get3A_79 = arith.constant 16 : index
      %get3A_80 = tpu.vector_load %arg14[%get3A_78, %get3A_79] {strides = array<i32>} : memref<81x128xi32, #tpu.memory_space<vmem>>, vector<16xi32>,
      %gather3A_81 = tpu.vector_load_idx %arg10[%get3A_77] : memref<10240xf32, #tpu.memory_space<vmem>>[vector<16xi32>], vector<16xf32>,
      %gather3A_82 = tpu.vector_load_idx %arg11[%get3A_80] : memref<10240xf32, #tpu.memory_space<vmem>>[vector<16xi32>], vector<16xf32>,
      %add3A_83 = arith.addf %gather3A_81, %gather3A_82 : vector<16xf32>
      %mul3A_84 = arith.constant 2.000000e-01 : f32
      %mul3A_85 = vector.broadcast %mul3A_84 : f32 to vector<16xf32>
      %mul3A_86 = arith.mulf %mul3A_85, %add3A_83 : vector<16xf32>
      %max3A_87 = arith.maximumf %add3A_83, %mul3A_86 : vector<16xf32>
      %sub3A_88 = arith.subf %max3A_87, %get3A_27 : vector<16xf32>
      %exp3A_89 = math.exp %sub3A_88 : vector<16xf32>
      %swap3A_90 = arith.constant 16 : index
      %swap3A_91 = tpu.vector_load %arg15[%swap3A_90] {strides = array<i32>} : memref<128xf32, #tpu.memory_space<vmem>>, vector<16xf32>,
      tpu.vector_store %arg15[%swap3A_90], %exp3A_89 {strides = array<i32>} : memref<128xf32, #tpu.memory_space<vmem>>, vector<16xf32>,
      %get3A_92 = arith.index_cast %scan3A_56 : i32 to index
      %get3A_93 = arith.constant 32 : index
      %get3A_94 = tpu.vector_load %arg13[%get3A_92, %get3A_93] {strides = array<i32>} : memref<81x128xi32, #tpu.memory_space<vmem>>, vector<16xi32>,
      %get3A_95 = arith.index_cast %scan3A_56 : i32 to index
      %get3A_96 = arith.constant 32 : index
      %get3A_97 = tpu.vector_load %arg14[%get3A_95, %get3A_96] {strides = array<i32>} : memref<81x128xi32, #tpu.memory_space<vmem>>, vector<16xi32>,
      %gather3A_98 = tpu.vector_load_idx %arg10[%get3A_94] : memref<10240xf32, #tpu.memory_space<vmem>>[vector<16xi32>], vector<16xf32>,
      %gather3A_99 = tpu.vector_load_idx %arg11[%get3A_97] : memref<10240xf32, #tpu.memory_space<vmem>>[vector<16xi32>], vector<16xf32>,
      %add3A_100 = arith.addf %gather3A_98, %gather3A_99 : vector<16xf32>
      %mul3A_101 = arith.constant 2.000000e-01 : f32
      %mul3A_102 = vector.broadcast %mul3A_101 : f32 to vector<16xf32>
      %mul3A_103 = arith.mulf %mul3A_102, %add3A_100 : vector<16xf32>
      %max3A_104 = arith.maximumf %add3A_100, %mul3A_103 : vector<16xf32>
      %sub3A_105 = arith.subf %max3A_104, %get3A_27 : vector<16xf32>
      %exp3A_106 = math.exp %sub3A_105 : vector<16xf32>
      %swap3A_107 = arith.constant 32 : index
      %swap3A_108 = tpu.vector_load %arg15[%swap3A_107] {strides = array<i32>} : memref<128xf32, #tpu.memory_space<vmem>>, vector<16xf32>,
      tpu.vector_store %arg15[%swap3A_107], %exp3A_106 {strides = array<i32>} : memref<128xf32, #tpu.memory_space<vmem>>, vector<16xf32>,
      %get3A_109 = arith.index_cast %scan3A_56 : i32 to index
      %get3A_110 = arith.constant 48 : index
      %get3A_111 = tpu.vector_load %arg13[%get3A_109, %get3A_110] {strides = array<i32>} : memref<81x128xi32, #tpu.memory_space<vmem>>, vector<16xi32>,
      %get3A_112 = arith.index_cast %scan3A_56 : i32 to index
      %get3A_113 = arith.constant 48 : index
      %get3A_114 = tpu.vector_load %arg14[%get3A_112, %get3A_113] {strides = array<i32>} : memref<81x128xi32, #tpu.memory_space<vmem>>, vector<16xi32>,
      %gather3A_115 = tpu.vector_load_idx %arg10[%get3A_111] : memref<10240xf32, #tpu.memory_space<vmem>>[vector<16xi32>], vector<16xf32>,
      %gather3A_116 = tpu.vector_load_idx %arg11[%get3A_114] : memref<10240xf32, #tpu.memory_space<vmem>>[vector<16xi32>], vector<16xf32>,
      %add3A_117 = arith.addf %gather3A_115, %gather3A_116 : vector<16xf32>
      %mul3A_118 = arith.constant 2.000000e-01 : f32
      %mul3A_119 = vector.broadcast %mul3A_118 : f32 to vector<16xf32>
      %mul3A_120 = arith.mulf %mul3A_119, %add3A_117 : vector<16xf32>
      %max3A_121 = arith.maximumf %add3A_117, %mul3A_120 : vector<16xf32>
      %sub3A_122 = arith.subf %max3A_121, %get3A_27 : vector<16xf32>
      %exp3A_123 = math.exp %sub3A_122 : vector<16xf32>
      %swap3A_124 = arith.constant 48 : index
      %swap3A_125 = tpu.vector_load %arg15[%swap3A_124] {strides = array<i32>} : memref<128xf32, #tpu.memory_space<vmem>>, vector<16xf32>,
      tpu.vector_store %arg15[%swap3A_124], %exp3A_123 {strides = array<i32>} : memref<128xf32, #tpu.memory_space<vmem>>, vector<16xf32>,
      %get3A_126 = arith.index_cast %scan3A_56 : i32 to index
      %get3A_127 = arith.constant 64 : index
      %get3A_128 = tpu.vector_load %arg13[%get3A_126, %get3A_127] {strides = array<i32>} : memref<81x128xi32, #tpu.memory_space<vmem>>, vector<16xi32>,
      %get3A_129 = arith.index_cast %scan3A_56 : i32 to index
      %get3A_130 = arith.constant 64 : index
      %get3A_131 = tpu.vector_load %arg14[%get3A_129, %get3A_130] {strides = array<i32>} : memref<81x128xi32, #tpu.memory_space<vmem>>, vector<16xi32>,
      %gather3A_132 = tpu.vector_load_idx %arg10[%get3A_128] : memref<10240xf32, #tpu.memory_space<vmem>>[vector<16xi32>], vector<16xf32>,
      %gather3A_133 = tpu.vector_load_idx %arg11[%get3A_131] : memref<10240xf32, #tpu.memory_space<vmem>>[vector<16xi32>], vector<16xf32>,
      %add3A_134 = arith.addf %gather3A_132, %gather3A_133 : vector<16xf32>
      %mul3A_135 = arith.constant 2.000000e-01 : f32
      %mul3A_136 = vector.broadcast %mul3A_135 : f32 to vector<16xf32>
      %mul3A_137 = arith.mulf %mul3A_136, %add3A_134 : vector<16xf32>
      %max3A_138 = arith.maximumf %add3A_134, %mul3A_137 : vector<16xf32>
      %sub3A_139 = arith.subf %max3A_138, %get3A_27 : vector<16xf32>
      %exp3A_140 = math.exp %sub3A_139 : vector<16xf32>
      %swap3A_141 = arith.constant 64 : index
      %swap3A_142 = tpu.vector_load %arg15[%swap3A_141] {strides = array<i32>} : memref<128xf32, #tpu.memory_space<vmem>>, vector<16xf32>,
      tpu.vector_store %arg15[%swap3A_141], %exp3A_140 {strides = array<i32>} : memref<128xf32, #tpu.memory_space<vmem>>, vector<16xf32>,
      %get3A_143 = arith.index_cast %scan3A_56 : i32 to index
      %get3A_144 = arith.constant 80 : index
      %get3A_145 = tpu.vector_load %arg13[%get3A_143, %get3A_144] {strides = array<i32>} : memref<81x128xi32, #tpu.memory_space<vmem>>, vector<16xi32>,
      %get3A_146 = arith.index_cast %scan3A_56 : i32 to index
      %get3A_147 = arith.constant 80 : index
      %get3A_148 = tpu.vector_load %arg14[%get3A_146, %get3A_147] {strides = array<i32>} : memref<81x128xi32, #tpu.memory_space<vmem>>, vector<16xi32>,
      %gather3A_149 = tpu.vector_load_idx %arg10[%get3A_145] : memref<10240xf32, #tpu.memory_space<vmem>>[vector<16xi32>], vector<16xf32>,
      %gather3A_150 = tpu.vector_load_idx %arg11[%get3A_148] : memref<10240xf32, #tpu.memory_space<vmem>>[vector<16xi32>], vector<16xf32>,
      %add3A_151 = arith.addf %gather3A_149, %gather3A_150 : vector<16xf32>
      %mul3A_152 = arith.constant 2.000000e-01 : f32
      %mul3A_153 = vector.broadcast %mul3A_152 : f32 to vector<16xf32>
      %mul3A_154 = arith.mulf %mul3A_153, %add3A_151 : vector<16xf32>
      %max3A_155 = arith.maximumf %add3A_151, %mul3A_154 : vector<16xf32>
      %sub3A_156 = arith.subf %max3A_155, %get3A_27 : vector<16xf32>
      %exp3A_157 = math.exp %sub3A_156 : vector<16xf32>
      %swap3A_158 = arith.constant 80 : index
      %swap3A_159 = tpu.vector_load %arg15[%swap3A_158] {strides = array<i32>} : memref<128xf32, #tpu.memory_space<vmem>>, vector<16xf32>,
      tpu.vector_store %arg15[%swap3A_158], %exp3A_157 {strides = array<i32>} : memref<128xf32, #tpu.memory_space<vmem>>, vector<16xf32>,
      %get3A_160 = arith.index_cast %scan3A_56 : i32 to index
      %get3A_161 = arith.constant 96 : index
      %get3A_162 = tpu.vector_load %arg13[%get3A_160, %get3A_161] {strides = array<i32>} : memref<81x128xi32, #tpu.memory_space<vmem>>, vector<16xi32>,
      %get3A_163 = arith.index_cast %scan3A_56 : i32 to index
      %get3A_164 = arith.constant 96 : index
      %get3A_165 = tpu.vector_load %arg14[%get3A_163, %get3A_164] {strides = array<i32>} : memref<81x128xi32, #tpu.memory_space<vmem>>, vector<16xi32>,
      %gather3A_166 = tpu.vector_load_idx %arg10[%get3A_162] : memref<10240xf32, #tpu.memory_space<vmem>>[vector<16xi32>], vector<16xf32>,
      %gather3A_167 = tpu.vector_load_idx %arg11[%get3A_165] : memref<10240xf32, #tpu.memory_space<vmem>>[vector<16xi32>], vector<16xf32>,
      %add3A_168 = arith.addf %gather3A_166, %gather3A_167 : vector<16xf32>
      %mul3A_169 = arith.constant 2.000000e-01 : f32
      %mul3A_170 = vector.broadcast %mul3A_169 : f32 to vector<16xf32>
      %mul3A_171 = arith.mulf %mul3A_170, %add3A_168 : vector<16xf32>
      %max3A_172 = arith.maximumf %add3A_168, %mul3A_171 : vector<16xf32>
      %sub3A_173 = arith.subf %max3A_172, %get3A_27 : vector<16xf32>
      %exp3A_174 = math.exp %sub3A_173 : vector<16xf32>
      %swap3A_175 = arith.constant 96 : index
      %swap3A_176 = tpu.vector_load %arg15[%swap3A_175] {strides = array<i32>} : memref<128xf32, #tpu.memory_space<vmem>>, vector<16xf32>,
      tpu.vector_store %arg15[%swap3A_175], %exp3A_174 {strides = array<i32>} : memref<128xf32, #tpu.memory_space<vmem>>, vector<16xf32>,
      %get3A_177 = arith.index_cast %scan3A_56 : i32 to index
      %get3A_178 = arith.constant 112 : index
      %get3A_179 = tpu.vector_load %arg13[%get3A_177, %get3A_178] {strides = array<i32>} : memref<81x128xi32, #tpu.memory_space<vmem>>, vector<16xi32>,
      %get3A_180 = arith.index_cast %scan3A_56 : i32 to index
      %get3A_181 = arith.constant 112 : index
      %get3A_182 = tpu.vector_load %arg14[%get3A_180, %get3A_181] {strides = array<i32>} : memref<81x128xi32, #tpu.memory_space<vmem>>, vector<16xi32>,
      %gather3A_183 = tpu.vector_load_idx %arg10[%get3A_179] : memref<10240xf32, #tpu.memory_space<vmem>>[vector<16xi32>], vector<16xf32>,
      %gather3A_184 = tpu.vector_load_idx %arg11[%get3A_182] : memref<10240xf32, #tpu.memory_space<vmem>>[vector<16xi32>], vector<16xf32>,
      %add3A_185 = arith.addf %gather3A_183, %gather3A_184 : vector<16xf32>
      %mul3A_186 = arith.constant 2.000000e-01 : f32
      %mul3A_187 = vector.broadcast %mul3A_186 : f32 to vector<16xf32>
      %mul3A_188 = arith.mulf %mul3A_187, %add3A_185 : vector<16xf32>
      %max3A_189 = arith.maximumf %add3A_185, %mul3A_188 : vector<16xf32>
      %sub3A_190 = arith.subf %max3A_189, %get3A_27 : vector<16xf32>
      %exp3A_191 = math.exp %sub3A_190 : vector<16xf32>
      %swap3A_192 = arith.constant 112 : index
      %swap3A_193 = tpu.vector_load %arg15[%swap3A_192] {strides = array<i32>} : memref<128xf32, #tpu.memory_space<vmem>>, vector<16xf32>,
      tpu.vector_store %arg15[%swap3A_192], %exp3A_191 {strides = array<i32>} : memref<128xf32, #tpu.memory_space<vmem>>, vector<16xf32>,
      %dma_wait3A = arith.constant 0 : i32
      %dma_wait3A_194 = tpu.memref_slice %arg13[%scan3A_56, %dma_wait3A] : memref<81x128xi32, #tpu.memory_space<vmem>> -> memref<1x128xi32, #tpu.memory_space<vmem>>
      %dma_wait3A_195 = tpu.memref_squeeze %dma_wait3A_194 : memref<1x128xi32, #tpu.memory_space<vmem>> -> memref<128xi32, #tpu.memory_space<vmem>>
      %dma_wait3A_196 = arith.constant 0 : i32
      %dma_wait3A_197 = arith.constant 0 : i32
      %dma_wait3A_198 = tpu.memref_slice %arg5[%dma_wait3A_196, %dma_wait3A_197] : memref<10240x32xf32, #tpu.memory_space<hbm>> -> memref<10240x32xf32, #tpu.memory_space<hbm>>
      tpu.wait_indirect_dma semaphore(%arg20 : memref<!tpu.dma_semaphore, #tpu.memory_space<semaphore_mem>>) src(%dma_wait3A_198 : memref<10240x32xf32, #tpu.memory_space<hbm>>) dst(%arg16 : memref<128x32xf32, #tpu.memory_space<vmem>>)
      %scan3A_199 = arith.constant 0 : i32
      %scan3A_200 = arith.constant 0 : i32
      %scan3A_201 = arith.constant 32 : i32
      %scan3A_202 = arith.addi %scan3A_200, %scan3A_201 : i32
      %scan3A_203 = arith.constant 1 : i32
      %scan3A_204 = scf.for %scan3A_207 = %scan3A_200 to %scan3A_202 step %scan3A_203 iter_args(%scan3A_208 = %scan3A_199) -> (i32)  : i32 {
        %mul3A_209 = arith.constant 4 : i32
        %mul3A_210 = arith.muli %scan3A_207, %mul3A_209 : i32
        %add3A_211 = arith.constant 0 : i32
        %add3A_212 = arith.addi %mul3A_210, %add3A_211 : i32
        %broadcast_in_dim3A_213 = vector.broadcast %add3A_212 : i32 to vector<16xi32>
        %gather3A_214 = tpu.vector_load_idx %arg15[%broadcast_in_dim3A_213] : memref<128xf32, #tpu.memory_space<vmem>>[vector<16xi32>], vector<16xf32>,
        %add3A_215 = arith.constant 0 : i32
        %add3A_216 = arith.addi %mul3A_210, %add3A_215 : i32
        %get3A_217 = arith.index_cast %add3A_216 : i32 to index
        %get3A_218 = arith.constant 0 : index
        %get3A_219 = tpu.vector_load %arg16[%get3A_217, %get3A_218] {strides = array<i32>} : memref<128x32xf32, #tpu.memory_space<vmem>>, vector<16xf32>,
        %mul3A_220 = arith.mulf %get3A_219, %gather3A_214 : vector<16xf32>
        %add3A_221 = arith.constant 0 : i32
        %add3A_222 = arith.addi %mul3A_210, %add3A_221 : i32
        %swap3A_223 = arith.index_cast %add3A_222 : i32 to index
        %swap3A_224 = arith.constant 0 : index
        %swap3A_225 = tpu.vector_load %arg16[%swap3A_223, %swap3A_224] {strides = array<i32>} : memref<128x32xf32, #tpu.memory_space<vmem>>, vector<16xf32>,
        tpu.vector_store %arg16[%swap3A_223, %swap3A_224], %mul3A_220 {strides = array<i32>} : memref<128x32xf32, #tpu.memory_space<vmem>>, vector<16xf32>,
        %add3A_226 = arith.constant 0 : i32
        %add3A_227 = arith.addi %mul3A_210, %add3A_226 : i32
        %get3A_228 = arith.index_cast %add3A_227 : i32 to index
        %get3A_229 = arith.constant 16 : index
        %get3A_230 = tpu.vector_load %arg16[%get3A_228, %get3A_229] {strides = array<i32>} : memref<128x32xf32, #tpu.memory_space<vmem>>, vector<16xf32>,
        %mul3A_231 = arith.mulf %get3A_230, %gather3A_214 : vector<16xf32>
        %add3A_232 = arith.constant 0 : i32
        %add3A_233 = arith.addi %mul3A_210, %add3A_232 : i32
        %swap3A_234 = arith.index_cast %add3A_233 : i32 to index
        %swap3A_235 = arith.constant 16 : index
        %swap3A_236 = tpu.vector_load %arg16[%swap3A_234, %swap3A_235] {strides = array<i32>} : memref<128x32xf32, #tpu.memory_space<vmem>>, vector<16xf32>,
        tpu.vector_store %arg16[%swap3A_234, %swap3A_235], %mul3A_231 {strides = array<i32>} : memref<128x32xf32, #tpu.memory_space<vmem>>, vector<16xf32>,
        %add3A_237 = arith.constant 1 : i32
        %add3A_238 = arith.addi %mul3A_210, %add3A_237 : i32
        %broadcast_in_dim3A_239 = vector.broadcast %add3A_238 : i32 to vector<16xi32>
        %gather3A_240 = tpu.vector_load_idx %arg15[%broadcast_in_dim3A_239] : memref<128xf32, #tpu.memory_space<vmem>>[vector<16xi32>], vector<16xf32>,
        %add3A_241 = arith.constant 1 : i32
        %add3A_242 = arith.addi %mul3A_210, %add3A_241 : i32
        %get3A_243 = arith.index_cast %add3A_242 : i32 to index
        %get3A_244 = arith.constant 0 : index
        %get3A_245 = tpu.vector_load %arg16[%get3A_243, %get3A_244] {strides = array<i32>} : memref<128x32xf32, #tpu.memory_space<vmem>>, vector<16xf32>,
        %mul3A_246 = arith.mulf %get3A_245, %gather3A_240 : vector<16xf32>
        %add3A_247 = arith.constant 1 : i32
        %add3A_248 = arith.addi %mul3A_210, %add3A_247 : i32
        %swap3A_249 = arith.index_cast %add3A_248 : i32 to index
        %swap3A_250 = arith.constant 0 : index
        %swap3A_251 = tpu.vector_load %arg16[%swap3A_249, %swap3A_250] {strides = array<i32>} : memref<128x32xf32, #tpu.memory_space<vmem>>, vector<16xf32>,
        tpu.vector_store %arg16[%swap3A_249, %swap3A_250], %mul3A_246 {strides = array<i32>} : memref<128x32xf32, #tpu.memory_space<vmem>>, vector<16xf32>,
        %add3A_252 = arith.constant 1 : i32
        %add3A_253 = arith.addi %mul3A_210, %add3A_252 : i32
        %get3A_254 = arith.index_cast %add3A_253 : i32 to index
        %get3A_255 = arith.constant 16 : index
        %get3A_256 = tpu.vector_load %arg16[%get3A_254, %get3A_255] {strides = array<i32>} : memref<128x32xf32, #tpu.memory_space<vmem>>, vector<16xf32>,
        %mul3A_257 = arith.mulf %get3A_256, %gather3A_240 : vector<16xf32>
        %add3A_258 = arith.constant 1 : i32
        %add3A_259 = arith.addi %mul3A_210, %add3A_258 : i32
        %swap3A_260 = arith.index_cast %add3A_259 : i32 to index
        %swap3A_261 = arith.constant 16 : index
        %swap3A_262 = tpu.vector_load %arg16[%swap3A_260, %swap3A_261] {strides = array<i32>} : memref<128x32xf32, #tpu.memory_space<vmem>>, vector<16xf32>,
        tpu.vector_store %arg16[%swap3A_260, %swap3A_261], %mul3A_257 {strides = array<i32>} : memref<128x32xf32, #tpu.memory_space<vmem>>, vector<16xf32>,
        %add3A_263 = arith.constant 2 : i32
        %add3A_264 = arith.addi %mul3A_210, %add3A_263 : i32
        %broadcast_in_dim3A_265 = vector.broadcast %add3A_264 : i32 to vector<16xi32>
        %gather3A_266 = tpu.vector_load_idx %arg15[%broadcast_in_dim3A_265] : memref<128xf32, #tpu.memory_space<vmem>>[vector<16xi32>], vector<16xf32>,
        %add3A_267 = arith.constant 2 : i32
        %add3A_268 = arith.addi %mul3A_210, %add3A_267 : i32
        %get3A_269 = arith.index_cast %add3A_268 : i32 to index
        %get3A_270 = arith.constant 0 : index
        %get3A_271 = tpu.vector_load %arg16[%get3A_269, %get3A_270] {strides = array<i32>} : memref<128x32xf32, #tpu.memory_space<vmem>>, vector<16xf32>,
        %mul3A_272 = arith.mulf %get3A_271, %gather3A_266 : vector<16xf32>
        %add3A_273 = arith.constant 2 : i32
        %add3A_274 = arith.addi %mul3A_210, %add3A_273 : i32
        %swap3A_275 = arith.index_cast %add3A_274 : i32 to index
        %swap3A_276 = arith.constant 0 : index
        %swap3A_277 = tpu.vector_load %arg16[%swap3A_275, %swap3A_276] {strides = array<i32>} : memref<128x32xf32, #tpu.memory_space<vmem>>, vector<16xf32>,
        tpu.vector_store %arg16[%swap3A_275, %swap3A_276], %mul3A_272 {strides = array<i32>} : memref<128x32xf32, #tpu.memory_space<vmem>>, vector<16xf32>,
        %add3A_278 = arith.constant 2 : i32
        %add3A_279 = arith.addi %mul3A_210, %add3A_278 : i32
        %get3A_280 = arith.index_cast %add3A_279 : i32 to index
        %get3A_281 = arith.constant 16 : index
        %get3A_282 = tpu.vector_load %arg16[%get3A_280, %get3A_281] {strides = array<i32>} : memref<128x32xf32, #tpu.memory_space<vmem>>, vector<16xf32>,
        %mul3A_283 = arith.mulf %get3A_282, %gather3A_266 : vector<16xf32>
        %add3A_284 = arith.constant 2 : i32
        %add3A_285 = arith.addi %mul3A_210, %add3A_284 : i32
        %swap3A_286 = arith.index_cast %add3A_285 : i32 to index
        %swap3A_287 = arith.constant 16 : index
        %swap3A_288 = tpu.vector_load %arg16[%swap3A_286, %swap3A_287] {strides = array<i32>} : memref<128x32xf32, #tpu.memory_space<vmem>>, vector<16xf32>,
        tpu.vector_store %arg16[%swap3A_286, %swap3A_287], %mul3A_283 {strides = array<i32>} : memref<128x32xf32, #tpu.memory_space<vmem>>, vector<16xf32>,
        %add3A_289 = arith.constant 3 : i32
        %add3A_290 = arith.addi %mul3A_210, %add3A_289 : i32
        %broadcast_in_dim3A_291 = vector.broadcast %add3A_290 : i32 to vector<16xi32>
        %gather3A_292 = tpu.vector_load_idx %arg15[%broadcast_in_dim3A_291] : memref<128xf32, #tpu.memory_space<vmem>>[vector<16xi32>], vector<16xf32>,
        %add3A_293 = arith.constant 3 : i32
        %add3A_294 = arith.addi %mul3A_210, %add3A_293 : i32
        %get3A_295 = arith.index_cast %add3A_294 : i32 to index
        %get3A_296 = arith.constant 0 : index
        %get3A_297 = tpu.vector_load %arg16[%get3A_295, %get3A_296] {strides = array<i32>} : memref<128x32xf32, #tpu.memory_space<vmem>>, vector<16xf32>,
        %mul3A_298 = arith.mulf %get3A_297, %gather3A_292 : vector<16xf32>
        %add3A_299 = arith.constant 3 : i32
        %add3A_300 = arith.addi %mul3A_210, %add3A_299 : i32
        %swap3A_301 = arith.index_cast %add3A_300 : i32 to index
        %swap3A_302 = arith.constant 0 : index
        %swap3A_303 = tpu.vector_load %arg16[%swap3A_301, %swap3A_302] {strides = array<i32>} : memref<128x32xf32, #tpu.memory_space<vmem>>, vector<16xf32>,
        tpu.vector_store %arg16[%swap3A_301, %swap3A_302], %mul3A_298 {strides = array<i32>} : memref<128x32xf32, #tpu.memory_space<vmem>>, vector<16xf32>,
        %add3A_304 = arith.constant 3 : i32
        %add3A_305 = arith.addi %mul3A_210, %add3A_304 : i32
        %get3A_306 = arith.index_cast %add3A_305 : i32 to index
        %get3A_307 = arith.constant 16 : index
        %get3A_308 = tpu.vector_load %arg16[%get3A_306, %get3A_307] {strides = array<i32>} : memref<128x32xf32, #tpu.memory_space<vmem>>, vector<16xf32>,
        %mul3A_309 = arith.mulf %get3A_308, %gather3A_292 : vector<16xf32>
        %add3A_310 = arith.constant 3 : i32
        %add3A_311 = arith.addi %mul3A_210, %add3A_310 : i32
        %swap3A_312 = arith.index_cast %add3A_311 : i32 to index
        %swap3A_313 = arith.constant 16 : index
        %swap3A_314 = tpu.vector_load %arg16[%swap3A_312, %swap3A_313] {strides = array<i32>} : memref<128x32xf32, #tpu.memory_space<vmem>>, vector<16xf32>,
        tpu.vector_store %arg16[%swap3A_312, %swap3A_313], %mul3A_309 {strides = array<i32>} : memref<128x32xf32, #tpu.memory_space<vmem>>, vector<16xf32>,
        %scan3A_315 = arith.constant 0 : i32
        scf.yield %scan3A_315 : i32
      }
      %scan3A_205 = arith.constant 32 : i32
      "tpu.region"() ({
        %run_scoped3A = tpu.sem_alloc : memref<!tpu.dma_semaphore, #tpu.memory_space<semaphore_mem>>
        %dma_start3A_207 = arith.constant 0 : i32
        %dma_start3A_208 = tpu.memref_slice %arg14[%scan3A_56, %dma_start3A_207] : memref<81x128xi32, #tpu.memory_space<vmem>> -> memref<1x128xi32, #tpu.memory_space<vmem>>
        %dma_start3A_209 = tpu.memref_squeeze %dma_start3A_208 : memref<1x128xi32, #tpu.memory_space<vmem>> -> memref<128xi32, #tpu.memory_space<vmem>>
        %dma_start3A_210 = arith.constant 0 : i32
        %dma_start3A_211 = tpu.memref_slice %arg19[%dma_start3A_210] : memref<10240xf32, #tpu.memory_space<vmem_shared>> -> memref<10240xf32, #tpu.memory_space<vmem_shared>>
        tpu.enqueue_indirect_dma source(%arg15 : memref<128xf32, #tpu.memory_space<vmem>>) target(%dma_start3A_211 : memref<10240xf32, #tpu.memory_space<vmem_shared>>) offsets(%dma_start3A_209 : memref<128xi32, #tpu.memory_space<vmem>>) semaphore(%run_scoped3A : memref<!tpu.dma_semaphore, #tpu.memory_space<semaphore_mem>>) {add = true}
        %dma_wait3A_212 = arith.constant 0 : i32
        %dma_wait3A_213 = tpu.memref_slice %arg14[%scan3A_56, %dma_wait3A_212] : memref<81x128xi32, #tpu.memory_space<vmem>> -> memref<1x128xi32, #tpu.memory_space<vmem>>
        %dma_wait3A_214 = tpu.memref_squeeze %dma_wait3A_213 : memref<1x128xi32, #tpu.memory_space<vmem>> -> memref<128xi32, #tpu.memory_space<vmem>>
        %dma_wait3A_215 = arith.constant 0 : i32
        %dma_wait3A_216 = tpu.memref_slice %arg19[%dma_wait3A_215] : memref<10240xf32, #tpu.memory_space<vmem_shared>> -> memref<10240xf32, #tpu.memory_space<vmem_shared>>
        tpu.wait_indirect_dma semaphore(%run_scoped3A : memref<!tpu.dma_semaphore, #tpu.memory_space<semaphore_mem>>) src(%arg15 : memref<128xf32, #tpu.memory_space<vmem>>) dst(%dma_wait3A_216 : memref<10240xf32, #tpu.memory_space<vmem_shared>>)
        tpu.yield
      }) : () -> ()
      "tpu.region"() ({
        %run_scoped3A = tpu.sem_alloc : memref<!tpu.dma_semaphore, #tpu.memory_space<semaphore_mem>>
        %dma_start3A_207 = arith.constant 0 : i32
        %dma_start3A_208 = tpu.memref_slice %arg14[%scan3A_56, %dma_start3A_207] : memref<81x128xi32, #tpu.memory_space<vmem>> -> memref<1x128xi32, #tpu.memory_space<vmem>>
        %dma_start3A_209 = tpu.memref_squeeze %dma_start3A_208 : memref<1x128xi32, #tpu.memory_space<vmem>> -> memref<128xi32, #tpu.memory_space<vmem>>
        %dma_start3A_210 = arith.constant 0 : i32
        %dma_start3A_211 = arith.constant 0 : i32
        %dma_start3A_212 = tpu.memref_slice %arg18[%dma_start3A_210, %dma_start3A_211] : memref<10240x32xf32, #tpu.memory_space<vmem_shared>> -> memref<10240x32xf32, #tpu.memory_space<vmem_shared>>
        tpu.enqueue_indirect_dma source(%arg16 : memref<128x32xf32, #tpu.memory_space<vmem>>) target(%dma_start3A_212 : memref<10240x32xf32, #tpu.memory_space<vmem_shared>>) offsets(%dma_start3A_209 : memref<128xi32, #tpu.memory_space<vmem>>) semaphore(%run_scoped3A : memref<!tpu.dma_semaphore, #tpu.memory_space<semaphore_mem>>) {add = true}
        %dma_wait3A_213 = arith.constant 0 : i32
        %dma_wait3A_214 = tpu.memref_slice %arg14[%scan3A_56, %dma_wait3A_213] : memref<81x128xi32, #tpu.memory_space<vmem>> -> memref<1x128xi32, #tpu.memory_space<vmem>>
        %dma_wait3A_215 = tpu.memref_squeeze %dma_wait3A_214 : memref<1x128xi32, #tpu.memory_space<vmem>> -> memref<128xi32, #tpu.memory_space<vmem>>
        %dma_wait3A_216 = arith.constant 0 : i32
        %dma_wait3A_217 = arith.constant 0 : i32
        %dma_wait3A_218 = tpu.memref_slice %arg18[%dma_wait3A_216, %dma_wait3A_217] : memref<10240x32xf32, #tpu.memory_space<vmem_shared>> -> memref<10240x32xf32, #tpu.memory_space<vmem_shared>>
        tpu.wait_indirect_dma semaphore(%run_scoped3A : memref<!tpu.dma_semaphore, #tpu.memory_space<semaphore_mem>>) src(%arg16 : memref<128x32xf32, #tpu.memory_space<vmem>>) dst(%dma_wait3A_218 : memref<10240x32xf32, #tpu.memory_space<vmem_shared>>)
        tpu.yield
      }) : () -> ()
      %scan3A_206 = arith.constant 0 : i32
      scf.yield %scan3A_206 : i32
    }
    %scan3A_34 = arith.constant 81 : i32
    %barrier3A_35 = arith.constant 0 : index
    tpu.barrier barrier_id(%barrier3A_35)
    "tpu.region"() ({
      %run_scoped3A = tpu.sem_alloc : memref<!tpu.dma_semaphore, #tpu.memory_space<semaphore_mem>>
      %dma_start3A = tpu.memref_slice %arg19[%mul3A_16] : memref<10240xf32, #tpu.memory_space<vmem_shared>> -> memref<640xf32, #tpu.memory_space<vmem_shared>>
      %dma_start3A_56 = tpu.memref_slice %arg19[%mul3A_16] : memref<10240xf32, #tpu.memory_space<vmem_shared>> -> memref<640xf32, #tpu.memory_space<vmem_shared>>
      tpu.enqueue_dma source(%dma_start3A_56 : memref<640xf32, #tpu.memory_space<vmem_shared>>) target(%arg17 : memref<640xf32, #tpu.memory_space<vmem>>) target_semaphore(%run_scoped3A : memref<!tpu.dma_semaphore, #tpu.memory_space<semaphore_mem>>)
      %dma_wait3A = tpu.memref_slice %arg19[%mul3A_16] : memref<10240xf32, #tpu.memory_space<vmem_shared>> -> memref<640xf32, #tpu.memory_space<vmem_shared>>
      %dma_wait3A_57 = tpu.memref_slice %arg19[%mul3A_16] : memref<10240xf32, #tpu.memory_space<vmem_shared>> -> memref<640xf32, #tpu.memory_space<vmem_shared>>
      tpu.wait_dma2 semaphore(%run_scoped3A : memref<!tpu.dma_semaphore, #tpu.memory_space<semaphore_mem>>) src(%dma_wait3A_57 : memref<640xf32, #tpu.memory_space<vmem_shared>>) dst(%arg17 : memref<640xf32, #tpu.memory_space<vmem>>)
      tpu.yield
    }) : () -> ()
    "tpu.region"() ({
      %run_scoped3A = tpu.sem_alloc : memref<!tpu.dma_semaphore, #tpu.memory_space<semaphore_mem>>
      %dma_start3A = tpu.memref_slice %arg9[%arg0, %mul3A_16] : memref<2x10240xf32, #tpu.memory_space<hbm>> -> memref<1x640xf32, #tpu.memory_space<hbm>>
      %dma_start3A_56 = tpu.memref_squeeze %dma_start3A : memref<1x640xf32, #tpu.memory_space<hbm>> -> memref<640xf32, #tpu.memory_space<hbm>>
      %dma_start3A_57 = tpu.memref_slice %arg9[%arg0, %mul3A_16] : memref<2x10240xf32, #tpu.memory_space<hbm>> -> memref<1x640xf32, #tpu.memory_space<hbm>>
      %dma_start3A_58 = tpu.memref_squeeze %dma_start3A_57 : memref<1x640xf32, #tpu.memory_space<hbm>> -> memref<640xf32, #tpu.memory_space<hbm>>
      tpu.enqueue_dma source(%arg17 : memref<640xf32, #tpu.memory_space<vmem>>) target(%dma_start3A_58 : memref<640xf32, #tpu.memory_space<hbm>>) target_semaphore(%run_scoped3A : memref<!tpu.dma_semaphore, #tpu.memory_space<semaphore_mem>>)
      %dma_wait3A = tpu.memref_slice %arg9[%arg0, %mul3A_16] : memref<2x10240xf32, #tpu.memory_space<hbm>> -> memref<1x640xf32, #tpu.memory_space<hbm>>
      %dma_wait3A_59 = tpu.memref_squeeze %dma_wait3A : memref<1x640xf32, #tpu.memory_space<hbm>> -> memref<640xf32, #tpu.memory_space<hbm>>
      %dma_wait3A_60 = tpu.memref_slice %arg9[%arg0, %mul3A_16] : memref<2x10240xf32, #tpu.memory_space<hbm>> -> memref<1x640xf32, #tpu.memory_space<hbm>>
      %dma_wait3A_61 = tpu.memref_squeeze %dma_wait3A_60 : memref<1x640xf32, #tpu.memory_space<hbm>> -> memref<640xf32, #tpu.memory_space<hbm>>
      tpu.wait_dma2 semaphore(%run_scoped3A : memref<!tpu.dma_semaphore, #tpu.memory_space<semaphore_mem>>) src(%arg17 : memref<640xf32, #tpu.memory_space<vmem>>) dst(%dma_wait3A_61 : memref<640xf32, #tpu.memory_space<hbm>>)
      tpu.yield
    }) : () -> ()
    %add3A_36 = arith.constant 0 : i32
    %add3A_37 = arith.addi %mul3A_16, %add3A_36 : i32
    "tpu.region"() ({
      %run_scoped3A = tpu.sem_alloc : memref<!tpu.dma_semaphore, #tpu.memory_space<semaphore_mem>>
      %dma_start3A = arith.constant 0 : i32
      %dma_start3A_56 = tpu.memref_slice %arg18[%add3A_37, %dma_start3A] : memref<10240x32xf32, #tpu.memory_space<vmem_shared>> -> memref<128x32xf32, #tpu.memory_space<vmem_shared>>
      %dma_start3A_57 = arith.constant 0 : i32
      %dma_start3A_58 = tpu.memref_slice %arg18[%add3A_37, %dma_start3A_57] : memref<10240x32xf32, #tpu.memory_space<vmem_shared>> -> memref<128x32xf32, #tpu.memory_space<vmem_shared>>
      tpu.enqueue_dma source(%dma_start3A_58 : memref<128x32xf32, #tpu.memory_space<vmem_shared>>) target(%arg16 : memref<128x32xf32, #tpu.memory_space<vmem>>) target_semaphore(%run_scoped3A : memref<!tpu.dma_semaphore, #tpu.memory_space<semaphore_mem>>)
      %dma_wait3A = arith.constant 0 : i32
      %dma_wait3A_59 = tpu.memref_slice %arg18[%add3A_37, %dma_wait3A] : memref<10240x32xf32, #tpu.memory_space<vmem_shared>> -> memref<128x32xf32, #tpu.memory_space<vmem_shared>>
      %dma_wait3A_60 = arith.constant 0 : i32
      %dma_wait3A_61 = tpu.memref_slice %arg18[%add3A_37, %dma_wait3A_60] : memref<10240x32xf32, #tpu.memory_space<vmem_shared>> -> memref<128x32xf32, #tpu.memory_space<vmem_shared>>
      tpu.wait_dma2 semaphore(%run_scoped3A : memref<!tpu.dma_semaphore, #tpu.memory_space<semaphore_mem>>) src(%dma_wait3A_61 : memref<128x32xf32, #tpu.memory_space<vmem_shared>>) dst(%arg16 : memref<128x32xf32, #tpu.memory_space<vmem>>)
      tpu.yield
    }) : () -> ()
    %add3A_38 = arith.constant 0 : i32
    %add3A_39 = arith.addi %mul3A_16, %add3A_38 : i32
    "tpu.region"() ({
      %run_scoped3A = tpu.sem_alloc : memref<!tpu.dma_semaphore, #tpu.memory_space<semaphore_mem>>
      %dma_start3A = arith.constant 0 : i32
      %dma_start3A_56 = tpu.memref_slice %arg8[%arg0, %add3A_39, %dma_start3A] : memref<2x10240x32xf32, #tpu.memory_space<hbm>> -> memref<1x128x32xf32, #tpu.memory_space<hbm>>
      %dma_start3A_57 = tpu.memref_squeeze %dma_start3A_56 : memref<1x128x32xf32, #tpu.memory_space<hbm>> -> memref<128x32xf32, #tpu.memory_space<hbm>>
      %dma_start3A_58 = arith.constant 0 : i32
      %dma_start3A_59 = tpu.memref_slice %arg8[%arg0, %add3A_39, %dma_start3A_58] : memref<2x10240x32xf32, #tpu.memory_space<hbm>> -> memref<1x128x32xf32, #tpu.memory_space<hbm>>
      %dma_start3A_60 = tpu.memref_squeeze %dma_start3A_59 : memref<1x128x32xf32, #tpu.memory_space<hbm>> -> memref<128x32xf32, #tpu.memory_space<hbm>>
      tpu.enqueue_dma source(%arg16 : memref<128x32xf32, #tpu.memory_space<vmem>>) target(%dma_start3A_60 : memref<128x32xf32, #tpu.memory_space<hbm>>) target_semaphore(%run_scoped3A : memref<!tpu.dma_semaphore, #tpu.memory_space<semaphore_mem>>)
      %dma_wait3A = arith.constant 0 : i32
      %dma_wait3A_61 = tpu.memref_slice %arg8[%arg0, %add3A_39, %dma_wait3A] : memref<2x10240x32xf32, #tpu.memory_space<hbm>> -> memref<1x128x32xf32, #tpu.memory_space<hbm>>
      %dma_wait3A_62 = tpu.memref_squeeze %dma_wait3A_61 : memref<1x128x32xf32, #tpu.memory_space<hbm>> -> memref<128x32xf32, #tpu.memory_space<hbm>>
      %dma_wait3A_63 = arith.constant 0 : i32
      %dma_wait3A_64 = tpu.memref_slice %arg8[%arg0, %add3A_39, %dma_wait3A_63] : memref<2x10240x32xf32, #tpu.memory_space<hbm>> -> memref<1x128x32xf32, #tpu.memory_space<hbm>>
      %dma_wait3A_65 = tpu.memref_squeeze %dma_wait3A_64 : memref<1x128x32xf32, #tpu.memory_space<hbm>> -> memref<128x32xf32, #tpu.memory_space<hbm>>
      tpu.wait_dma2 semaphore(%run_scoped3A : memref<!tpu.dma_semaphore, #tpu.memory_space<semaphore_mem>>) src(%arg16 : memref<128x32xf32, #tpu.memory_space<vmem>>) dst(%dma_wait3A_65 : memref<128x32xf32, #tpu.memory_space<hbm>>)
      tpu.yield
    }) : () -> ()
    %add3A_40 = arith.constant 128 : i32
    %add3A_41 = arith.addi %mul3A_16, %add3A_40 : i32
    "tpu.region"() ({
      %run_scoped3A = tpu.sem_alloc : memref<!tpu.dma_semaphore, #tpu.memory_space<semaphore_mem>>
      %dma_start3A = arith.constant 0 : i32
      %dma_start3A_56 = tpu.memref_slice %arg18[%add3A_41, %dma_start3A] : memref<10240x32xf32, #tpu.memory_space<vmem_shared>> -> memref<128x32xf32, #tpu.memory_space<vmem_shared>>
      %dma_start3A_57 = arith.constant 0 : i32
      %dma_start3A_58 = tpu.memref_slice %arg18[%add3A_41, %dma_start3A_57] : memref<10240x32xf32, #tpu.memory_space<vmem_shared>> -> memref<128x32xf32, #tpu.memory_space<vmem_shared>>
      tpu.enqueue_dma source(%dma_start3A_58 : memref<128x32xf32, #tpu.memory_space<vmem_shared>>) target(%arg16 : memref<128x32xf32, #tpu.memory_space<vmem>>) target_semaphore(%run_scoped3A : memref<!tpu.dma_semaphore, #tpu.memory_space<semaphore_mem>>)
      %dma_wait3A = arith.constant 0 : i32
      %dma_wait3A_59 = tpu.memref_slice %arg18[%add3A_41, %dma_wait3A] : memref<10240x32xf32, #tpu.memory_space<vmem_shared>> -> memref<128x32xf32, #tpu.memory_space<vmem_shared>>
      %dma_wait3A_60 = arith.constant 0 : i32
      %dma_wait3A_61 = tpu.memref_slice %arg18[%add3A_41, %dma_wait3A_60] : memref<10240x32xf32, #tpu.memory_space<vmem_shared>> -> memref<128x32xf32, #tpu.memory_space<vmem_shared>>
      tpu.wait_dma2 semaphore(%run_scoped3A : memref<!tpu.dma_semaphore, #tpu.memory_space<semaphore_mem>>) src(%dma_wait3A_61 : memref<128x32xf32, #tpu.memory_space<vmem_shared>>) dst(%arg16 : memref<128x32xf32, #tpu.memory_space<vmem>>)
      tpu.yield
    }) : () -> ()
    %add3A_42 = arith.constant 128 : i32
    %add3A_43 = arith.addi %mul3A_16, %add3A_42 : i32
    "tpu.region"() ({
      %run_scoped3A = tpu.sem_alloc : memref<!tpu.dma_semaphore, #tpu.memory_space<semaphore_mem>>
      %dma_start3A = arith.constant 0 : i32
      %dma_start3A_56 = tpu.memref_slice %arg8[%arg0, %add3A_43, %dma_start3A] : memref<2x10240x32xf32, #tpu.memory_space<hbm>> -> memref<1x128x32xf32, #tpu.memory_space<hbm>>
      %dma_start3A_57 = tpu.memref_squeeze %dma_start3A_56 : memref<1x128x32xf32, #tpu.memory_space<hbm>> -> memref<128x32xf32, #tpu.memory_space<hbm>>
      %dma_start3A_58 = arith.constant 0 : i32
      %dma_start3A_59 = tpu.memref_slice %arg8[%arg0, %add3A_43, %dma_start3A_58] : memref<2x10240x32xf32, #tpu.memory_space<hbm>> -> memref<1x128x32xf32, #tpu.memory_space<hbm>>
      %dma_start3A_60 = tpu.memref_squeeze %dma_start3A_59 : memref<1x128x32xf32, #tpu.memory_space<hbm>> -> memref<128x32xf32, #tpu.memory_space<hbm>>
      tpu.enqueue_dma source(%arg16 : memref<128x32xf32, #tpu.memory_space<vmem>>) target(%dma_start3A_60 : memref<128x32xf32, #tpu.memory_space<hbm>>) target_semaphore(%run_scoped3A : memref<!tpu.dma_semaphore, #tpu.memory_space<semaphore_mem>>)
      %dma_wait3A = arith.constant 0 : i32
      %dma_wait3A_61 = tpu.memref_slice %arg8[%arg0, %add3A_43, %dma_wait3A] : memref<2x10240x32xf32, #tpu.memory_space<hbm>> -> memref<1x128x32xf32, #tpu.memory_space<hbm>>
      %dma_wait3A_62 = tpu.memref_squeeze %dma_wait3A_61 : memref<1x128x32xf32, #tpu.memory_space<hbm>> -> memref<128x32xf32, #tpu.memory_space<hbm>>
      %dma_wait3A_63 = arith.constant 0 : i32
      %dma_wait3A_64 = tpu.memref_slice %arg8[%arg0, %add3A_43, %dma_wait3A_63] : memref<2x10240x32xf32, #tpu.memory_space<hbm>> -> memref<1x128x32xf32, #tpu.memory_space<hbm>>
      %dma_wait3A_65 = tpu.memref_squeeze %dma_wait3A_64 : memref<1x128x32xf32, #tpu.memory_space<hbm>> -> memref<128x32xf32, #tpu.memory_space<hbm>>
      tpu.wait_dma2 semaphore(%run_scoped3A : memref<!tpu.dma_semaphore, #tpu.memory_space<semaphore_mem>>) src(%arg16 : memref<128x32xf32, #tpu.memory_space<vmem>>) dst(%dma_wait3A_65 : memref<128x32xf32, #tpu.memory_space<hbm>>)
      tpu.yield
    }) : () -> ()
    %add3A_44 = arith.constant 256 : i32
    %add3A_45 = arith.addi %mul3A_16, %add3A_44 : i32
    "tpu.region"() ({
      %run_scoped3A = tpu.sem_alloc : memref<!tpu.dma_semaphore, #tpu.memory_space<semaphore_mem>>
      %dma_start3A = arith.constant 0 : i32
      %dma_start3A_56 = tpu.memref_slice %arg18[%add3A_45, %dma_start3A] : memref<10240x32xf32, #tpu.memory_space<vmem_shared>> -> memref<128x32xf32, #tpu.memory_space<vmem_shared>>
      %dma_start3A_57 = arith.constant 0 : i32
      %dma_start3A_58 = tpu.memref_slice %arg18[%add3A_45, %dma_start3A_57] : memref<10240x32xf32, #tpu.memory_space<vmem_shared>> -> memref<128x32xf32, #tpu.memory_space<vmem_shared>>
      tpu.enqueue_dma source(%dma_start3A_58 : memref<128x32xf32, #tpu.memory_space<vmem_shared>>) target(%arg16 : memref<128x32xf32, #tpu.memory_space<vmem>>) target_semaphore(%run_scoped3A : memref<!tpu.dma_semaphore, #tpu.memory_space<semaphore_mem>>)
      %dma_wait3A = arith.constant 0 : i32
      %dma_wait3A_59 = tpu.memref_slice %arg18[%add3A_45, %dma_wait3A] : memref<10240x32xf32, #tpu.memory_space<vmem_shared>> -> memref<128x32xf32, #tpu.memory_space<vmem_shared>>
      %dma_wait3A_60 = arith.constant 0 : i32
      %dma_wait3A_61 = tpu.memref_slice %arg18[%add3A_45, %dma_wait3A_60] : memref<10240x32xf32, #tpu.memory_space<vmem_shared>> -> memref<128x32xf32, #tpu.memory_space<vmem_shared>>
      tpu.wait_dma2 semaphore(%run_scoped3A : memref<!tpu.dma_semaphore, #tpu.memory_space<semaphore_mem>>) src(%dma_wait3A_61 : memref<128x32xf32, #tpu.memory_space<vmem_shared>>) dst(%arg16 : memref<128x32xf32, #tpu.memory_space<vmem>>)
      tpu.yield
    }) : () -> ()
    %add3A_46 = arith.constant 256 : i32
    %add3A_47 = arith.addi %mul3A_16, %add3A_46 : i32
    "tpu.region"() ({
      %run_scoped3A = tpu.sem_alloc : memref<!tpu.dma_semaphore, #tpu.memory_space<semaphore_mem>>
      %dma_start3A = arith.constant 0 : i32
      %dma_start3A_56 = tpu.memref_slice %arg8[%arg0, %add3A_47, %dma_start3A] : memref<2x10240x32xf32, #tpu.memory_space<hbm>> -> memref<1x128x32xf32, #tpu.memory_space<hbm>>
      %dma_start3A_57 = tpu.memref_squeeze %dma_start3A_56 : memref<1x128x32xf32, #tpu.memory_space<hbm>> -> memref<128x32xf32, #tpu.memory_space<hbm>>
      %dma_start3A_58 = arith.constant 0 : i32
      %dma_start3A_59 = tpu.memref_slice %arg8[%arg0, %add3A_47, %dma_start3A_58] : memref<2x10240x32xf32, #tpu.memory_space<hbm>> -> memref<1x128x32xf32, #tpu.memory_space<hbm>>
      %dma_start3A_60 = tpu.memref_squeeze %dma_start3A_59 : memref<1x128x32xf32, #tpu.memory_space<hbm>> -> memref<128x32xf32, #tpu.memory_space<hbm>>
      tpu.enqueue_dma source(%arg16 : memref<128x32xf32, #tpu.memory_space<vmem>>) target(%dma_start3A_60 : memref<128x32xf32, #tpu.memory_space<hbm>>) target_semaphore(%run_scoped3A : memref<!tpu.dma_semaphore, #tpu.memory_space<semaphore_mem>>)
      %dma_wait3A = arith.constant 0 : i32
      %dma_wait3A_61 = tpu.memref_slice %arg8[%arg0, %add3A_47, %dma_wait3A] : memref<2x10240x32xf32, #tpu.memory_space<hbm>> -> memref<1x128x32xf32, #tpu.memory_space<hbm>>
      %dma_wait3A_62 = tpu.memref_squeeze %dma_wait3A_61 : memref<1x128x32xf32, #tpu.memory_space<hbm>> -> memref<128x32xf32, #tpu.memory_space<hbm>>
      %dma_wait3A_63 = arith.constant 0 : i32
      %dma_wait3A_64 = tpu.memref_slice %arg8[%arg0, %add3A_47, %dma_wait3A_63] : memref<2x10240x32xf32, #tpu.memory_space<hbm>> -> memref<1x128x32xf32, #tpu.memory_space<hbm>>
      %dma_wait3A_65 = tpu.memref_squeeze %dma_wait3A_64 : memref<1x128x32xf32, #tpu.memory_space<hbm>> -> memref<128x32xf32, #tpu.memory_space<hbm>>
      tpu.wait_dma2 semaphore(%run_scoped3A : memref<!tpu.dma_semaphore, #tpu.memory_space<semaphore_mem>>) src(%arg16 : memref<128x32xf32, #tpu.memory_space<vmem>>) dst(%dma_wait3A_65 : memref<128x32xf32, #tpu.memory_space<hbm>>)
      tpu.yield
    }) : () -> ()
    %add3A_48 = arith.constant 384 : i32
    %add3A_49 = arith.addi %mul3A_16, %add3A_48 : i32
    "tpu.region"() ({
      %run_scoped3A = tpu.sem_alloc : memref<!tpu.dma_semaphore, #tpu.memory_space<semaphore_mem>>
      %dma_start3A = arith.constant 0 : i32
      %dma_start3A_56 = tpu.memref_slice %arg18[%add3A_49, %dma_start3A] : memref<10240x32xf32, #tpu.memory_space<vmem_shared>> -> memref<128x32xf32, #tpu.memory_space<vmem_shared>>
      %dma_start3A_57 = arith.constant 0 : i32
      %dma_start3A_58 = tpu.memref_slice %arg18[%add3A_49, %dma_start3A_57] : memref<10240x32xf32, #tpu.memory_space<vmem_shared>> -> memref<128x32xf32, #tpu.memory_space<vmem_shared>>
      tpu.enqueue_dma source(%dma_start3A_58 : memref<128x32xf32, #tpu.memory_space<vmem_shared>>) target(%arg16 : memref<128x32xf32, #tpu.memory_space<vmem>>) target_semaphore(%run_scoped3A : memref<!tpu.dma_semaphore, #tpu.memory_space<semaphore_mem>>)
      %dma_wait3A = arith.constant 0 : i32
      %dma_wait3A_59 = tpu.memref_slice %arg18[%add3A_49, %dma_wait3A] : memref<10240x32xf32, #tpu.memory_space<vmem_shared>> -> memref<128x32xf32, #tpu.memory_space<vmem_shared>>
      %dma_wait3A_60 = arith.constant 0 : i32
      %dma_wait3A_61 = tpu.memref_slice %arg18[%add3A_49, %dma_wait3A_60] : memref<10240x32xf32, #tpu.memory_space<vmem_shared>> -> memref<128x32xf32, #tpu.memory_space<vmem_shared>>
      tpu.wait_dma2 semaphore(%run_scoped3A : memref<!tpu.dma_semaphore, #tpu.memory_space<semaphore_mem>>) src(%dma_wait3A_61 : memref<128x32xf32, #tpu.memory_space<vmem_shared>>) dst(%arg16 : memref<128x32xf32, #tpu.memory_space<vmem>>)
      tpu.yield
    }) : () -> ()
    %add3A_50 = arith.constant 384 : i32
    %add3A_51 = arith.addi %mul3A_16, %add3A_50 : i32
    "tpu.region"() ({
      %run_scoped3A = tpu.sem_alloc : memref<!tpu.dma_semaphore, #tpu.memory_space<semaphore_mem>>
      %dma_start3A = arith.constant 0 : i32
      %dma_start3A_56 = tpu.memref_slice %arg8[%arg0, %add3A_51, %dma_start3A] : memref<2x10240x32xf32, #tpu.memory_space<hbm>> -> memref<1x128x32xf32, #tpu.memory_space<hbm>>
      %dma_start3A_57 = tpu.memref_squeeze %dma_start3A_56 : memref<1x128x32xf32, #tpu.memory_space<hbm>> -> memref<128x32xf32, #tpu.memory_space<hbm>>
      %dma_start3A_58 = arith.constant 0 : i32
      %dma_start3A_59 = tpu.memref_slice %arg8[%arg0, %add3A_51, %dma_start3A_58] : memref<2x10240x32xf32, #tpu.memory_space<hbm>> -> memref<1x128x32xf32, #tpu.memory_space<hbm>>
      %dma_start3A_60 = tpu.memref_squeeze %dma_start3A_59 : memref<1x128x32xf32, #tpu.memory_space<hbm>> -> memref<128x32xf32, #tpu.memory_space<hbm>>
      tpu.enqueue_dma source(%arg16 : memref<128x32xf32, #tpu.memory_space<vmem>>) target(%dma_start3A_60 : memref<128x32xf32, #tpu.memory_space<hbm>>) target_semaphore(%run_scoped3A : memref<!tpu.dma_semaphore, #tpu.memory_space<semaphore_mem>>)
      %dma_wait3A = arith.constant 0 : i32
      %dma_wait3A_61 = tpu.memref_slice %arg8[%arg0, %add3A_51, %dma_wait3A] : memref<2x10240x32xf32, #tpu.memory_space<hbm>> -> memref<1x128x32xf32, #tpu.memory_space<hbm>>
      %dma_wait3A_62 = tpu.memref_squeeze %dma_wait3A_61 : memref<1x128x32xf32, #tpu.memory_space<hbm>> -> memref<128x32xf32, #tpu.memory_space<hbm>>
      %dma_wait3A_63 = arith.constant 0 : i32
      %dma_wait3A_64 = tpu.memref_slice %arg8[%arg0, %add3A_51, %dma_wait3A_63] : memref<2x10240x32xf32, #tpu.memory_space<hbm>> -> memref<1x128x32xf32, #tpu.memory_space<hbm>>
      %dma_wait3A_65 = tpu.memref_squeeze %dma_wait3A_64 : memref<1x128x32xf32, #tpu.memory_space<hbm>> -> memref<128x32xf32, #tpu.memory_space<hbm>>
      tpu.wait_dma2 semaphore(%run_scoped3A : memref<!tpu.dma_semaphore, #tpu.memory_space<semaphore_mem>>) src(%arg16 : memref<128x32xf32, #tpu.memory_space<vmem>>) dst(%dma_wait3A_65 : memref<128x32xf32, #tpu.memory_space<hbm>>)
      tpu.yield
    }) : () -> ()
    %add3A_52 = arith.constant 512 : i32
    %add3A_53 = arith.addi %mul3A_16, %add3A_52 : i32
    "tpu.region"() ({
      %run_scoped3A = tpu.sem_alloc : memref<!tpu.dma_semaphore, #tpu.memory_space<semaphore_mem>>
      %dma_start3A = arith.constant 0 : i32
      %dma_start3A_56 = tpu.memref_slice %arg18[%add3A_53, %dma_start3A] : memref<10240x32xf32, #tpu.memory_space<vmem_shared>> -> memref<128x32xf32, #tpu.memory_space<vmem_shared>>
      %dma_start3A_57 = arith.constant 0 : i32
      %dma_start3A_58 = tpu.memref_slice %arg18[%add3A_53, %dma_start3A_57] : memref<10240x32xf32, #tpu.memory_space<vmem_shared>> -> memref<128x32xf32, #tpu.memory_space<vmem_shared>>
      tpu.enqueue_dma source(%dma_start3A_58 : memref<128x32xf32, #tpu.memory_space<vmem_shared>>) target(%arg16 : memref<128x32xf32, #tpu.memory_space<vmem>>) target_semaphore(%run_scoped3A : memref<!tpu.dma_semaphore, #tpu.memory_space<semaphore_mem>>)
      %dma_wait3A = arith.constant 0 : i32
      %dma_wait3A_59 = tpu.memref_slice %arg18[%add3A_53, %dma_wait3A] : memref<10240x32xf32, #tpu.memory_space<vmem_shared>> -> memref<128x32xf32, #tpu.memory_space<vmem_shared>>
      %dma_wait3A_60 = arith.constant 0 : i32
      %dma_wait3A_61 = tpu.memref_slice %arg18[%add3A_53, %dma_wait3A_60] : memref<10240x32xf32, #tpu.memory_space<vmem_shared>> -> memref<128x32xf32, #tpu.memory_space<vmem_shared>>
      tpu.wait_dma2 semaphore(%run_scoped3A : memref<!tpu.dma_semaphore, #tpu.memory_space<semaphore_mem>>) src(%dma_wait3A_61 : memref<128x32xf32, #tpu.memory_space<vmem_shared>>) dst(%arg16 : memref<128x32xf32, #tpu.memory_space<vmem>>)
      tpu.yield
    }) : () -> ()
    %add3A_54 = arith.constant 512 : i32
    %add3A_55 = arith.addi %mul3A_16, %add3A_54 : i32
    "tpu.region"() ({
      %run_scoped3A = tpu.sem_alloc : memref<!tpu.dma_semaphore, #tpu.memory_space<semaphore_mem>>
      %dma_start3A = arith.constant 0 : i32
      %dma_start3A_56 = tpu.memref_slice %arg8[%arg0, %add3A_55, %dma_start3A] : memref<2x10240x32xf32, #tpu.memory_space<hbm>> -> memref<1x128x32xf32, #tpu.memory_space<hbm>>
      %dma_start3A_57 = tpu.memref_squeeze %dma_start3A_56 : memref<1x128x32xf32, #tpu.memory_space<hbm>> -> memref<128x32xf32, #tpu.memory_space<hbm>>
      %dma_start3A_58 = arith.constant 0 : i32
      %dma_start3A_59 = tpu.memref_slice %arg8[%arg0, %add3A_55, %dma_start3A_58] : memref<2x10240x32xf32, #tpu.memory_space<hbm>> -> memref<1x128x32xf32, #tpu.memory_space<hbm>>
      %dma_start3A_60 = tpu.memref_squeeze %dma_start3A_59 : memref<1x128x32xf32, #tpu.memory_space<hbm>> -> memref<128x32xf32, #tpu.memory_space<hbm>>
      tpu.enqueue_dma source(%arg16 : memref<128x32xf32, #tpu.memory_space<vmem>>) target(%dma_start3A_60 : memref<128x32xf32, #tpu.memory_space<hbm>>) target_semaphore(%run_scoped3A : memref<!tpu.dma_semaphore, #tpu.memory_space<semaphore_mem>>)
      %dma_wait3A = arith.constant 0 : i32
      %dma_wait3A_61 = tpu.memref_slice %arg8[%arg0, %add3A_55, %dma_wait3A] : memref<2x10240x32xf32, #tpu.memory_space<hbm>> -> memref<1x128x32xf32, #tpu.memory_space<hbm>>
      %dma_wait3A_62 = tpu.memref_squeeze %dma_wait3A_61 : memref<1x128x32xf32, #tpu.memory_space<hbm>> -> memref<128x32xf32, #tpu.memory_space<hbm>>
      %dma_wait3A_63 = arith.constant 0 : i32
      %dma_wait3A_64 = tpu.memref_slice %arg8[%arg0, %add3A_55, %dma_wait3A_63] : memref<2x10240x32xf32, #tpu.memory_space<hbm>> -> memref<1x128x32xf32, #tpu.memory_space<hbm>>
      %dma_wait3A_65 = tpu.memref_squeeze %dma_wait3A_64 : memref<1x128x32xf32, #tpu.memory_space<hbm>> -> memref<128x32xf32, #tpu.memory_space<hbm>>
      tpu.wait_dma2 semaphore(%run_scoped3A : memref<!tpu.dma_semaphore, #tpu.memory_space<semaphore_mem>>) src(%arg16 : memref<128x32xf32, #tpu.memory_space<vmem>>) dst(%dma_wait3A_65 : memref<128x32xf32, #tpu.memory_space<hbm>>)
      tpu.yield
    }) : () -> ()
    return
  }
}

#map = affine_map<(d0, d1) -> (0)>
#map1 = affine_map<(d0, d1) -> (0, 0)>
#map2 = affine_map<(d0, d1) -> (0, 0, 0)>
module attributes {stable_mosaic.version = 14 : i64} {
  func.func @sc_fn(%arg0: i32, %arg1: i32, %arg2: memref<10240xf32, #tpu.memory_space<hbm>>, %arg3: memref<10240xf32, #tpu.memory_space<hbm>>, %arg4: memref<16xf32, #tpu.memory_space<hbm>>, %arg5: memref<10240x32xf32, #tpu.memory_space<hbm>>, %arg6: memref<32x81x128xi32, #tpu.memory_space<hbm>>, %arg7: memref<32x81x128xi32, #tpu.memory_space<hbm>>, %arg8: memref<2x10240x32xf32, #tpu.memory_space<hbm>>, %arg9: memref<2x10240xf32, #tpu.memory_space<hbm>>, %arg10: memref<10240xf32, #tpu.memory_space<vmem>>, %arg11: memref<10240xf32, #tpu.memory_space<vmem>>, %arg12: memref<16xf32, #tpu.memory_space<vmem>>, %arg13: memref<81x128xi32, #tpu.memory_space<vmem>>, %arg14: memref<81x128xi32, #tpu.memory_space<vmem>>, %arg15: memref<128xf32, #tpu.memory_space<vmem>>, %arg16: memref<128x32xf32, #tpu.memory_space<vmem>>, %arg17: memref<640xf32, #tpu.memory_space<vmem>>, %arg18: memref<10240x32xf32, #tpu.memory_space<vmem_shared>>, %arg19: memref<10240xf32, #tpu.memory_space<vmem_shared>>, %arg20: memref<!tpu.dma_semaphore, #tpu.memory_space<semaphore_mem>>) attributes {dimension_semantics = [#tpu.dimension_semantics<core_parallel>, #tpu.dimension_semantics<subcore_parallel>], iteration_bounds = array<i64: 2, 16>, scalar_prefetch = 0 : i64, scratch_operands = 11 : i64, tpu.core_type = #tpu.core_type<sc_vector_subcore>, window_params = [{transform_indices = #map}, {transform_indices = #map}, {transform_indices = #map}, {transform_indices = #map1}, {transform_indices = #map2}, {transform_indices = #map2}, {transform_indices = #map2}, {transform_indices = #map1}]} {
    %mul3A = arith.constant 2 : i32
    %mul3A_0 = arith.muli %arg1, %mul3A : i32
    %add3A = arith.addi %mul3A_0, %arg0 : i32
    %broadcast_in_dim3A = arith.constant 0.000000e+00 : f32
    %broadcast_in_dim3A_1 = vector.broadcast %broadcast_in_dim3A : f32 to vector<16xf32>
    %scan3A = arith.constant 0 : i32
    %scan3A_2 = arith.constant 0 : i32
    %scan3A_3 = arith.constant 128 : i32
    %scan3A_4 = arith.addi %scan3A_2, %scan3A_3 : i32
    %scan3A_5 = arith.constant 1 : i32
    %scan3A_6 = scf.for %scan3A_56 = %scan3A_2 to %scan3A_4 step %scan3A_5 iter_args(%scan3A_57 = %scan3A) -> (i32)  : i32 {
      %swap3A = arith.index_cast %scan3A_56 : i32 to index
      %swap3A_58 = arith.constant 0 : index
      %swap3A_59 = tpu.vector_load %arg16[%swap3A, %swap3A_58] {strides = array<i32>} : memref<128x32xf32, #tpu.memory_space<vmem>>, vector<16xf32>,
      tpu.vector_store %arg16[%swap3A, %swap3A_58], %broadcast_in_dim3A_1 {strides = array<i32>} : memref<128x32xf32, #tpu.memory_space<vmem>>, vector<16xf32>,
      %swap3A_60 = arith.index_cast %scan3A_56 : i32 to index
      %swap3A_61 = arith.constant 16 : index
      %swap3A_62 = tpu.vector_load %arg16[%swap3A_60, %swap3A_61] {strides = array<i32>} : memref<128x32xf32, #tpu.memory_space<vmem>>, vector<16xf32>,
      tpu.vector_store %arg16[%swap3A_60, %swap3A_61], %broadcast_in_dim3A_1 {strides = array<i32>} : memref<128x32xf32, #tpu.memory_space<vmem>>, vector<16xf32>,
      %scan3A_63 = arith.constant 0 : i32
      scf.yield %scan3A_63 : i32
    }
    %scan3A_7 = arith.constant 128 : i32
    %scan3A_8 = arith.constant 0 : i32
    %scan3A_9 = arith.constant 0 : i32
    %scan3A_10 = arith.constant 40 : i32
    %scan3A_11 = arith.addi %scan3A_9, %scan3A_10 : i32
    %scan3A_12 = arith.constant 1 : i32
    %scan3A_13 = scf.for %scan3A_56 = %scan3A_9 to %scan3A_11 step %scan3A_12 iter_args(%scan3A_57 = %scan3A_8) -> (i32)  : i32 {
      %mul3A_58 = arith.constant 16 : i32
      %mul3A_59 = arith.muli %scan3A_56, %mul3A_58 : i32
      %swap3A = arith.index_cast %mul3A_59 : i32 to index
      %swap3A_60 = tpu.vector_load %arg17[%swap3A] {strides = array<i32>} : memref<640xf32, #tpu.memory_space<vmem>>, vector<16xf32>,
      tpu.vector_store %arg17[%swap3A], %broadcast_in_dim3A_1 {strides = array<i32>} : memref<640xf32, #tpu.memory_space<vmem>>, vector<16xf32>,
      %scan3A_61 = arith.constant 0 : i32
      scf.yield %scan3A_61 : i32
    }
    %scan3A_14 = arith.constant 40 : i32
    "tpu.region"() ({
      %run_scoped3A = tpu.sem_alloc : memref<!tpu.dma_semaphore, #tpu.memory_space<semaphore_mem>>
      tpu.enqueue_dma source(%arg2 : memref<10240xf32, #tpu.memory_space<hbm>>) target(%arg10 : memref<10240xf32, #tpu.memory_space<vmem>>) target_semaphore(%run_scoped3A : memref<!tpu.dma_semaphore, #tpu.memory_space<semaphore_mem>>)
      tpu.wait_dma2 semaphore(%run_scoped3A : memref<!tpu.dma_semaphore, #tpu.memory_space<semaphore_mem>>) src(%arg2 : memref<10240xf32, #tpu.memory_space<hbm>>) dst(%arg10 : memref<10240xf32, #tpu.memory_space<vmem>>)
      tpu.yield
    }) : () -> ()
    "tpu.region"() ({
      %run_scoped3A = tpu.sem_alloc : memref<!tpu.dma_semaphore, #tpu.memory_space<semaphore_mem>>
      tpu.enqueue_dma source(%arg3 : memref<10240xf32, #tpu.memory_space<hbm>>) target(%arg11 : memref<10240xf32, #tpu.memory_space<vmem>>) target_semaphore(%run_scoped3A : memref<!tpu.dma_semaphore, #tpu.memory_space<semaphore_mem>>)
      tpu.wait_dma2 semaphore(%run_scoped3A : memref<!tpu.dma_semaphore, #tpu.memory_space<semaphore_mem>>) src(%arg3 : memref<10240xf32, #tpu.memory_space<hbm>>) dst(%arg11 : memref<10240xf32, #tpu.memory_space<vmem>>)
      tpu.yield
    }) : () -> ()
    "tpu.region"() ({
      %run_scoped3A = tpu.sem_alloc : memref<!tpu.dma_semaphore, #tpu.memory_space<semaphore_mem>>
      tpu.enqueue_dma source(%arg4 : memref<16xf32, #tpu.memory_space<hbm>>) target(%arg12 : memref<16xf32, #tpu.memory_space<vmem>>) target_semaphore(%run_scoped3A : memref<!tpu.dma_semaphore, #tpu.memory_space<semaphore_mem>>)
      tpu.wait_dma2 semaphore(%run_scoped3A : memref<!tpu.dma_semaphore, #tpu.memory_space<semaphore_mem>>) src(%arg4 : memref<16xf32, #tpu.memory_space<hbm>>) dst(%arg12 : memref<16xf32, #tpu.memory_space<vmem>>)
      tpu.yield
    }) : () -> ()
    "tpu.region"() ({
      %run_scoped3A = tpu.sem_alloc : memref<!tpu.dma_semaphore, #tpu.memory_space<semaphore_mem>>
      %dma_start3A = arith.constant 0 : i32
      %dma_start3A_56 = arith.constant 0 : i32
      %dma_start3A_57 = tpu.memref_slice %arg6[%add3A, %dma_start3A, %dma_start3A_56] : memref<32x81x128xi32, #tpu.memory_space<hbm>> -> memref<1x81x128xi32, #tpu.memory_space<hbm>>
      %dma_start3A_58 = tpu.memref_squeeze %dma_start3A_57 : memref<1x81x128xi32, #tpu.memory_space<hbm>> -> memref<81x128xi32, #tpu.memory_space<hbm>>
      %dma_start3A_59 = arith.constant 0 : i32
      %dma_start3A_60 = arith.constant 0 : i32
      %dma_start3A_61 = tpu.memref_slice %arg6[%add3A, %dma_start3A_59, %dma_start3A_60] : memref<32x81x128xi32, #tpu.memory_space<hbm>> -> memref<1x81x128xi32, #tpu.memory_space<hbm>>
      %dma_start3A_62 = tpu.memref_squeeze %dma_start3A_61 : memref<1x81x128xi32, #tpu.memory_space<hbm>> -> memref<81x128xi32, #tpu.memory_space<hbm>>
      tpu.enqueue_dma source(%dma_start3A_62 : memref<81x128xi32, #tpu.memory_space<hbm>>) target(%arg13 : memref<81x128xi32, #tpu.memory_space<vmem>>) target_semaphore(%run_scoped3A : memref<!tpu.dma_semaphore, #tpu.memory_space<semaphore_mem>>)
      %dma_wait3A = arith.constant 0 : i32
      %dma_wait3A_63 = arith.constant 0 : i32
      %dma_wait3A_64 = tpu.memref_slice %arg6[%add3A, %dma_wait3A, %dma_wait3A_63] : memref<32x81x128xi32, #tpu.memory_space<hbm>> -> memref<1x81x128xi32, #tpu.memory_space<hbm>>
      %dma_wait3A_65 = tpu.memref_squeeze %dma_wait3A_64 : memref<1x81x128xi32, #tpu.memory_space<hbm>> -> memref<81x128xi32, #tpu.memory_space<hbm>>
      %dma_wait3A_66 = arith.constant 0 : i32
      %dma_wait3A_67 = arith.constant 0 : i32
      %dma_wait3A_68 = tpu.memref_slice %arg6[%add3A, %dma_wait3A_66, %dma_wait3A_67] : memref<32x81x128xi32, #tpu.memory_space<hbm>> -> memref<1x81x128xi32, #tpu.memory_space<hbm>>
      %dma_wait3A_69 = tpu.memref_squeeze %dma_wait3A_68 : memref<1x81x128xi32, #tpu.memory_space<hbm>> -> memref<81x128xi32, #tpu.memory_space<hbm>>
      tpu.wait_dma2 semaphore(%run_scoped3A : memref<!tpu.dma_semaphore, #tpu.memory_space<semaphore_mem>>) src(%dma_wait3A_69 : memref<81x128xi32, #tpu.memory_space<hbm>>) dst(%arg13 : memref<81x128xi32, #tpu.memory_space<vmem>>)
      tpu.yield
    }) : () -> ()
    "tpu.region"() ({
      %run_scoped3A = tpu.sem_alloc : memref<!tpu.dma_semaphore, #tpu.memory_space<semaphore_mem>>
      %dma_start3A = arith.constant 0 : i32
      %dma_start3A_56 = arith.constant 0 : i32
      %dma_start3A_57 = tpu.memref_slice %arg7[%add3A, %dma_start3A, %dma_start3A_56] : memref<32x81x128xi32, #tpu.memory_space<hbm>> -> memref<1x81x128xi32, #tpu.memory_space<hbm>>
      %dma_start3A_58 = tpu.memref_squeeze %dma_start3A_57 : memref<1x81x128xi32, #tpu.memory_space<hbm>> -> memref<81x128xi32, #tpu.memory_space<hbm>>
      %dma_start3A_59 = arith.constant 0 : i32
      %dma_start3A_60 = arith.constant 0 : i32
      %dma_start3A_61 = tpu.memref_slice %arg7[%add3A, %dma_start3A_59, %dma_start3A_60] : memref<32x81x128xi32, #tpu.memory_space<hbm>> -> memref<1x81x128xi32, #tpu.memory_space<hbm>>
      %dma_start3A_62 = tpu.memref_squeeze %dma_start3A_61 : memref<1x81x128xi32, #tpu.memory_space<hbm>> -> memref<81x128xi32, #tpu.memory_space<hbm>>
      tpu.enqueue_dma source(%dma_start3A_62 : memref<81x128xi32, #tpu.memory_space<hbm>>) target(%arg14 : memref<81x128xi32, #tpu.memory_space<vmem>>) target_semaphore(%run_scoped3A : memref<!tpu.dma_semaphore, #tpu.memory_space<semaphore_mem>>)
      %dma_wait3A = arith.constant 0 : i32
      %dma_wait3A_63 = arith.constant 0 : i32
      %dma_wait3A_64 = tpu.memref_slice %arg7[%add3A, %dma_wait3A, %dma_wait3A_63] : memref<32x81x128xi32, #tpu.memory_space<hbm>> -> memref<1x81x128xi32, #tpu.memory_space<hbm>>
      %dma_wait3A_65 = tpu.memref_squeeze %dma_wait3A_64 : memref<1x81x128xi32, #tpu.memory_space<hbm>> -> memref<81x128xi32, #tpu.memory_space<hbm>>
      %dma_wait3A_66 = arith.constant 0 : i32
      %dma_wait3A_67 = arith.constant 0 : i32
      %dma_wait3A_68 = tpu.memref_slice %arg7[%add3A, %dma_wait3A_66, %dma_wait3A_67] : memref<32x81x128xi32, #tpu.memory_space<hbm>> -> memref<1x81x128xi32, #tpu.memory_space<hbm>>
      %dma_wait3A_69 = tpu.memref_squeeze %dma_wait3A_68 : memref<1x81x128xi32, #tpu.memory_space<hbm>> -> memref<81x128xi32, #tpu.memory_space<hbm>>
      tpu.wait_dma2 semaphore(%run_scoped3A : memref<!tpu.dma_semaphore, #tpu.memory_space<semaphore_mem>>) src(%dma_wait3A_69 : memref<81x128xi32, #tpu.memory_space<hbm>>) dst(%arg14 : memref<81x128xi32, #tpu.memory_space<vmem>>)
      tpu.yield
    }) : () -> ()
    %mul3A_15 = arith.constant 640 : i32
    %mul3A_16 = arith.muli %arg1, %mul3A_15 : i32
    "tpu.region"() ({
      %run_scoped3A = tpu.sem_alloc : memref<!tpu.dma_semaphore, #tpu.memory_space<semaphore_mem>>
      %dma_start3A = tpu.memref_slice %arg19[%mul3A_16] : memref<10240xf32, #tpu.memory_space<vmem_shared>> -> memref<640xf32, #tpu.memory_space<vmem_shared>>
      %dma_start3A_56 = tpu.memref_slice %arg19[%mul3A_16] : memref<10240xf32, #tpu.memory_space<vmem_shared>> -> memref<640xf32, #tpu.memory_space<vmem_shared>>
      tpu.enqueue_dma source(%arg17 : memref<640xf32, #tpu.memory_space<vmem>>) target(%dma_start3A_56 : memref<640xf32, #tpu.memory_space<vmem_shared>>) target_semaphore(%run_scoped3A : memref<!tpu.dma_semaphore, #tpu.memory_space<semaphore_mem>>)
      %dma_wait3A = tpu.memref_slice %arg19[%mul3A_16] : memref<10240xf32, #tpu.memory_space<vmem_shared>> -> memref<640xf32, #tpu.memory_space<vmem_shared>>
      %dma_wait3A_57 = tpu.memref_slice %arg19[%mul3A_16] : memref<10240xf32, #tpu.memory_space<vmem_shared>> -> memref<640xf32, #tpu.memory_space<vmem_shared>>
      tpu.wait_dma2 semaphore(%run_scoped3A : memref<!tpu.dma_semaphore, #tpu.memory_space<semaphore_mem>>) src(%arg17 : memref<640xf32, #tpu.memory_space<vmem>>) dst(%dma_wait3A_57 : memref<640xf32, #tpu.memory_space<vmem_shared>>)
      tpu.yield
    }) : () -> ()
    %add3A_17 = arith.constant 0 : i32
    %add3A_18 = arith.addi %mul3A_16, %add3A_17 : i32
    "tpu.region"() ({
      %run_scoped3A = tpu.sem_alloc : memref<!tpu.dma_semaphore, #tpu.memory_space<semaphore_mem>>
      %dma_start3A = arith.constant 0 : i32
      %dma_start3A_56 = tpu.memref_slice %arg18[%add3A_18, %dma_start3A] : memref<10240x32xf32, #tpu.memory_space<vmem_shared>> -> memref<128x32xf32, #tpu.memory_space<vmem_shared>>
      %dma_start3A_57 = arith.constant 0 : i32
      %dma_start3A_58 = tpu.memref_slice %arg18[%add3A_18, %dma_start3A_57] : memref<10240x32xf32, #tpu.memory_space<vmem_shared>> -> memref<128x32xf32, #tpu.memory_space<vmem_shared>>
      tpu.enqueue_dma source(%arg16 : memref<128x32xf32, #tpu.memory_space<vmem>>) target(%dma_start3A_58 : memref<128x32xf32, #tpu.memory_space<vmem_shared>>) target_semaphore(%run_scoped3A : memref<!tpu.dma_semaphore, #tpu.memory_space<semaphore_mem>>)
      %dma_wait3A = arith.constant 0 : i32
      %dma_wait3A_59 = tpu.memref_slice %arg18[%add3A_18, %dma_wait3A] : memref<10240x32xf32, #tpu.memory_space<vmem_shared>> -> memref<128x32xf32, #tpu.memory_space<vmem_shared>>
      %dma_wait3A_60 = arith.constant 0 : i32
      %dma_wait3A_61 = tpu.memref_slice %arg18[%add3A_18, %dma_wait3A_60] : memref<10240x32xf32, #tpu.memory_space<vmem_shared>> -> memref<128x32xf32, #tpu.memory_space<vmem_shared>>
      tpu.wait_dma2 semaphore(%run_scoped3A : memref<!tpu.dma_semaphore, #tpu.memory_space<semaphore_mem>>) src(%arg16 : memref<128x32xf32, #tpu.memory_space<vmem>>) dst(%dma_wait3A_61 : memref<128x32xf32, #tpu.memory_space<vmem_shared>>)
      tpu.yield
    }) : () -> ()
    %add3A_19 = arith.constant 128 : i32
    %add3A_20 = arith.addi %mul3A_16, %add3A_19 : i32
    "tpu.region"() ({
      %run_scoped3A = tpu.sem_alloc : memref<!tpu.dma_semaphore, #tpu.memory_space<semaphore_mem>>
      %dma_start3A = arith.constant 0 : i32
      %dma_start3A_56 = tpu.memref_slice %arg18[%add3A_20, %dma_start3A] : memref<10240x32xf32, #tpu.memory_space<vmem_shared>> -> memref<128x32xf32, #tpu.memory_space<vmem_shared>>
      %dma_start3A_57 = arith.constant 0 : i32
      %dma_start3A_58 = tpu.memref_slice %arg18[%add3A_20, %dma_start3A_57] : memref<10240x32xf32, #tpu.memory_space<vmem_shared>> -> memref<128x32xf32, #tpu.memory_space<vmem_shared>>
      tpu.enqueue_dma source(%arg16 : memref<128x32xf32, #tpu.memory_space<vmem>>) target(%dma_start3A_58 : memref<128x32xf32, #tpu.memory_space<vmem_shared>>) target_semaphore(%run_scoped3A : memref<!tpu.dma_semaphore, #tpu.memory_space<semaphore_mem>>)
      %dma_wait3A = arith.constant 0 : i32
      %dma_wait3A_59 = tpu.memref_slice %arg18[%add3A_20, %dma_wait3A] : memref<10240x32xf32, #tpu.memory_space<vmem_shared>> -> memref<128x32xf32, #tpu.memory_space<vmem_shared>>
      %dma_wait3A_60 = arith.constant 0 : i32
      %dma_wait3A_61 = tpu.memref_slice %arg18[%add3A_20, %dma_wait3A_60] : memref<10240x32xf32, #tpu.memory_space<vmem_shared>> -> memref<128x32xf32, #tpu.memory_space<vmem_shared>>
      tpu.wait_dma2 semaphore(%run_scoped3A : memref<!tpu.dma_semaphore, #tpu.memory_space<semaphore_mem>>) src(%arg16 : memref<128x32xf32, #tpu.memory_space<vmem>>) dst(%dma_wait3A_61 : memref<128x32xf32, #tpu.memory_space<vmem_shared>>)
      tpu.yield
    }) : () -> ()
    %add3A_21 = arith.constant 256 : i32
    %add3A_22 = arith.addi %mul3A_16, %add3A_21 : i32
    "tpu.region"() ({
      %run_scoped3A = tpu.sem_alloc : memref<!tpu.dma_semaphore, #tpu.memory_space<semaphore_mem>>
      %dma_start3A = arith.constant 0 : i32
      %dma_start3A_56 = tpu.memref_slice %arg18[%add3A_22, %dma_start3A] : memref<10240x32xf32, #tpu.memory_space<vmem_shared>> -> memref<128x32xf32, #tpu.memory_space<vmem_shared>>
      %dma_start3A_57 = arith.constant 0 : i32
      %dma_start3A_58 = tpu.memref_slice %arg18[%add3A_22, %dma_start3A_57] : memref<10240x32xf32, #tpu.memory_space<vmem_shared>> -> memref<128x32xf32, #tpu.memory_space<vmem_shared>>
      tpu.enqueue_dma source(%arg16 : memref<128x32xf32, #tpu.memory_space<vmem>>) target(%dma_start3A_58 : memref<128x32xf32, #tpu.memory_space<vmem_shared>>) target_semaphore(%run_scoped3A : memref<!tpu.dma_semaphore, #tpu.memory_space<semaphore_mem>>)
      %dma_wait3A = arith.constant 0 : i32
      %dma_wait3A_59 = tpu.memref_slice %arg18[%add3A_22, %dma_wait3A] : memref<10240x32xf32, #tpu.memory_space<vmem_shared>> -> memref<128x32xf32, #tpu.memory_space<vmem_shared>>
      %dma_wait3A_60 = arith.constant 0 : i32
      %dma_wait3A_61 = tpu.memref_slice %arg18[%add3A_22, %dma_wait3A_60] : memref<10240x32xf32, #tpu.memory_space<vmem_shared>> -> memref<128x32xf32, #tpu.memory_space<vmem_shared>>
      tpu.wait_dma2 semaphore(%run_scoped3A : memref<!tpu.dma_semaphore, #tpu.memory_space<semaphore_mem>>) src(%arg16 : memref<128x32xf32, #tpu.memory_space<vmem>>) dst(%dma_wait3A_61 : memref<128x32xf32, #tpu.memory_space<vmem_shared>>)
      tpu.yield
    }) : () -> ()
    %add3A_23 = arith.constant 384 : i32
    %add3A_24 = arith.addi %mul3A_16, %add3A_23 : i32
    "tpu.region"() ({
      %run_scoped3A = tpu.sem_alloc : memref<!tpu.dma_semaphore, #tpu.memory_space<semaphore_mem>>
      %dma_start3A = arith.constant 0 : i32
      %dma_start3A_56 = tpu.memref_slice %arg18[%add3A_24, %dma_start3A] : memref<10240x32xf32, #tpu.memory_space<vmem_shared>> -> memref<128x32xf32, #tpu.memory_space<vmem_shared>>
      %dma_start3A_57 = arith.constant 0 : i32
      %dma_start3A_58 = tpu.memref_slice %arg18[%add3A_24, %dma_start3A_57] : memref<10240x32xf32, #tpu.memory_space<vmem_shared>> -> memref<128x32xf32, #tpu.memory_space<vmem_shared>>
      tpu.enqueue_dma source(%arg16 : memref<128x32xf32, #tpu.memory_space<vmem>>) target(%dma_start3A_58 : memref<128x32xf32, #tpu.memory_space<vmem_shared>>) target_semaphore(%run_scoped3A : memref<!tpu.dma_semaphore, #tpu.memory_space<semaphore_mem>>)
      %dma_wait3A = arith.constant 0 : i32
      %dma_wait3A_59 = tpu.memref_slice %arg18[%add3A_24, %dma_wait3A] : memref<10240x32xf32, #tpu.memory_space<vmem_shared>> -> memref<128x32xf32, #tpu.memory_space<vmem_shared>>
      %dma_wait3A_60 = arith.constant 0 : i32
      %dma_wait3A_61 = tpu.memref_slice %arg18[%add3A_24, %dma_wait3A_60] : memref<10240x32xf32, #tpu.memory_space<vmem_shared>> -> memref<128x32xf32, #tpu.memory_space<vmem_shared>>
      tpu.wait_dma2 semaphore(%run_scoped3A : memref<!tpu.dma_semaphore, #tpu.memory_space<semaphore_mem>>) src(%arg16 : memref<128x32xf32, #tpu.memory_space<vmem>>) dst(%dma_wait3A_61 : memref<128x32xf32, #tpu.memory_space<vmem_shared>>)
      tpu.yield
    }) : () -> ()
    %add3A_25 = arith.constant 512 : i32
    %add3A_26 = arith.addi %mul3A_16, %add3A_25 : i32
    "tpu.region"() ({
      %run_scoped3A = tpu.sem_alloc : memref<!tpu.dma_semaphore, #tpu.memory_space<semaphore_mem>>
      %dma_start3A = arith.constant 0 : i32
      %dma_start3A_56 = tpu.memref_slice %arg18[%add3A_26, %dma_start3A] : memref<10240x32xf32, #tpu.memory_space<vmem_shared>> -> memref<128x32xf32, #tpu.memory_space<vmem_shared>>
      %dma_start3A_57 = arith.constant 0 : i32
      %dma_start3A_58 = tpu.memref_slice %arg18[%add3A_26, %dma_start3A_57] : memref<10240x32xf32, #tpu.memory_space<vmem_shared>> -> memref<128x32xf32, #tpu.memory_space<vmem_shared>>
      tpu.enqueue_dma source(%arg16 : memref<128x32xf32, #tpu.memory_space<vmem>>) target(%dma_start3A_58 : memref<128x32xf32, #tpu.memory_space<vmem_shared>>) target_semaphore(%run_scoped3A : memref<!tpu.dma_semaphore, #tpu.memory_space<semaphore_mem>>)
      %dma_wait3A = arith.constant 0 : i32
      %dma_wait3A_59 = tpu.memref_slice %arg18[%add3A_26, %dma_wait3A] : memref<10240x32xf32, #tpu.memory_space<vmem_shared>> -> memref<128x32xf32, #tpu.memory_space<vmem_shared>>
      %dma_wait3A_60 = arith.constant 0 : i32
      %dma_wait3A_61 = tpu.memref_slice %arg18[%add3A_26, %dma_wait3A_60] : memref<10240x32xf32, #tpu.memory_space<vmem_shared>> -> memref<128x32xf32, #tpu.memory_space<vmem_shared>>
      tpu.wait_dma2 semaphore(%run_scoped3A : memref<!tpu.dma_semaphore, #tpu.memory_space<semaphore_mem>>) src(%arg16 : memref<128x32xf32, #tpu.memory_space<vmem>>) dst(%dma_wait3A_61 : memref<128x32xf32, #tpu.memory_space<vmem_shared>>)
      tpu.yield
    }) : () -> ()
    %barrier3A = arith.constant 0 : index
    tpu.barrier barrier_id(%barrier3A)
    %get3A = arith.constant 0 : index
    %get3A_27 = tpu.vector_load %arg12[%get3A] {strides = array<i32>} : memref<16xf32, #tpu.memory_space<vmem>>, vector<16xf32>,
    %scan3A_28 = arith.constant 0 : i32
    %scan3A_29 = arith.constant 0 : i32
    %scan3A_30 = arith.constant 81 : i32
    %scan3A_31 = arith.addi %scan3A_29, %scan3A_30 : i32
    %scan3A_32 = arith.constant 1 : i32
    %scan3A_33 = scf.for %scan3A_56 = %scan3A_29 to %scan3A_31 step %scan3A_32 iter_args(%scan3A_57 = %scan3A_28) -> (i32)  : i32 {
      %dma_start3A = arith.constant 0 : i32
      %dma_start3A_58 = tpu.memref_slice %arg13[%scan3A_56, %dma_start3A] : memref<81x128xi32, #tpu.memory_space<vmem>> -> memref<1x128xi32, #tpu.memory_space<vmem>>
      %dma_start3A_59 = tpu.memref_squeeze %dma_start3A_58 : memref<1x128xi32, #tpu.memory_space<vmem>> -> memref<128xi32, #tpu.memory_space<vmem>>
      %dma_start3A_60 = arith.constant 0 : i32
      %dma_start3A_61 = arith.constant 0 : i32
      %dma_start3A_62 = tpu.memref_slice %arg5[%dma_start3A_60, %dma_start3A_61] : memref<10240x32xf32, #tpu.memory_space<hbm>> -> memref<10240x32xf32, #tpu.memory_space<hbm>>
      tpu.enqueue_indirect_dma source(%dma_start3A_62 : memref<10240x32xf32, #tpu.memory_space<hbm>>) target(%arg16 : memref<128x32xf32, #tpu.memory_space<vmem>>) offsets(%dma_start3A_59 : memref<128xi32, #tpu.memory_space<vmem>>) semaphore(%arg20 : memref<!tpu.dma_semaphore, #tpu.memory_space<semaphore_mem>>)
      %get3A_63 = arith.index_cast %scan3A_56 : i32 to index
      %get3A_64 = arith.constant 0 : index
      %get3A_65 = tpu.vector_load %arg13[%get3A_63, %get3A_64] {strides = array<i32>} : memref<81x128xi32, #tpu.memory_space<vmem>>, vector<16xi32>,
      %get3A_66 = arith.index_cast %scan3A_56 : i32 to index
      %get3A_67 = arith.constant 0 : index
      %get3A_68 = tpu.vector_load %arg14[%get3A_66, %get3A_67] {strides = array<i32>} : memref<81x128xi32, #tpu.memory_space<vmem>>, vector<16xi32>,
      %gather3A = tpu.vector_load_idx %arg10[%get3A_65] : memref<10240xf32, #tpu.memory_space<vmem>>[vector<16xi32>], vector<16xf32>,
      %gather3A_69 = tpu.vector_load_idx %arg11[%get3A_68] : memref<10240xf32, #tpu.memory_space<vmem>>[vector<16xi32>], vector<16xf32>,
      %add3A_70 = arith.addf %gather3A, %gather3A_69 : vector<16xf32>
      %mul3A_71 = arith.constant 2.000000e-01 : f32
      %mul3A_72 = vector.broadcast %mul3A_71 : f32 to vector<16xf32>
      %mul3A_73 = arith.mulf %mul3A_72, %add3A_70 : vector<16xf32>
      %max3A = arith.maximumf %add3A_70, %mul3A_73 : vector<16xf32>
      %sub3A = arith.subf %max3A, %get3A_27 : vector<16xf32>
      %exp3A = math.exp %sub3A : vector<16xf32>
      %swap3A = arith.constant 0 : index
      %swap3A_74 = tpu.vector_load %arg15[%swap3A] {strides = array<i32>} : memref<128xf32, #tpu.memory_space<vmem>>, vector<16xf32>,
      tpu.vector_store %arg15[%swap3A], %exp3A {strides = array<i32>} : memref<128xf32, #tpu.memory_space<vmem>>, vector<16xf32>,
      %get3A_75 = arith.index_cast %scan3A_56 : i32 to index
      %get3A_76 = arith.constant 16 : index
      %get3A_77 = tpu.vector_load %arg13[%get3A_75, %get3A_76] {strides = array<i32>} : memref<81x128xi32, #tpu.memory_space<vmem>>, vector<16xi32>,
      %get3A_78 = arith.index_cast %scan3A_56 : i32 to index
      %get3A_79 = arith.constant 16 : index
      %get3A_80 = tpu.vector_load %arg14[%get3A_78, %get3A_79] {strides = array<i32>} : memref<81x128xi32, #tpu.memory_space<vmem>>, vector<16xi32>,
      %gather3A_81 = tpu.vector_load_idx %arg10[%get3A_77] : memref<10240xf32, #tpu.memory_space<vmem>>[vector<16xi32>], vector<16xf32>,
      %gather3A_82 = tpu.vector_load_idx %arg11[%get3A_80] : memref<10240xf32, #tpu.memory_space<vmem>>[vector<16xi32>], vector<16xf32>,
      %add3A_83 = arith.addf %gather3A_81, %gather3A_82 : vector<16xf32>
      %mul3A_84 = arith.constant 2.000000e-01 : f32
      %mul3A_85 = vector.broadcast %mul3A_84 : f32 to vector<16xf32>
      %mul3A_86 = arith.mulf %mul3A_85, %add3A_83 : vector<16xf32>
      %max3A_87 = arith.maximumf %add3A_83, %mul3A_86 : vector<16xf32>
      %sub3A_88 = arith.subf %max3A_87, %get3A_27 : vector<16xf32>
      %exp3A_89 = math.exp %sub3A_88 : vector<16xf32>
      %swap3A_90 = arith.constant 16 : index
      %swap3A_91 = tpu.vector_load %arg15[%swap3A_90] {strides = array<i32>} : memref<128xf32, #tpu.memory_space<vmem>>, vector<16xf32>,
      tpu.vector_store %arg15[%swap3A_90], %exp3A_89 {strides = array<i32>} : memref<128xf32, #tpu.memory_space<vmem>>, vector<16xf32>,
      %get3A_92 = arith.index_cast %scan3A_56 : i32 to index
      %get3A_93 = arith.constant 32 : index
      %get3A_94 = tpu.vector_load %arg13[%get3A_92, %get3A_93] {strides = array<i32>} : memref<81x128xi32, #tpu.memory_space<vmem>>, vector<16xi32>,
      %get3A_95 = arith.index_cast %scan3A_56 : i32 to index
      %get3A_96 = arith.constant 32 : index
      %get3A_97 = tpu.vector_load %arg14[%get3A_95, %get3A_96] {strides = array<i32>} : memref<81x128xi32, #tpu.memory_space<vmem>>, vector<16xi32>,
      %gather3A_98 = tpu.vector_load_idx %arg10[%get3A_94] : memref<10240xf32, #tpu.memory_space<vmem>>[vector<16xi32>], vector<16xf32>,
      %gather3A_99 = tpu.vector_load_idx %arg11[%get3A_97] : memref<10240xf32, #tpu.memory_space<vmem>>[vector<16xi32>], vector<16xf32>,
      %add3A_100 = arith.addf %gather3A_98, %gather3A_99 : vector<16xf32>
      %mul3A_101 = arith.constant 2.000000e-01 : f32
      %mul3A_102 = vector.broadcast %mul3A_101 : f32 to vector<16xf32>
      %mul3A_103 = arith.mulf %mul3A_102, %add3A_100 : vector<16xf32>
      %max3A_104 = arith.maximumf %add3A_100, %mul3A_103 : vector<16xf32>
      %sub3A_105 = arith.subf %max3A_104, %get3A_27 : vector<16xf32>
      %exp3A_106 = math.exp %sub3A_105 : vector<16xf32>
      %swap3A_107 = arith.constant 32 : index
      %swap3A_108 = tpu.vector_load %arg15[%swap3A_107] {strides = array<i32>} : memref<128xf32, #tpu.memory_space<vmem>>, vector<16xf32>,
      tpu.vector_store %arg15[%swap3A_107], %exp3A_106 {strides = array<i32>} : memref<128xf32, #tpu.memory_space<vmem>>, vector<16xf32>,
      %get3A_109 = arith.index_cast %scan3A_56 : i32 to index
      %get3A_110 = arith.constant 48 : index
      %get3A_111 = tpu.vector_load %arg13[%get3A_109, %get3A_110] {strides = array<i32>} : memref<81x128xi32, #tpu.memory_space<vmem>>, vector<16xi32>,
      %get3A_112 = arith.index_cast %scan3A_56 : i32 to index
      %get3A_113 = arith.constant 48 : index
      %get3A_114 = tpu.vector_load %arg14[%get3A_112, %get3A_113] {strides = array<i32>} : memref<81x128xi32, #tpu.memory_space<vmem>>, vector<16xi32>,
      %gather3A_115 = tpu.vector_load_idx %arg10[%get3A_111] : memref<10240xf32, #tpu.memory_space<vmem>>[vector<16xi32>], vector<16xf32>,
      %gather3A_116 = tpu.vector_load_idx %arg11[%get3A_114] : memref<10240xf32, #tpu.memory_space<vmem>>[vector<16xi32>], vector<16xf32>,
      %add3A_117 = arith.addf %gather3A_115, %gather3A_116 : vector<16xf32>
      %mul3A_118 = arith.constant 2.000000e-01 : f32
      %mul3A_119 = vector.broadcast %mul3A_118 : f32 to vector<16xf32>
      %mul3A_120 = arith.mulf %mul3A_119, %add3A_117 : vector<16xf32>
      %max3A_121 = arith.maximumf %add3A_117, %mul3A_120 : vector<16xf32>
      %sub3A_122 = arith.subf %max3A_121, %get3A_27 : vector<16xf32>
      %exp3A_123 = math.exp %sub3A_122 : vector<16xf32>
      %swap3A_124 = arith.constant 48 : index
      %swap3A_125 = tpu.vector_load %arg15[%swap3A_124] {strides = array<i32>} : memref<128xf32, #tpu.memory_space<vmem>>, vector<16xf32>,
      tpu.vector_store %arg15[%swap3A_124], %exp3A_123 {strides = array<i32>} : memref<128xf32, #tpu.memory_space<vmem>>, vector<16xf32>,
      %get3A_126 = arith.index_cast %scan3A_56 : i32 to index
      %get3A_127 = arith.constant 64 : index
      %get3A_128 = tpu.vector_load %arg13[%get3A_126, %get3A_127] {strides = array<i32>} : memref<81x128xi32, #tpu.memory_space<vmem>>, vector<16xi32>,
      %get3A_129 = arith.index_cast %scan3A_56 : i32 to index
      %get3A_130 = arith.constant 64 : index
      %get3A_131 = tpu.vector_load %arg14[%get3A_129, %get3A_130] {strides = array<i32>} : memref<81x128xi32, #tpu.memory_space<vmem>>, vector<16xi32>,
      %gather3A_132 = tpu.vector_load_idx %arg10[%get3A_128] : memref<10240xf32, #tpu.memory_space<vmem>>[vector<16xi32>], vector<16xf32>,
      %gather3A_133 = tpu.vector_load_idx %arg11[%get3A_131] : memref<10240xf32, #tpu.memory_space<vmem>>[vector<16xi32>], vector<16xf32>,
      %add3A_134 = arith.addf %gather3A_132, %gather3A_133 : vector<16xf32>
      %mul3A_135 = arith.constant 2.000000e-01 : f32
      %mul3A_136 = vector.broadcast %mul3A_135 : f32 to vector<16xf32>
      %mul3A_137 = arith.mulf %mul3A_136, %add3A_134 : vector<16xf32>
      %max3A_138 = arith.maximumf %add3A_134, %mul3A_137 : vector<16xf32>
      %sub3A_139 = arith.subf %max3A_138, %get3A_27 : vector<16xf32>
      %exp3A_140 = math.exp %sub3A_139 : vector<16xf32>
      %swap3A_141 = arith.constant 64 : index
      %swap3A_142 = tpu.vector_load %arg15[%swap3A_141] {strides = array<i32>} : memref<128xf32, #tpu.memory_space<vmem>>, vector<16xf32>,
      tpu.vector_store %arg15[%swap3A_141], %exp3A_140 {strides = array<i32>} : memref<128xf32, #tpu.memory_space<vmem>>, vector<16xf32>,
      %get3A_143 = arith.index_cast %scan3A_56 : i32 to index
      %get3A_144 = arith.constant 80 : index
      %get3A_145 = tpu.vector_load %arg13[%get3A_143, %get3A_144] {strides = array<i32>} : memref<81x128xi32, #tpu.memory_space<vmem>>, vector<16xi32>,
      %get3A_146 = arith.index_cast %scan3A_56 : i32 to index
      %get3A_147 = arith.constant 80 : index
      %get3A_148 = tpu.vector_load %arg14[%get3A_146, %get3A_147] {strides = array<i32>} : memref<81x128xi32, #tpu.memory_space<vmem>>, vector<16xi32>,
      %gather3A_149 = tpu.vector_load_idx %arg10[%get3A_145] : memref<10240xf32, #tpu.memory_space<vmem>>[vector<16xi32>], vector<16xf32>,
      %gather3A_150 = tpu.vector_load_idx %arg11[%get3A_148] : memref<10240xf32, #tpu.memory_space<vmem>>[vector<16xi32>], vector<16xf32>,
      %add3A_151 = arith.addf %gather3A_149, %gather3A_150 : vector<16xf32>
      %mul3A_152 = arith.constant 2.000000e-01 : f32
      %mul3A_153 = vector.broadcast %mul3A_152 : f32 to vector<16xf32>
      %mul3A_154 = arith.mulf %mul3A_153, %add3A_151 : vector<16xf32>
      %max3A_155 = arith.maximumf %add3A_151, %mul3A_154 : vector<16xf32>
      %sub3A_156 = arith.subf %max3A_155, %get3A_27 : vector<16xf32>
      %exp3A_157 = math.exp %sub3A_156 : vector<16xf32>
      %swap3A_158 = arith.constant 80 : index
      %swap3A_159 = tpu.vector_load %arg15[%swap3A_158] {strides = array<i32>} : memref<128xf32, #tpu.memory_space<vmem>>, vector<16xf32>,
      tpu.vector_store %arg15[%swap3A_158], %exp3A_157 {strides = array<i32>} : memref<128xf32, #tpu.memory_space<vmem>>, vector<16xf32>,
      %get3A_160 = arith.index_cast %scan3A_56 : i32 to index
      %get3A_161 = arith.constant 96 : index
      %get3A_162 = tpu.vector_load %arg13[%get3A_160, %get3A_161] {strides = array<i32>} : memref<81x128xi32, #tpu.memory_space<vmem>>, vector<16xi32>,
      %get3A_163 = arith.index_cast %scan3A_56 : i32 to index
      %get3A_164 = arith.constant 96 : index
      %get3A_165 = tpu.vector_load %arg14[%get3A_163, %get3A_164] {strides = array<i32>} : memref<81x128xi32, #tpu.memory_space<vmem>>, vector<16xi32>,
      %gather3A_166 = tpu.vector_load_idx %arg10[%get3A_162] : memref<10240xf32, #tpu.memory_space<vmem>>[vector<16xi32>], vector<16xf32>,
      %gather3A_167 = tpu.vector_load_idx %arg11[%get3A_165] : memref<10240xf32, #tpu.memory_space<vmem>>[vector<16xi32>], vector<16xf32>,
      %add3A_168 = arith.addf %gather3A_166, %gather3A_167 : vector<16xf32>
      %mul3A_169 = arith.constant 2.000000e-01 : f32
      %mul3A_170 = vector.broadcast %mul3A_169 : f32 to vector<16xf32>
      %mul3A_171 = arith.mulf %mul3A_170, %add3A_168 : vector<16xf32>
      %max3A_172 = arith.maximumf %add3A_168, %mul3A_171 : vector<16xf32>
      %sub3A_173 = arith.subf %max3A_172, %get3A_27 : vector<16xf32>
      %exp3A_174 = math.exp %sub3A_173 : vector<16xf32>
      %swap3A_175 = arith.constant 96 : index
      %swap3A_176 = tpu.vector_load %arg15[%swap3A_175] {strides = array<i32>} : memref<128xf32, #tpu.memory_space<vmem>>, vector<16xf32>,
      tpu.vector_store %arg15[%swap3A_175], %exp3A_174 {strides = array<i32>} : memref<128xf32, #tpu.memory_space<vmem>>, vector<16xf32>,
      %get3A_177 = arith.index_cast %scan3A_56 : i32 to index
      %get3A_178 = arith.constant 112 : index
      %get3A_179 = tpu.vector_load %arg13[%get3A_177, %get3A_178] {strides = array<i32>} : memref<81x128xi32, #tpu.memory_space<vmem>>, vector<16xi32>,
      %get3A_180 = arith.index_cast %scan3A_56 : i32 to index
      %get3A_181 = arith.constant 112 : index
      %get3A_182 = tpu.vector_load %arg14[%get3A_180, %get3A_181] {strides = array<i32>} : memref<81x128xi32, #tpu.memory_space<vmem>>, vector<16xi32>,
      %gather3A_183 = tpu.vector_load_idx %arg10[%get3A_179] : memref<10240xf32, #tpu.memory_space<vmem>>[vector<16xi32>], vector<16xf32>,
      %gather3A_184 = tpu.vector_load_idx %arg11[%get3A_182] : memref<10240xf32, #tpu.memory_space<vmem>>[vector<16xi32>], vector<16xf32>,
      %add3A_185 = arith.addf %gather3A_183, %gather3A_184 : vector<16xf32>
      %mul3A_186 = arith.constant 2.000000e-01 : f32
      %mul3A_187 = vector.broadcast %mul3A_186 : f32 to vector<16xf32>
      %mul3A_188 = arith.mulf %mul3A_187, %add3A_185 : vector<16xf32>
      %max3A_189 = arith.maximumf %add3A_185, %mul3A_188 : vector<16xf32>
      %sub3A_190 = arith.subf %max3A_189, %get3A_27 : vector<16xf32>
      %exp3A_191 = math.exp %sub3A_190 : vector<16xf32>
      %swap3A_192 = arith.constant 112 : index
      %swap3A_193 = tpu.vector_load %arg15[%swap3A_192] {strides = array<i32>} : memref<128xf32, #tpu.memory_space<vmem>>, vector<16xf32>,
      tpu.vector_store %arg15[%swap3A_192], %exp3A_191 {strides = array<i32>} : memref<128xf32, #tpu.memory_space<vmem>>, vector<16xf32>,
      %dma_wait3A = arith.constant 0 : i32
      %dma_wait3A_194 = tpu.memref_slice %arg13[%scan3A_56, %dma_wait3A] : memref<81x128xi32, #tpu.memory_space<vmem>> -> memref<1x128xi32, #tpu.memory_space<vmem>>
      %dma_wait3A_195 = tpu.memref_squeeze %dma_wait3A_194 : memref<1x128xi32, #tpu.memory_space<vmem>> -> memref<128xi32, #tpu.memory_space<vmem>>
      %dma_wait3A_196 = arith.constant 0 : i32
      %dma_wait3A_197 = arith.constant 0 : i32
      %dma_wait3A_198 = tpu.memref_slice %arg5[%dma_wait3A_196, %dma_wait3A_197] : memref<10240x32xf32, #tpu.memory_space<hbm>> -> memref<10240x32xf32, #tpu.memory_space<hbm>>
      tpu.wait_indirect_dma semaphore(%arg20 : memref<!tpu.dma_semaphore, #tpu.memory_space<semaphore_mem>>) src(%dma_wait3A_198 : memref<10240x32xf32, #tpu.memory_space<hbm>>) dst(%arg16 : memref<128x32xf32, #tpu.memory_space<vmem>>)
      %scan3A_199 = arith.constant 0 : i32
      %scan3A_200 = arith.constant 0 : i32
      %scan3A_201 = arith.constant 32 : i32
      %scan3A_202 = arith.addi %scan3A_200, %scan3A_201 : i32
      %scan3A_203 = arith.constant 1 : i32
      %scan3A_204 = scf.for %scan3A_207 = %scan3A_200 to %scan3A_202 step %scan3A_203 iter_args(%scan3A_208 = %scan3A_199) -> (i32)  : i32 {
        %mul3A_209 = arith.constant 4 : i32
        %mul3A_210 = arith.muli %scan3A_207, %mul3A_209 : i32
        %add3A_211 = arith.constant 0 : i32
        %add3A_212 = arith.addi %mul3A_210, %add3A_211 : i32
        %broadcast_in_dim3A_213 = vector.broadcast %add3A_212 : i32 to vector<16xi32>
        %gather3A_214 = tpu.vector_load_idx %arg15[%broadcast_in_dim3A_213] : memref<128xf32, #tpu.memory_space<vmem>>[vector<16xi32>], vector<16xf32>,
        %add3A_215 = arith.constant 0 : i32
        %add3A_216 = arith.addi %mul3A_210, %add3A_215 : i32
        %get3A_217 = arith.index_cast %add3A_216 : i32 to index
        %get3A_218 = arith.constant 0 : index
        %get3A_219 = tpu.vector_load %arg16[%get3A_217, %get3A_218] {strides = array<i32>} : memref<128x32xf32, #tpu.memory_space<vmem>>, vector<16xf32>,
        %mul3A_220 = arith.mulf %get3A_219, %gather3A_214 : vector<16xf32>
        %add3A_221 = arith.constant 0 : i32
        %add3A_222 = arith.addi %mul3A_210, %add3A_221 : i32
        %swap3A_223 = arith.index_cast %add3A_222 : i32 to index
        %swap3A_224 = arith.constant 0 : index
        %swap3A_225 = tpu.vector_load %arg16[%swap3A_223, %swap3A_224] {strides = array<i32>} : memref<128x32xf32, #tpu.memory_space<vmem>>, vector<16xf32>,
        tpu.vector_store %arg16[%swap3A_223, %swap3A_224], %mul3A_220 {strides = array<i32>} : memref<128x32xf32, #tpu.memory_space<vmem>>, vector<16xf32>,
        %add3A_226 = arith.constant 0 : i32
        %add3A_227 = arith.addi %mul3A_210, %add3A_226 : i32
        %get3A_228 = arith.index_cast %add3A_227 : i32 to index
        %get3A_229 = arith.constant 16 : index
        %get3A_230 = tpu.vector_load %arg16[%get3A_228, %get3A_229] {strides = array<i32>} : memref<128x32xf32, #tpu.memory_space<vmem>>, vector<16xf32>,
        %mul3A_231 = arith.mulf %get3A_230, %gather3A_214 : vector<16xf32>
        %add3A_232 = arith.constant 0 : i32
        %add3A_233 = arith.addi %mul3A_210, %add3A_232 : i32
        %swap3A_234 = arith.index_cast %add3A_233 : i32 to index
        %swap3A_235 = arith.constant 16 : index
        %swap3A_236 = tpu.vector_load %arg16[%swap3A_234, %swap3A_235] {strides = array<i32>} : memref<128x32xf32, #tpu.memory_space<vmem>>, vector<16xf32>,
        tpu.vector_store %arg16[%swap3A_234, %swap3A_235], %mul3A_231 {strides = array<i32>} : memref<128x32xf32, #tpu.memory_space<vmem>>, vector<16xf32>,
        %add3A_237 = arith.constant 1 : i32
        %add3A_238 = arith.addi %mul3A_210, %add3A_237 : i32
        %broadcast_in_dim3A_239 = vector.broadcast %add3A_238 : i32 to vector<16xi32>
        %gather3A_240 = tpu.vector_load_idx %arg15[%broadcast_in_dim3A_239] : memref<128xf32, #tpu.memory_space<vmem>>[vector<16xi32>], vector<16xf32>,
        %add3A_241 = arith.constant 1 : i32
        %add3A_242 = arith.addi %mul3A_210, %add3A_241 : i32
        %get3A_243 = arith.index_cast %add3A_242 : i32 to index
        %get3A_244 = arith.constant 0 : index
        %get3A_245 = tpu.vector_load %arg16[%get3A_243, %get3A_244] {strides = array<i32>} : memref<128x32xf32, #tpu.memory_space<vmem>>, vector<16xf32>,
        %mul3A_246 = arith.mulf %get3A_245, %gather3A_240 : vector<16xf32>
        %add3A_247 = arith.constant 1 : i32
        %add3A_248 = arith.addi %mul3A_210, %add3A_247 : i32
        %swap3A_249 = arith.index_cast %add3A_248 : i32 to index
        %swap3A_250 = arith.constant 0 : index
        %swap3A_251 = tpu.vector_load %arg16[%swap3A_249, %swap3A_250] {strides = array<i32>} : memref<128x32xf32, #tpu.memory_space<vmem>>, vector<16xf32>,
        tpu.vector_store %arg16[%swap3A_249, %swap3A_250], %mul3A_246 {strides = array<i32>} : memref<128x32xf32, #tpu.memory_space<vmem>>, vector<16xf32>,
        %add3A_252 = arith.constant 1 : i32
        %add3A_253 = arith.addi %mul3A_210, %add3A_252 : i32
        %get3A_254 = arith.index_cast %add3A_253 : i32 to index
        %get3A_255 = arith.constant 16 : index
        %get3A_256 = tpu.vector_load %arg16[%get3A_254, %get3A_255] {strides = array<i32>} : memref<128x32xf32, #tpu.memory_space<vmem>>, vector<16xf32>,
        %mul3A_257 = arith.mulf %get3A_256, %gather3A_240 : vector<16xf32>
        %add3A_258 = arith.constant 1 : i32
        %add3A_259 = arith.addi %mul3A_210, %add3A_258 : i32
        %swap3A_260 = arith.index_cast %add3A_259 : i32 to index
        %swap3A_261 = arith.constant 16 : index
        %swap3A_262 = tpu.vector_load %arg16[%swap3A_260, %swap3A_261] {strides = array<i32>} : memref<128x32xf32, #tpu.memory_space<vmem>>, vector<16xf32>,
        tpu.vector_store %arg16[%swap3A_260, %swap3A_261], %mul3A_257 {strides = array<i32>} : memref<128x32xf32, #tpu.memory_space<vmem>>, vector<16xf32>,
        %add3A_263 = arith.constant 2 : i32
        %add3A_264 = arith.addi %mul3A_210, %add3A_263 : i32
        %broadcast_in_dim3A_265 = vector.broadcast %add3A_264 : i32 to vector<16xi32>
        %gather3A_266 = tpu.vector_load_idx %arg15[%broadcast_in_dim3A_265] : memref<128xf32, #tpu.memory_space<vmem>>[vector<16xi32>], vector<16xf32>,
        %add3A_267 = arith.constant 2 : i32
        %add3A_268 = arith.addi %mul3A_210, %add3A_267 : i32
        %get3A_269 = arith.index_cast %add3A_268 : i32 to index
        %get3A_270 = arith.constant 0 : index
        %get3A_271 = tpu.vector_load %arg16[%get3A_269, %get3A_270] {strides = array<i32>} : memref<128x32xf32, #tpu.memory_space<vmem>>, vector<16xf32>,
        %mul3A_272 = arith.mulf %get3A_271, %gather3A_266 : vector<16xf32>
        %add3A_273 = arith.constant 2 : i32
        %add3A_274 = arith.addi %mul3A_210, %add3A_273 : i32
        %swap3A_275 = arith.index_cast %add3A_274 : i32 to index
        %swap3A_276 = arith.constant 0 : index
        %swap3A_277 = tpu.vector_load %arg16[%swap3A_275, %swap3A_276] {strides = array<i32>} : memref<128x32xf32, #tpu.memory_space<vmem>>, vector<16xf32>,
        tpu.vector_store %arg16[%swap3A_275, %swap3A_276], %mul3A_272 {strides = array<i32>} : memref<128x32xf32, #tpu.memory_space<vmem>>, vector<16xf32>,
        %add3A_278 = arith.constant 2 : i32
        %add3A_279 = arith.addi %mul3A_210, %add3A_278 : i32
        %get3A_280 = arith.index_cast %add3A_279 : i32 to index
        %get3A_281 = arith.constant 16 : index
        %get3A_282 = tpu.vector_load %arg16[%get3A_280, %get3A_281] {strides = array<i32>} : memref<128x32xf32, #tpu.memory_space<vmem>>, vector<16xf32>,
        %mul3A_283 = arith.mulf %get3A_282, %gather3A_266 : vector<16xf32>
        %add3A_284 = arith.constant 2 : i32
        %add3A_285 = arith.addi %mul3A_210, %add3A_284 : i32
        %swap3A_286 = arith.index_cast %add3A_285 : i32 to index
        %swap3A_287 = arith.constant 16 : index
        %swap3A_288 = tpu.vector_load %arg16[%swap3A_286, %swap3A_287] {strides = array<i32>} : memref<128x32xf32, #tpu.memory_space<vmem>>, vector<16xf32>,
        tpu.vector_store %arg16[%swap3A_286, %swap3A_287], %mul3A_283 {strides = array<i32>} : memref<128x32xf32, #tpu.memory_space<vmem>>, vector<16xf32>,
        %add3A_289 = arith.constant 3 : i32
        %add3A_290 = arith.addi %mul3A_210, %add3A_289 : i32
        %broadcast_in_dim3A_291 = vector.broadcast %add3A_290 : i32 to vector<16xi32>
        %gather3A_292 = tpu.vector_load_idx %arg15[%broadcast_in_dim3A_291] : memref<128xf32, #tpu.memory_space<vmem>>[vector<16xi32>], vector<16xf32>,
        %add3A_293 = arith.constant 3 : i32
        %add3A_294 = arith.addi %mul3A_210, %add3A_293 : i32
        %get3A_295 = arith.index_cast %add3A_294 : i32 to index
        %get3A_296 = arith.constant 0 : index
        %get3A_297 = tpu.vector_load %arg16[%get3A_295, %get3A_296] {strides = array<i32>} : memref<128x32xf32, #tpu.memory_space<vmem>>, vector<16xf32>,
        %mul3A_298 = arith.mulf %get3A_297, %gather3A_292 : vector<16xf32>
        %add3A_299 = arith.constant 3 : i32
        %add3A_300 = arith.addi %mul3A_210, %add3A_299 : i32
        %swap3A_301 = arith.index_cast %add3A_300 : i32 to index
        %swap3A_302 = arith.constant 0 : index
        %swap3A_303 = tpu.vector_load %arg16[%swap3A_301, %swap3A_302] {strides = array<i32>} : memref<128x32xf32, #tpu.memory_space<vmem>>, vector<16xf32>,
        tpu.vector_store %arg16[%swap3A_301, %swap3A_302], %mul3A_298 {strides = array<i32>} : memref<128x32xf32, #tpu.memory_space<vmem>>, vector<16xf32>,
        %add3A_304 = arith.constant 3 : i32
        %add3A_305 = arith.addi %mul3A_210, %add3A_304 : i32
        %get3A_306 = arith.index_cast %add3A_305 : i32 to index
        %get3A_307 = arith.constant 16 : index
        %get3A_308 = tpu.vector_load %arg16[%get3A_306, %get3A_307] {strides = array<i32>} : memref<128x32xf32, #tpu.memory_space<vmem>>, vector<16xf32>,
        %mul3A_309 = arith.mulf %get3A_308, %gather3A_292 : vector<16xf32>
        %add3A_310 = arith.constant 3 : i32
        %add3A_311 = arith.addi %mul3A_210, %add3A_310 : i32
        %swap3A_312 = arith.index_cast %add3A_311 : i32 to index
        %swap3A_313 = arith.constant 16 : index
        %swap3A_314 = tpu.vector_load %arg16[%swap3A_312, %swap3A_313] {strides = array<i32>} : memref<128x32xf32, #tpu.memory_space<vmem>>, vector<16xf32>,
        tpu.vector_store %arg16[%swap3A_312, %swap3A_313], %mul3A_309 {strides = array<i32>} : memref<128x32xf32, #tpu.memory_space<vmem>>, vector<16xf32>,
        %scan3A_315 = arith.constant 0 : i32
        scf.yield %scan3A_315 : i32
      }
      %scan3A_205 = arith.constant 32 : i32
      "tpu.region"() ({
        %run_scoped3A = tpu.sem_alloc : memref<!tpu.dma_semaphore, #tpu.memory_space<semaphore_mem>>
        %dma_start3A_207 = arith.constant 0 : i32
        %dma_start3A_208 = tpu.memref_slice %arg14[%scan3A_56, %dma_start3A_207] : memref<81x128xi32, #tpu.memory_space<vmem>> -> memref<1x128xi32, #tpu.memory_space<vmem>>
        %dma_start3A_209 = tpu.memref_squeeze %dma_start3A_208 : memref<1x128xi32, #tpu.memory_space<vmem>> -> memref<128xi32, #tpu.memory_space<vmem>>
        %dma_start3A_210 = arith.constant 0 : i32
        %dma_start3A_211 = tpu.memref_slice %arg19[%dma_start3A_210] : memref<10240xf32, #tpu.memory_space<vmem_shared>> -> memref<10240xf32, #tpu.memory_space<vmem_shared>>
        tpu.enqueue_indirect_dma source(%arg15 : memref<128xf32, #tpu.memory_space<vmem>>) target(%dma_start3A_211 : memref<10240xf32, #tpu.memory_space<vmem_shared>>) offsets(%dma_start3A_209 : memref<128xi32, #tpu.memory_space<vmem>>) semaphore(%run_scoped3A : memref<!tpu.dma_semaphore, #tpu.memory_space<semaphore_mem>>) {add = true}
        %dma_wait3A_212 = arith.constant 0 : i32
        %dma_wait3A_213 = tpu.memref_slice %arg14[%scan3A_56, %dma_wait3A_212] : memref<81x128xi32, #tpu.memory_space<vmem>> -> memref<1x128xi32, #tpu.memory_space<vmem>>
        %dma_wait3A_214 = tpu.memref_squeeze %dma_wait3A_213 : memref<1x128xi32, #tpu.memory_space<vmem>> -> memref<128xi32, #tpu.memory_space<vmem>>
        %dma_wait3A_215 = arith.constant 0 : i32
        %dma_wait3A_216 = tpu.memref_slice %arg19[%dma_wait3A_215] : memref<10240xf32, #tpu.memory_space<vmem_shared>> -> memref<10240xf32, #tpu.memory_space<vmem_shared>>
        tpu.wait_indirect_dma semaphore(%run_scoped3A : memref<!tpu.dma_semaphore, #tpu.memory_space<semaphore_mem>>) src(%arg15 : memref<128xf32, #tpu.memory_space<vmem>>) dst(%dma_wait3A_216 : memref<10240xf32, #tpu.memory_space<vmem_shared>>)
        tpu.yield
      }) : () -> ()
      "tpu.region"() ({
        %run_scoped3A = tpu.sem_alloc : memref<!tpu.dma_semaphore, #tpu.memory_space<semaphore_mem>>
        %dma_start3A_207 = arith.constant 0 : i32
        %dma_start3A_208 = tpu.memref_slice %arg14[%scan3A_56, %dma_start3A_207] : memref<81x128xi32, #tpu.memory_space<vmem>> -> memref<1x128xi32, #tpu.memory_space<vmem>>
        %dma_start3A_209 = tpu.memref_squeeze %dma_start3A_208 : memref<1x128xi32, #tpu.memory_space<vmem>> -> memref<128xi32, #tpu.memory_space<vmem>>
        %dma_start3A_210 = arith.constant 0 : i32
        %dma_start3A_211 = arith.constant 0 : i32
        %dma_start3A_212 = tpu.memref_slice %arg18[%dma_start3A_210, %dma_start3A_211] : memref<10240x32xf32, #tpu.memory_space<vmem_shared>> -> memref<10240x32xf32, #tpu.memory_space<vmem_shared>>
        tpu.enqueue_indirect_dma source(%arg16 : memref<128x32xf32, #tpu.memory_space<vmem>>) target(%dma_start3A_212 : memref<10240x32xf32, #tpu.memory_space<vmem_shared>>) offsets(%dma_start3A_209 : memref<128xi32, #tpu.memory_space<vmem>>) semaphore(%run_scoped3A : memref<!tpu.dma_semaphore, #tpu.memory_space<semaphore_mem>>) {add = true}
        %dma_wait3A_213 = arith.constant 0 : i32
        %dma_wait3A_214 = tpu.memref_slice %arg14[%scan3A_56, %dma_wait3A_213] : memref<81x128xi32, #tpu.memory_space<vmem>> -> memref<1x128xi32, #tpu.memory_space<vmem>>
        %dma_wait3A_215 = tpu.memref_squeeze %dma_wait3A_214 : memref<1x128xi32, #tpu.memory_space<vmem>> -> memref<128xi32, #tpu.memory_space<vmem>>
        %dma_wait3A_216 = arith.constant 0 : i32
        %dma_wait3A_217 = arith.constant 0 : i32
        %dma_wait3A_218 = tpu.memref_slice %arg18[%dma_wait3A_216, %dma_wait3A_217] : memref<10240x32xf32, #tpu.memory_space<vmem_shared>> -> memref<10240x32xf32, #tpu.memory_space<vmem_shared>>
        tpu.wait_indirect_dma semaphore(%run_scoped3A : memref<!tpu.dma_semaphore, #tpu.memory_space<semaphore_mem>>) src(%arg16 : memref<128x32xf32, #tpu.memory_space<vmem>>) dst(%dma_wait3A_218 : memref<10240x32xf32, #tpu.memory_space<vmem_shared>>)
        tpu.yield
      }) : () -> ()
      %scan3A_206 = arith.constant 0 : i32
      scf.yield %scan3A_206 : i32
    }
    %scan3A_34 = arith.constant 81 : i32
    %barrier3A_35 = arith.constant 0 : index
    tpu.barrier barrier_id(%barrier3A_35)
    "tpu.region"() ({
      %run_scoped3A = tpu.sem_alloc : memref<!tpu.dma_semaphore, #tpu.memory_space<semaphore_mem>>
      %dma_start3A = tpu.memref_slice %arg19[%mul3A_16] : memref<10240xf32, #tpu.memory_space<vmem_shared>> -> memref<640xf32, #tpu.memory_space<vmem_shared>>
      %dma_start3A_56 = tpu.memref_slice %arg19[%mul3A_16] : memref<10240xf32, #tpu.memory_space<vmem_shared>> -> memref<640xf32, #tpu.memory_space<vmem_shared>>
      tpu.enqueue_dma source(%dma_start3A_56 : memref<640xf32, #tpu.memory_space<vmem_shared>>) target(%arg17 : memref<640xf32, #tpu.memory_space<vmem>>) target_semaphore(%run_scoped3A : memref<!tpu.dma_semaphore, #tpu.memory_space<semaphore_mem>>)
      %dma_wait3A = tpu.memref_slice %arg19[%mul3A_16] : memref<10240xf32, #tpu.memory_space<vmem_shared>> -> memref<640xf32, #tpu.memory_space<vmem_shared>>
      %dma_wait3A_57 = tpu.memref_slice %arg19[%mul3A_16] : memref<10240xf32, #tpu.memory_space<vmem_shared>> -> memref<640xf32, #tpu.memory_space<vmem_shared>>
      tpu.wait_dma2 semaphore(%run_scoped3A : memref<!tpu.dma_semaphore, #tpu.memory_space<semaphore_mem>>) src(%dma_wait3A_57 : memref<640xf32, #tpu.memory_space<vmem_shared>>) dst(%arg17 : memref<640xf32, #tpu.memory_space<vmem>>)
      tpu.yield
    }) : () -> ()
    "tpu.region"() ({
      %run_scoped3A = tpu.sem_alloc : memref<!tpu.dma_semaphore, #tpu.memory_space<semaphore_mem>>
      %dma_start3A = tpu.memref_slice %arg9[%arg0, %mul3A_16] : memref<2x10240xf32, #tpu.memory_space<hbm>> -> memref<1x640xf32, #tpu.memory_space<hbm>>
      %dma_start3A_56 = tpu.memref_squeeze %dma_start3A : memref<1x640xf32, #tpu.memory_space<hbm>> -> memref<640xf32, #tpu.memory_space<hbm>>
      %dma_start3A_57 = tpu.memref_slice %arg9[%arg0, %mul3A_16] : memref<2x10240xf32, #tpu.memory_space<hbm>> -> memref<1x640xf32, #tpu.memory_space<hbm>>
      %dma_start3A_58 = tpu.memref_squeeze %dma_start3A_57 : memref<1x640xf32, #tpu.memory_space<hbm>> -> memref<640xf32, #tpu.memory_space<hbm>>
      tpu.enqueue_dma source(%arg17 : memref<640xf32, #tpu.memory_space<vmem>>) target(%dma_start3A_58 : memref<640xf32, #tpu.memory_space<hbm>>) target_semaphore(%run_scoped3A : memref<!tpu.dma_semaphore, #tpu.memory_space<semaphore_mem>>)
      %dma_wait3A = tpu.memref_slice %arg9[%arg0, %mul3A_16] : memref<2x10240xf32, #tpu.memory_space<hbm>> -> memref<1x640xf32, #tpu.memory_space<hbm>>
      %dma_wait3A_59 = tpu.memref_squeeze %dma_wait3A : memref<1x640xf32, #tpu.memory_space<hbm>> -> memref<640xf32, #tpu.memory_space<hbm>>
      %dma_wait3A_60 = tpu.memref_slice %arg9[%arg0, %mul3A_16] : memref<2x10240xf32, #tpu.memory_space<hbm>> -> memref<1x640xf32, #tpu.memory_space<hbm>>
      %dma_wait3A_61 = tpu.memref_squeeze %dma_wait3A_60 : memref<1x640xf32, #tpu.memory_space<hbm>> -> memref<640xf32, #tpu.memory_space<hbm>>
      tpu.wait_dma2 semaphore(%run_scoped3A : memref<!tpu.dma_semaphore, #tpu.memory_space<semaphore_mem>>) src(%arg17 : memref<640xf32, #tpu.memory_space<vmem>>) dst(%dma_wait3A_61 : memref<640xf32, #tpu.memory_space<hbm>>)
      tpu.yield
    }) : () -> ()
    %add3A_36 = arith.constant 0 : i32
    %add3A_37 = arith.addi %mul3A_16, %add3A_36 : i32
    "tpu.region"() ({
      %run_scoped3A = tpu.sem_alloc : memref<!tpu.dma_semaphore, #tpu.memory_space<semaphore_mem>>
      %dma_start3A = arith.constant 0 : i32
      %dma_start3A_56 = tpu.memref_slice %arg18[%add3A_37, %dma_start3A] : memref<10240x32xf32, #tpu.memory_space<vmem_shared>> -> memref<128x32xf32, #tpu.memory_space<vmem_shared>>
      %dma_start3A_57 = arith.constant 0 : i32
      %dma_start3A_58 = tpu.memref_slice %arg18[%add3A_37, %dma_start3A_57] : memref<10240x32xf32, #tpu.memory_space<vmem_shared>> -> memref<128x32xf32, #tpu.memory_space<vmem_shared>>
      tpu.enqueue_dma source(%dma_start3A_58 : memref<128x32xf32, #tpu.memory_space<vmem_shared>>) target(%arg16 : memref<128x32xf32, #tpu.memory_space<vmem>>) target_semaphore(%run_scoped3A : memref<!tpu.dma_semaphore, #tpu.memory_space<semaphore_mem>>)
      %dma_wait3A = arith.constant 0 : i32
      %dma_wait3A_59 = tpu.memref_slice %arg18[%add3A_37, %dma_wait3A] : memref<10240x32xf32, #tpu.memory_space<vmem_shared>> -> memref<128x32xf32, #tpu.memory_space<vmem_shared>>
      %dma_wait3A_60 = arith.constant 0 : i32
      %dma_wait3A_61 = tpu.memref_slice %arg18[%add3A_37, %dma_wait3A_60] : memref<10240x32xf32, #tpu.memory_space<vmem_shared>> -> memref<128x32xf32, #tpu.memory_space<vmem_shared>>
      tpu.wait_dma2 semaphore(%run_scoped3A : memref<!tpu.dma_semaphore, #tpu.memory_space<semaphore_mem>>) src(%dma_wait3A_61 : memref<128x32xf32, #tpu.memory_space<vmem_shared>>) dst(%arg16 : memref<128x32xf32, #tpu.memory_space<vmem>>)
      tpu.yield
    }) : () -> ()
    %add3A_38 = arith.constant 0 : i32
    %add3A_39 = arith.addi %mul3A_16, %add3A_38 : i32
    "tpu.region"() ({
      %run_scoped3A = tpu.sem_alloc : memref<!tpu.dma_semaphore, #tpu.memory_space<semaphore_mem>>
      %dma_start3A = arith.constant 0 : i32
      %dma_start3A_56 = tpu.memref_slice %arg8[%arg0, %add3A_39, %dma_start3A] : memref<2x10240x32xf32, #tpu.memory_space<hbm>> -> memref<1x128x32xf32, #tpu.memory_space<hbm>>
      %dma_start3A_57 = tpu.memref_squeeze %dma_start3A_56 : memref<1x128x32xf32, #tpu.memory_space<hbm>> -> memref<128x32xf32, #tpu.memory_space<hbm>>
      %dma_start3A_58 = arith.constant 0 : i32
      %dma_start3A_59 = tpu.memref_slice %arg8[%arg0, %add3A_39, %dma_start3A_58] : memref<2x10240x32xf32, #tpu.memory_space<hbm>> -> memref<1x128x32xf32, #tpu.memory_space<hbm>>
      %dma_start3A_60 = tpu.memref_squeeze %dma_start3A_59 : memref<1x128x32xf32, #tpu.memory_space<hbm>> -> memref<128x32xf32, #tpu.memory_space<hbm>>
      tpu.enqueue_dma source(%arg16 : memref<128x32xf32, #tpu.memory_space<vmem>>) target(%dma_start3A_60 : memref<128x32xf32, #tpu.memory_space<hbm>>) target_semaphore(%run_scoped3A : memref<!tpu.dma_semaphore, #tpu.memory_space<semaphore_mem>>)
      %dma_wait3A = arith.constant 0 : i32
      %dma_wait3A_61 = tpu.memref_slice %arg8[%arg0, %add3A_39, %dma_wait3A] : memref<2x10240x32xf32, #tpu.memory_space<hbm>> -> memref<1x128x32xf32, #tpu.memory_space<hbm>>
      %dma_wait3A_62 = tpu.memref_squeeze %dma_wait3A_61 : memref<1x128x32xf32, #tpu.memory_space<hbm>> -> memref<128x32xf32, #tpu.memory_space<hbm>>
      %dma_wait3A_63 = arith.constant 0 : i32
      %dma_wait3A_64 = tpu.memref_slice %arg8[%arg0, %add3A_39, %dma_wait3A_63] : memref<2x10240x32xf32, #tpu.memory_space<hbm>> -> memref<1x128x32xf32, #tpu.memory_space<hbm>>
      %dma_wait3A_65 = tpu.memref_squeeze %dma_wait3A_64 : memref<1x128x32xf32, #tpu.memory_space<hbm>> -> memref<128x32xf32, #tpu.memory_space<hbm>>
      tpu.wait_dma2 semaphore(%run_scoped3A : memref<!tpu.dma_semaphore, #tpu.memory_space<semaphore_mem>>) src(%arg16 : memref<128x32xf32, #tpu.memory_space<vmem>>) dst(%dma_wait3A_65 : memref<128x32xf32, #tpu.memory_space<hbm>>)
      tpu.yield
    }) : () -> ()
    %add3A_40 = arith.constant 128 : i32
    %add3A_41 = arith.addi %mul3A_16, %add3A_40 : i32
    "tpu.region"() ({
      %run_scoped3A = tpu.sem_alloc : memref<!tpu.dma_semaphore, #tpu.memory_space<semaphore_mem>>
      %dma_start3A = arith.constant 0 : i32
      %dma_start3A_56 = tpu.memref_slice %arg18[%add3A_41, %dma_start3A] : memref<10240x32xf32, #tpu.memory_space<vmem_shared>> -> memref<128x32xf32, #tpu.memory_space<vmem_shared>>
      %dma_start3A_57 = arith.constant 0 : i32
      %dma_start3A_58 = tpu.memref_slice %arg18[%add3A_41, %dma_start3A_57] : memref<10240x32xf32, #tpu.memory_space<vmem_shared>> -> memref<128x32xf32, #tpu.memory_space<vmem_shared>>
      tpu.enqueue_dma source(%dma_start3A_58 : memref<128x32xf32, #tpu.memory_space<vmem_shared>>) target(%arg16 : memref<128x32xf32, #tpu.memory_space<vmem>>) target_semaphore(%run_scoped3A : memref<!tpu.dma_semaphore, #tpu.memory_space<semaphore_mem>>)
      %dma_wait3A = arith.constant 0 : i32
      %dma_wait3A_59 = tpu.memref_slice %arg18[%add3A_41, %dma_wait3A] : memref<10240x32xf32, #tpu.memory_space<vmem_shared>> -> memref<128x32xf32, #tpu.memory_space<vmem_shared>>
      %dma_wait3A_60 = arith.constant 0 : i32
      %dma_wait3A_61 = tpu.memref_slice %arg18[%add3A_41, %dma_wait3A_60] : memref<10240x32xf32, #tpu.memory_space<vmem_shared>> -> memref<128x32xf32, #tpu.memory_space<vmem_shared>>
      tpu.wait_dma2 semaphore(%run_scoped3A : memref<!tpu.dma_semaphore, #tpu.memory_space<semaphore_mem>>) src(%dma_wait3A_61 : memref<128x32xf32, #tpu.memory_space<vmem_shared>>) dst(%arg16 : memref<128x32xf32, #tpu.memory_space<vmem>>)
      tpu.yield
    }) : () -> ()
    %add3A_42 = arith.constant 128 : i32
    %add3A_43 = arith.addi %mul3A_16, %add3A_42 : i32
    "tpu.region"() ({
      %run_scoped3A = tpu.sem_alloc : memref<!tpu.dma_semaphore, #tpu.memory_space<semaphore_mem>>
      %dma_start3A = arith.constant 0 : i32
      %dma_start3A_56 = tpu.memref_slice %arg8[%arg0, %add3A_43, %dma_start3A] : memref<2x10240x32xf32, #tpu.memory_space<hbm>> -> memref<1x128x32xf32, #tpu.memory_space<hbm>>
      %dma_start3A_57 = tpu.memref_squeeze %dma_start3A_56 : memref<1x128x32xf32, #tpu.memory_space<hbm>> -> memref<128x32xf32, #tpu.memory_space<hbm>>
      %dma_start3A_58 = arith.constant 0 : i32
      %dma_start3A_59 = tpu.memref_slice %arg8[%arg0, %add3A_43, %dma_start3A_58] : memref<2x10240x32xf32, #tpu.memory_space<hbm>> -> memref<1x128x32xf32, #tpu.memory_space<hbm>>
      %dma_start3A_60 = tpu.memref_squeeze %dma_start3A_59 : memref<1x128x32xf32, #tpu.memory_space<hbm>> -> memref<128x32xf32, #tpu.memory_space<hbm>>
      tpu.enqueue_dma source(%arg16 : memref<128x32xf32, #tpu.memory_space<vmem>>) target(%dma_start3A_60 : memref<128x32xf32, #tpu.memory_space<hbm>>) target_semaphore(%run_scoped3A : memref<!tpu.dma_semaphore, #tpu.memory_space<semaphore_mem>>)
      %dma_wait3A = arith.constant 0 : i32
      %dma_wait3A_61 = tpu.memref_slice %arg8[%arg0, %add3A_43, %dma_wait3A] : memref<2x10240x32xf32, #tpu.memory_space<hbm>> -> memref<1x128x32xf32, #tpu.memory_space<hbm>>
      %dma_wait3A_62 = tpu.memref_squeeze %dma_wait3A_61 : memref<1x128x32xf32, #tpu.memory_space<hbm>> -> memref<128x32xf32, #tpu.memory_space<hbm>>
      %dma_wait3A_63 = arith.constant 0 : i32
      %dma_wait3A_64 = tpu.memref_slice %arg8[%arg0, %add3A_43, %dma_wait3A_63] : memref<2x10240x32xf32, #tpu.memory_space<hbm>> -> memref<1x128x32xf32, #tpu.memory_space<hbm>>
      %dma_wait3A_65 = tpu.memref_squeeze %dma_wait3A_64 : memref<1x128x32xf32, #tpu.memory_space<hbm>> -> memref<128x32xf32, #tpu.memory_space<hbm>>
      tpu.wait_dma2 semaphore(%run_scoped3A : memref<!tpu.dma_semaphore, #tpu.memory_space<semaphore_mem>>) src(%arg16 : memref<128x32xf32, #tpu.memory_space<vmem>>) dst(%dma_wait3A_65 : memref<128x32xf32, #tpu.memory_space<hbm>>)
      tpu.yield
    }) : () -> ()
    %add3A_44 = arith.constant 256 : i32
    %add3A_45 = arith.addi %mul3A_16, %add3A_44 : i32
    "tpu.region"() ({
      %run_scoped3A = tpu.sem_alloc : memref<!tpu.dma_semaphore, #tpu.memory_space<semaphore_mem>>
      %dma_start3A = arith.constant 0 : i32
      %dma_start3A_56 = tpu.memref_slice %arg18[%add3A_45, %dma_start3A] : memref<10240x32xf32, #tpu.memory_space<vmem_shared>> -> memref<128x32xf32, #tpu.memory_space<vmem_shared>>
      %dma_start3A_57 = arith.constant 0 : i32
      %dma_start3A_58 = tpu.memref_slice %arg18[%add3A_45, %dma_start3A_57] : memref<10240x32xf32, #tpu.memory_space<vmem_shared>> -> memref<128x32xf32, #tpu.memory_space<vmem_shared>>
      tpu.enqueue_dma source(%dma_start3A_58 : memref<128x32xf32, #tpu.memory_space<vmem_shared>>) target(%arg16 : memref<128x32xf32, #tpu.memory_space<vmem>>) target_semaphore(%run_scoped3A : memref<!tpu.dma_semaphore, #tpu.memory_space<semaphore_mem>>)
      %dma_wait3A = arith.constant 0 : i32
      %dma_wait3A_59 = tpu.memref_slice %arg18[%add3A_45, %dma_wait3A] : memref<10240x32xf32, #tpu.memory_space<vmem_shared>> -> memref<128x32xf32, #tpu.memory_space<vmem_shared>>
      %dma_wait3A_60 = arith.constant 0 : i32
      %dma_wait3A_61 = tpu.memref_slice %arg18[%add3A_45, %dma_wait3A_60] : memref<10240x32xf32, #tpu.memory_space<vmem_shared>> -> memref<128x32xf32, #tpu.memory_space<vmem_shared>>
      tpu.wait_dma2 semaphore(%run_scoped3A : memref<!tpu.dma_semaphore, #tpu.memory_space<semaphore_mem>>) src(%dma_wait3A_61 : memref<128x32xf32, #tpu.memory_space<vmem_shared>>) dst(%arg16 : memref<128x32xf32, #tpu.memory_space<vmem>>)
      tpu.yield
    }) : () -> ()
    %add3A_46 = arith.constant 256 : i32
    %add3A_47 = arith.addi %mul3A_16, %add3A_46 : i32
    "tpu.region"() ({
      %run_scoped3A = tpu.sem_alloc : memref<!tpu.dma_semaphore, #tpu.memory_space<semaphore_mem>>
      %dma_start3A = arith.constant 0 : i32
      %dma_start3A_56 = tpu.memref_slice %arg8[%arg0, %add3A_47, %dma_start3A] : memref<2x10240x32xf32, #tpu.memory_space<hbm>> -> memref<1x128x32xf32, #tpu.memory_space<hbm>>
      %dma_start3A_57 = tpu.memref_squeeze %dma_start3A_56 : memref<1x128x32xf32, #tpu.memory_space<hbm>> -> memref<128x32xf32, #tpu.memory_space<hbm>>
      %dma_start3A_58 = arith.constant 0 : i32
      %dma_start3A_59 = tpu.memref_slice %arg8[%arg0, %add3A_47, %dma_start3A_58] : memref<2x10240x32xf32, #tpu.memory_space<hbm>> -> memref<1x128x32xf32, #tpu.memory_space<hbm>>
      %dma_start3A_60 = tpu.memref_squeeze %dma_start3A_59 : memref<1x128x32xf32, #tpu.memory_space<hbm>> -> memref<128x32xf32, #tpu.memory_space<hbm>>
      tpu.enqueue_dma source(%arg16 : memref<128x32xf32, #tpu.memory_space<vmem>>) target(%dma_start3A_60 : memref<128x32xf32, #tpu.memory_space<hbm>>) target_semaphore(%run_scoped3A : memref<!tpu.dma_semaphore, #tpu.memory_space<semaphore_mem>>)
      %dma_wait3A = arith.constant 0 : i32
      %dma_wait3A_61 = tpu.memref_slice %arg8[%arg0, %add3A_47, %dma_wait3A] : memref<2x10240x32xf32, #tpu.memory_space<hbm>> -> memref<1x128x32xf32, #tpu.memory_space<hbm>>
      %dma_wait3A_62 = tpu.memref_squeeze %dma_wait3A_61 : memref<1x128x32xf32, #tpu.memory_space<hbm>> -> memref<128x32xf32, #tpu.memory_space<hbm>>
      %dma_wait3A_63 = arith.constant 0 : i32
      %dma_wait3A_64 = tpu.memref_slice %arg8[%arg0, %add3A_47, %dma_wait3A_63] : memref<2x10240x32xf32, #tpu.memory_space<hbm>> -> memref<1x128x32xf32, #tpu.memory_space<hbm>>
      %dma_wait3A_65 = tpu.memref_squeeze %dma_wait3A_64 : memref<1x128x32xf32, #tpu.memory_space<hbm>> -> memref<128x32xf32, #tpu.memory_space<hbm>>
      tpu.wait_dma2 semaphore(%run_scoped3A : memref<!tpu.dma_semaphore, #tpu.memory_space<semaphore_mem>>) src(%arg16 : memref<128x32xf32, #tpu.memory_space<vmem>>) dst(%dma_wait3A_65 : memref<128x32xf32, #tpu.memory_space<hbm>>)
      tpu.yield
    }) : () -> ()
    %add3A_48 = arith.constant 384 : i32
    %add3A_49 = arith.addi %mul3A_16, %add3A_48 : i32
    "tpu.region"() ({
      %run_scoped3A = tpu.sem_alloc : memref<!tpu.dma_semaphore, #tpu.memory_space<semaphore_mem>>
      %dma_start3A = arith.constant 0 : i32
      %dma_start3A_56 = tpu.memref_slice %arg18[%add3A_49, %dma_start3A] : memref<10240x32xf32, #tpu.memory_space<vmem_shared>> -> memref<128x32xf32, #tpu.memory_space<vmem_shared>>
      %dma_start3A_57 = arith.constant 0 : i32
      %dma_start3A_58 = tpu.memref_slice %arg18[%add3A_49, %dma_start3A_57] : memref<10240x32xf32, #tpu.memory_space<vmem_shared>> -> memref<128x32xf32, #tpu.memory_space<vmem_shared>>
      tpu.enqueue_dma source(%dma_start3A_58 : memref<128x32xf32, #tpu.memory_space<vmem_shared>>) target(%arg16 : memref<128x32xf32, #tpu.memory_space<vmem>>) target_semaphore(%run_scoped3A : memref<!tpu.dma_semaphore, #tpu.memory_space<semaphore_mem>>)
      %dma_wait3A = arith.constant 0 : i32
      %dma_wait3A_59 = tpu.memref_slice %arg18[%add3A_49, %dma_wait3A] : memref<10240x32xf32, #tpu.memory_space<vmem_shared>> -> memref<128x32xf32, #tpu.memory_space<vmem_shared>>
      %dma_wait3A_60 = arith.constant 0 : i32
      %dma_wait3A_61 = tpu.memref_slice %arg18[%add3A_49, %dma_wait3A_60] : memref<10240x32xf32, #tpu.memory_space<vmem_shared>> -> memref<128x32xf32, #tpu.memory_space<vmem_shared>>
      tpu.wait_dma2 semaphore(%run_scoped3A : memref<!tpu.dma_semaphore, #tpu.memory_space<semaphore_mem>>) src(%dma_wait3A_61 : memref<128x32xf32, #tpu.memory_space<vmem_shared>>) dst(%arg16 : memref<128x32xf32, #tpu.memory_space<vmem>>)
      tpu.yield
    }) : () -> ()
    %add3A_50 = arith.constant 384 : i32
    %add3A_51 = arith.addi %mul3A_16, %add3A_50 : i32
    "tpu.region"() ({
      %run_scoped3A = tpu.sem_alloc : memref<!tpu.dma_semaphore, #tpu.memory_space<semaphore_mem>>
      %dma_start3A = arith.constant 0 : i32
      %dma_start3A_56 = tpu.memref_slice %arg8[%arg0, %add3A_51, %dma_start3A] : memref<2x10240x32xf32, #tpu.memory_space<hbm>> -> memref<1x128x32xf32, #tpu.memory_space<hbm>>
      %dma_start3A_57 = tpu.memref_squeeze %dma_start3A_56 : memref<1x128x32xf32, #tpu.memory_space<hbm>> -> memref<128x32xf32, #tpu.memory_space<hbm>>
      %dma_start3A_58 = arith.constant 0 : i32
      %dma_start3A_59 = tpu.memref_slice %arg8[%arg0, %add3A_51, %dma_start3A_58] : memref<2x10240x32xf32, #tpu.memory_space<hbm>> -> memref<1x128x32xf32, #tpu.memory_space<hbm>>
      %dma_start3A_60 = tpu.memref_squeeze %dma_start3A_59 : memref<1x128x32xf32, #tpu.memory_space<hbm>> -> memref<128x32xf32, #tpu.memory_space<hbm>>
      tpu.enqueue_dma source(%arg16 : memref<128x32xf32, #tpu.memory_space<vmem>>) target(%dma_start3A_60 : memref<128x32xf32, #tpu.memory_space<hbm>>) target_semaphore(%run_scoped3A : memref<!tpu.dma_semaphore, #tpu.memory_space<semaphore_mem>>)
      %dma_wait3A = arith.constant 0 : i32
      %dma_wait3A_61 = tpu.memref_slice %arg8[%arg0, %add3A_51, %dma_wait3A] : memref<2x10240x32xf32, #tpu.memory_space<hbm>> -> memref<1x128x32xf32, #tpu.memory_space<hbm>>
      %dma_wait3A_62 = tpu.memref_squeeze %dma_wait3A_61 : memref<1x128x32xf32, #tpu.memory_space<hbm>> -> memref<128x32xf32, #tpu.memory_space<hbm>>
      %dma_wait3A_63 = arith.constant 0 : i32
      %dma_wait3A_64 = tpu.memref_slice %arg8[%arg0, %add3A_51, %dma_wait3A_63] : memref<2x10240x32xf32, #tpu.memory_space<hbm>> -> memref<1x128x32xf32, #tpu.memory_space<hbm>>
      %dma_wait3A_65 = tpu.memref_squeeze %dma_wait3A_64 : memref<1x128x32xf32, #tpu.memory_space<hbm>> -> memref<128x32xf32, #tpu.memory_space<hbm>>
      tpu.wait_dma2 semaphore(%run_scoped3A : memref<!tpu.dma_semaphore, #tpu.memory_space<semaphore_mem>>) src(%arg16 : memref<128x32xf32, #tpu.memory_space<vmem>>) dst(%dma_wait3A_65 : memref<128x32xf32, #tpu.memory_space<hbm>>)
      tpu.yield
    }) : () -> ()
    %add3A_52 = arith.constant 512 : i32
    %add3A_53 = arith.addi %mul3A_16, %add3A_52 : i32
    "tpu.region"() ({
      %run_scoped3A = tpu.sem_alloc : memref<!tpu.dma_semaphore, #tpu.memory_space<semaphore_mem>>
      %dma_start3A = arith.constant 0 : i32
      %dma_start3A_56 = tpu.memref_slice %arg18[%add3A_53, %dma_start3A] : memref<10240x32xf32, #tpu.memory_space<vmem_shared>> -> memref<128x32xf32, #tpu.memory_space<vmem_shared>>
      %dma_start3A_57 = arith.constant 0 : i32
      %dma_start3A_58 = tpu.memref_slice %arg18[%add3A_53, %dma_start3A_57] : memref<10240x32xf32, #tpu.memory_space<vmem_shared>> -> memref<128x32xf32, #tpu.memory_space<vmem_shared>>
      tpu.enqueue_dma source(%dma_start3A_58 : memref<128x32xf32, #tpu.memory_space<vmem_shared>>) target(%arg16 : memref<128x32xf32, #tpu.memory_space<vmem>>) target_semaphore(%run_scoped3A : memref<!tpu.dma_semaphore, #tpu.memory_space<semaphore_mem>>)
      %dma_wait3A = arith.constant 0 : i32
      %dma_wait3A_59 = tpu.memref_slice %arg18[%add3A_53, %dma_wait3A] : memref<10240x32xf32, #tpu.memory_space<vmem_shared>> -> memref<128x32xf32, #tpu.memory_space<vmem_shared>>
      %dma_wait3A_60 = arith.constant 0 : i32
      %dma_wait3A_61 = tpu.memref_slice %arg18[%add3A_53, %dma_wait3A_60] : memref<10240x32xf32, #tpu.memory_space<vmem_shared>> -> memref<128x32xf32, #tpu.memory_space<vmem_shared>>
      tpu.wait_dma2 semaphore(%run_scoped3A : memref<!tpu.dma_semaphore, #tpu.memory_space<semaphore_mem>>) src(%dma_wait3A_61 : memref<128x32xf32, #tpu.memory_space<vmem_shared>>) dst(%arg16 : memref<128x32xf32, #tpu.memory_space<vmem>>)
      tpu.yield
    }) : () -> ()
    %add3A_54 = arith.constant 512 : i32
    %add3A_55 = arith.addi %mul3A_16, %add3A_54 : i32
    "tpu.region"() ({
      %run_scoped3A = tpu.sem_alloc : memref<!tpu.dma_semaphore, #tpu.memory_space<semaphore_mem>>
      %dma_start3A = arith.constant 0 : i32
      %dma_start3A_56 = tpu.memref_slice %arg8[%arg0, %add3A_55, %dma_start3A] : memref<2x10240x32xf32, #tpu.memory_space<hbm>> -> memref<1x128x32xf32, #tpu.memory_space<hbm>>
      %dma_start3A_57 = tpu.memref_squeeze %dma_start3A_56 : memref<1x128x32xf32, #tpu.memory_space<hbm>> -> memref<128x32xf32, #tpu.memory_space<hbm>>
      %dma_start3A_58 = arith.constant 0 : i32
      %dma_start3A_59 = tpu.memref_slice %arg8[%arg0, %add3A_55, %dma_start3A_58] : memref<2x10240x32xf32, #tpu.memory_space<hbm>> -> memref<1x128x32xf32, #tpu.memory_space<hbm>>
      %dma_start3A_60 = tpu.memref_squeeze %dma_start3A_59 : memref<1x128x32xf32, #tpu.memory_space<hbm>> -> memref<128x32xf32, #tpu.memory_space<hbm>>
      tpu.enqueue_dma source(%arg16 : memref<128x32xf32, #tpu.memory_space<vmem>>) target(%dma_start3A_60 : memref<128x32xf32, #tpu.memory_space<hbm>>) target_semaphore(%run_scoped3A : memref<!tpu.dma_semaphore, #tpu.memory_space<semaphore_mem>>)
      %dma_wait3A = arith.constant 0 : i32
      %dma_wait3A_61 = tpu.memref_slice %arg8[%arg0, %add3A_55, %dma_wait3A] : memref<2x10240x32xf32, #tpu.memory_space<hbm>> -> memref<1x128x32xf32, #tpu.memory_space<hbm>>
      %dma_wait3A_62 = tpu.memref_squeeze %dma_wait3A_61 : memref<1x128x32xf32, #tpu.memory_space<hbm>> -> memref<128x32xf32, #tpu.memory_space<hbm>>
      %dma_wait3A_63 = arith.constant 0 : i32
      %dma_wait3A_64 = tpu.memref_slice %arg8[%arg0, %add3A_55, %dma_wait3A_63] : memref<2x10240x32xf32, #tpu.memory_space<hbm>> -> memref<1x128x32xf32, #tpu.memory_space<hbm>>
      %dma_wait3A_65 = tpu.memref_squeeze %dma_wait3A_64 : memref<1x128x32xf32, #tpu.memory_space<hbm>> -> memref<128x32xf32, #tpu.memory_space<hbm>>
      tpu.wait_dma2 semaphore(%run_scoped3A : memref<!tpu.dma_semaphore, #tpu.memory_space<semaphore_mem>>) src(%arg16 : memref<128x32xf32, #tpu.memory_space<vmem>>) dst(%dma_wait3A_65 : memref<128x32xf32, #tpu.memory_space<hbm>>)
      tpu.yield
    }) : () -> ()
    return
  }
}

#map = affine_map<(d0, d1) -> (0)>
#map1 = affine_map<(d0, d1) -> (0, 0)>
#map2 = affine_map<(d0, d1) -> (0, 0, 0)>
module attributes {stable_mosaic.version = 14 : i64} {
  func.func @sc_fn(%arg0: i32, %arg1: i32, %arg2: memref<10240xf32, #tpu.memory_space<hbm>>, %arg3: memref<10240xf32, #tpu.memory_space<hbm>>, %arg4: memref<16xf32, #tpu.memory_space<hbm>>, %arg5: memref<10240x32xf32, #tpu.memory_space<hbm>>, %arg6: memref<32x81x128xi32, #tpu.memory_space<hbm>>, %arg7: memref<32x81x128xi32, #tpu.memory_space<hbm>>, %arg8: memref<2x10240x32xf32, #tpu.memory_space<hbm>>, %arg9: memref<2x10240xf32, #tpu.memory_space<hbm>>, %arg10: memref<10240xf32, #tpu.memory_space<vmem>>, %arg11: memref<10240xf32, #tpu.memory_space<vmem>>, %arg12: memref<16xf32, #tpu.memory_space<vmem>>, %arg13: memref<81x128xi32, #tpu.memory_space<vmem>>, %arg14: memref<81x128xi32, #tpu.memory_space<vmem>>, %arg15: memref<128xf32, #tpu.memory_space<vmem>>, %arg16: memref<128x32xf32, #tpu.memory_space<vmem>>, %arg17: memref<640xf32, #tpu.memory_space<vmem>>, %arg18: memref<10240x32xf32, #tpu.memory_space<vmem_shared>>, %arg19: memref<10240xf32, #tpu.memory_space<vmem_shared>>, %arg20: memref<!tpu.dma_semaphore, #tpu.memory_space<semaphore_mem>>) attributes {dimension_semantics = [#tpu.dimension_semantics<core_parallel>, #tpu.dimension_semantics<subcore_parallel>], iteration_bounds = array<i64: 2, 16>, scalar_prefetch = 0 : i64, scratch_operands = 11 : i64, tpu.core_type = #tpu.core_type<sc_vector_subcore>, window_params = [{transform_indices = #map}, {transform_indices = #map}, {transform_indices = #map}, {transform_indices = #map1}, {transform_indices = #map2}, {transform_indices = #map2}, {transform_indices = #map2}, {transform_indices = #map1}]} {
    %mul3A = arith.constant 2 : i32
    %mul3A_0 = arith.muli %arg1, %mul3A : i32
    %add3A = arith.addi %mul3A_0, %arg0 : i32
    %broadcast_in_dim3A = arith.constant 0.000000e+00 : f32
    %broadcast_in_dim3A_1 = vector.broadcast %broadcast_in_dim3A : f32 to vector<16xf32>
    %scan3A = arith.constant 0 : i32
    %scan3A_2 = arith.constant 0 : i32
    %scan3A_3 = arith.constant 128 : i32
    %scan3A_4 = arith.addi %scan3A_2, %scan3A_3 : i32
    %scan3A_5 = arith.constant 1 : i32
    %scan3A_6 = scf.for %scan3A_56 = %scan3A_2 to %scan3A_4 step %scan3A_5 iter_args(%scan3A_57 = %scan3A) -> (i32)  : i32 {
      %swap3A = arith.index_cast %scan3A_56 : i32 to index
      %swap3A_58 = arith.constant 0 : index
      %swap3A_59 = tpu.vector_load %arg16[%swap3A, %swap3A_58] {strides = array<i32>} : memref<128x32xf32, #tpu.memory_space<vmem>>, vector<16xf32>,
      tpu.vector_store %arg16[%swap3A, %swap3A_58], %broadcast_in_dim3A_1 {strides = array<i32>} : memref<128x32xf32, #tpu.memory_space<vmem>>, vector<16xf32>,
      %swap3A_60 = arith.index_cast %scan3A_56 : i32 to index
      %swap3A_61 = arith.constant 16 : index
      %swap3A_62 = tpu.vector_load %arg16[%swap3A_60, %swap3A_61] {strides = array<i32>} : memref<128x32xf32, #tpu.memory_space<vmem>>, vector<16xf32>,
      tpu.vector_store %arg16[%swap3A_60, %swap3A_61], %broadcast_in_dim3A_1 {strides = array<i32>} : memref<128x32xf32, #tpu.memory_space<vmem>>, vector<16xf32>,
      %scan3A_63 = arith.constant 0 : i32
      scf.yield %scan3A_63 : i32
    }
    %scan3A_7 = arith.constant 128 : i32
    %scan3A_8 = arith.constant 0 : i32
    %scan3A_9 = arith.constant 0 : i32
    %scan3A_10 = arith.constant 40 : i32
    %scan3A_11 = arith.addi %scan3A_9, %scan3A_10 : i32
    %scan3A_12 = arith.constant 1 : i32
    %scan3A_13 = scf.for %scan3A_56 = %scan3A_9 to %scan3A_11 step %scan3A_12 iter_args(%scan3A_57 = %scan3A_8) -> (i32)  : i32 {
      %mul3A_58 = arith.constant 16 : i32
      %mul3A_59 = arith.muli %scan3A_56, %mul3A_58 : i32
      %swap3A = arith.index_cast %mul3A_59 : i32 to index
      %swap3A_60 = tpu.vector_load %arg17[%swap3A] {strides = array<i32>} : memref<640xf32, #tpu.memory_space<vmem>>, vector<16xf32>,
      tpu.vector_store %arg17[%swap3A], %broadcast_in_dim3A_1 {strides = array<i32>} : memref<640xf32, #tpu.memory_space<vmem>>, vector<16xf32>,
      %scan3A_61 = arith.constant 0 : i32
      scf.yield %scan3A_61 : i32
    }
    %scan3A_14 = arith.constant 40 : i32
    "tpu.region"() ({
      %run_scoped3A = tpu.sem_alloc : memref<!tpu.dma_semaphore, #tpu.memory_space<semaphore_mem>>
      tpu.enqueue_dma source(%arg2 : memref<10240xf32, #tpu.memory_space<hbm>>) target(%arg10 : memref<10240xf32, #tpu.memory_space<vmem>>) target_semaphore(%run_scoped3A : memref<!tpu.dma_semaphore, #tpu.memory_space<semaphore_mem>>)
      tpu.wait_dma2 semaphore(%run_scoped3A : memref<!tpu.dma_semaphore, #tpu.memory_space<semaphore_mem>>) src(%arg2 : memref<10240xf32, #tpu.memory_space<hbm>>) dst(%arg10 : memref<10240xf32, #tpu.memory_space<vmem>>)
      tpu.yield
    }) : () -> ()
    "tpu.region"() ({
      %run_scoped3A = tpu.sem_alloc : memref<!tpu.dma_semaphore, #tpu.memory_space<semaphore_mem>>
      tpu.enqueue_dma source(%arg3 : memref<10240xf32, #tpu.memory_space<hbm>>) target(%arg11 : memref<10240xf32, #tpu.memory_space<vmem>>) target_semaphore(%run_scoped3A : memref<!tpu.dma_semaphore, #tpu.memory_space<semaphore_mem>>)
      tpu.wait_dma2 semaphore(%run_scoped3A : memref<!tpu.dma_semaphore, #tpu.memory_space<semaphore_mem>>) src(%arg3 : memref<10240xf32, #tpu.memory_space<hbm>>) dst(%arg11 : memref<10240xf32, #tpu.memory_space<vmem>>)
      tpu.yield
    }) : () -> ()
    "tpu.region"() ({
      %run_scoped3A = tpu.sem_alloc : memref<!tpu.dma_semaphore, #tpu.memory_space<semaphore_mem>>
      tpu.enqueue_dma source(%arg4 : memref<16xf32, #tpu.memory_space<hbm>>) target(%arg12 : memref<16xf32, #tpu.memory_space<vmem>>) target_semaphore(%run_scoped3A : memref<!tpu.dma_semaphore, #tpu.memory_space<semaphore_mem>>)
      tpu.wait_dma2 semaphore(%run_scoped3A : memref<!tpu.dma_semaphore, #tpu.memory_space<semaphore_mem>>) src(%arg4 : memref<16xf32, #tpu.memory_space<hbm>>) dst(%arg12 : memref<16xf32, #tpu.memory_space<vmem>>)
      tpu.yield
    }) : () -> ()
    "tpu.region"() ({
      %run_scoped3A = tpu.sem_alloc : memref<!tpu.dma_semaphore, #tpu.memory_space<semaphore_mem>>
      %dma_start3A = arith.constant 0 : i32
      %dma_start3A_56 = arith.constant 0 : i32
      %dma_start3A_57 = tpu.memref_slice %arg6[%add3A, %dma_start3A, %dma_start3A_56] : memref<32x81x128xi32, #tpu.memory_space<hbm>> -> memref<1x81x128xi32, #tpu.memory_space<hbm>>
      %dma_start3A_58 = tpu.memref_squeeze %dma_start3A_57 : memref<1x81x128xi32, #tpu.memory_space<hbm>> -> memref<81x128xi32, #tpu.memory_space<hbm>>
      %dma_start3A_59 = arith.constant 0 : i32
      %dma_start3A_60 = arith.constant 0 : i32
      %dma_start3A_61 = tpu.memref_slice %arg6[%add3A, %dma_start3A_59, %dma_start3A_60] : memref<32x81x128xi32, #tpu.memory_space<hbm>> -> memref<1x81x128xi32, #tpu.memory_space<hbm>>
      %dma_start3A_62 = tpu.memref_squeeze %dma_start3A_61 : memref<1x81x128xi32, #tpu.memory_space<hbm>> -> memref<81x128xi32, #tpu.memory_space<hbm>>
      tpu.enqueue_dma source(%dma_start3A_62 : memref<81x128xi32, #tpu.memory_space<hbm>>) target(%arg13 : memref<81x128xi32, #tpu.memory_space<vmem>>) target_semaphore(%run_scoped3A : memref<!tpu.dma_semaphore, #tpu.memory_space<semaphore_mem>>)
      %dma_wait3A = arith.constant 0 : i32
      %dma_wait3A_63 = arith.constant 0 : i32
      %dma_wait3A_64 = tpu.memref_slice %arg6[%add3A, %dma_wait3A, %dma_wait3A_63] : memref<32x81x128xi32, #tpu.memory_space<hbm>> -> memref<1x81x128xi32, #tpu.memory_space<hbm>>
      %dma_wait3A_65 = tpu.memref_squeeze %dma_wait3A_64 : memref<1x81x128xi32, #tpu.memory_space<hbm>> -> memref<81x128xi32, #tpu.memory_space<hbm>>
      %dma_wait3A_66 = arith.constant 0 : i32
      %dma_wait3A_67 = arith.constant 0 : i32
      %dma_wait3A_68 = tpu.memref_slice %arg6[%add3A, %dma_wait3A_66, %dma_wait3A_67] : memref<32x81x128xi32, #tpu.memory_space<hbm>> -> memref<1x81x128xi32, #tpu.memory_space<hbm>>
      %dma_wait3A_69 = tpu.memref_squeeze %dma_wait3A_68 : memref<1x81x128xi32, #tpu.memory_space<hbm>> -> memref<81x128xi32, #tpu.memory_space<hbm>>
      tpu.wait_dma2 semaphore(%run_scoped3A : memref<!tpu.dma_semaphore, #tpu.memory_space<semaphore_mem>>) src(%dma_wait3A_69 : memref<81x128xi32, #tpu.memory_space<hbm>>) dst(%arg13 : memref<81x128xi32, #tpu.memory_space<vmem>>)
      tpu.yield
    }) : () -> ()
    "tpu.region"() ({
      %run_scoped3A = tpu.sem_alloc : memref<!tpu.dma_semaphore, #tpu.memory_space<semaphore_mem>>
      %dma_start3A = arith.constant 0 : i32
      %dma_start3A_56 = arith.constant 0 : i32
      %dma_start3A_57 = tpu.memref_slice %arg7[%add3A, %dma_start3A, %dma_start3A_56] : memref<32x81x128xi32, #tpu.memory_space<hbm>> -> memref<1x81x128xi32, #tpu.memory_space<hbm>>
      %dma_start3A_58 = tpu.memref_squeeze %dma_start3A_57 : memref<1x81x128xi32, #tpu.memory_space<hbm>> -> memref<81x128xi32, #tpu.memory_space<hbm>>
      %dma_start3A_59 = arith.constant 0 : i32
      %dma_start3A_60 = arith.constant 0 : i32
      %dma_start3A_61 = tpu.memref_slice %arg7[%add3A, %dma_start3A_59, %dma_start3A_60] : memref<32x81x128xi32, #tpu.memory_space<hbm>> -> memref<1x81x128xi32, #tpu.memory_space<hbm>>
      %dma_start3A_62 = tpu.memref_squeeze %dma_start3A_61 : memref<1x81x128xi32, #tpu.memory_space<hbm>> -> memref<81x128xi32, #tpu.memory_space<hbm>>
      tpu.enqueue_dma source(%dma_start3A_62 : memref<81x128xi32, #tpu.memory_space<hbm>>) target(%arg14 : memref<81x128xi32, #tpu.memory_space<vmem>>) target_semaphore(%run_scoped3A : memref<!tpu.dma_semaphore, #tpu.memory_space<semaphore_mem>>)
      %dma_wait3A = arith.constant 0 : i32
      %dma_wait3A_63 = arith.constant 0 : i32
      %dma_wait3A_64 = tpu.memref_slice %arg7[%add3A, %dma_wait3A, %dma_wait3A_63] : memref<32x81x128xi32, #tpu.memory_space<hbm>> -> memref<1x81x128xi32, #tpu.memory_space<hbm>>
      %dma_wait3A_65 = tpu.memref_squeeze %dma_wait3A_64 : memref<1x81x128xi32, #tpu.memory_space<hbm>> -> memref<81x128xi32, #tpu.memory_space<hbm>>
      %dma_wait3A_66 = arith.constant 0 : i32
      %dma_wait3A_67 = arith.constant 0 : i32
      %dma_wait3A_68 = tpu.memref_slice %arg7[%add3A, %dma_wait3A_66, %dma_wait3A_67] : memref<32x81x128xi32, #tpu.memory_space<hbm>> -> memref<1x81x128xi32, #tpu.memory_space<hbm>>
      %dma_wait3A_69 = tpu.memref_squeeze %dma_wait3A_68 : memref<1x81x128xi32, #tpu.memory_space<hbm>> -> memref<81x128xi32, #tpu.memory_space<hbm>>
      tpu.wait_dma2 semaphore(%run_scoped3A : memref<!tpu.dma_semaphore, #tpu.memory_space<semaphore_mem>>) src(%dma_wait3A_69 : memref<81x128xi32, #tpu.memory_space<hbm>>) dst(%arg14 : memref<81x128xi32, #tpu.memory_space<vmem>>)
      tpu.yield
    }) : () -> ()
    %mul3A_15 = arith.constant 640 : i32
    %mul3A_16 = arith.muli %arg1, %mul3A_15 : i32
    "tpu.region"() ({
      %run_scoped3A = tpu.sem_alloc : memref<!tpu.dma_semaphore, #tpu.memory_space<semaphore_mem>>
      %dma_start3A = tpu.memref_slice %arg19[%mul3A_16] : memref<10240xf32, #tpu.memory_space<vmem_shared>> -> memref<640xf32, #tpu.memory_space<vmem_shared>>
      %dma_start3A_56 = tpu.memref_slice %arg19[%mul3A_16] : memref<10240xf32, #tpu.memory_space<vmem_shared>> -> memref<640xf32, #tpu.memory_space<vmem_shared>>
      tpu.enqueue_dma source(%arg17 : memref<640xf32, #tpu.memory_space<vmem>>) target(%dma_start3A_56 : memref<640xf32, #tpu.memory_space<vmem_shared>>) target_semaphore(%run_scoped3A : memref<!tpu.dma_semaphore, #tpu.memory_space<semaphore_mem>>)
      %dma_wait3A = tpu.memref_slice %arg19[%mul3A_16] : memref<10240xf32, #tpu.memory_space<vmem_shared>> -> memref<640xf32, #tpu.memory_space<vmem_shared>>
      %dma_wait3A_57 = tpu.memref_slice %arg19[%mul3A_16] : memref<10240xf32, #tpu.memory_space<vmem_shared>> -> memref<640xf32, #tpu.memory_space<vmem_shared>>
      tpu.wait_dma2 semaphore(%run_scoped3A : memref<!tpu.dma_semaphore, #tpu.memory_space<semaphore_mem>>) src(%arg17 : memref<640xf32, #tpu.memory_space<vmem>>) dst(%dma_wait3A_57 : memref<640xf32, #tpu.memory_space<vmem_shared>>)
      tpu.yield
    }) : () -> ()
    %add3A_17 = arith.constant 0 : i32
    %add3A_18 = arith.addi %mul3A_16, %add3A_17 : i32
    "tpu.region"() ({
      %run_scoped3A = tpu.sem_alloc : memref<!tpu.dma_semaphore, #tpu.memory_space<semaphore_mem>>
      %dma_start3A = arith.constant 0 : i32
      %dma_start3A_56 = tpu.memref_slice %arg18[%add3A_18, %dma_start3A] : memref<10240x32xf32, #tpu.memory_space<vmem_shared>> -> memref<128x32xf32, #tpu.memory_space<vmem_shared>>
      %dma_start3A_57 = arith.constant 0 : i32
      %dma_start3A_58 = tpu.memref_slice %arg18[%add3A_18, %dma_start3A_57] : memref<10240x32xf32, #tpu.memory_space<vmem_shared>> -> memref<128x32xf32, #tpu.memory_space<vmem_shared>>
      tpu.enqueue_dma source(%arg16 : memref<128x32xf32, #tpu.memory_space<vmem>>) target(%dma_start3A_58 : memref<128x32xf32, #tpu.memory_space<vmem_shared>>) target_semaphore(%run_scoped3A : memref<!tpu.dma_semaphore, #tpu.memory_space<semaphore_mem>>)
      %dma_wait3A = arith.constant 0 : i32
      %dma_wait3A_59 = tpu.memref_slice %arg18[%add3A_18, %dma_wait3A] : memref<10240x32xf32, #tpu.memory_space<vmem_shared>> -> memref<128x32xf32, #tpu.memory_space<vmem_shared>>
      %dma_wait3A_60 = arith.constant 0 : i32
      %dma_wait3A_61 = tpu.memref_slice %arg18[%add3A_18, %dma_wait3A_60] : memref<10240x32xf32, #tpu.memory_space<vmem_shared>> -> memref<128x32xf32, #tpu.memory_space<vmem_shared>>
      tpu.wait_dma2 semaphore(%run_scoped3A : memref<!tpu.dma_semaphore, #tpu.memory_space<semaphore_mem>>) src(%arg16 : memref<128x32xf32, #tpu.memory_space<vmem>>) dst(%dma_wait3A_61 : memref<128x32xf32, #tpu.memory_space<vmem_shared>>)
      tpu.yield
    }) : () -> ()
    %add3A_19 = arith.constant 128 : i32
    %add3A_20 = arith.addi %mul3A_16, %add3A_19 : i32
    "tpu.region"() ({
      %run_scoped3A = tpu.sem_alloc : memref<!tpu.dma_semaphore, #tpu.memory_space<semaphore_mem>>
      %dma_start3A = arith.constant 0 : i32
      %dma_start3A_56 = tpu.memref_slice %arg18[%add3A_20, %dma_start3A] : memref<10240x32xf32, #tpu.memory_space<vmem_shared>> -> memref<128x32xf32, #tpu.memory_space<vmem_shared>>
      %dma_start3A_57 = arith.constant 0 : i32
      %dma_start3A_58 = tpu.memref_slice %arg18[%add3A_20, %dma_start3A_57] : memref<10240x32xf32, #tpu.memory_space<vmem_shared>> -> memref<128x32xf32, #tpu.memory_space<vmem_shared>>
      tpu.enqueue_dma source(%arg16 : memref<128x32xf32, #tpu.memory_space<vmem>>) target(%dma_start3A_58 : memref<128x32xf32, #tpu.memory_space<vmem_shared>>) target_semaphore(%run_scoped3A : memref<!tpu.dma_semaphore, #tpu.memory_space<semaphore_mem>>)
      %dma_wait3A = arith.constant 0 : i32
      %dma_wait3A_59 = tpu.memref_slice %arg18[%add3A_20, %dma_wait3A] : memref<10240x32xf32, #tpu.memory_space<vmem_shared>> -> memref<128x32xf32, #tpu.memory_space<vmem_shared>>
      %dma_wait3A_60 = arith.constant 0 : i32
      %dma_wait3A_61 = tpu.memref_slice %arg18[%add3A_20, %dma_wait3A_60] : memref<10240x32xf32, #tpu.memory_space<vmem_shared>> -> memref<128x32xf32, #tpu.memory_space<vmem_shared>>
      tpu.wait_dma2 semaphore(%run_scoped3A : memref<!tpu.dma_semaphore, #tpu.memory_space<semaphore_mem>>) src(%arg16 : memref<128x32xf32, #tpu.memory_space<vmem>>) dst(%dma_wait3A_61 : memref<128x32xf32, #tpu.memory_space<vmem_shared>>)
      tpu.yield
    }) : () -> ()
    %add3A_21 = arith.constant 256 : i32
    %add3A_22 = arith.addi %mul3A_16, %add3A_21 : i32
    "tpu.region"() ({
      %run_scoped3A = tpu.sem_alloc : memref<!tpu.dma_semaphore, #tpu.memory_space<semaphore_mem>>
      %dma_start3A = arith.constant 0 : i32
      %dma_start3A_56 = tpu.memref_slice %arg18[%add3A_22, %dma_start3A] : memref<10240x32xf32, #tpu.memory_space<vmem_shared>> -> memref<128x32xf32, #tpu.memory_space<vmem_shared>>
      %dma_start3A_57 = arith.constant 0 : i32
      %dma_start3A_58 = tpu.memref_slice %arg18[%add3A_22, %dma_start3A_57] : memref<10240x32xf32, #tpu.memory_space<vmem_shared>> -> memref<128x32xf32, #tpu.memory_space<vmem_shared>>
      tpu.enqueue_dma source(%arg16 : memref<128x32xf32, #tpu.memory_space<vmem>>) target(%dma_start3A_58 : memref<128x32xf32, #tpu.memory_space<vmem_shared>>) target_semaphore(%run_scoped3A : memref<!tpu.dma_semaphore, #tpu.memory_space<semaphore_mem>>)
      %dma_wait3A = arith.constant 0 : i32
      %dma_wait3A_59 = tpu.memref_slice %arg18[%add3A_22, %dma_wait3A] : memref<10240x32xf32, #tpu.memory_space<vmem_shared>> -> memref<128x32xf32, #tpu.memory_space<vmem_shared>>
      %dma_wait3A_60 = arith.constant 0 : i32
      %dma_wait3A_61 = tpu.memref_slice %arg18[%add3A_22, %dma_wait3A_60] : memref<10240x32xf32, #tpu.memory_space<vmem_shared>> -> memref<128x32xf32, #tpu.memory_space<vmem_shared>>
      tpu.wait_dma2 semaphore(%run_scoped3A : memref<!tpu.dma_semaphore, #tpu.memory_space<semaphore_mem>>) src(%arg16 : memref<128x32xf32, #tpu.memory_space<vmem>>) dst(%dma_wait3A_61 : memref<128x32xf32, #tpu.memory_space<vmem_shared>>)
      tpu.yield
    }) : () -> ()
    %add3A_23 = arith.constant 384 : i32
    %add3A_24 = arith.addi %mul3A_16, %add3A_23 : i32
    "tpu.region"() ({
      %run_scoped3A = tpu.sem_alloc : memref<!tpu.dma_semaphore, #tpu.memory_space<semaphore_mem>>
      %dma_start3A = arith.constant 0 : i32
      %dma_start3A_56 = tpu.memref_slice %arg18[%add3A_24, %dma_start3A] : memref<10240x32xf32, #tpu.memory_space<vmem_shared>> -> memref<128x32xf32, #tpu.memory_space<vmem_shared>>
      %dma_start3A_57 = arith.constant 0 : i32
      %dma_start3A_58 = tpu.memref_slice %arg18[%add3A_24, %dma_start3A_57] : memref<10240x32xf32, #tpu.memory_space<vmem_shared>> -> memref<128x32xf32, #tpu.memory_space<vmem_shared>>
      tpu.enqueue_dma source(%arg16 : memref<128x32xf32, #tpu.memory_space<vmem>>) target(%dma_start3A_58 : memref<128x32xf32, #tpu.memory_space<vmem_shared>>) target_semaphore(%run_scoped3A : memref<!tpu.dma_semaphore, #tpu.memory_space<semaphore_mem>>)
      %dma_wait3A = arith.constant 0 : i32
      %dma_wait3A_59 = tpu.memref_slice %arg18[%add3A_24, %dma_wait3A] : memref<10240x32xf32, #tpu.memory_space<vmem_shared>> -> memref<128x32xf32, #tpu.memory_space<vmem_shared>>
      %dma_wait3A_60 = arith.constant 0 : i32
      %dma_wait3A_61 = tpu.memref_slice %arg18[%add3A_24, %dma_wait3A_60] : memref<10240x32xf32, #tpu.memory_space<vmem_shared>> -> memref<128x32xf32, #tpu.memory_space<vmem_shared>>
      tpu.wait_dma2 semaphore(%run_scoped3A : memref<!tpu.dma_semaphore, #tpu.memory_space<semaphore_mem>>) src(%arg16 : memref<128x32xf32, #tpu.memory_space<vmem>>) dst(%dma_wait3A_61 : memref<128x32xf32, #tpu.memory_space<vmem_shared>>)
      tpu.yield
    }) : () -> ()
    %add3A_25 = arith.constant 512 : i32
    %add3A_26 = arith.addi %mul3A_16, %add3A_25 : i32
    "tpu.region"() ({
      %run_scoped3A = tpu.sem_alloc : memref<!tpu.dma_semaphore, #tpu.memory_space<semaphore_mem>>
      %dma_start3A = arith.constant 0 : i32
      %dma_start3A_56 = tpu.memref_slice %arg18[%add3A_26, %dma_start3A] : memref<10240x32xf32, #tpu.memory_space<vmem_shared>> -> memref<128x32xf32, #tpu.memory_space<vmem_shared>>
      %dma_start3A_57 = arith.constant 0 : i32
      %dma_start3A_58 = tpu.memref_slice %arg18[%add3A_26, %dma_start3A_57] : memref<10240x32xf32, #tpu.memory_space<vmem_shared>> -> memref<128x32xf32, #tpu.memory_space<vmem_shared>>
      tpu.enqueue_dma source(%arg16 : memref<128x32xf32, #tpu.memory_space<vmem>>) target(%dma_start3A_58 : memref<128x32xf32, #tpu.memory_space<vmem_shared>>) target_semaphore(%run_scoped3A : memref<!tpu.dma_semaphore, #tpu.memory_space<semaphore_mem>>)
      %dma_wait3A = arith.constant 0 : i32
      %dma_wait3A_59 = tpu.memref_slice %arg18[%add3A_26, %dma_wait3A] : memref<10240x32xf32, #tpu.memory_space<vmem_shared>> -> memref<128x32xf32, #tpu.memory_space<vmem_shared>>
      %dma_wait3A_60 = arith.constant 0 : i32
      %dma_wait3A_61 = tpu.memref_slice %arg18[%add3A_26, %dma_wait3A_60] : memref<10240x32xf32, #tpu.memory_space<vmem_shared>> -> memref<128x32xf32, #tpu.memory_space<vmem_shared>>
      tpu.wait_dma2 semaphore(%run_scoped3A : memref<!tpu.dma_semaphore, #tpu.memory_space<semaphore_mem>>) src(%arg16 : memref<128x32xf32, #tpu.memory_space<vmem>>) dst(%dma_wait3A_61 : memref<128x32xf32, #tpu.memory_space<vmem_shared>>)
      tpu.yield
    }) : () -> ()
    %barrier3A = arith.constant 0 : index
    tpu.barrier barrier_id(%barrier3A)
    %get3A = arith.constant 0 : index
    %get3A_27 = tpu.vector_load %arg12[%get3A] {strides = array<i32>} : memref<16xf32, #tpu.memory_space<vmem>>, vector<16xf32>,
    %scan3A_28 = arith.constant 0 : i32
    %scan3A_29 = arith.constant 0 : i32
    %scan3A_30 = arith.constant 81 : i32
    %scan3A_31 = arith.addi %scan3A_29, %scan3A_30 : i32
    %scan3A_32 = arith.constant 1 : i32
    %scan3A_33 = scf.for %scan3A_56 = %scan3A_29 to %scan3A_31 step %scan3A_32 iter_args(%scan3A_57 = %scan3A_28) -> (i32)  : i32 {
      %dma_start3A = arith.constant 0 : i32
      %dma_start3A_58 = tpu.memref_slice %arg13[%scan3A_56, %dma_start3A] : memref<81x128xi32, #tpu.memory_space<vmem>> -> memref<1x128xi32, #tpu.memory_space<vmem>>
      %dma_start3A_59 = tpu.memref_squeeze %dma_start3A_58 : memref<1x128xi32, #tpu.memory_space<vmem>> -> memref<128xi32, #tpu.memory_space<vmem>>
      %dma_start3A_60 = arith.constant 0 : i32
      %dma_start3A_61 = arith.constant 0 : i32
      %dma_start3A_62 = tpu.memref_slice %arg5[%dma_start3A_60, %dma_start3A_61] : memref<10240x32xf32, #tpu.memory_space<hbm>> -> memref<10240x32xf32, #tpu.memory_space<hbm>>
      tpu.enqueue_indirect_dma source(%dma_start3A_62 : memref<10240x32xf32, #tpu.memory_space<hbm>>) target(%arg16 : memref<128x32xf32, #tpu.memory_space<vmem>>) offsets(%dma_start3A_59 : memref<128xi32, #tpu.memory_space<vmem>>) semaphore(%arg20 : memref<!tpu.dma_semaphore, #tpu.memory_space<semaphore_mem>>)
      %get3A_63 = arith.index_cast %scan3A_56 : i32 to index
      %get3A_64 = arith.constant 0 : index
      %get3A_65 = tpu.vector_load %arg13[%get3A_63, %get3A_64] {strides = array<i32>} : memref<81x128xi32, #tpu.memory_space<vmem>>, vector<16xi32>,
      %get3A_66 = arith.index_cast %scan3A_56 : i32 to index
      %get3A_67 = arith.constant 0 : index
      %get3A_68 = tpu.vector_load %arg14[%get3A_66, %get3A_67] {strides = array<i32>} : memref<81x128xi32, #tpu.memory_space<vmem>>, vector<16xi32>,
      %gather3A = tpu.vector_load_idx %arg10[%get3A_65] : memref<10240xf32, #tpu.memory_space<vmem>>[vector<16xi32>], vector<16xf32>,
      %gather3A_69 = tpu.vector_load_idx %arg11[%get3A_68] : memref<10240xf32, #tpu.memory_space<vmem>>[vector<16xi32>], vector<16xf32>,
      %add3A_70 = arith.addf %gather3A, %gather3A_69 : vector<16xf32>
      %mul3A_71 = arith.constant 2.000000e-01 : f32
      %mul3A_72 = vector.broadcast %mul3A_71 : f32 to vector<16xf32>
      %mul3A_73 = arith.mulf %mul3A_72, %add3A_70 : vector<16xf32>
      %max3A = arith.maximumf %add3A_70, %mul3A_73 : vector<16xf32>
      %sub3A = arith.subf %max3A, %get3A_27 : vector<16xf32>
      %exp3A = math.exp %sub3A : vector<16xf32>
      %swap3A = arith.constant 0 : index
      %swap3A_74 = tpu.vector_load %arg15[%swap3A] {strides = array<i32>} : memref<128xf32, #tpu.memory_space<vmem>>, vector<16xf32>,
      tpu.vector_store %arg15[%swap3A], %exp3A {strides = array<i32>} : memref<128xf32, #tpu.memory_space<vmem>>, vector<16xf32>,
      %get3A_75 = arith.index_cast %scan3A_56 : i32 to index
      %get3A_76 = arith.constant 16 : index
      %get3A_77 = tpu.vector_load %arg13[%get3A_75, %get3A_76] {strides = array<i32>} : memref<81x128xi32, #tpu.memory_space<vmem>>, vector<16xi32>,
      %get3A_78 = arith.index_cast %scan3A_56 : i32 to index
      %get3A_79 = arith.constant 16 : index
      %get3A_80 = tpu.vector_load %arg14[%get3A_78, %get3A_79] {strides = array<i32>} : memref<81x128xi32, #tpu.memory_space<vmem>>, vector<16xi32>,
      %gather3A_81 = tpu.vector_load_idx %arg10[%get3A_77] : memref<10240xf32, #tpu.memory_space<vmem>>[vector<16xi32>], vector<16xf32>,
      %gather3A_82 = tpu.vector_load_idx %arg11[%get3A_80] : memref<10240xf32, #tpu.memory_space<vmem>>[vector<16xi32>], vector<16xf32>,
      %add3A_83 = arith.addf %gather3A_81, %gather3A_82 : vector<16xf32>
      %mul3A_84 = arith.constant 2.000000e-01 : f32
      %mul3A_85 = vector.broadcast %mul3A_84 : f32 to vector<16xf32>
      %mul3A_86 = arith.mulf %mul3A_85, %add3A_83 : vector<16xf32>
      %max3A_87 = arith.maximumf %add3A_83, %mul3A_86 : vector<16xf32>
      %sub3A_88 = arith.subf %max3A_87, %get3A_27 : vector<16xf32>
      %exp3A_89 = math.exp %sub3A_88 : vector<16xf32>
      %swap3A_90 = arith.constant 16 : index
      %swap3A_91 = tpu.vector_load %arg15[%swap3A_90] {strides = array<i32>} : memref<128xf32, #tpu.memory_space<vmem>>, vector<16xf32>,
      tpu.vector_store %arg15[%swap3A_90], %exp3A_89 {strides = array<i32>} : memref<128xf32, #tpu.memory_space<vmem>>, vector<16xf32>,
      %get3A_92 = arith.index_cast %scan3A_56 : i32 to index
      %get3A_93 = arith.constant 32 : index
      %get3A_94 = tpu.vector_load %arg13[%get3A_92, %get3A_93] {strides = array<i32>} : memref<81x128xi32, #tpu.memory_space<vmem>>, vector<16xi32>,
      %get3A_95 = arith.index_cast %scan3A_56 : i32 to index
      %get3A_96 = arith.constant 32 : index
      %get3A_97 = tpu.vector_load %arg14[%get3A_95, %get3A_96] {strides = array<i32>} : memref<81x128xi32, #tpu.memory_space<vmem>>, vector<16xi32>,
      %gather3A_98 = tpu.vector_load_idx %arg10[%get3A_94] : memref<10240xf32, #tpu.memory_space<vmem>>[vector<16xi32>], vector<16xf32>,
      %gather3A_99 = tpu.vector_load_idx %arg11[%get3A_97] : memref<10240xf32, #tpu.memory_space<vmem>>[vector<16xi32>], vector<16xf32>,
      %add3A_100 = arith.addf %gather3A_98, %gather3A_99 : vector<16xf32>
      %mul3A_101 = arith.constant 2.000000e-01 : f32
      %mul3A_102 = vector.broadcast %mul3A_101 : f32 to vector<16xf32>
      %mul3A_103 = arith.mulf %mul3A_102, %add3A_100 : vector<16xf32>
      %max3A_104 = arith.maximumf %add3A_100, %mul3A_103 : vector<16xf32>
      %sub3A_105 = arith.subf %max3A_104, %get3A_27 : vector<16xf32>
      %exp3A_106 = math.exp %sub3A_105 : vector<16xf32>
      %swap3A_107 = arith.constant 32 : index
      %swap3A_108 = tpu.vector_load %arg15[%swap3A_107] {strides = array<i32>} : memref<128xf32, #tpu.memory_space<vmem>>, vector<16xf32>,
      tpu.vector_store %arg15[%swap3A_107], %exp3A_106 {strides = array<i32>} : memref<128xf32, #tpu.memory_space<vmem>>, vector<16xf32>,
      %get3A_109 = arith.index_cast %scan3A_56 : i32 to index
      %get3A_110 = arith.constant 48 : index
      %get3A_111 = tpu.vector_load %arg13[%get3A_109, %get3A_110] {strides = array<i32>} : memref<81x128xi32, #tpu.memory_space<vmem>>, vector<16xi32>,
      %get3A_112 = arith.index_cast %scan3A_56 : i32 to index
      %get3A_113 = arith.constant 48 : index
      %get3A_114 = tpu.vector_load %arg14[%get3A_112, %get3A_113] {strides = array<i32>} : memref<81x128xi32, #tpu.memory_space<vmem>>, vector<16xi32>,
      %gather3A_115 = tpu.vector_load_idx %arg10[%get3A_111] : memref<10240xf32, #tpu.memory_space<vmem>>[vector<16xi32>], vector<16xf32>,
      %gather3A_116 = tpu.vector_load_idx %arg11[%get3A_114] : memref<10240xf32, #tpu.memory_space<vmem>>[vector<16xi32>], vector<16xf32>,
      %add3A_117 = arith.addf %gather3A_115, %gather3A_116 : vector<16xf32>
      %mul3A_118 = arith.constant 2.000000e-01 : f32
      %mul3A_119 = vector.broadcast %mul3A_118 : f32 to vector<16xf32>
      %mul3A_120 = arith.mulf %mul3A_119, %add3A_117 : vector<16xf32>
      %max3A_121 = arith.maximumf %add3A_117, %mul3A_120 : vector<16xf32>
      %sub3A_122 = arith.subf %max3A_121, %get3A_27 : vector<16xf32>
      %exp3A_123 = math.exp %sub3A_122 : vector<16xf32>
      %swap3A_124 = arith.constant 48 : index
      %swap3A_125 = tpu.vector_load %arg15[%swap3A_124] {strides = array<i32>} : memref<128xf32, #tpu.memory_space<vmem>>, vector<16xf32>,
      tpu.vector_store %arg15[%swap3A_124], %exp3A_123 {strides = array<i32>} : memref<128xf32, #tpu.memory_space<vmem>>, vector<16xf32>,
      %get3A_126 = arith.index_cast %scan3A_56 : i32 to index
      %get3A_127 = arith.constant 64 : index
      %get3A_128 = tpu.vector_load %arg13[%get3A_126, %get3A_127] {strides = array<i32>} : memref<81x128xi32, #tpu.memory_space<vmem>>, vector<16xi32>,
      %get3A_129 = arith.index_cast %scan3A_56 : i32 to index
      %get3A_130 = arith.constant 64 : index
      %get3A_131 = tpu.vector_load %arg14[%get3A_129, %get3A_130] {strides = array<i32>} : memref<81x128xi32, #tpu.memory_space<vmem>>, vector<16xi32>,
      %gather3A_132 = tpu.vector_load_idx %arg10[%get3A_128] : memref<10240xf32, #tpu.memory_space<vmem>>[vector<16xi32>], vector<16xf32>,
      %gather3A_133 = tpu.vector_load_idx %arg11[%get3A_131] : memref<10240xf32, #tpu.memory_space<vmem>>[vector<16xi32>], vector<16xf32>,
      %add3A_134 = arith.addf %gather3A_132, %gather3A_133 : vector<16xf32>
      %mul3A_135 = arith.constant 2.000000e-01 : f32
      %mul3A_136 = vector.broadcast %mul3A_135 : f32 to vector<16xf32>
      %mul3A_137 = arith.mulf %mul3A_136, %add3A_134 : vector<16xf32>
      %max3A_138 = arith.maximumf %add3A_134, %mul3A_137 : vector<16xf32>
      %sub3A_139 = arith.subf %max3A_138, %get3A_27 : vector<16xf32>
      %exp3A_140 = math.exp %sub3A_139 : vector<16xf32>
      %swap3A_141 = arith.constant 64 : index
      %swap3A_142 = tpu.vector_load %arg15[%swap3A_141] {strides = array<i32>} : memref<128xf32, #tpu.memory_space<vmem>>, vector<16xf32>,
      tpu.vector_store %arg15[%swap3A_141], %exp3A_140 {strides = array<i32>} : memref<128xf32, #tpu.memory_space<vmem>>, vector<16xf32>,
      %get3A_143 = arith.index_cast %scan3A_56 : i32 to index
      %get3A_144 = arith.constant 80 : index
      %get3A_145 = tpu.vector_load %arg13[%get3A_143, %get3A_144] {strides = array<i32>} : memref<81x128xi32, #tpu.memory_space<vmem>>, vector<16xi32>,
      %get3A_146 = arith.index_cast %scan3A_56 : i32 to index
      %get3A_147 = arith.constant 80 : index
      %get3A_148 = tpu.vector_load %arg14[%get3A_146, %get3A_147] {strides = array<i32>} : memref<81x128xi32, #tpu.memory_space<vmem>>, vector<16xi32>,
      %gather3A_149 = tpu.vector_load_idx %arg10[%get3A_145] : memref<10240xf32, #tpu.memory_space<vmem>>[vector<16xi32>], vector<16xf32>,
      %gather3A_150 = tpu.vector_load_idx %arg11[%get3A_148] : memref<10240xf32, #tpu.memory_space<vmem>>[vector<16xi32>], vector<16xf32>,
      %add3A_151 = arith.addf %gather3A_149, %gather3A_150 : vector<16xf32>
      %mul3A_152 = arith.constant 2.000000e-01 : f32
      %mul3A_153 = vector.broadcast %mul3A_152 : f32 to vector<16xf32>
      %mul3A_154 = arith.mulf %mul3A_153, %add3A_151 : vector<16xf32>
      %max3A_155 = arith.maximumf %add3A_151, %mul3A_154 : vector<16xf32>
      %sub3A_156 = arith.subf %max3A_155, %get3A_27 : vector<16xf32>
      %exp3A_157 = math.exp %sub3A_156 : vector<16xf32>
      %swap3A_158 = arith.constant 80 : index
      %swap3A_159 = tpu.vector_load %arg15[%swap3A_158] {strides = array<i32>} : memref<128xf32, #tpu.memory_space<vmem>>, vector<16xf32>,
      tpu.vector_store %arg15[%swap3A_158], %exp3A_157 {strides = array<i32>} : memref<128xf32, #tpu.memory_space<vmem>>, vector<16xf32>,
      %get3A_160 = arith.index_cast %scan3A_56 : i32 to index
      %get3A_161 = arith.constant 96 : index
      %get3A_162 = tpu.vector_load %arg13[%get3A_160, %get3A_161] {strides = array<i32>} : memref<81x128xi32, #tpu.memory_space<vmem>>, vector<16xi32>,
      %get3A_163 = arith.index_cast %scan3A_56 : i32 to index
      %get3A_164 = arith.constant 96 : index
      %get3A_165 = tpu.vector_load %arg14[%get3A_163, %get3A_164] {strides = array<i32>} : memref<81x128xi32, #tpu.memory_space<vmem>>, vector<16xi32>,
      %gather3A_166 = tpu.vector_load_idx %arg10[%get3A_162] : memref<10240xf32, #tpu.memory_space<vmem>>[vector<16xi32>], vector<16xf32>,
      %gather3A_167 = tpu.vector_load_idx %arg11[%get3A_165] : memref<10240xf32, #tpu.memory_space<vmem>>[vector<16xi32>], vector<16xf32>,
      %add3A_168 = arith.addf %gather3A_166, %gather3A_167 : vector<16xf32>
      %mul3A_169 = arith.constant 2.000000e-01 : f32
      %mul3A_170 = vector.broadcast %mul3A_169 : f32 to vector<16xf32>
      %mul3A_171 = arith.mulf %mul3A_170, %add3A_168 : vector<16xf32>
      %max3A_172 = arith.maximumf %add3A_168, %mul3A_171 : vector<16xf32>
      %sub3A_173 = arith.subf %max3A_172, %get3A_27 : vector<16xf32>
      %exp3A_174 = math.exp %sub3A_173 : vector<16xf32>
      %swap3A_175 = arith.constant 96 : index
      %swap3A_176 = tpu.vector_load %arg15[%swap3A_175] {strides = array<i32>} : memref<128xf32, #tpu.memory_space<vmem>>, vector<16xf32>,
      tpu.vector_store %arg15[%swap3A_175], %exp3A_174 {strides = array<i32>} : memref<128xf32, #tpu.memory_space<vmem>>, vector<16xf32>,
      %get3A_177 = arith.index_cast %scan3A_56 : i32 to index
      %get3A_178 = arith.constant 112 : index
      %get3A_179 = tpu.vector_load %arg13[%get3A_177, %get3A_178] {strides = array<i32>} : memref<81x128xi32, #tpu.memory_space<vmem>>, vector<16xi32>,
      %get3A_180 = arith.index_cast %scan3A_56 : i32 to index
      %get3A_181 = arith.constant 112 : index
      %get3A_182 = tpu.vector_load %arg14[%get3A_180, %get3A_181] {strides = array<i32>} : memref<81x128xi32, #tpu.memory_space<vmem>>, vector<16xi32>,
      %gather3A_183 = tpu.vector_load_idx %arg10[%get3A_179] : memref<10240xf32, #tpu.memory_space<vmem>>[vector<16xi32>], vector<16xf32>,
      %gather3A_184 = tpu.vector_load_idx %arg11[%get3A_182] : memref<10240xf32, #tpu.memory_space<vmem>>[vector<16xi32>], vector<16xf32>,
      %add3A_185 = arith.addf %gather3A_183, %gather3A_184 : vector<16xf32>
      %mul3A_186 = arith.constant 2.000000e-01 : f32
      %mul3A_187 = vector.broadcast %mul3A_186 : f32 to vector<16xf32>
      %mul3A_188 = arith.mulf %mul3A_187, %add3A_185 : vector<16xf32>
      %max3A_189 = arith.maximumf %add3A_185, %mul3A_188 : vector<16xf32>
      %sub3A_190 = arith.subf %max3A_189, %get3A_27 : vector<16xf32>
      %exp3A_191 = math.exp %sub3A_190 : vector<16xf32>
      %swap3A_192 = arith.constant 112 : index
      %swap3A_193 = tpu.vector_load %arg15[%swap3A_192] {strides = array<i32>} : memref<128xf32, #tpu.memory_space<vmem>>, vector<16xf32>,
      tpu.vector_store %arg15[%swap3A_192], %exp3A_191 {strides = array<i32>} : memref<128xf32, #tpu.memory_space<vmem>>, vector<16xf32>,
      %dma_wait3A = arith.constant 0 : i32
      %dma_wait3A_194 = tpu.memref_slice %arg13[%scan3A_56, %dma_wait3A] : memref<81x128xi32, #tpu.memory_space<vmem>> -> memref<1x128xi32, #tpu.memory_space<vmem>>
      %dma_wait3A_195 = tpu.memref_squeeze %dma_wait3A_194 : memref<1x128xi32, #tpu.memory_space<vmem>> -> memref<128xi32, #tpu.memory_space<vmem>>
      %dma_wait3A_196 = arith.constant 0 : i32
      %dma_wait3A_197 = arith.constant 0 : i32
      %dma_wait3A_198 = tpu.memref_slice %arg5[%dma_wait3A_196, %dma_wait3A_197] : memref<10240x32xf32, #tpu.memory_space<hbm>> -> memref<10240x32xf32, #tpu.memory_space<hbm>>
      tpu.wait_indirect_dma semaphore(%arg20 : memref<!tpu.dma_semaphore, #tpu.memory_space<semaphore_mem>>) src(%dma_wait3A_198 : memref<10240x32xf32, #tpu.memory_space<hbm>>) dst(%arg16 : memref<128x32xf32, #tpu.memory_space<vmem>>)
      %scan3A_199 = arith.constant 0 : i32
      %scan3A_200 = arith.constant 0 : i32
      %scan3A_201 = arith.constant 32 : i32
      %scan3A_202 = arith.addi %scan3A_200, %scan3A_201 : i32
      %scan3A_203 = arith.constant 1 : i32
      %scan3A_204 = scf.for %scan3A_207 = %scan3A_200 to %scan3A_202 step %scan3A_203 iter_args(%scan3A_208 = %scan3A_199) -> (i32)  : i32 {
        %mul3A_209 = arith.constant 4 : i32
        %mul3A_210 = arith.muli %scan3A_207, %mul3A_209 : i32
        %add3A_211 = arith.constant 0 : i32
        %add3A_212 = arith.addi %mul3A_210, %add3A_211 : i32
        %broadcast_in_dim3A_213 = vector.broadcast %add3A_212 : i32 to vector<16xi32>
        %gather3A_214 = tpu.vector_load_idx %arg15[%broadcast_in_dim3A_213] : memref<128xf32, #tpu.memory_space<vmem>>[vector<16xi32>], vector<16xf32>,
        %add3A_215 = arith.constant 0 : i32
        %add3A_216 = arith.addi %mul3A_210, %add3A_215 : i32
        %get3A_217 = arith.index_cast %add3A_216 : i32 to index
        %get3A_218 = arith.constant 0 : index
        %get3A_219 = tpu.vector_load %arg16[%get3A_217, %get3A_218] {strides = array<i32>} : memref<128x32xf32, #tpu.memory_space<vmem>>, vector<16xf32>,
        %mul3A_220 = arith.mulf %get3A_219, %gather3A_214 : vector<16xf32>
        %add3A_221 = arith.constant 0 : i32
        %add3A_222 = arith.addi %mul3A_210, %add3A_221 : i32
        %swap3A_223 = arith.index_cast %add3A_222 : i32 to index
        %swap3A_224 = arith.constant 0 : index
        %swap3A_225 = tpu.vector_load %arg16[%swap3A_223, %swap3A_224] {strides = array<i32>} : memref<128x32xf32, #tpu.memory_space<vmem>>, vector<16xf32>,
        tpu.vector_store %arg16[%swap3A_223, %swap3A_224], %mul3A_220 {strides = array<i32>} : memref<128x32xf32, #tpu.memory_space<vmem>>, vector<16xf32>,
        %add3A_226 = arith.constant 0 : i32
        %add3A_227 = arith.addi %mul3A_210, %add3A_226 : i32
        %get3A_228 = arith.index_cast %add3A_227 : i32 to index
        %get3A_229 = arith.constant 16 : index
        %get3A_230 = tpu.vector_load %arg16[%get3A_228, %get3A_229] {strides = array<i32>} : memref<128x32xf32, #tpu.memory_space<vmem>>, vector<16xf32>,
        %mul3A_231 = arith.mulf %get3A_230, %gather3A_214 : vector<16xf32>
        %add3A_232 = arith.constant 0 : i32
        %add3A_233 = arith.addi %mul3A_210, %add3A_232 : i32
        %swap3A_234 = arith.index_cast %add3A_233 : i32 to index
        %swap3A_235 = arith.constant 16 : index
        %swap3A_236 = tpu.vector_load %arg16[%swap3A_234, %swap3A_235] {strides = array<i32>} : memref<128x32xf32, #tpu.memory_space<vmem>>, vector<16xf32>,
        tpu.vector_store %arg16[%swap3A_234, %swap3A_235], %mul3A_231 {strides = array<i32>} : memref<128x32xf32, #tpu.memory_space<vmem>>, vector<16xf32>,
        %add3A_237 = arith.constant 1 : i32
        %add3A_238 = arith.addi %mul3A_210, %add3A_237 : i32
        %broadcast_in_dim3A_239 = vector.broadcast %add3A_238 : i32 to vector<16xi32>
        %gather3A_240 = tpu.vector_load_idx %arg15[%broadcast_in_dim3A_239] : memref<128xf32, #tpu.memory_space<vmem>>[vector<16xi32>], vector<16xf32>,
        %add3A_241 = arith.constant 1 : i32
        %add3A_242 = arith.addi %mul3A_210, %add3A_241 : i32
        %get3A_243 = arith.index_cast %add3A_242 : i32 to index
        %get3A_244 = arith.constant 0 : index
        %get3A_245 = tpu.vector_load %arg16[%get3A_243, %get3A_244] {strides = array<i32>} : memref<128x32xf32, #tpu.memory_space<vmem>>, vector<16xf32>,
        %mul3A_246 = arith.mulf %get3A_245, %gather3A_240 : vector<16xf32>
        %add3A_247 = arith.constant 1 : i32
        %add3A_248 = arith.addi %mul3A_210, %add3A_247 : i32
        %swap3A_249 = arith.index_cast %add3A_248 : i32 to index
        %swap3A_250 = arith.constant 0 : index
        %swap3A_251 = tpu.vector_load %arg16[%swap3A_249, %swap3A_250] {strides = array<i32>} : memref<128x32xf32, #tpu.memory_space<vmem>>, vector<16xf32>,
        tpu.vector_store %arg16[%swap3A_249, %swap3A_250], %mul3A_246 {strides = array<i32>} : memref<128x32xf32, #tpu.memory_space<vmem>>, vector<16xf32>,
        %add3A_252 = arith.constant 1 : i32
        %add3A_253 = arith.addi %mul3A_210, %add3A_252 : i32
        %get3A_254 = arith.index_cast %add3A_253 : i32 to index
        %get3A_255 = arith.constant 16 : index
        %get3A_256 = tpu.vector_load %arg16[%get3A_254, %get3A_255] {strides = array<i32>} : memref<128x32xf32, #tpu.memory_space<vmem>>, vector<16xf32>,
        %mul3A_257 = arith.mulf %get3A_256, %gather3A_240 : vector<16xf32>
        %add3A_258 = arith.constant 1 : i32
        %add3A_259 = arith.addi %mul3A_210, %add3A_258 : i32
        %swap3A_260 = arith.index_cast %add3A_259 : i32 to index
        %swap3A_261 = arith.constant 16 : index
        %swap3A_262 = tpu.vector_load %arg16[%swap3A_260, %swap3A_261] {strides = array<i32>} : memref<128x32xf32, #tpu.memory_space<vmem>>, vector<16xf32>,
        tpu.vector_store %arg16[%swap3A_260, %swap3A_261], %mul3A_257 {strides = array<i32>} : memref<128x32xf32, #tpu.memory_space<vmem>>, vector<16xf32>,
        %add3A_263 = arith.constant 2 : i32
        %add3A_264 = arith.addi %mul3A_210, %add3A_263 : i32
        %broadcast_in_dim3A_265 = vector.broadcast %add3A_264 : i32 to vector<16xi32>
        %gather3A_266 = tpu.vector_load_idx %arg15[%broadcast_in_dim3A_265] : memref<128xf32, #tpu.memory_space<vmem>>[vector<16xi32>], vector<16xf32>,
        %add3A_267 = arith.constant 2 : i32
        %add3A_268 = arith.addi %mul3A_210, %add3A_267 : i32
        %get3A_269 = arith.index_cast %add3A_268 : i32 to index
        %get3A_270 = arith.constant 0 : index
        %get3A_271 = tpu.vector_load %arg16[%get3A_269, %get3A_270] {strides = array<i32>} : memref<128x32xf32, #tpu.memory_space<vmem>>, vector<16xf32>,
        %mul3A_272 = arith.mulf %get3A_271, %gather3A_266 : vector<16xf32>
        %add3A_273 = arith.constant 2 : i32
        %add3A_274 = arith.addi %mul3A_210, %add3A_273 : i32
        %swap3A_275 = arith.index_cast %add3A_274 : i32 to index
        %swap3A_276 = arith.constant 0 : index
        %swap3A_277 = tpu.vector_load %arg16[%swap3A_275, %swap3A_276] {strides = array<i32>} : memref<128x32xf32, #tpu.memory_space<vmem>>, vector<16xf32>,
        tpu.vector_store %arg16[%swap3A_275, %swap3A_276], %mul3A_272 {strides = array<i32>} : memref<128x32xf32, #tpu.memory_space<vmem>>, vector<16xf32>,
        %add3A_278 = arith.constant 2 : i32
        %add3A_279 = arith.addi %mul3A_210, %add3A_278 : i32
        %get3A_280 = arith.index_cast %add3A_279 : i32 to index
        %get3A_281 = arith.constant 16 : index
        %get3A_282 = tpu.vector_load %arg16[%get3A_280, %get3A_281] {strides = array<i32>} : memref<128x32xf32, #tpu.memory_space<vmem>>, vector<16xf32>,
        %mul3A_283 = arith.mulf %get3A_282, %gather3A_266 : vector<16xf32>
        %add3A_284 = arith.constant 2 : i32
        %add3A_285 = arith.addi %mul3A_210, %add3A_284 : i32
        %swap3A_286 = arith.index_cast %add3A_285 : i32 to index
        %swap3A_287 = arith.constant 16 : index
        %swap3A_288 = tpu.vector_load %arg16[%swap3A_286, %swap3A_287] {strides = array<i32>} : memref<128x32xf32, #tpu.memory_space<vmem>>, vector<16xf32>,
        tpu.vector_store %arg16[%swap3A_286, %swap3A_287], %mul3A_283 {strides = array<i32>} : memref<128x32xf32, #tpu.memory_space<vmem>>, vector<16xf32>,
        %add3A_289 = arith.constant 3 : i32
        %add3A_290 = arith.addi %mul3A_210, %add3A_289 : i32
        %broadcast_in_dim3A_291 = vector.broadcast %add3A_290 : i32 to vector<16xi32>
        %gather3A_292 = tpu.vector_load_idx %arg15[%broadcast_in_dim3A_291] : memref<128xf32, #tpu.memory_space<vmem>>[vector<16xi32>], vector<16xf32>,
        %add3A_293 = arith.constant 3 : i32
        %add3A_294 = arith.addi %mul3A_210, %add3A_293 : i32
        %get3A_295 = arith.index_cast %add3A_294 : i32 to index
        %get3A_296 = arith.constant 0 : index
        %get3A_297 = tpu.vector_load %arg16[%get3A_295, %get3A_296] {strides = array<i32>} : memref<128x32xf32, #tpu.memory_space<vmem>>, vector<16xf32>,
        %mul3A_298 = arith.mulf %get3A_297, %gather3A_292 : vector<16xf32>
        %add3A_299 = arith.constant 3 : i32
        %add3A_300 = arith.addi %mul3A_210, %add3A_299 : i32
        %swap3A_301 = arith.index_cast %add3A_300 : i32 to index
        %swap3A_302 = arith.constant 0 : index
        %swap3A_303 = tpu.vector_load %arg16[%swap3A_301, %swap3A_302] {strides = array<i32>} : memref<128x32xf32, #tpu.memory_space<vmem>>, vector<16xf32>,
        tpu.vector_store %arg16[%swap3A_301, %swap3A_302], %mul3A_298 {strides = array<i32>} : memref<128x32xf32, #tpu.memory_space<vmem>>, vector<16xf32>,
        %add3A_304 = arith.constant 3 : i32
        %add3A_305 = arith.addi %mul3A_210, %add3A_304 : i32
        %get3A_306 = arith.index_cast %add3A_305 : i32 to index
        %get3A_307 = arith.constant 16 : index
        %get3A_308 = tpu.vector_load %arg16[%get3A_306, %get3A_307] {strides = array<i32>} : memref<128x32xf32, #tpu.memory_space<vmem>>, vector<16xf32>,
        %mul3A_309 = arith.mulf %get3A_308, %gather3A_292 : vector<16xf32>
        %add3A_310 = arith.constant 3 : i32
        %add3A_311 = arith.addi %mul3A_210, %add3A_310 : i32
        %swap3A_312 = arith.index_cast %add3A_311 : i32 to index
        %swap3A_313 = arith.constant 16 : index
        %swap3A_314 = tpu.vector_load %arg16[%swap3A_312, %swap3A_313] {strides = array<i32>} : memref<128x32xf32, #tpu.memory_space<vmem>>, vector<16xf32>,
        tpu.vector_store %arg16[%swap3A_312, %swap3A_313], %mul3A_309 {strides = array<i32>} : memref<128x32xf32, #tpu.memory_space<vmem>>, vector<16xf32>,
        %scan3A_315 = arith.constant 0 : i32
        scf.yield %scan3A_315 : i32
      }
      %scan3A_205 = arith.constant 32 : i32
      "tpu.region"() ({
        %run_scoped3A = tpu.sem_alloc : memref<!tpu.dma_semaphore, #tpu.memory_space<semaphore_mem>>
        %dma_start3A_207 = arith.constant 0 : i32
        %dma_start3A_208 = tpu.memref_slice %arg14[%scan3A_56, %dma_start3A_207] : memref<81x128xi32, #tpu.memory_space<vmem>> -> memref<1x128xi32, #tpu.memory_space<vmem>>
        %dma_start3A_209 = tpu.memref_squeeze %dma_start3A_208 : memref<1x128xi32, #tpu.memory_space<vmem>> -> memref<128xi32, #tpu.memory_space<vmem>>
        %dma_start3A_210 = arith.constant 0 : i32
        %dma_start3A_211 = tpu.memref_slice %arg19[%dma_start3A_210] : memref<10240xf32, #tpu.memory_space<vmem_shared>> -> memref<10240xf32, #tpu.memory_space<vmem_shared>>
        tpu.enqueue_indirect_dma source(%arg15 : memref<128xf32, #tpu.memory_space<vmem>>) target(%dma_start3A_211 : memref<10240xf32, #tpu.memory_space<vmem_shared>>) offsets(%dma_start3A_209 : memref<128xi32, #tpu.memory_space<vmem>>) semaphore(%run_scoped3A : memref<!tpu.dma_semaphore, #tpu.memory_space<semaphore_mem>>) {add = true}
        %dma_wait3A_212 = arith.constant 0 : i32
        %dma_wait3A_213 = tpu.memref_slice %arg14[%scan3A_56, %dma_wait3A_212] : memref<81x128xi32, #tpu.memory_space<vmem>> -> memref<1x128xi32, #tpu.memory_space<vmem>>
        %dma_wait3A_214 = tpu.memref_squeeze %dma_wait3A_213 : memref<1x128xi32, #tpu.memory_space<vmem>> -> memref<128xi32, #tpu.memory_space<vmem>>
        %dma_wait3A_215 = arith.constant 0 : i32
        %dma_wait3A_216 = tpu.memref_slice %arg19[%dma_wait3A_215] : memref<10240xf32, #tpu.memory_space<vmem_shared>> -> memref<10240xf32, #tpu.memory_space<vmem_shared>>
        tpu.wait_indirect_dma semaphore(%run_scoped3A : memref<!tpu.dma_semaphore, #tpu.memory_space<semaphore_mem>>) src(%arg15 : memref<128xf32, #tpu.memory_space<vmem>>) dst(%dma_wait3A_216 : memref<10240xf32, #tpu.memory_space<vmem_shared>>)
        tpu.yield
      }) : () -> ()
      "tpu.region"() ({
        %run_scoped3A = tpu.sem_alloc : memref<!tpu.dma_semaphore, #tpu.memory_space<semaphore_mem>>
        %dma_start3A_207 = arith.constant 0 : i32
        %dma_start3A_208 = tpu.memref_slice %arg14[%scan3A_56, %dma_start3A_207] : memref<81x128xi32, #tpu.memory_space<vmem>> -> memref<1x128xi32, #tpu.memory_space<vmem>>
        %dma_start3A_209 = tpu.memref_squeeze %dma_start3A_208 : memref<1x128xi32, #tpu.memory_space<vmem>> -> memref<128xi32, #tpu.memory_space<vmem>>
        %dma_start3A_210 = arith.constant 0 : i32
        %dma_start3A_211 = arith.constant 0 : i32
        %dma_start3A_212 = tpu.memref_slice %arg18[%dma_start3A_210, %dma_start3A_211] : memref<10240x32xf32, #tpu.memory_space<vmem_shared>> -> memref<10240x32xf32, #tpu.memory_space<vmem_shared>>
        tpu.enqueue_indirect_dma source(%arg16 : memref<128x32xf32, #tpu.memory_space<vmem>>) target(%dma_start3A_212 : memref<10240x32xf32, #tpu.memory_space<vmem_shared>>) offsets(%dma_start3A_209 : memref<128xi32, #tpu.memory_space<vmem>>) semaphore(%run_scoped3A : memref<!tpu.dma_semaphore, #tpu.memory_space<semaphore_mem>>) {add = true}
        %dma_wait3A_213 = arith.constant 0 : i32
        %dma_wait3A_214 = tpu.memref_slice %arg14[%scan3A_56, %dma_wait3A_213] : memref<81x128xi32, #tpu.memory_space<vmem>> -> memref<1x128xi32, #tpu.memory_space<vmem>>
        %dma_wait3A_215 = tpu.memref_squeeze %dma_wait3A_214 : memref<1x128xi32, #tpu.memory_space<vmem>> -> memref<128xi32, #tpu.memory_space<vmem>>
        %dma_wait3A_216 = arith.constant 0 : i32
        %dma_wait3A_217 = arith.constant 0 : i32
        %dma_wait3A_218 = tpu.memref_slice %arg18[%dma_wait3A_216, %dma_wait3A_217] : memref<10240x32xf32, #tpu.memory_space<vmem_shared>> -> memref<10240x32xf32, #tpu.memory_space<vmem_shared>>
        tpu.wait_indirect_dma semaphore(%run_scoped3A : memref<!tpu.dma_semaphore, #tpu.memory_space<semaphore_mem>>) src(%arg16 : memref<128x32xf32, #tpu.memory_space<vmem>>) dst(%dma_wait3A_218 : memref<10240x32xf32, #tpu.memory_space<vmem_shared>>)
        tpu.yield
      }) : () -> ()
      %scan3A_206 = arith.constant 0 : i32
      scf.yield %scan3A_206 : i32
    }
    %scan3A_34 = arith.constant 81 : i32
    %barrier3A_35 = arith.constant 0 : index
    tpu.barrier barrier_id(%barrier3A_35)
    "tpu.region"() ({
      %run_scoped3A = tpu.sem_alloc : memref<!tpu.dma_semaphore, #tpu.memory_space<semaphore_mem>>
      %dma_start3A = tpu.memref_slice %arg19[%mul3A_16] : memref<10240xf32, #tpu.memory_space<vmem_shared>> -> memref<640xf32, #tpu.memory_space<vmem_shared>>
      %dma_start3A_56 = tpu.memref_slice %arg19[%mul3A_16] : memref<10240xf32, #tpu.memory_space<vmem_shared>> -> memref<640xf32, #tpu.memory_space<vmem_shared>>
      tpu.enqueue_dma source(%dma_start3A_56 : memref<640xf32, #tpu.memory_space<vmem_shared>>) target(%arg17 : memref<640xf32, #tpu.memory_space<vmem>>) target_semaphore(%run_scoped3A : memref<!tpu.dma_semaphore, #tpu.memory_space<semaphore_mem>>)
      %dma_wait3A = tpu.memref_slice %arg19[%mul3A_16] : memref<10240xf32, #tpu.memory_space<vmem_shared>> -> memref<640xf32, #tpu.memory_space<vmem_shared>>
      %dma_wait3A_57 = tpu.memref_slice %arg19[%mul3A_16] : memref<10240xf32, #tpu.memory_space<vmem_shared>> -> memref<640xf32, #tpu.memory_space<vmem_shared>>
      tpu.wait_dma2 semaphore(%run_scoped3A : memref<!tpu.dma_semaphore, #tpu.memory_space<semaphore_mem>>) src(%dma_wait3A_57 : memref<640xf32, #tpu.memory_space<vmem_shared>>) dst(%arg17 : memref<640xf32, #tpu.memory_space<vmem>>)
      tpu.yield
    }) : () -> ()
    "tpu.region"() ({
      %run_scoped3A = tpu.sem_alloc : memref<!tpu.dma_semaphore, #tpu.memory_space<semaphore_mem>>
      %dma_start3A = tpu.memref_slice %arg9[%arg0, %mul3A_16] : memref<2x10240xf32, #tpu.memory_space<hbm>> -> memref<1x640xf32, #tpu.memory_space<hbm>>
      %dma_start3A_56 = tpu.memref_squeeze %dma_start3A : memref<1x640xf32, #tpu.memory_space<hbm>> -> memref<640xf32, #tpu.memory_space<hbm>>
      %dma_start3A_57 = tpu.memref_slice %arg9[%arg0, %mul3A_16] : memref<2x10240xf32, #tpu.memory_space<hbm>> -> memref<1x640xf32, #tpu.memory_space<hbm>>
      %dma_start3A_58 = tpu.memref_squeeze %dma_start3A_57 : memref<1x640xf32, #tpu.memory_space<hbm>> -> memref<640xf32, #tpu.memory_space<hbm>>
      tpu.enqueue_dma source(%arg17 : memref<640xf32, #tpu.memory_space<vmem>>) target(%dma_start3A_58 : memref<640xf32, #tpu.memory_space<hbm>>) target_semaphore(%run_scoped3A : memref<!tpu.dma_semaphore, #tpu.memory_space<semaphore_mem>>)
      %dma_wait3A = tpu.memref_slice %arg9[%arg0, %mul3A_16] : memref<2x10240xf32, #tpu.memory_space<hbm>> -> memref<1x640xf32, #tpu.memory_space<hbm>>
      %dma_wait3A_59 = tpu.memref_squeeze %dma_wait3A : memref<1x640xf32, #tpu.memory_space<hbm>> -> memref<640xf32, #tpu.memory_space<hbm>>
      %dma_wait3A_60 = tpu.memref_slice %arg9[%arg0, %mul3A_16] : memref<2x10240xf32, #tpu.memory_space<hbm>> -> memref<1x640xf32, #tpu.memory_space<hbm>>
      %dma_wait3A_61 = tpu.memref_squeeze %dma_wait3A_60 : memref<1x640xf32, #tpu.memory_space<hbm>> -> memref<640xf32, #tpu.memory_space<hbm>>
      tpu.wait_dma2 semaphore(%run_scoped3A : memref<!tpu.dma_semaphore, #tpu.memory_space<semaphore_mem>>) src(%arg17 : memref<640xf32, #tpu.memory_space<vmem>>) dst(%dma_wait3A_61 : memref<640xf32, #tpu.memory_space<hbm>>)
      tpu.yield
    }) : () -> ()
    %add3A_36 = arith.constant 0 : i32
    %add3A_37 = arith.addi %mul3A_16, %add3A_36 : i32
    "tpu.region"() ({
      %run_scoped3A = tpu.sem_alloc : memref<!tpu.dma_semaphore, #tpu.memory_space<semaphore_mem>>
      %dma_start3A = arith.constant 0 : i32
      %dma_start3A_56 = tpu.memref_slice %arg18[%add3A_37, %dma_start3A] : memref<10240x32xf32, #tpu.memory_space<vmem_shared>> -> memref<128x32xf32, #tpu.memory_space<vmem_shared>>
      %dma_start3A_57 = arith.constant 0 : i32
      %dma_start3A_58 = tpu.memref_slice %arg18[%add3A_37, %dma_start3A_57] : memref<10240x32xf32, #tpu.memory_space<vmem_shared>> -> memref<128x32xf32, #tpu.memory_space<vmem_shared>>
      tpu.enqueue_dma source(%dma_start3A_58 : memref<128x32xf32, #tpu.memory_space<vmem_shared>>) target(%arg16 : memref<128x32xf32, #tpu.memory_space<vmem>>) target_semaphore(%run_scoped3A : memref<!tpu.dma_semaphore, #tpu.memory_space<semaphore_mem>>)
      %dma_wait3A = arith.constant 0 : i32
      %dma_wait3A_59 = tpu.memref_slice %arg18[%add3A_37, %dma_wait3A] : memref<10240x32xf32, #tpu.memory_space<vmem_shared>> -> memref<128x32xf32, #tpu.memory_space<vmem_shared>>
      %dma_wait3A_60 = arith.constant 0 : i32
      %dma_wait3A_61 = tpu.memref_slice %arg18[%add3A_37, %dma_wait3A_60] : memref<10240x32xf32, #tpu.memory_space<vmem_shared>> -> memref<128x32xf32, #tpu.memory_space<vmem_shared>>
      tpu.wait_dma2 semaphore(%run_scoped3A : memref<!tpu.dma_semaphore, #tpu.memory_space<semaphore_mem>>) src(%dma_wait3A_61 : memref<128x32xf32, #tpu.memory_space<vmem_shared>>) dst(%arg16 : memref<128x32xf32, #tpu.memory_space<vmem>>)
      tpu.yield
    }) : () -> ()
    %add3A_38 = arith.constant 0 : i32
    %add3A_39 = arith.addi %mul3A_16, %add3A_38 : i32
    "tpu.region"() ({
      %run_scoped3A = tpu.sem_alloc : memref<!tpu.dma_semaphore, #tpu.memory_space<semaphore_mem>>
      %dma_start3A = arith.constant 0 : i32
      %dma_start3A_56 = tpu.memref_slice %arg8[%arg0, %add3A_39, %dma_start3A] : memref<2x10240x32xf32, #tpu.memory_space<hbm>> -> memref<1x128x32xf32, #tpu.memory_space<hbm>>
      %dma_start3A_57 = tpu.memref_squeeze %dma_start3A_56 : memref<1x128x32xf32, #tpu.memory_space<hbm>> -> memref<128x32xf32, #tpu.memory_space<hbm>>
      %dma_start3A_58 = arith.constant 0 : i32
      %dma_start3A_59 = tpu.memref_slice %arg8[%arg0, %add3A_39, %dma_start3A_58] : memref<2x10240x32xf32, #tpu.memory_space<hbm>> -> memref<1x128x32xf32, #tpu.memory_space<hbm>>
      %dma_start3A_60 = tpu.memref_squeeze %dma_start3A_59 : memref<1x128x32xf32, #tpu.memory_space<hbm>> -> memref<128x32xf32, #tpu.memory_space<hbm>>
      tpu.enqueue_dma source(%arg16 : memref<128x32xf32, #tpu.memory_space<vmem>>) target(%dma_start3A_60 : memref<128x32xf32, #tpu.memory_space<hbm>>) target_semaphore(%run_scoped3A : memref<!tpu.dma_semaphore, #tpu.memory_space<semaphore_mem>>)
      %dma_wait3A = arith.constant 0 : i32
      %dma_wait3A_61 = tpu.memref_slice %arg8[%arg0, %add3A_39, %dma_wait3A] : memref<2x10240x32xf32, #tpu.memory_space<hbm>> -> memref<1x128x32xf32, #tpu.memory_space<hbm>>
      %dma_wait3A_62 = tpu.memref_squeeze %dma_wait3A_61 : memref<1x128x32xf32, #tpu.memory_space<hbm>> -> memref<128x32xf32, #tpu.memory_space<hbm>>
      %dma_wait3A_63 = arith.constant 0 : i32
      %dma_wait3A_64 = tpu.memref_slice %arg8[%arg0, %add3A_39, %dma_wait3A_63] : memref<2x10240x32xf32, #tpu.memory_space<hbm>> -> memref<1x128x32xf32, #tpu.memory_space<hbm>>
      %dma_wait3A_65 = tpu.memref_squeeze %dma_wait3A_64 : memref<1x128x32xf32, #tpu.memory_space<hbm>> -> memref<128x32xf32, #tpu.memory_space<hbm>>
      tpu.wait_dma2 semaphore(%run_scoped3A : memref<!tpu.dma_semaphore, #tpu.memory_space<semaphore_mem>>) src(%arg16 : memref<128x32xf32, #tpu.memory_space<vmem>>) dst(%dma_wait3A_65 : memref<128x32xf32, #tpu.memory_space<hbm>>)
      tpu.yield
    }) : () -> ()
    %add3A_40 = arith.constant 128 : i32
    %add3A_41 = arith.addi %mul3A_16, %add3A_40 : i32
    "tpu.region"() ({
      %run_scoped3A = tpu.sem_alloc : memref<!tpu.dma_semaphore, #tpu.memory_space<semaphore_mem>>
      %dma_start3A = arith.constant 0 : i32
      %dma_start3A_56 = tpu.memref_slice %arg18[%add3A_41, %dma_start3A] : memref<10240x32xf32, #tpu.memory_space<vmem_shared>> -> memref<128x32xf32, #tpu.memory_space<vmem_shared>>
      %dma_start3A_57 = arith.constant 0 : i32
      %dma_start3A_58 = tpu.memref_slice %arg18[%add3A_41, %dma_start3A_57] : memref<10240x32xf32, #tpu.memory_space<vmem_shared>> -> memref<128x32xf32, #tpu.memory_space<vmem_shared>>
      tpu.enqueue_dma source(%dma_start3A_58 : memref<128x32xf32, #tpu.memory_space<vmem_shared>>) target(%arg16 : memref<128x32xf32, #tpu.memory_space<vmem>>) target_semaphore(%run_scoped3A : memref<!tpu.dma_semaphore, #tpu.memory_space<semaphore_mem>>)
      %dma_wait3A = arith.constant 0 : i32
      %dma_wait3A_59 = tpu.memref_slice %arg18[%add3A_41, %dma_wait3A] : memref<10240x32xf32, #tpu.memory_space<vmem_shared>> -> memref<128x32xf32, #tpu.memory_space<vmem_shared>>
      %dma_wait3A_60 = arith.constant 0 : i32
      %dma_wait3A_61 = tpu.memref_slice %arg18[%add3A_41, %dma_wait3A_60] : memref<10240x32xf32, #tpu.memory_space<vmem_shared>> -> memref<128x32xf32, #tpu.memory_space<vmem_shared>>
      tpu.wait_dma2 semaphore(%run_scoped3A : memref<!tpu.dma_semaphore, #tpu.memory_space<semaphore_mem>>) src(%dma_wait3A_61 : memref<128x32xf32, #tpu.memory_space<vmem_shared>>) dst(%arg16 : memref<128x32xf32, #tpu.memory_space<vmem>>)
      tpu.yield
    }) : () -> ()
    %add3A_42 = arith.constant 128 : i32
    %add3A_43 = arith.addi %mul3A_16, %add3A_42 : i32
    "tpu.region"() ({
      %run_scoped3A = tpu.sem_alloc : memref<!tpu.dma_semaphore, #tpu.memory_space<semaphore_mem>>
      %dma_start3A = arith.constant 0 : i32
      %dma_start3A_56 = tpu.memref_slice %arg8[%arg0, %add3A_43, %dma_start3A] : memref<2x10240x32xf32, #tpu.memory_space<hbm>> -> memref<1x128x32xf32, #tpu.memory_space<hbm>>
      %dma_start3A_57 = tpu.memref_squeeze %dma_start3A_56 : memref<1x128x32xf32, #tpu.memory_space<hbm>> -> memref<128x32xf32, #tpu.memory_space<hbm>>
      %dma_start3A_58 = arith.constant 0 : i32
      %dma_start3A_59 = tpu.memref_slice %arg8[%arg0, %add3A_43, %dma_start3A_58] : memref<2x10240x32xf32, #tpu.memory_space<hbm>> -> memref<1x128x32xf32, #tpu.memory_space<hbm>>
      %dma_start3A_60 = tpu.memref_squeeze %dma_start3A_59 : memref<1x128x32xf32, #tpu.memory_space<hbm>> -> memref<128x32xf32, #tpu.memory_space<hbm>>
      tpu.enqueue_dma source(%arg16 : memref<128x32xf32, #tpu.memory_space<vmem>>) target(%dma_start3A_60 : memref<128x32xf32, #tpu.memory_space<hbm>>) target_semaphore(%run_scoped3A : memref<!tpu.dma_semaphore, #tpu.memory_space<semaphore_mem>>)
      %dma_wait3A = arith.constant 0 : i32
      %dma_wait3A_61 = tpu.memref_slice %arg8[%arg0, %add3A_43, %dma_wait3A] : memref<2x10240x32xf32, #tpu.memory_space<hbm>> -> memref<1x128x32xf32, #tpu.memory_space<hbm>>
      %dma_wait3A_62 = tpu.memref_squeeze %dma_wait3A_61 : memref<1x128x32xf32, #tpu.memory_space<hbm>> -> memref<128x32xf32, #tpu.memory_space<hbm>>
      %dma_wait3A_63 = arith.constant 0 : i32
      %dma_wait3A_64 = tpu.memref_slice %arg8[%arg0, %add3A_43, %dma_wait3A_63] : memref<2x10240x32xf32, #tpu.memory_space<hbm>> -> memref<1x128x32xf32, #tpu.memory_space<hbm>>
      %dma_wait3A_65 = tpu.memref_squeeze %dma_wait3A_64 : memref<1x128x32xf32, #tpu.memory_space<hbm>> -> memref<128x32xf32, #tpu.memory_space<hbm>>
      tpu.wait_dma2 semaphore(%run_scoped3A : memref<!tpu.dma_semaphore, #tpu.memory_space<semaphore_mem>>) src(%arg16 : memref<128x32xf32, #tpu.memory_space<vmem>>) dst(%dma_wait3A_65 : memref<128x32xf32, #tpu.memory_space<hbm>>)
      tpu.yield
    }) : () -> ()
    %add3A_44 = arith.constant 256 : i32
    %add3A_45 = arith.addi %mul3A_16, %add3A_44 : i32
    "tpu.region"() ({
      %run_scoped3A = tpu.sem_alloc : memref<!tpu.dma_semaphore, #tpu.memory_space<semaphore_mem>>
      %dma_start3A = arith.constant 0 : i32
      %dma_start3A_56 = tpu.memref_slice %arg18[%add3A_45, %dma_start3A] : memref<10240x32xf32, #tpu.memory_space<vmem_shared>> -> memref<128x32xf32, #tpu.memory_space<vmem_shared>>
      %dma_start3A_57 = arith.constant 0 : i32
      %dma_start3A_58 = tpu.memref_slice %arg18[%add3A_45, %dma_start3A_57] : memref<10240x32xf32, #tpu.memory_space<vmem_shared>> -> memref<128x32xf32, #tpu.memory_space<vmem_shared>>
      tpu.enqueue_dma source(%dma_start3A_58 : memref<128x32xf32, #tpu.memory_space<vmem_shared>>) target(%arg16 : memref<128x32xf32, #tpu.memory_space<vmem>>) target_semaphore(%run_scoped3A : memref<!tpu.dma_semaphore, #tpu.memory_space<semaphore_mem>>)
      %dma_wait3A = arith.constant 0 : i32
      %dma_wait3A_59 = tpu.memref_slice %arg18[%add3A_45, %dma_wait3A] : memref<10240x32xf32, #tpu.memory_space<vmem_shared>> -> memref<128x32xf32, #tpu.memory_space<vmem_shared>>
      %dma_wait3A_60 = arith.constant 0 : i32
      %dma_wait3A_61 = tpu.memref_slice %arg18[%add3A_45, %dma_wait3A_60] : memref<10240x32xf32, #tpu.memory_space<vmem_shared>> -> memref<128x32xf32, #tpu.memory_space<vmem_shared>>
      tpu.wait_dma2 semaphore(%run_scoped3A : memref<!tpu.dma_semaphore, #tpu.memory_space<semaphore_mem>>) src(%dma_wait3A_61 : memref<128x32xf32, #tpu.memory_space<vmem_shared>>) dst(%arg16 : memref<128x32xf32, #tpu.memory_space<vmem>>)
      tpu.yield
    }) : () -> ()
    %add3A_46 = arith.constant 256 : i32
    %add3A_47 = arith.addi %mul3A_16, %add3A_46 : i32
    "tpu.region"() ({
      %run_scoped3A = tpu.sem_alloc : memref<!tpu.dma_semaphore, #tpu.memory_space<semaphore_mem>>
      %dma_start3A = arith.constant 0 : i32
      %dma_start3A_56 = tpu.memref_slice %arg8[%arg0, %add3A_47, %dma_start3A] : memref<2x10240x32xf32, #tpu.memory_space<hbm>> -> memref<1x128x32xf32, #tpu.memory_space<hbm>>
      %dma_start3A_57 = tpu.memref_squeeze %dma_start3A_56 : memref<1x128x32xf32, #tpu.memory_space<hbm>> -> memref<128x32xf32, #tpu.memory_space<hbm>>
      %dma_start3A_58 = arith.constant 0 : i32
      %dma_start3A_59 = tpu.memref_slice %arg8[%arg0, %add3A_47, %dma_start3A_58] : memref<2x10240x32xf32, #tpu.memory_space<hbm>> -> memref<1x128x32xf32, #tpu.memory_space<hbm>>
      %dma_start3A_60 = tpu.memref_squeeze %dma_start3A_59 : memref<1x128x32xf32, #tpu.memory_space<hbm>> -> memref<128x32xf32, #tpu.memory_space<hbm>>
      tpu.enqueue_dma source(%arg16 : memref<128x32xf32, #tpu.memory_space<vmem>>) target(%dma_start3A_60 : memref<128x32xf32, #tpu.memory_space<hbm>>) target_semaphore(%run_scoped3A : memref<!tpu.dma_semaphore, #tpu.memory_space<semaphore_mem>>)
      %dma_wait3A = arith.constant 0 : i32
      %dma_wait3A_61 = tpu.memref_slice %arg8[%arg0, %add3A_47, %dma_wait3A] : memref<2x10240x32xf32, #tpu.memory_space<hbm>> -> memref<1x128x32xf32, #tpu.memory_space<hbm>>
      %dma_wait3A_62 = tpu.memref_squeeze %dma_wait3A_61 : memref<1x128x32xf32, #tpu.memory_space<hbm>> -> memref<128x32xf32, #tpu.memory_space<hbm>>
      %dma_wait3A_63 = arith.constant 0 : i32
      %dma_wait3A_64 = tpu.memref_slice %arg8[%arg0, %add3A_47, %dma_wait3A_63] : memref<2x10240x32xf32, #tpu.memory_space<hbm>> -> memref<1x128x32xf32, #tpu.memory_space<hbm>>
      %dma_wait3A_65 = tpu.memref_squeeze %dma_wait3A_64 : memref<1x128x32xf32, #tpu.memory_space<hbm>> -> memref<128x32xf32, #tpu.memory_space<hbm>>
      tpu.wait_dma2 semaphore(%run_scoped3A : memref<!tpu.dma_semaphore, #tpu.memory_space<semaphore_mem>>) src(%arg16 : memref<128x32xf32, #tpu.memory_space<vmem>>) dst(%dma_wait3A_65 : memref<128x32xf32, #tpu.memory_space<hbm>>)
      tpu.yield
    }) : () -> ()
    %add3A_48 = arith.constant 384 : i32
    %add3A_49 = arith.addi %mul3A_16, %add3A_48 : i32
    "tpu.region"() ({
      %run_scoped3A = tpu.sem_alloc : memref<!tpu.dma_semaphore, #tpu.memory_space<semaphore_mem>>
      %dma_start3A = arith.constant 0 : i32
      %dma_start3A_56 = tpu.memref_slice %arg18[%add3A_49, %dma_start3A] : memref<10240x32xf32, #tpu.memory_space<vmem_shared>> -> memref<128x32xf32, #tpu.memory_space<vmem_shared>>
      %dma_start3A_57 = arith.constant 0 : i32
      %dma_start3A_58 = tpu.memref_slice %arg18[%add3A_49, %dma_start3A_57] : memref<10240x32xf32, #tpu.memory_space<vmem_shared>> -> memref<128x32xf32, #tpu.memory_space<vmem_shared>>
      tpu.enqueue_dma source(%dma_start3A_58 : memref<128x32xf32, #tpu.memory_space<vmem_shared>>) target(%arg16 : memref<128x32xf32, #tpu.memory_space<vmem>>) target_semaphore(%run_scoped3A : memref<!tpu.dma_semaphore, #tpu.memory_space<semaphore_mem>>)
      %dma_wait3A = arith.constant 0 : i32
      %dma_wait3A_59 = tpu.memref_slice %arg18[%add3A_49, %dma_wait3A] : memref<10240x32xf32, #tpu.memory_space<vmem_shared>> -> memref<128x32xf32, #tpu.memory_space<vmem_shared>>
      %dma_wait3A_60 = arith.constant 0 : i32
      %dma_wait3A_61 = tpu.memref_slice %arg18[%add3A_49, %dma_wait3A_60] : memref<10240x32xf32, #tpu.memory_space<vmem_shared>> -> memref<128x32xf32, #tpu.memory_space<vmem_shared>>
      tpu.wait_dma2 semaphore(%run_scoped3A : memref<!tpu.dma_semaphore, #tpu.memory_space<semaphore_mem>>) src(%dma_wait3A_61 : memref<128x32xf32, #tpu.memory_space<vmem_shared>>) dst(%arg16 : memref<128x32xf32, #tpu.memory_space<vmem>>)
      tpu.yield
    }) : () -> ()
    %add3A_50 = arith.constant 384 : i32
    %add3A_51 = arith.addi %mul3A_16, %add3A_50 : i32
    "tpu.region"() ({
      %run_scoped3A = tpu.sem_alloc : memref<!tpu.dma_semaphore, #tpu.memory_space<semaphore_mem>>
      %dma_start3A = arith.constant 0 : i32
      %dma_start3A_56 = tpu.memref_slice %arg8[%arg0, %add3A_51, %dma_start3A] : memref<2x10240x32xf32, #tpu.memory_space<hbm>> -> memref<1x128x32xf32, #tpu.memory_space<hbm>>
      %dma_start3A_57 = tpu.memref_squeeze %dma_start3A_56 : memref<1x128x32xf32, #tpu.memory_space<hbm>> -> memref<128x32xf32, #tpu.memory_space<hbm>>
      %dma_start3A_58 = arith.constant 0 : i32
      %dma_start3A_59 = tpu.memref_slice %arg8[%arg0, %add3A_51, %dma_start3A_58] : memref<2x10240x32xf32, #tpu.memory_space<hbm>> -> memref<1x128x32xf32, #tpu.memory_space<hbm>>
      %dma_start3A_60 = tpu.memref_squeeze %dma_start3A_59 : memref<1x128x32xf32, #tpu.memory_space<hbm>> -> memref<128x32xf32, #tpu.memory_space<hbm>>
      tpu.enqueue_dma source(%arg16 : memref<128x32xf32, #tpu.memory_space<vmem>>) target(%dma_start3A_60 : memref<128x32xf32, #tpu.memory_space<hbm>>) target_semaphore(%run_scoped3A : memref<!tpu.dma_semaphore, #tpu.memory_space<semaphore_mem>>)
      %dma_wait3A = arith.constant 0 : i32
      %dma_wait3A_61 = tpu.memref_slice %arg8[%arg0, %add3A_51, %dma_wait3A] : memref<2x10240x32xf32, #tpu.memory_space<hbm>> -> memref<1x128x32xf32, #tpu.memory_space<hbm>>
      %dma_wait3A_62 = tpu.memref_squeeze %dma_wait3A_61 : memref<1x128x32xf32, #tpu.memory_space<hbm>> -> memref<128x32xf32, #tpu.memory_space<hbm>>
      %dma_wait3A_63 = arith.constant 0 : i32
      %dma_wait3A_64 = tpu.memref_slice %arg8[%arg0, %add3A_51, %dma_wait3A_63] : memref<2x10240x32xf32, #tpu.memory_space<hbm>> -> memref<1x128x32xf32, #tpu.memory_space<hbm>>
      %dma_wait3A_65 = tpu.memref_squeeze %dma_wait3A_64 : memref<1x128x32xf32, #tpu.memory_space<hbm>> -> memref<128x32xf32, #tpu.memory_space<hbm>>
      tpu.wait_dma2 semaphore(%run_scoped3A : memref<!tpu.dma_semaphore, #tpu.memory_space<semaphore_mem>>) src(%arg16 : memref<128x32xf32, #tpu.memory_space<vmem>>) dst(%dma_wait3A_65 : memref<128x32xf32, #tpu.memory_space<hbm>>)
      tpu.yield
    }) : () -> ()
    %add3A_52 = arith.constant 512 : i32
    %add3A_53 = arith.addi %mul3A_16, %add3A_52 : i32
    "tpu.region"() ({
      %run_scoped3A = tpu.sem_alloc : memref<!tpu.dma_semaphore, #tpu.memory_space<semaphore_mem>>
      %dma_start3A = arith.constant 0 : i32
      %dma_start3A_56 = tpu.memref_slice %arg18[%add3A_53, %dma_start3A] : memref<10240x32xf32, #tpu.memory_space<vmem_shared>> -> memref<128x32xf32, #tpu.memory_space<vmem_shared>>
      %dma_start3A_57 = arith.constant 0 : i32
      %dma_start3A_58 = tpu.memref_slice %arg18[%add3A_53, %dma_start3A_57] : memref<10240x32xf32, #tpu.memory_space<vmem_shared>> -> memref<128x32xf32, #tpu.memory_space<vmem_shared>>
      tpu.enqueue_dma source(%dma_start3A_58 : memref<128x32xf32, #tpu.memory_space<vmem_shared>>) target(%arg16 : memref<128x32xf32, #tpu.memory_space<vmem>>) target_semaphore(%run_scoped3A : memref<!tpu.dma_semaphore, #tpu.memory_space<semaphore_mem>>)
      %dma_wait3A = arith.constant 0 : i32
      %dma_wait3A_59 = tpu.memref_slice %arg18[%add3A_53, %dma_wait3A] : memref<10240x32xf32, #tpu.memory_space<vmem_shared>> -> memref<128x32xf32, #tpu.memory_space<vmem_shared>>
      %dma_wait3A_60 = arith.constant 0 : i32
      %dma_wait3A_61 = tpu.memref_slice %arg18[%add3A_53, %dma_wait3A_60] : memref<10240x32xf32, #tpu.memory_space<vmem_shared>> -> memref<128x32xf32, #tpu.memory_space<vmem_shared>>
      tpu.wait_dma2 semaphore(%run_scoped3A : memref<!tpu.dma_semaphore, #tpu.memory_space<semaphore_mem>>) src(%dma_wait3A_61 : memref<128x32xf32, #tpu.memory_space<vmem_shared>>) dst(%arg16 : memref<128x32xf32, #tpu.memory_space<vmem>>)
      tpu.yield
    }) : () -> ()
    %add3A_54 = arith.constant 512 : i32
    %add3A_55 = arith.addi %mul3A_16, %add3A_54 : i32
    "tpu.region"() ({
      %run_scoped3A = tpu.sem_alloc : memref<!tpu.dma_semaphore, #tpu.memory_space<semaphore_mem>>
      %dma_start3A = arith.constant 0 : i32
      %dma_start3A_56 = tpu.memref_slice %arg8[%arg0, %add3A_55, %dma_start3A] : memref<2x10240x32xf32, #tpu.memory_space<hbm>> -> memref<1x128x32xf32, #tpu.memory_space<hbm>>
      %dma_start3A_57 = tpu.memref_squeeze %dma_start3A_56 : memref<1x128x32xf32, #tpu.memory_space<hbm>> -> memref<128x32xf32, #tpu.memory_space<hbm>>
      %dma_start3A_58 = arith.constant 0 : i32
      %dma_start3A_59 = tpu.memref_slice %arg8[%arg0, %add3A_55, %dma_start3A_58] : memref<2x10240x32xf32, #tpu.memory_space<hbm>> -> memref<1x128x32xf32, #tpu.memory_space<hbm>>
      %dma_start3A_60 = tpu.memref_squeeze %dma_start3A_59 : memref<1x128x32xf32, #tpu.memory_space<hbm>> -> memref<128x32xf32, #tpu.memory_space<hbm>>
      tpu.enqueue_dma source(%arg16 : memref<128x32xf32, #tpu.memory_space<vmem>>) target(%dma_start3A_60 : memref<128x32xf32, #tpu.memory_space<hbm>>) target_semaphore(%run_scoped3A : memref<!tpu.dma_semaphore, #tpu.memory_space<semaphore_mem>>)
      %dma_wait3A = arith.constant 0 : i32
      %dma_wait3A_61 = tpu.memref_slice %arg8[%arg0, %add3A_55, %dma_wait3A] : memref<2x10240x32xf32, #tpu.memory_space<hbm>> -> memref<1x128x32xf32, #tpu.memory_space<hbm>>
      %dma_wait3A_62 = tpu.memref_squeeze %dma_wait3A_61 : memref<1x128x32xf32, #tpu.memory_space<hbm>> -> memref<128x32xf32, #tpu.memory_space<hbm>>
      %dma_wait3A_63 = arith.constant 0 : i32
      %dma_wait3A_64 = tpu.memref_slice %arg8[%arg0, %add3A_55, %dma_wait3A_63] : memref<2x10240x32xf32, #tpu.memory_space<hbm>> -> memref<1x128x32xf32, #tpu.memory_space<hbm>>
      %dma_wait3A_65 = tpu.memref_squeeze %dma_wait3A_64 : memref<1x128x32xf32, #tpu.memory_space<hbm>> -> memref<128x32xf32, #tpu.memory_space<hbm>>
      tpu.wait_dma2 semaphore(%run_scoped3A : memref<!tpu.dma_semaphore, #tpu.memory_space<semaphore_mem>>) src(%arg16 : memref<128x32xf32, #tpu.memory_space<vmem>>) dst(%dma_wait3A_65 : memref<128x32xf32, #tpu.memory_space<hbm>>)
      tpu.yield
    }) : () -> ()
    return
  }
}

module attributes {stable_mosaic.version = 14 : i64} {
  func.func @_t1_body(%arg0: i32, %arg1: memref<1024x128xf32, #tpu.memory_space<vmem>>, %arg2: memref<128x32xf32, #tpu.memory_space<vmem>>, %arg3: memref<32x1xf32, #tpu.memory_space<vmem>>, %arg4: memref<32x1xf32, #tpu.memory_space<vmem>>, %arg5: memref<1024x32xf32, #tpu.memory_space<vmem>>, %arg6: memref<1024x1xf32, #tpu.memory_space<vmem>>, %arg7: memref<1024x1xf32, #tpu.memory_space<vmem>>, %arg8: memref<1x1xf32, #tpu.memory_space<vmem>>, %arg9: memref<1x1xf32, #tpu.memory_space<vmem>>) attributes {dimension_semantics = [#tpu.dimension_semantics<arbitrary>], iteration_bounds = array<i64: 10>, scalar_prefetch = 0 : i64, scratch_operands = 0 : i64, tpu.core_type = #tpu.core_type<tc>, window_params = [{transform_indices = @transform_0, window_bounds = array<i64: 1024, 128>}, {pipeline_mode = #tpu.pipeline_mode<synchronous>, transform_indices = @transform_1, window_bounds = array<i64: 128, 32>}, {pipeline_mode = #tpu.pipeline_mode<synchronous>, transform_indices = @transform_2, window_bounds = array<i64: 32, 1>}, {pipeline_mode = #tpu.pipeline_mode<synchronous>, transform_indices = @transform_3, window_bounds = array<i64: 32, 1>}, {transform_indices = @transform_4, window_bounds = array<i64: 1024, 32>}, {transform_indices = @transform_5, window_bounds = array<i64: 1024, 1>}, {transform_indices = @transform_6, window_bounds = array<i64: 1024, 1>}, {pipeline_mode = #tpu.pipeline_mode<synchronous>, transform_indices = @transform_7, window_bounds = array<i64: 1, 1>}, {pipeline_mode = #tpu.pipeline_mode<synchronous>, transform_indices = @transform_8, window_bounds = array<i64: 1, 1>}]} {
    %get3A = arith.constant 0 : index
    %get3A_0 = arith.constant 0 : index
    %get3A_1 = vector.load %arg1[%get3A, %get3A_0] : memref<1024x128xf32, #tpu.memory_space<vmem>>, vector<1024x128xf32>
    %get3A_2 = arith.constant 0 : index
    %get3A_3 = arith.constant 0 : index
    %get3A_4 = vector.load %arg2[%get3A_2, %get3A_3] : memref<128x32xf32, #tpu.memory_space<vmem>>, vector<128x32xf32>
    %dot_general3A = arith.constant dense<0.000000e+00> : vector<1024x32xf32>
    %dot_general3A_5 = tpu.matmul %get3A_1, %get3A_4, %dot_general3A {dimension_numbers = #tpu.dot_dimension_numbers<[1], [0], [0], [1], [0, 0, 1, 1], [], []>, transpose_lhs_hint = false} : vector<1024x128xf32>, vector<128x32xf32>, vector<1024x32xf32> -> vector<1024x32xf32>
    %swap3A = arith.constant 0 : index
    %swap3A_6 = arith.constant 0 : index
    %swap3A_7 = vector.load %arg5[%swap3A, %swap3A_6] : memref<1024x32xf32, #tpu.memory_space<vmem>>, vector<1024x32xf32>
    tpu.vector_store %arg5[%swap3A, %swap3A_6], %dot_general3A_5 {strides = array<i32>} : memref<1024x32xf32, #tpu.memory_space<vmem>>, vector<1024x32xf32>,
    %get3A_8 = arith.constant 0 : index
    %get3A_9 = arith.constant 0 : index
    %get3A_10 = vector.load %arg3[%get3A_8, %get3A_9] : memref<32x1xf32, #tpu.memory_space<vmem>>, vector<32x1xf32>
    %dot_general3A_11 = arith.constant dense<0.000000e+00> : vector<1024x1xf32>
    %dot_general3A_12 = tpu.matmul %dot_general3A_5, %get3A_10, %dot_general3A_11 {dimension_numbers = #tpu.dot_dimension_numbers<[1], [0], [0], [1], [0, 0, 1, 1], [], []>, transpose_lhs_hint = false} : vector<1024x32xf32>, vector<32x1xf32>, vector<1024x1xf32> -> vector<1024x1xf32>
    %get3A_13 = arith.constant 0 : index
    %get3A_14 = arith.constant 0 : index
    %get3A_15 = vector.load %arg4[%get3A_13, %get3A_14] : memref<32x1xf32, #tpu.memory_space<vmem>>, vector<32x1xf32>
    %dot_general3A_16 = arith.constant dense<0.000000e+00> : vector<1024x1xf32>
    %dot_general3A_17 = tpu.matmul %dot_general3A_5, %get3A_15, %dot_general3A_16 {dimension_numbers = #tpu.dot_dimension_numbers<[1], [0], [0], [1], [0, 0, 1, 1], [], []>, transpose_lhs_hint = false} : vector<1024x32xf32>, vector<32x1xf32>, vector<1024x1xf32> -> vector<1024x1xf32>
    %mul3A = arith.constant 1024 : i32
    %mul3A_18 = arith.muli %arg0, %mul3A : i32
    %iota3A = tpu.iota {dimensions = array<i32: 0>} : vector<1024x1xi32>
    %add3A = vector.broadcast %mul3A_18 : i32 to vector<1024x1xi32>
    %add3A_19 = arith.addi %add3A, %iota3A : vector<1024x1xi32>
    %lt3A = arith.constant 10000 : i32
    %lt3A_20 = vector.broadcast %lt3A : i32 to vector<1024x1xi32>
    %lt3A_21 = arith.cmpi slt, %add3A_19, %lt3A_20 : vector<1024x1xi32>
    %jit3A = arith.constant -1.000000e+30 : f32
    %broadcast_in_dim3A = vector.broadcast %jit3A : f32 to vector<1024x1xf32>
    %select_n3A = arith.select %lt3A_21, %dot_general3A_12, %broadcast_in_dim3A : vector<1024x1xi1>, vector<1024x1xf32>
    %swap3A_22 = arith.constant 0 : index
    %swap3A_23 = arith.constant 0 : index
    %swap3A_24 = vector.load %arg6[%swap3A_22, %swap3A_23] : memref<1024x1xf32, #tpu.memory_space<vmem>>, vector<1024x1xf32>
    tpu.vector_store %arg6[%swap3A_22, %swap3A_23], %select_n3A {strides = array<i32>} : memref<1024x1xf32, #tpu.memory_space<vmem>>, vector<1024x1xf32>,
    %jit3A_25 = arith.constant -1.000000e+30 : f32
    %broadcast_in_dim3A_26 = vector.broadcast %jit3A_25 : f32 to vector<1024x1xf32>
    %select_n3A_27 = arith.select %lt3A_21, %dot_general3A_17, %broadcast_in_dim3A_26 : vector<1024x1xi1>, vector<1024x1xf32>
    %swap3A_28 = arith.constant 0 : index
    %swap3A_29 = arith.constant 0 : index
    %swap3A_30 = vector.load %arg7[%swap3A_28, %swap3A_29] : memref<1024x1xf32, #tpu.memory_space<vmem>>, vector<1024x1xf32>
    tpu.vector_store %arg7[%swap3A_28, %swap3A_29], %select_n3A_27 {strides = array<i32>} : memref<1024x1xf32, #tpu.memory_space<vmem>>, vector<1024x1xf32>,
    %eq3A = arith.constant 0 : i32
    %eq3A_31 = arith.cmpi eq, %arg0, %eq3A : i32
    %convert_element_type3A = arith.extui %eq3A_31 : i1 to i32
    %cond3A = arith.constant 0 : i32
    %cond3A_32 = arith.cmpi ne, %convert_element_type3A, %cond3A : i32
    scf.if %cond3A_32 {
      %broadcast_in_dim3A_63 = arith.constant 0xFF800000 : f32
      %broadcast_in_dim3A_64 = vector.broadcast %broadcast_in_dim3A_63 : f32 to vector<1x1xf32>
      %swap3A_65 = arith.constant 0 : index
      %swap3A_66 = arith.constant 0 : index
      %swap3A_67 = vector.load %arg8[%swap3A_65, %swap3A_66] : memref<1x1xf32, #tpu.memory_space<vmem>>, vector<1x1xf32>
      tpu.vector_store %arg8[%swap3A_65, %swap3A_66], %broadcast_in_dim3A_64 {strides = array<i32>} : memref<1x1xf32, #tpu.memory_space<vmem>>, vector<1x1xf32>,
      %broadcast_in_dim3A_68 = arith.constant 0xFF800000 : f32
      %broadcast_in_dim3A_69 = vector.broadcast %broadcast_in_dim3A_68 : f32 to vector<1x1xf32>
      %swap3A_70 = arith.constant 0 : index
      %swap3A_71 = arith.constant 0 : index
      %swap3A_72 = vector.load %arg9[%swap3A_70, %swap3A_71] : memref<1x1xf32, #tpu.memory_space<vmem>>, vector<1x1xf32>
      tpu.vector_store %arg9[%swap3A_70, %swap3A_71], %broadcast_in_dim3A_69 {strides = array<i32>} : memref<1x1xf32, #tpu.memory_space<vmem>>, vector<1x1xf32>,
    } else {
    }
    %get3A_33 = arith.constant 0 : index
    %get3A_34 = arith.constant 0 : index
    %get3A_35 = vector.load %arg8[%get3A_33, %get3A_34] : memref<1x1xf32, #tpu.memory_space<vmem>>, vector<1x1xf32>
    %jit3A_36 = arith.constant 0xFF800000 : f32
    %broadcast_in_dim3A_37 = vector.broadcast %jit3A_36 : f32 to vector<1024x1xf32>
    %select_n3A_38 = arith.select %lt3A_21, %dot_general3A_12, %broadcast_in_dim3A_37 : vector<1024x1xi1>, vector<1024x1xf32>
    %reduce_max3A = vector.shape_cast %select_n3A_38 : vector<1024x1xf32> to vector<1x1024x1xf32>
    %reduce_max3A_39 = arith.constant dense<0xFF800000> : vector<1xf32>
    %reduce_max3A_40 = vector.multi_reduction <maximumf>, %reduce_max3A, %reduce_max3A_39 [1, 2] : vector<1x1024x1xf32> to vector<1xf32>
    %reduce_max3A_41 = vector.shape_cast %reduce_max3A_40 : vector<1xf32> to vector<1x1x1xf32>
    %reduce_max3A_42 = vector.extract %reduce_max3A_41[0, 0, 0] : f32 from vector<1x1x1xf32>
    %max3A = vector.broadcast %reduce_max3A_42 : f32 to vector<1x1xf32>
    %max3A_43 = arith.maximumf %get3A_35, %max3A : vector<1x1xf32>
    %swap3A_44 = arith.constant 0 : index
    %swap3A_45 = arith.constant 0 : index
    %swap3A_46 = vector.load %arg8[%swap3A_44, %swap3A_45] : memref<1x1xf32, #tpu.memory_space<vmem>>, vector<1x1xf32>
    tpu.vector_store %arg8[%swap3A_44, %swap3A_45], %max3A_43 {strides = array<i32>} : memref<1x1xf32, #tpu.memory_space<vmem>>, vector<1x1xf32>,
    %get3A_47 = arith.constant 0 : index
    %get3A_48 = arith.constant 0 : index
    %get3A_49 = vector.load %arg9[%get3A_47, %get3A_48] : memref<1x1xf32, #tpu.memory_space<vmem>>, vector<1x1xf32>
    %jit3A_50 = arith.constant 0xFF800000 : f32
    %broadcast_in_dim3A_51 = vector.broadcast %jit3A_50 : f32 to vector<1024x1xf32>
    %select_n3A_52 = arith.select %lt3A_21, %dot_general3A_17, %broadcast_in_dim3A_51 : vector<1024x1xi1>, vector<1024x1xf32>
    %reduce_max3A_53 = vector.shape_cast %select_n3A_52 : vector<1024x1xf32> to vector<1x1024x1xf32>
    %reduce_max3A_54 = arith.constant dense<0xFF800000> : vector<1xf32>
    %reduce_max3A_55 = vector.multi_reduction <maximumf>, %reduce_max3A_53, %reduce_max3A_54 [1, 2] : vector<1x1024x1xf32> to vector<1xf32>
    %reduce_max3A_56 = vector.shape_cast %reduce_max3A_55 : vector<1xf32> to vector<1x1x1xf32>
    %reduce_max3A_57 = vector.extract %reduce_max3A_56[0, 0, 0] : f32 from vector<1x1x1xf32>
    %max3A_58 = vector.broadcast %reduce_max3A_57 : f32 to vector<1x1xf32>
    %max3A_59 = arith.maximumf %get3A_49, %max3A_58 : vector<1x1xf32>
    %swap3A_60 = arith.constant 0 : index
    %swap3A_61 = arith.constant 0 : index
    %swap3A_62 = vector.load %arg9[%swap3A_60, %swap3A_61] : memref<1x1xf32, #tpu.memory_space<vmem>>, vector<1x1xf32>
    tpu.vector_store %arg9[%swap3A_60, %swap3A_61], %max3A_59 {strides = array<i32>} : memref<1x1xf32, #tpu.memory_space<vmem>>, vector<1x1xf32>,
    return
  }
  func.func @transform_0(%arg0: i32) -> (i32, i32) {
    %c0_i32 = arith.constant 0 : i32
    %c0_i32_0 = arith.constant 0 : i32
    return %arg0, %c0_i32 : i32, i32
  }
  func.func @transform_1(%arg0: i32) -> (i32, i32) {
    %c0_i32 = arith.constant 0 : i32
    %c0_i32_0 = arith.constant 0 : i32
    %c0_i32_1 = arith.constant 0 : i32
    return %c0_i32, %c0_i32_0 : i32, i32
  }
  func.func @transform_2(%arg0: i32) -> (i32, i32) {
    %c0_i32 = arith.constant 0 : i32
    %c0_i32_0 = arith.constant 0 : i32
    %c0_i32_1 = arith.constant 0 : i32
    return %c0_i32, %c0_i32_0 : i32, i32
  }
  func.func @transform_3(%arg0: i32) -> (i32, i32) {
    %c0_i32 = arith.constant 0 : i32
    %c0_i32_0 = arith.constant 0 : i32
    %c0_i32_1 = arith.constant 0 : i32
    return %c0_i32, %c0_i32_0 : i32, i32
  }
  func.func @transform_4(%arg0: i32) -> (i32, i32) {
    %c0_i32 = arith.constant 0 : i32
    %c0_i32_0 = arith.constant 0 : i32
    return %arg0, %c0_i32 : i32, i32
  }
  func.func @transform_5(%arg0: i32) -> (i32, i32) {
    %c0_i32 = arith.constant 0 : i32
    %c0_i32_0 = arith.constant 0 : i32
    return %arg0, %c0_i32 : i32, i32
  }
  func.func @transform_6(%arg0: i32) -> (i32, i32) {
    %c0_i32 = arith.constant 0 : i32
    %c0_i32_0 = arith.constant 0 : i32
    return %arg0, %c0_i32 : i32, i32
  }
  func.func @transform_7(%arg0: i32) -> (i32, i32) {
    %c0_i32 = arith.constant 0 : i32
    %c0_i32_0 = arith.constant 0 : i32
    %c0_i32_1 = arith.constant 0 : i32
    return %c0_i32, %c0_i32_0 : i32, i32
  }
  func.func @transform_8(%arg0: i32) -> (i32, i32) {
    %c0_i32 = arith.constant 0 : i32
    %c0_i32_0 = arith.constant 0 : i32
    %c0_i32_1 = arith.constant 0 : i32
    return %c0_i32, %c0_i32_0 : i32, i32
  }
}

module attributes {stable_mosaic.version = 14 : i64} {
  func.func @_tmid_body(%arg0: i32, %arg1: memref<2x1024x32xf32, #tpu.memory_space<vmem>>, %arg2: memref<2x1024xf32, #tpu.memory_space<vmem>>, %arg3: memref<1x32xf32, #tpu.memory_space<vmem>>, %arg4: memref<32x32xf32, #tpu.memory_space<vmem>>, %arg5: memref<32x1xf32, #tpu.memory_space<vmem>>, %arg6: memref<32x1xf32, #tpu.memory_space<vmem>>, %arg7: memref<1024x32xf32, #tpu.memory_space<vmem>>, %arg8: memref<1024x1xf32, #tpu.memory_space<vmem>>, %arg9: memref<1024x1xf32, #tpu.memory_space<vmem>>, %arg10: memref<1x1xf32, #tpu.memory_space<vmem>>, %arg11: memref<1x1xf32, #tpu.memory_space<vmem>>) attributes {dimension_semantics = [#tpu.dimension_semantics<arbitrary>], iteration_bounds = array<i64: 10>, scalar_prefetch = 0 : i64, scratch_operands = 0 : i64, tpu.core_type = #tpu.core_type<tc>, window_params = [{transform_indices = @transform_0, window_bounds = array<i64: 2, 1024, 32>}, {transform_indices = @transform_1, window_bounds = array<i64: 2, 1024>}, {pipeline_mode = #tpu.pipeline_mode<synchronous>, transform_indices = @transform_2, window_bounds = array<i64: 1, 32>}, {pipeline_mode = #tpu.pipeline_mode<synchronous>, transform_indices = @transform_3, window_bounds = array<i64: 32, 32>}, {pipeline_mode = #tpu.pipeline_mode<synchronous>, transform_indices = @transform_4, window_bounds = array<i64: 32, 1>}, {pipeline_mode = #tpu.pipeline_mode<synchronous>, transform_indices = @transform_5, window_bounds = array<i64: 32, 1>}, {transform_indices = @transform_6, window_bounds = array<i64: 1024, 32>}, {transform_indices = @transform_7, window_bounds = array<i64: 1024, 1>}, {transform_indices = @transform_8, window_bounds = array<i64: 1024, 1>}, {pipeline_mode = #tpu.pipeline_mode<synchronous>, transform_indices = @transform_9, window_bounds = array<i64: 1, 1>}, {pipeline_mode = #tpu.pipeline_mode<synchronous>, transform_indices = @transform_10, window_bounds = array<i64: 1, 1>}]} {
    %get3A = arith.constant 0 : index
    %get3A_0 = arith.constant 0 : index
    %get3A_1 = arith.constant 0 : index
    %get3A_2 = vector.load %arg1[%get3A, %get3A_0, %get3A_1] : memref<2x1024x32xf32, #tpu.memory_space<vmem>>, vector<2x1024x32xf32>
    %get3A_3 = arith.constant 0 : index
    %get3A_4 = arith.constant 0 : index
    %get3A_5 = vector.load %arg2[%get3A_3, %get3A_4] : memref<2x1024xf32, #tpu.memory_space<vmem>>, vector<2x1024xf32>
    %slice3A = vector.extract_strided_slice %get3A_5 {offsets = [0, 0], sizes = [1, 1024], strides = [1, 1]} : vector<2x1024xf32> to vector<1x1024xf32>
    %squeeze3A = vector.shape_cast %slice3A : vector<1x1024xf32> to vector<1024xf32>
    %slice3A_6 = vector.extract_strided_slice %get3A_5 {offsets = [1, 0], sizes = [1, 1024], strides = [1, 1]} : vector<2x1024xf32> to vector<1x1024xf32>
    %squeeze3A_7 = vector.shape_cast %slice3A_6 : vector<1x1024xf32> to vector<1024xf32>
    %add3A = arith.addf %squeeze3A, %squeeze3A_7 : vector<1024xf32>
    %add3A_8 = arith.constant 1.000000e-16 : f32
    %add3A_9 = vector.broadcast %add3A_8 : f32 to vector<1024xf32>
    %add3A_10 = arith.addf %add3A, %add3A_9 : vector<1024xf32>
    %broadcast_in_dim3A = vector.shape_cast %add3A_10 : vector<1024xf32> to vector<1024x1xf32>
    %slice3A_11 = vector.extract_strided_slice %get3A_2 {offsets = [0, 0, 0], sizes = [1, 1024, 32], strides = [1, 1, 1]} : vector<2x1024x32xf32> to vector<1x1024x32xf32>
    %squeeze3A_12 = vector.shape_cast %slice3A_11 : vector<1x1024x32xf32> to vector<1024x32xf32>
    %slice3A_13 = vector.extract_strided_slice %get3A_2 {offsets = [1, 0, 0], sizes = [1, 1024, 32], strides = [1, 1, 1]} : vector<2x1024x32xf32> to vector<1x1024x32xf32>
    %squeeze3A_14 = vector.shape_cast %slice3A_13 : vector<1x1024x32xf32> to vector<1024x32xf32>
    %add3A_15 = arith.addf %squeeze3A_12, %squeeze3A_14 : vector<1024x32xf32>
    %div3A = vector.broadcast %broadcast_in_dim3A : vector<1024x1xf32> to vector<1024x32xf32>
    %div3A_16 = arith.divf %add3A_15, %div3A : vector<1024x32xf32>
    %get3A_17 = arith.constant 0 : index
    %get3A_18 = arith.constant 0 : index
    %get3A_19 = vector.load %arg3[%get3A_17, %get3A_18] : memref<1x32xf32, #tpu.memory_space<vmem>>, vector<1x32xf32>
    %add3A_20 = vector.broadcast %get3A_19 : vector<1x32xf32> to vector<1024x32xf32>
    %add3A_21 = arith.addf %div3A_16, %add3A_20 : vector<1024x32xf32>
    %mul3A = arith.constant 5.000000e-01 : f32
    %mul3A_22 = vector.broadcast %mul3A : f32 to vector<1024x32xf32>
    %mul3A_23 = arith.mulf %mul3A_22, %add3A_21 : vector<1024x32xf32>
    %mul3A_24 = arith.constant 0.707106769 : f32
    %mul3A_25 = vector.broadcast %mul3A_24 : f32 to vector<1024x32xf32>
    %mul3A_26 = arith.mulf %add3A_21, %mul3A_25 : vector<1024x32xf32>
    %erf3A = math.erf %mul3A_26 : vector<1024x32xf32>
    %add3A_27 = arith.constant 1.000000e+00 : f32
    %add3A_28 = vector.broadcast %add3A_27 : f32 to vector<1024x32xf32>
    %add3A_29 = arith.addf %add3A_28, %erf3A : vector<1024x32xf32>
    %mul3A_30 = arith.mulf %mul3A_23, %add3A_29 : vector<1024x32xf32>
    %get3A_31 = arith.constant 0 : index
    %get3A_32 = arith.constant 0 : index
    %get3A_33 = vector.load %arg4[%get3A_31, %get3A_32] : memref<32x32xf32, #tpu.memory_space<vmem>>, vector<32x32xf32>
    %dot_general3A = arith.constant dense<0.000000e+00> : vector<1024x32xf32>
    %dot_general3A_34 = tpu.matmul %mul3A_30, %get3A_33, %dot_general3A {dimension_numbers = #tpu.dot_dimension_numbers<[1], [0], [0], [1], [0, 0, 1, 1], [], []>, transpose_lhs_hint = false} : vector<1024x32xf32>, vector<32x32xf32>, vector<1024x32xf32> -> vector<1024x32xf32>
    %swap3A = arith.constant 0 : index
    %swap3A_35 = arith.constant 0 : index
    %swap3A_36 = vector.load %arg7[%swap3A, %swap3A_35] : memref<1024x32xf32, #tpu.memory_space<vmem>>, vector<1024x32xf32>
    tpu.vector_store %arg7[%swap3A, %swap3A_35], %dot_general3A_34 {strides = array<i32>} : memref<1024x32xf32, #tpu.memory_space<vmem>>, vector<1024x32xf32>,
    %get3A_37 = arith.constant 0 : index
    %get3A_38 = arith.constant 0 : index
    %get3A_39 = vector.load %arg5[%get3A_37, %get3A_38] : memref<32x1xf32, #tpu.memory_space<vmem>>, vector<32x1xf32>
    %dot_general3A_40 = arith.constant dense<0.000000e+00> : vector<1024x1xf32>
    %dot_general3A_41 = tpu.matmul %dot_general3A_34, %get3A_39, %dot_general3A_40 {dimension_numbers = #tpu.dot_dimension_numbers<[1], [0], [0], [1], [0, 0, 1, 1], [], []>, transpose_lhs_hint = false} : vector<1024x32xf32>, vector<32x1xf32>, vector<1024x1xf32> -> vector<1024x1xf32>
    %get3A_42 = arith.constant 0 : index
    %get3A_43 = arith.constant 0 : index
    %get3A_44 = vector.load %arg6[%get3A_42, %get3A_43] : memref<32x1xf32, #tpu.memory_space<vmem>>, vector<32x1xf32>
    %dot_general3A_45 = arith.constant dense<0.000000e+00> : vector<1024x1xf32>
    %dot_general3A_46 = tpu.matmul %dot_general3A_34, %get3A_44, %dot_general3A_45 {dimension_numbers = #tpu.dot_dimension_numbers<[1], [0], [0], [1], [0, 0, 1, 1], [], []>, transpose_lhs_hint = false} : vector<1024x32xf32>, vector<32x1xf32>, vector<1024x1xf32> -> vector<1024x1xf32>
    %mul3A_47 = arith.constant 1024 : i32
    %mul3A_48 = arith.muli %arg0, %mul3A_47 : i32
    %iota3A = tpu.iota {dimensions = array<i32: 0>} : vector<1024x1xi32>
    %add3A_49 = vector.broadcast %mul3A_48 : i32 to vector<1024x1xi32>
    %add3A_50 = arith.addi %add3A_49, %iota3A : vector<1024x1xi32>
    %lt3A = arith.constant 10000 : i32
    %lt3A_51 = vector.broadcast %lt3A : i32 to vector<1024x1xi32>
    %lt3A_52 = arith.cmpi slt, %add3A_50, %lt3A_51 : vector<1024x1xi32>
    %jit3A = arith.constant -1.000000e+30 : f32
    %broadcast_in_dim3A_53 = vector.broadcast %jit3A : f32 to vector<1024x1xf32>
    %select_n3A = arith.select %lt3A_52, %dot_general3A_41, %broadcast_in_dim3A_53 : vector<1024x1xi1>, vector<1024x1xf32>
    %swap3A_54 = arith.constant 0 : index
    %swap3A_55 = arith.constant 0 : index
    %swap3A_56 = vector.load %arg8[%swap3A_54, %swap3A_55] : memref<1024x1xf32, #tpu.memory_space<vmem>>, vector<1024x1xf32>
    tpu.vector_store %arg8[%swap3A_54, %swap3A_55], %select_n3A {strides = array<i32>} : memref<1024x1xf32, #tpu.memory_space<vmem>>, vector<1024x1xf32>,
    %jit3A_57 = arith.constant -1.000000e+30 : f32
    %broadcast_in_dim3A_58 = vector.broadcast %jit3A_57 : f32 to vector<1024x1xf32>
    %select_n3A_59 = arith.select %lt3A_52, %dot_general3A_46, %broadcast_in_dim3A_58 : vector<1024x1xi1>, vector<1024x1xf32>
    %swap3A_60 = arith.constant 0 : index
    %swap3A_61 = arith.constant 0 : index
    %swap3A_62 = vector.load %arg9[%swap3A_60, %swap3A_61] : memref<1024x1xf32, #tpu.memory_space<vmem>>, vector<1024x1xf32>
    tpu.vector_store %arg9[%swap3A_60, %swap3A_61], %select_n3A_59 {strides = array<i32>} : memref<1024x1xf32, #tpu.memory_space<vmem>>, vector<1024x1xf32>,
    %eq3A = arith.constant 0 : i32
    %eq3A_63 = arith.cmpi eq, %arg0, %eq3A : i32
    %convert_element_type3A = arith.extui %eq3A_63 : i1 to i32
    %cond3A = arith.constant 0 : i32
    %cond3A_64 = arith.cmpi ne, %convert_element_type3A, %cond3A : i32
    scf.if %cond3A_64 {
      %broadcast_in_dim3A_95 = arith.constant 0xFF800000 : f32
      %broadcast_in_dim3A_96 = vector.broadcast %broadcast_in_dim3A_95 : f32 to vector<1x1xf32>
      %swap3A_97 = arith.constant 0 : index
      %swap3A_98 = arith.constant 0 : index
      %swap3A_99 = vector.load %arg10[%swap3A_97, %swap3A_98] : memref<1x1xf32, #tpu.memory_space<vmem>>, vector<1x1xf32>
      tpu.vector_store %arg10[%swap3A_97, %swap3A_98], %broadcast_in_dim3A_96 {strides = array<i32>} : memref<1x1xf32, #tpu.memory_space<vmem>>, vector<1x1xf32>,
      %broadcast_in_dim3A_100 = arith.constant 0xFF800000 : f32
      %broadcast_in_dim3A_101 = vector.broadcast %broadcast_in_dim3A_100 : f32 to vector<1x1xf32>
      %swap3A_102 = arith.constant 0 : index
      %swap3A_103 = arith.constant 0 : index
      %swap3A_104 = vector.load %arg11[%swap3A_102, %swap3A_103] : memref<1x1xf32, #tpu.memory_space<vmem>>, vector<1x1xf32>
      tpu.vector_store %arg11[%swap3A_102, %swap3A_103], %broadcast_in_dim3A_101 {strides = array<i32>} : memref<1x1xf32, #tpu.memory_space<vmem>>, vector<1x1xf32>,
    } else {
    }
    %get3A_65 = arith.constant 0 : index
    %get3A_66 = arith.constant 0 : index
    %get3A_67 = vector.load %arg10[%get3A_65, %get3A_66] : memref<1x1xf32, #tpu.memory_space<vmem>>, vector<1x1xf32>
    %jit3A_68 = arith.constant 0xFF800000 : f32
    %broadcast_in_dim3A_69 = vector.broadcast %jit3A_68 : f32 to vector<1024x1xf32>
    %select_n3A_70 = arith.select %lt3A_52, %dot_general3A_41, %broadcast_in_dim3A_69 : vector<1024x1xi1>, vector<1024x1xf32>
    %reduce_max3A = vector.shape_cast %select_n3A_70 : vector<1024x1xf32> to vector<1x1024x1xf32>
    %reduce_max3A_71 = arith.constant dense<0xFF800000> : vector<1xf32>
    %reduce_max3A_72 = vector.multi_reduction <maximumf>, %reduce_max3A, %reduce_max3A_71 [1, 2] : vector<1x1024x1xf32> to vector<1xf32>
    %reduce_max3A_73 = vector.shape_cast %reduce_max3A_72 : vector<1xf32> to vector<1x1x1xf32>
    %reduce_max3A_74 = vector.extract %reduce_max3A_73[0, 0, 0] : f32 from vector<1x1x1xf32>
    %max3A = vector.broadcast %reduce_max3A_74 : f32 to vector<1x1xf32>
    %max3A_75 = arith.maximumf %get3A_67, %max3A : vector<1x1xf32>
    %swap3A_76 = arith.constant 0 : index
    %swap3A_77 = arith.constant 0 : index
    %swap3A_78 = vector.load %arg10[%swap3A_76, %swap3A_77] : memref<1x1xf32, #tpu.memory_space<vmem>>, vector<1x1xf32>
    tpu.vector_store %arg10[%swap3A_76, %swap3A_77], %max3A_75 {strides = array<i32>} : memref<1x1xf32, #tpu.memory_space<vmem>>, vector<1x1xf32>,
    %get3A_79 = arith.constant 0 : index
    %get3A_80 = arith.constant 0 : index
    %get3A_81 = vector.load %arg11[%get3A_79, %get3A_80] : memref<1x1xf32, #tpu.memory_space<vmem>>, vector<1x1xf32>
    %jit3A_82 = arith.constant 0xFF800000 : f32
    %broadcast_in_dim3A_83 = vector.broadcast %jit3A_82 : f32 to vector<1024x1xf32>
    %select_n3A_84 = arith.select %lt3A_52, %dot_general3A_46, %broadcast_in_dim3A_83 : vector<1024x1xi1>, vector<1024x1xf32>
    %reduce_max3A_85 = vector.shape_cast %select_n3A_84 : vector<1024x1xf32> to vector<1x1024x1xf32>
    %reduce_max3A_86 = arith.constant dense<0xFF800000> : vector<1xf32>
    %reduce_max3A_87 = vector.multi_reduction <maximumf>, %reduce_max3A_85, %reduce_max3A_86 [1, 2] : vector<1x1024x1xf32> to vector<1xf32>
    %reduce_max3A_88 = vector.shape_cast %reduce_max3A_87 : vector<1xf32> to vector<1x1x1xf32>
    %reduce_max3A_89 = vector.extract %reduce_max3A_88[0, 0, 0] : f32 from vector<1x1x1xf32>
    %max3A_90 = vector.broadcast %reduce_max3A_89 : f32 to vector<1x1xf32>
    %max3A_91 = arith.maximumf %get3A_81, %max3A_90 : vector<1x1xf32>
    %swap3A_92 = arith.constant 0 : index
    %swap3A_93 = arith.constant 0 : index
    %swap3A_94 = vector.load %arg11[%swap3A_92, %swap3A_93] : memref<1x1xf32, #tpu.memory_space<vmem>>, vector<1x1xf32>
    tpu.vector_store %arg11[%swap3A_92, %swap3A_93], %max3A_91 {strides = array<i32>} : memref<1x1xf32, #tpu.memory_space<vmem>>, vector<1x1xf32>,
    return
  }
  func.func @transform_0(%arg0: i32) -> (i32, i32, i32) {
    %c0_i32 = arith.constant 0 : i32
    %c0_i32_0 = arith.constant 0 : i32
    %c0_i32_1 = arith.constant 0 : i32
    return %c0_i32, %arg0, %c0_i32_0 : i32, i32, i32
  }
  func.func @transform_1(%arg0: i32) -> (i32, i32) {
    %c0_i32 = arith.constant 0 : i32
    %c0_i32_0 = arith.constant 0 : i32
    return %c0_i32, %arg0 : i32, i32
  }
  func.func @transform_2(%arg0: i32) -> (i32, i32) {
    %c0_i32 = arith.constant 0 : i32
    %c0_i32_0 = arith.constant 0 : i32
    %c0_i32_1 = arith.constant 0 : i32
    return %c0_i32, %c0_i32_0 : i32, i32
  }
  func.func @transform_3(%arg0: i32) -> (i32, i32) {
    %c0_i32 = arith.constant 0 : i32
    %c0_i32_0 = arith.constant 0 : i32
    %c0_i32_1 = arith.constant 0 : i32
    return %c0_i32, %c0_i32_0 : i32, i32
  }
  func.func @transform_4(%arg0: i32) -> (i32, i32) {
    %c0_i32 = arith.constant 0 : i32
    %c0_i32_0 = arith.constant 0 : i32
    %c0_i32_1 = arith.constant 0 : i32
    return %c0_i32, %c0_i32_0 : i32, i32
  }
  func.func @transform_5(%arg0: i32) -> (i32, i32) {
    %c0_i32 = arith.constant 0 : i32
    %c0_i32_0 = arith.constant 0 : i32
    %c0_i32_1 = arith.constant 0 : i32
    return %c0_i32, %c0_i32_0 : i32, i32
  }
  func.func @transform_6(%arg0: i32) -> (i32, i32) {
    %c0_i32 = arith.constant 0 : i32
    %c0_i32_0 = arith.constant 0 : i32
    return %arg0, %c0_i32 : i32, i32
  }
  func.func @transform_7(%arg0: i32) -> (i32, i32) {
    %c0_i32 = arith.constant 0 : i32
    %c0_i32_0 = arith.constant 0 : i32
    return %arg0, %c0_i32 : i32, i32
  }
  func.func @transform_8(%arg0: i32) -> (i32, i32) {
    %c0_i32 = arith.constant 0 : i32
    %c0_i32_0 = arith.constant 0 : i32
    return %arg0, %c0_i32 : i32, i32
  }
  func.func @transform_9(%arg0: i32) -> (i32, i32) {
    %c0_i32 = arith.constant 0 : i32
    %c0_i32_0 = arith.constant 0 : i32
    %c0_i32_1 = arith.constant 0 : i32
    return %c0_i32, %c0_i32_0 : i32, i32
  }
  func.func @transform_10(%arg0: i32) -> (i32, i32) {
    %c0_i32 = arith.constant 0 : i32
    %c0_i32_0 = arith.constant 0 : i32
    %c0_i32_1 = arith.constant 0 : i32
    return %c0_i32, %c0_i32_0 : i32, i32
  }
}

module attributes {stable_mosaic.version = 14 : i64} {
  func.func @_tf_body(%arg0: i32, %arg1: memref<2x1024x32xf32, #tpu.memory_space<vmem>>, %arg2: memref<2x1024xf32, #tpu.memory_space<vmem>>, %arg3: memref<1024x1xi32, #tpu.memory_space<vmem>>, %arg4: memref<1x32xf32, #tpu.memory_space<vmem>>, %arg5: memref<64x32xf32, #tpu.memory_space<vmem>>, %arg6: memref<1x32xf32, #tpu.memory_space<vmem>>, %arg7: memref<32x32xf32, #tpu.memory_space<vmem>>, %arg8: memref<1x32xf32, #tpu.memory_space<vmem>>, %arg9: memref<32x32xf32, #tpu.memory_space<vmem>>, %arg10: memref<1x32xf32, #tpu.memory_space<vmem>>, %arg11: memref<32x48xf32, #tpu.memory_space<vmem>>, %arg12: memref<1x48xf32, #tpu.memory_space<vmem>>, %arg13: memref<64x48xf32, #tpu.memory_space<vmem>>, %arg14: memref<64x32xf32, #tpu.memory_space<vmem>>, %arg15: memref<64x1xf32, #tpu.memory_space<vmem>>, %arg16: memref<64x32xf32, #tpu.memory_space<vmem>>) attributes {dimension_semantics = [#tpu.dimension_semantics<arbitrary>], iteration_bounds = array<i64: 10>, scalar_prefetch = 0 : i64, scratch_operands = 3 : i64, tpu.core_type = #tpu.core_type<tc>, window_params = [{transform_indices = @transform_0, window_bounds = array<i64: 2, 1024, 32>}, {transform_indices = @transform_1, window_bounds = array<i64: 2, 1024>}, {transform_indices = @transform_2, window_bounds = array<i64: 1024, 1>}, {pipeline_mode = #tpu.pipeline_mode<synchronous>, transform_indices = @transform_3, window_bounds = array<i64: 1, 32>}, {pipeline_mode = #tpu.pipeline_mode<synchronous>, transform_indices = @transform_4, window_bounds = array<i64: 64, 32>}, {pipeline_mode = #tpu.pipeline_mode<synchronous>, transform_indices = @transform_5, window_bounds = array<i64: 1, 32>}, {pipeline_mode = #tpu.pipeline_mode<synchronous>, transform_indices = @transform_6, window_bounds = array<i64: 32, 32>}, {pipeline_mode = #tpu.pipeline_mode<synchronous>, transform_indices = @transform_7, window_bounds = array<i64: 1, 32>}, {pipeline_mode = #tpu.pipeline_mode<synchronous>, transform_indices = @transform_8, window_bounds = array<i64: 32, 32>}, {pipeline_mode = #tpu.pipeline_mode<synchronous>, transform_indices = @transform_9, window_bounds = array<i64: 1, 32>}, {pipeline_mode = #tpu.pipeline_mode<synchronous>, transform_indices = @transform_10, window_bounds = array<i64: 32, 48>}, {pipeline_mode = #tpu.pipeline_mode<synchronous>, transform_indices = @transform_11, window_bounds = array<i64: 1, 48>}, {pipeline_mode = #tpu.pipeline_mode<synchronous>, transform_indices = @transform_12, window_bounds = array<i64: 64, 48>}]} {
    %eq3A = arith.constant 0 : i32
    %eq3A_0 = arith.cmpi eq, %arg0, %eq3A : i32
    %convert_element_type3A = arith.extui %eq3A_0 : i1 to i32
    %cond3A = arith.constant 0 : i32
    %cond3A_1 = arith.cmpi ne, %convert_element_type3A, %cond3A : i32
    scf.if %cond3A_1 {
      %broadcast_in_dim3A_1201 = arith.constant 0.000000e+00 : f32
      %broadcast_in_dim3A_1202 = vector.broadcast %broadcast_in_dim3A_1201 : f32 to vector<64x32xf32>
      %swap3A_1203 = arith.constant 0 : index
      %swap3A_1204 = arith.constant 0 : index
      %swap3A_1205 = vector.load %arg14[%swap3A_1203, %swap3A_1204] : memref<64x32xf32, #tpu.memory_space<vmem>>, vector<64x32xf32>
      tpu.vector_store %arg14[%swap3A_1203, %swap3A_1204], %broadcast_in_dim3A_1202 {strides = array<i32>} : memref<64x32xf32, #tpu.memory_space<vmem>>, vector<64x32xf32>,
      %broadcast_in_dim3A_1206 = arith.constant 0.000000e+00 : f32
      %broadcast_in_dim3A_1207 = vector.broadcast %broadcast_in_dim3A_1206 : f32 to vector<64x1xf32>
      %swap3A_1208 = arith.constant 0 : index
      %swap3A_1209 = arith.constant 0 : index
      %swap3A_1210 = vector.load %arg15[%swap3A_1208, %swap3A_1209] : memref<64x1xf32, #tpu.memory_space<vmem>>, vector<64x1xf32>
      tpu.vector_store %arg15[%swap3A_1208, %swap3A_1209], %broadcast_in_dim3A_1207 {strides = array<i32>} : memref<64x1xf32, #tpu.memory_space<vmem>>, vector<64x1xf32>,
      %broadcast_in_dim3A_1211 = arith.constant 0xFF800000 : f32
      %broadcast_in_dim3A_1212 = vector.broadcast %broadcast_in_dim3A_1211 : f32 to vector<64x32xf32>
      %swap3A_1213 = arith.constant 0 : index
      %swap3A_1214 = arith.constant 0 : index
      %swap3A_1215 = vector.load %arg16[%swap3A_1213, %swap3A_1214] : memref<64x32xf32, #tpu.memory_space<vmem>>, vector<64x32xf32>
      tpu.vector_store %arg16[%swap3A_1213, %swap3A_1214], %broadcast_in_dim3A_1212 {strides = array<i32>} : memref<64x32xf32, #tpu.memory_space<vmem>>, vector<64x32xf32>,
    } else {
    }
    %get3A = arith.constant 0 : index
    %get3A_2 = arith.constant 0 : index
    %get3A_3 = arith.constant 0 : index
    %get3A_4 = vector.load %arg1[%get3A, %get3A_2, %get3A_3] : memref<2x1024x32xf32, #tpu.memory_space<vmem>>, vector<2x1024x32xf32>
    %get3A_5 = arith.constant 0 : index
    %get3A_6 = arith.constant 0 : index
    %get3A_7 = vector.load %arg2[%get3A_5, %get3A_6] : memref<2x1024xf32, #tpu.memory_space<vmem>>, vector<2x1024xf32>
    %slice3A = vector.extract_strided_slice %get3A_7 {offsets = [0, 0], sizes = [1, 1024], strides = [1, 1]} : vector<2x1024xf32> to vector<1x1024xf32>
    %squeeze3A = vector.shape_cast %slice3A : vector<1x1024xf32> to vector<1024xf32>
    %slice3A_8 = vector.extract_strided_slice %get3A_7 {offsets = [1, 0], sizes = [1, 1024], strides = [1, 1]} : vector<2x1024xf32> to vector<1x1024xf32>
    %squeeze3A_9 = vector.shape_cast %slice3A_8 : vector<1x1024xf32> to vector<1024xf32>
    %add3A = arith.addf %squeeze3A, %squeeze3A_9 : vector<1024xf32>
    %add3A_10 = arith.constant 1.000000e-16 : f32
    %add3A_11 = vector.broadcast %add3A_10 : f32 to vector<1024xf32>
    %add3A_12 = arith.addf %add3A, %add3A_11 : vector<1024xf32>
    %broadcast_in_dim3A = vector.shape_cast %add3A_12 : vector<1024xf32> to vector<1024x1xf32>
    %slice3A_13 = vector.extract_strided_slice %get3A_4 {offsets = [0, 0, 0], sizes = [1, 1024, 32], strides = [1, 1, 1]} : vector<2x1024x32xf32> to vector<1x1024x32xf32>
    %squeeze3A_14 = vector.shape_cast %slice3A_13 : vector<1x1024x32xf32> to vector<1024x32xf32>
    %slice3A_15 = vector.extract_strided_slice %get3A_4 {offsets = [1, 0, 0], sizes = [1, 1024, 32], strides = [1, 1, 1]} : vector<2x1024x32xf32> to vector<1x1024x32xf32>
    %squeeze3A_16 = vector.shape_cast %slice3A_15 : vector<1x1024x32xf32> to vector<1024x32xf32>
    %add3A_17 = arith.addf %squeeze3A_14, %squeeze3A_16 : vector<1024x32xf32>
    %div3A = vector.broadcast %broadcast_in_dim3A : vector<1024x1xf32> to vector<1024x32xf32>
    %div3A_18 = arith.divf %add3A_17, %div3A : vector<1024x32xf32>
    %get3A_19 = arith.constant 0 : index
    %get3A_20 = arith.constant 0 : index
    %get3A_21 = vector.load %arg4[%get3A_19, %get3A_20] : memref<1x32xf32, #tpu.memory_space<vmem>>, vector<1x32xf32>
    %add3A_22 = vector.broadcast %get3A_21 : vector<1x32xf32> to vector<1024x32xf32>
    %add3A_23 = arith.addf %div3A_18, %add3A_22 : vector<1024x32xf32>
    %get3A_24 = arith.constant 0 : index
    %get3A_25 = arith.constant 0 : index
    %get3A_26 = vector.load %arg3[%get3A_24, %get3A_25] : memref<1024x1xi32, #tpu.memory_space<vmem>>, vector<1024x1xi32>
    %iota3A = tpu.iota {dimensions = array<i32: 1>} : vector<1x64xi32>
    %eq3A_27 = vector.broadcast %get3A_26 : vector<1024x1xi32> to vector<1024x64xi32>
    %eq3A_28 = vector.broadcast %iota3A : vector<1x64xi32> to vector<1024x64xi32>
    %eq3A_29 = arith.cmpi eq, %eq3A_27, %eq3A_28 : vector<1024x64xi32>
    %convert_element_type3A_30 = arith.extui %eq3A_29 : vector<1024x64xi1> to vector<1024x64xi32>
    %convert_element_type3A_31 = arith.sitofp %convert_element_type3A_30 : vector<1024x64xi32> to vector<1024x64xf32>
    %get3A_32 = arith.constant 0 : index
    %get3A_33 = arith.constant 0 : index
    %get3A_34 = vector.load %arg14[%get3A_32, %get3A_33] : memref<64x32xf32, #tpu.memory_space<vmem>>, vector<64x32xf32>
    %dot_general3A = arith.constant dense<0.000000e+00> : vector<64x32xf32>
    %dot_general3A_35 = tpu.matmul %convert_element_type3A_31, %add3A_23, %dot_general3A {dimension_numbers = #tpu.dot_dimension_numbers<[0], [0], [1], [1], [0, 1, 1, 1], [], []>, transpose_lhs_hint = false} : vector<1024x64xf32>, vector<1024x32xf32>, vector<64x32xf32> -> vector<64x32xf32>
    %add3A_36 = arith.addf %get3A_34, %dot_general3A_35 : vector<64x32xf32>
    %swap3A = arith.constant 0 : index
    %swap3A_37 = arith.constant 0 : index
    %swap3A_38 = vector.load %arg14[%swap3A, %swap3A_37] : memref<64x32xf32, #tpu.memory_space<vmem>>, vector<64x32xf32>
    tpu.vector_store %arg14[%swap3A, %swap3A_37], %add3A_36 {strides = array<i32>} : memref<64x32xf32, #tpu.memory_space<vmem>>, vector<64x32xf32>,
    %get3A_39 = arith.constant 0 : index
    %get3A_40 = arith.constant 0 : index
    %get3A_41 = vector.load %arg15[%get3A_39, %get3A_40] : memref<64x1xf32, #tpu.memory_space<vmem>>, vector<64x1xf32>
    %reduce_sum3A = arith.constant dense<0.000000e+00> : vector<64xf32>
    %reduce_sum3A_42 = vector.multi_reduction <add>, %convert_element_type3A_31, %reduce_sum3A [0] : vector<1024x64xf32> to vector<64xf32>
    %broadcast_in_dim3A_43 = vector.shape_cast %reduce_sum3A_42 : vector<64xf32> to vector<64x1xf32>
    %add3A_44 = arith.addf %get3A_41, %broadcast_in_dim3A_43 : vector<64x1xf32>
    %swap3A_45 = arith.constant 0 : index
    %swap3A_46 = arith.constant 0 : index
    %swap3A_47 = vector.load %arg15[%swap3A_45, %swap3A_46] : memref<64x1xf32, #tpu.memory_space<vmem>>, vector<64x1xf32>
    tpu.vector_store %arg15[%swap3A_45, %swap3A_46], %add3A_44 {strides = array<i32>} : memref<64x1xf32, #tpu.memory_space<vmem>>, vector<64x1xf32>,
    %eq3A_48 = arith.constant 0 : i32
    %eq3A_49 = vector.broadcast %eq3A_48 : i32 to vector<1024x1xi32>
    %eq3A_50 = arith.cmpi eq, %get3A_26, %eq3A_49 : vector<1024x1xi32>
    %jit3A = arith.constant 0xFF800000 : f32
    %broadcast_in_dim3A_51 = vector.shape_cast %eq3A_50 : vector<1024x1xi1> to vector<1024x1xi1>
    %broadcast_in_dim3A_52 = vector.broadcast %broadcast_in_dim3A_51 : vector<1024x1xi1> to vector<1024x32xi1>
    %broadcast_in_dim3A_53 = vector.broadcast %jit3A : f32 to vector<1024x32xf32>
    %select_n3A = arith.select %broadcast_in_dim3A_52, %add3A_23, %broadcast_in_dim3A_53 : vector<1024x32xi1>, vector<1024x32xf32>
    %get3A_54 = arith.constant 0 : index
    %get3A_55 = arith.constant 0 : index
    %get3A_56 = vector.load %arg16[%get3A_54, %get3A_55] : memref<64x32xf32, #tpu.memory_space<vmem>>, vector<1x32xf32>
    %reduce_max3A = arith.constant dense<0xFF800000> : vector<32xf32>
    %reduce_max3A_57 = vector.multi_reduction <maximumf>, %select_n3A, %reduce_max3A [0] : vector<1024x32xf32> to vector<32xf32>
    %broadcast_in_dim3A_58 = vector.shape_cast %reduce_max3A_57 : vector<32xf32> to vector<1x32xf32>
    %max3A = arith.maximumf %get3A_56, %broadcast_in_dim3A_58 : vector<1x32xf32>
    %swap3A_59 = arith.constant 0 : index
    %swap3A_60 = arith.constant 0 : index
    %swap3A_61 = vector.load %arg16[%swap3A_59, %swap3A_60] : memref<64x32xf32, #tpu.memory_space<vmem>>, vector<1x32xf32>
    tpu.vector_store %arg16[%swap3A_59, %swap3A_60], %max3A {strides = array<i32>} : memref<64x32xf32, #tpu.memory_space<vmem>>, vector<1x32xf32>,
    %eq3A_62 = arith.constant 1 : i32
    %eq3A_63 = vector.broadcast %eq3A_62 : i32 to vector<1024x1xi32>
    %eq3A_64 = arith.cmpi eq, %get3A_26, %eq3A_63 : vector<1024x1xi32>
    %jit3A_65 = arith.constant 0xFF800000 : f32
    %broadcast_in_dim3A_66 = vector.shape_cast %eq3A_64 : vector<1024x1xi1> to vector<1024x1xi1>
    %broadcast_in_dim3A_67 = vector.broadcast %broadcast_in_dim3A_66 : vector<1024x1xi1> to vector<1024x32xi1>
    %broadcast_in_dim3A_68 = vector.broadcast %jit3A_65 : f32 to vector<1024x32xf32>
    %select_n3A_69 = arith.select %broadcast_in_dim3A_67, %add3A_23, %broadcast_in_dim3A_68 : vector<1024x32xi1>, vector<1024x32xf32>
    %get3A_70 = arith.constant 1 : index
    %get3A_71 = arith.constant 0 : index
    %get3A_72 = vector.load %arg16[%get3A_70, %get3A_71] : memref<64x32xf32, #tpu.memory_space<vmem>>, vector<1x32xf32>
    %reduce_max3A_73 = arith.constant dense<0xFF800000> : vector<32xf32>
    %reduce_max3A_74 = vector.multi_reduction <maximumf>, %select_n3A_69, %reduce_max3A_73 [0] : vector<1024x32xf32> to vector<32xf32>
    %broadcast_in_dim3A_75 = vector.shape_cast %reduce_max3A_74 : vector<32xf32> to vector<1x32xf32>
    %max3A_76 = arith.maximumf %get3A_72, %broadcast_in_dim3A_75 : vector<1x32xf32>
    %swap3A_77 = arith.constant 1 : index
    %swap3A_78 = arith.constant 0 : index
    %swap3A_79 = vector.load %arg16[%swap3A_77, %swap3A_78] : memref<64x32xf32, #tpu.memory_space<vmem>>, vector<1x32xf32>
    tpu.vector_store %arg16[%swap3A_77, %swap3A_78], %max3A_76 {strides = array<i32>} : memref<64x32xf32, #tpu.memory_space<vmem>>, vector<1x32xf32>,
    %eq3A_80 = arith.constant 2 : i32
    %eq3A_81 = vector.broadcast %eq3A_80 : i32 to vector<1024x1xi32>
    %eq3A_82 = arith.cmpi eq, %get3A_26, %eq3A_81 : vector<1024x1xi32>
    %jit3A_83 = arith.constant 0xFF800000 : f32
    %broadcast_in_dim3A_84 = vector.shape_cast %eq3A_82 : vector<1024x1xi1> to vector<1024x1xi1>
    %broadcast_in_dim3A_85 = vector.broadcast %broadcast_in_dim3A_84 : vector<1024x1xi1> to vector<1024x32xi1>
    %broadcast_in_dim3A_86 = vector.broadcast %jit3A_83 : f32 to vector<1024x32xf32>
    %select_n3A_87 = arith.select %broadcast_in_dim3A_85, %add3A_23, %broadcast_in_dim3A_86 : vector<1024x32xi1>, vector<1024x32xf32>
    %get3A_88 = arith.constant 2 : index
    %get3A_89 = arith.constant 0 : index
    %get3A_90 = vector.load %arg16[%get3A_88, %get3A_89] : memref<64x32xf32, #tpu.memory_space<vmem>>, vector<1x32xf32>
    %reduce_max3A_91 = arith.constant dense<0xFF800000> : vector<32xf32>
    %reduce_max3A_92 = vector.multi_reduction <maximumf>, %select_n3A_87, %reduce_max3A_91 [0] : vector<1024x32xf32> to vector<32xf32>
    %broadcast_in_dim3A_93 = vector.shape_cast %reduce_max3A_92 : vector<32xf32> to vector<1x32xf32>
    %max3A_94 = arith.maximumf %get3A_90, %broadcast_in_dim3A_93 : vector<1x32xf32>
    %swap3A_95 = arith.constant 2 : index
    %swap3A_96 = arith.constant 0 : index
    %swap3A_97 = vector.load %arg16[%swap3A_95, %swap3A_96] : memref<64x32xf32, #tpu.memory_space<vmem>>, vector<1x32xf32>
    tpu.vector_store %arg16[%swap3A_95, %swap3A_96], %max3A_94 {strides = array<i32>} : memref<64x32xf32, #tpu.memory_space<vmem>>, vector<1x32xf32>,
    %eq3A_98 = arith.constant 3 : i32
    %eq3A_99 = vector.broadcast %eq3A_98 : i32 to vector<1024x1xi32>
    %eq3A_100 = arith.cmpi eq, %get3A_26, %eq3A_99 : vector<1024x1xi32>
    %jit3A_101 = arith.constant 0xFF800000 : f32
    %broadcast_in_dim3A_102 = vector.shape_cast %eq3A_100 : vector<1024x1xi1> to vector<1024x1xi1>
    %broadcast_in_dim3A_103 = vector.broadcast %broadcast_in_dim3A_102 : vector<1024x1xi1> to vector<1024x32xi1>
    %broadcast_in_dim3A_104 = vector.broadcast %jit3A_101 : f32 to vector<1024x32xf32>
    %select_n3A_105 = arith.select %broadcast_in_dim3A_103, %add3A_23, %broadcast_in_dim3A_104 : vector<1024x32xi1>, vector<1024x32xf32>
    %get3A_106 = arith.constant 3 : index
    %get3A_107 = arith.constant 0 : index
    %get3A_108 = vector.load %arg16[%get3A_106, %get3A_107] : memref<64x32xf32, #tpu.memory_space<vmem>>, vector<1x32xf32>
    %reduce_max3A_109 = arith.constant dense<0xFF800000> : vector<32xf32>
    %reduce_max3A_110 = vector.multi_reduction <maximumf>, %select_n3A_105, %reduce_max3A_109 [0] : vector<1024x32xf32> to vector<32xf32>
    %broadcast_in_dim3A_111 = vector.shape_cast %reduce_max3A_110 : vector<32xf32> to vector<1x32xf32>
    %max3A_112 = arith.maximumf %get3A_108, %broadcast_in_dim3A_111 : vector<1x32xf32>
    %swap3A_113 = arith.constant 3 : index
    %swap3A_114 = arith.constant 0 : index
    %swap3A_115 = vector.load %arg16[%swap3A_113, %swap3A_114] : memref<64x32xf32, #tpu.memory_space<vmem>>, vector<1x32xf32>
    tpu.vector_store %arg16[%swap3A_113, %swap3A_114], %max3A_112 {strides = array<i32>} : memref<64x32xf32, #tpu.memory_space<vmem>>, vector<1x32xf32>,
    %eq3A_116 = arith.constant 4 : i32
    %eq3A_117 = vector.broadcast %eq3A_116 : i32 to vector<1024x1xi32>
    %eq3A_118 = arith.cmpi eq, %get3A_26, %eq3A_117 : vector<1024x1xi32>
    %jit3A_119 = arith.constant 0xFF800000 : f32
    %broadcast_in_dim3A_120 = vector.shape_cast %eq3A_118 : vector<1024x1xi1> to vector<1024x1xi1>
    %broadcast_in_dim3A_121 = vector.broadcast %broadcast_in_dim3A_120 : vector<1024x1xi1> to vector<1024x32xi1>
    %broadcast_in_dim3A_122 = vector.broadcast %jit3A_119 : f32 to vector<1024x32xf32>
    %select_n3A_123 = arith.select %broadcast_in_dim3A_121, %add3A_23, %broadcast_in_dim3A_122 : vector<1024x32xi1>, vector<1024x32xf32>
    %get3A_124 = arith.constant 4 : index
    %get3A_125 = arith.constant 0 : index
    %get3A_126 = vector.load %arg16[%get3A_124, %get3A_125] : memref<64x32xf32, #tpu.memory_space<vmem>>, vector<1x32xf32>
    %reduce_max3A_127 = arith.constant dense<0xFF800000> : vector<32xf32>
    %reduce_max3A_128 = vector.multi_reduction <maximumf>, %select_n3A_123, %reduce_max3A_127 [0] : vector<1024x32xf32> to vector<32xf32>
    %broadcast_in_dim3A_129 = vector.shape_cast %reduce_max3A_128 : vector<32xf32> to vector<1x32xf32>
    %max3A_130 = arith.maximumf %get3A_126, %broadcast_in_dim3A_129 : vector<1x32xf32>
    %swap3A_131 = arith.constant 4 : index
    %swap3A_132 = arith.constant 0 : index
    %swap3A_133 = vector.load %arg16[%swap3A_131, %swap3A_132] : memref<64x32xf32, #tpu.memory_space<vmem>>, vector<1x32xf32>
    tpu.vector_store %arg16[%swap3A_131, %swap3A_132], %max3A_130 {strides = array<i32>} : memref<64x32xf32, #tpu.memory_space<vmem>>, vector<1x32xf32>,
    %eq3A_134 = arith.constant 5 : i32
    %eq3A_135 = vector.broadcast %eq3A_134 : i32 to vector<1024x1xi32>
    %eq3A_136 = arith.cmpi eq, %get3A_26, %eq3A_135 : vector<1024x1xi32>
    %jit3A_137 = arith.constant 0xFF800000 : f32
    %broadcast_in_dim3A_138 = vector.shape_cast %eq3A_136 : vector<1024x1xi1> to vector<1024x1xi1>
    %broadcast_in_dim3A_139 = vector.broadcast %broadcast_in_dim3A_138 : vector<1024x1xi1> to vector<1024x32xi1>
    %broadcast_in_dim3A_140 = vector.broadcast %jit3A_137 : f32 to vector<1024x32xf32>
    %select_n3A_141 = arith.select %broadcast_in_dim3A_139, %add3A_23, %broadcast_in_dim3A_140 : vector<1024x32xi1>, vector<1024x32xf32>
    %get3A_142 = arith.constant 5 : index
    %get3A_143 = arith.constant 0 : index
    %get3A_144 = vector.load %arg16[%get3A_142, %get3A_143] : memref<64x32xf32, #tpu.memory_space<vmem>>, vector<1x32xf32>
    %reduce_max3A_145 = arith.constant dense<0xFF800000> : vector<32xf32>
    %reduce_max3A_146 = vector.multi_reduction <maximumf>, %select_n3A_141, %reduce_max3A_145 [0] : vector<1024x32xf32> to vector<32xf32>
    %broadcast_in_dim3A_147 = vector.shape_cast %reduce_max3A_146 : vector<32xf32> to vector<1x32xf32>
    %max3A_148 = arith.maximumf %get3A_144, %broadcast_in_dim3A_147 : vector<1x32xf32>
    %swap3A_149 = arith.constant 5 : index
    %swap3A_150 = arith.constant 0 : index
    %swap3A_151 = vector.load %arg16[%swap3A_149, %swap3A_150] : memref<64x32xf32, #tpu.memory_space<vmem>>, vector<1x32xf32>
    tpu.vector_store %arg16[%swap3A_149, %swap3A_150], %max3A_148 {strides = array<i32>} : memref<64x32xf32, #tpu.memory_space<vmem>>, vector<1x32xf32>,
    %eq3A_152 = arith.constant 6 : i32
    %eq3A_153 = vector.broadcast %eq3A_152 : i32 to vector<1024x1xi32>
    %eq3A_154 = arith.cmpi eq, %get3A_26, %eq3A_153 : vector<1024x1xi32>
    %jit3A_155 = arith.constant 0xFF800000 : f32
    %broadcast_in_dim3A_156 = vector.shape_cast %eq3A_154 : vector<1024x1xi1> to vector<1024x1xi1>
    %broadcast_in_dim3A_157 = vector.broadcast %broadcast_in_dim3A_156 : vector<1024x1xi1> to vector<1024x32xi1>
    %broadcast_in_dim3A_158 = vector.broadcast %jit3A_155 : f32 to vector<1024x32xf32>
    %select_n3A_159 = arith.select %broadcast_in_dim3A_157, %add3A_23, %broadcast_in_dim3A_158 : vector<1024x32xi1>, vector<1024x32xf32>
    %get3A_160 = arith.constant 6 : index
    %get3A_161 = arith.constant 0 : index
    %get3A_162 = vector.load %arg16[%get3A_160, %get3A_161] : memref<64x32xf32, #tpu.memory_space<vmem>>, vector<1x32xf32>
    %reduce_max3A_163 = arith.constant dense<0xFF800000> : vector<32xf32>
    %reduce_max3A_164 = vector.multi_reduction <maximumf>, %select_n3A_159, %reduce_max3A_163 [0] : vector<1024x32xf32> to vector<32xf32>
    %broadcast_in_dim3A_165 = vector.shape_cast %reduce_max3A_164 : vector<32xf32> to vector<1x32xf32>
    %max3A_166 = arith.maximumf %get3A_162, %broadcast_in_dim3A_165 : vector<1x32xf32>
    %swap3A_167 = arith.constant 6 : index
    %swap3A_168 = arith.constant 0 : index
    %swap3A_169 = vector.load %arg16[%swap3A_167, %swap3A_168] : memref<64x32xf32, #tpu.memory_space<vmem>>, vector<1x32xf32>
    tpu.vector_store %arg16[%swap3A_167, %swap3A_168], %max3A_166 {strides = array<i32>} : memref<64x32xf32, #tpu.memory_space<vmem>>, vector<1x32xf32>,
    %eq3A_170 = arith.constant 7 : i32
    %eq3A_171 = vector.broadcast %eq3A_170 : i32 to vector<1024x1xi32>
    %eq3A_172 = arith.cmpi eq, %get3A_26, %eq3A_171 : vector<1024x1xi32>
    %jit3A_173 = arith.constant 0xFF800000 : f32
    %broadcast_in_dim3A_174 = vector.shape_cast %eq3A_172 : vector<1024x1xi1> to vector<1024x1xi1>
    %broadcast_in_dim3A_175 = vector.broadcast %broadcast_in_dim3A_174 : vector<1024x1xi1> to vector<1024x32xi1>
    %broadcast_in_dim3A_176 = vector.broadcast %jit3A_173 : f32 to vector<1024x32xf32>
    %select_n3A_177 = arith.select %broadcast_in_dim3A_175, %add3A_23, %broadcast_in_dim3A_176 : vector<1024x32xi1>, vector<1024x32xf32>
    %get3A_178 = arith.constant 7 : index
    %get3A_179 = arith.constant 0 : index
    %get3A_180 = vector.load %arg16[%get3A_178, %get3A_179] : memref<64x32xf32, #tpu.memory_space<vmem>>, vector<1x32xf32>
    %reduce_max3A_181 = arith.constant dense<0xFF800000> : vector<32xf32>
    %reduce_max3A_182 = vector.multi_reduction <maximumf>, %select_n3A_177, %reduce_max3A_181 [0] : vector<1024x32xf32> to vector<32xf32>
    %broadcast_in_dim3A_183 = vector.shape_cast %reduce_max3A_182 : vector<32xf32> to vector<1x32xf32>
    %max3A_184 = arith.maximumf %get3A_180, %broadcast_in_dim3A_183 : vector<1x32xf32>
    %swap3A_185 = arith.constant 7 : index
    %swap3A_186 = arith.constant 0 : index
    %swap3A_187 = vector.load %arg16[%swap3A_185, %swap3A_186] : memref<64x32xf32, #tpu.memory_space<vmem>>, vector<1x32xf32>
    tpu.vector_store %arg16[%swap3A_185, %swap3A_186], %max3A_184 {strides = array<i32>} : memref<64x32xf32, #tpu.memory_space<vmem>>, vector<1x32xf32>,
    %eq3A_188 = arith.constant 8 : i32
    %eq3A_189 = vector.broadcast %eq3A_188 : i32 to vector<1024x1xi32>
    %eq3A_190 = arith.cmpi eq, %get3A_26, %eq3A_189 : vector<1024x1xi32>
    %jit3A_191 = arith.constant 0xFF800000 : f32
    %broadcast_in_dim3A_192 = vector.shape_cast %eq3A_190 : vector<1024x1xi1> to vector<1024x1xi1>
    %broadcast_in_dim3A_193 = vector.broadcast %broadcast_in_dim3A_192 : vector<1024x1xi1> to vector<1024x32xi1>
    %broadcast_in_dim3A_194 = vector.broadcast %jit3A_191 : f32 to vector<1024x32xf32>
    %select_n3A_195 = arith.select %broadcast_in_dim3A_193, %add3A_23, %broadcast_in_dim3A_194 : vector<1024x32xi1>, vector<1024x32xf32>
    %get3A_196 = arith.constant 8 : index
    %get3A_197 = arith.constant 0 : index
    %get3A_198 = vector.load %arg16[%get3A_196, %get3A_197] : memref<64x32xf32, #tpu.memory_space<vmem>>, vector<1x32xf32>
    %reduce_max3A_199 = arith.constant dense<0xFF800000> : vector<32xf32>
    %reduce_max3A_200 = vector.multi_reduction <maximumf>, %select_n3A_195, %reduce_max3A_199 [0] : vector<1024x32xf32> to vector<32xf32>
    %broadcast_in_dim3A_201 = vector.shape_cast %reduce_max3A_200 : vector<32xf32> to vector<1x32xf32>
    %max3A_202 = arith.maximumf %get3A_198, %broadcast_in_dim3A_201 : vector<1x32xf32>
    %swap3A_203 = arith.constant 8 : index
    %swap3A_204 = arith.constant 0 : index
    %swap3A_205 = vector.load %arg16[%swap3A_203, %swap3A_204] : memref<64x32xf32, #tpu.memory_space<vmem>>, vector<1x32xf32>
    tpu.vector_store %arg16[%swap3A_203, %swap3A_204], %max3A_202 {strides = array<i32>} : memref<64x32xf32, #tpu.memory_space<vmem>>, vector<1x32xf32>,
    %eq3A_206 = arith.constant 9 : i32
    %eq3A_207 = vector.broadcast %eq3A_206 : i32 to vector<1024x1xi32>
    %eq3A_208 = arith.cmpi eq, %get3A_26, %eq3A_207 : vector<1024x1xi32>
    %jit3A_209 = arith.constant 0xFF800000 : f32
    %broadcast_in_dim3A_210 = vector.shape_cast %eq3A_208 : vector<1024x1xi1> to vector<1024x1xi1>
    %broadcast_in_dim3A_211 = vector.broadcast %broadcast_in_dim3A_210 : vector<1024x1xi1> to vector<1024x32xi1>
    %broadcast_in_dim3A_212 = vector.broadcast %jit3A_209 : f32 to vector<1024x32xf32>
    %select_n3A_213 = arith.select %broadcast_in_dim3A_211, %add3A_23, %broadcast_in_dim3A_212 : vector<1024x32xi1>, vector<1024x32xf32>
    %get3A_214 = arith.constant 9 : index
    %get3A_215 = arith.constant 0 : index
    %get3A_216 = vector.load %arg16[%get3A_214, %get3A_215] : memref<64x32xf32, #tpu.memory_space<vmem>>, vector<1x32xf32>
    %reduce_max3A_217 = arith.constant dense<0xFF800000> : vector<32xf32>
    %reduce_max3A_218 = vector.multi_reduction <maximumf>, %select_n3A_213, %reduce_max3A_217 [0] : vector<1024x32xf32> to vector<32xf32>
    %broadcast_in_dim3A_219 = vector.shape_cast %reduce_max3A_218 : vector<32xf32> to vector<1x32xf32>
    %max3A_220 = arith.maximumf %get3A_216, %broadcast_in_dim3A_219 : vector<1x32xf32>
    %swap3A_221 = arith.constant 9 : index
    %swap3A_222 = arith.constant 0 : index
    %swap3A_223 = vector.load %arg16[%swap3A_221, %swap3A_222] : memref<64x32xf32, #tpu.memory_space<vmem>>, vector<1x32xf32>
    tpu.vector_store %arg16[%swap3A_221, %swap3A_222], %max3A_220 {strides = array<i32>} : memref<64x32xf32, #tpu.memory_space<vmem>>, vector<1x32xf32>,
    %eq3A_224 = arith.constant 10 : i32
    %eq3A_225 = vector.broadcast %eq3A_224 : i32 to vector<1024x1xi32>
    %eq3A_226 = arith.cmpi eq, %get3A_26, %eq3A_225 : vector<1024x1xi32>
    %jit3A_227 = arith.constant 0xFF800000 : f32
    %broadcast_in_dim3A_228 = vector.shape_cast %eq3A_226 : vector<1024x1xi1> to vector<1024x1xi1>
    %broadcast_in_dim3A_229 = vector.broadcast %broadcast_in_dim3A_228 : vector<1024x1xi1> to vector<1024x32xi1>
    %broadcast_in_dim3A_230 = vector.broadcast %jit3A_227 : f32 to vector<1024x32xf32>
    %select_n3A_231 = arith.select %broadcast_in_dim3A_229, %add3A_23, %broadcast_in_dim3A_230 : vector<1024x32xi1>, vector<1024x32xf32>
    %get3A_232 = arith.constant 10 : index
    %get3A_233 = arith.constant 0 : index
    %get3A_234 = vector.load %arg16[%get3A_232, %get3A_233] : memref<64x32xf32, #tpu.memory_space<vmem>>, vector<1x32xf32>
    %reduce_max3A_235 = arith.constant dense<0xFF800000> : vector<32xf32>
    %reduce_max3A_236 = vector.multi_reduction <maximumf>, %select_n3A_231, %reduce_max3A_235 [0] : vector<1024x32xf32> to vector<32xf32>
    %broadcast_in_dim3A_237 = vector.shape_cast %reduce_max3A_236 : vector<32xf32> to vector<1x32xf32>
    %max3A_238 = arith.maximumf %get3A_234, %broadcast_in_dim3A_237 : vector<1x32xf32>
    %swap3A_239 = arith.constant 10 : index
    %swap3A_240 = arith.constant 0 : index
    %swap3A_241 = vector.load %arg16[%swap3A_239, %swap3A_240] : memref<64x32xf32, #tpu.memory_space<vmem>>, vector<1x32xf32>
    tpu.vector_store %arg16[%swap3A_239, %swap3A_240], %max3A_238 {strides = array<i32>} : memref<64x32xf32, #tpu.memory_space<vmem>>, vector<1x32xf32>,
    %eq3A_242 = arith.constant 11 : i32
    %eq3A_243 = vector.broadcast %eq3A_242 : i32 to vector<1024x1xi32>
    %eq3A_244 = arith.cmpi eq, %get3A_26, %eq3A_243 : vector<1024x1xi32>
    %jit3A_245 = arith.constant 0xFF800000 : f32
    %broadcast_in_dim3A_246 = vector.shape_cast %eq3A_244 : vector<1024x1xi1> to vector<1024x1xi1>
    %broadcast_in_dim3A_247 = vector.broadcast %broadcast_in_dim3A_246 : vector<1024x1xi1> to vector<1024x32xi1>
    %broadcast_in_dim3A_248 = vector.broadcast %jit3A_245 : f32 to vector<1024x32xf32>
    %select_n3A_249 = arith.select %broadcast_in_dim3A_247, %add3A_23, %broadcast_in_dim3A_248 : vector<1024x32xi1>, vector<1024x32xf32>
    %get3A_250 = arith.constant 11 : index
    %get3A_251 = arith.constant 0 : index
    %get3A_252 = vector.load %arg16[%get3A_250, %get3A_251] : memref<64x32xf32, #tpu.memory_space<vmem>>, vector<1x32xf32>
    %reduce_max3A_253 = arith.constant dense<0xFF800000> : vector<32xf32>
    %reduce_max3A_254 = vector.multi_reduction <maximumf>, %select_n3A_249, %reduce_max3A_253 [0] : vector<1024x32xf32> to vector<32xf32>
    %broadcast_in_dim3A_255 = vector.shape_cast %reduce_max3A_254 : vector<32xf32> to vector<1x32xf32>
    %max3A_256 = arith.maximumf %get3A_252, %broadcast_in_dim3A_255 : vector<1x32xf32>
    %swap3A_257 = arith.constant 11 : index
    %swap3A_258 = arith.constant 0 : index
    %swap3A_259 = vector.load %arg16[%swap3A_257, %swap3A_258] : memref<64x32xf32, #tpu.memory_space<vmem>>, vector<1x32xf32>
    tpu.vector_store %arg16[%swap3A_257, %swap3A_258], %max3A_256 {strides = array<i32>} : memref<64x32xf32, #tpu.memory_space<vmem>>, vector<1x32xf32>,
    %eq3A_260 = arith.constant 12 : i32
    %eq3A_261 = vector.broadcast %eq3A_260 : i32 to vector<1024x1xi32>
    %eq3A_262 = arith.cmpi eq, %get3A_26, %eq3A_261 : vector<1024x1xi32>
    %jit3A_263 = arith.constant 0xFF800000 : f32
    %broadcast_in_dim3A_264 = vector.shape_cast %eq3A_262 : vector<1024x1xi1> to vector<1024x1xi1>
    %broadcast_in_dim3A_265 = vector.broadcast %broadcast_in_dim3A_264 : vector<1024x1xi1> to vector<1024x32xi1>
    %broadcast_in_dim3A_266 = vector.broadcast %jit3A_263 : f32 to vector<1024x32xf32>
    %select_n3A_267 = arith.select %broadcast_in_dim3A_265, %add3A_23, %broadcast_in_dim3A_266 : vector<1024x32xi1>, vector<1024x32xf32>
    %get3A_268 = arith.constant 12 : index
    %get3A_269 = arith.constant 0 : index
    %get3A_270 = vector.load %arg16[%get3A_268, %get3A_269] : memref<64x32xf32, #tpu.memory_space<vmem>>, vector<1x32xf32>
    %reduce_max3A_271 = arith.constant dense<0xFF800000> : vector<32xf32>
    %reduce_max3A_272 = vector.multi_reduction <maximumf>, %select_n3A_267, %reduce_max3A_271 [0] : vector<1024x32xf32> to vector<32xf32>
    %broadcast_in_dim3A_273 = vector.shape_cast %reduce_max3A_272 : vector<32xf32> to vector<1x32xf32>
    %max3A_274 = arith.maximumf %get3A_270, %broadcast_in_dim3A_273 : vector<1x32xf32>
    %swap3A_275 = arith.constant 12 : index
    %swap3A_276 = arith.constant 0 : index
    %swap3A_277 = vector.load %arg16[%swap3A_275, %swap3A_276] : memref<64x32xf32, #tpu.memory_space<vmem>>, vector<1x32xf32>
    tpu.vector_store %arg16[%swap3A_275, %swap3A_276], %max3A_274 {strides = array<i32>} : memref<64x32xf32, #tpu.memory_space<vmem>>, vector<1x32xf32>,
    %eq3A_278 = arith.constant 13 : i32
    %eq3A_279 = vector.broadcast %eq3A_278 : i32 to vector<1024x1xi32>
    %eq3A_280 = arith.cmpi eq, %get3A_26, %eq3A_279 : vector<1024x1xi32>
    %jit3A_281 = arith.constant 0xFF800000 : f32
    %broadcast_in_dim3A_282 = vector.shape_cast %eq3A_280 : vector<1024x1xi1> to vector<1024x1xi1>
    %broadcast_in_dim3A_283 = vector.broadcast %broadcast_in_dim3A_282 : vector<1024x1xi1> to vector<1024x32xi1>
    %broadcast_in_dim3A_284 = vector.broadcast %jit3A_281 : f32 to vector<1024x32xf32>
    %select_n3A_285 = arith.select %broadcast_in_dim3A_283, %add3A_23, %broadcast_in_dim3A_284 : vector<1024x32xi1>, vector<1024x32xf32>
    %get3A_286 = arith.constant 13 : index
    %get3A_287 = arith.constant 0 : index
    %get3A_288 = vector.load %arg16[%get3A_286, %get3A_287] : memref<64x32xf32, #tpu.memory_space<vmem>>, vector<1x32xf32>
    %reduce_max3A_289 = arith.constant dense<0xFF800000> : vector<32xf32>
    %reduce_max3A_290 = vector.multi_reduction <maximumf>, %select_n3A_285, %reduce_max3A_289 [0] : vector<1024x32xf32> to vector<32xf32>
    %broadcast_in_dim3A_291 = vector.shape_cast %reduce_max3A_290 : vector<32xf32> to vector<1x32xf32>
    %max3A_292 = arith.maximumf %get3A_288, %broadcast_in_dim3A_291 : vector<1x32xf32>
    %swap3A_293 = arith.constant 13 : index
    %swap3A_294 = arith.constant 0 : index
    %swap3A_295 = vector.load %arg16[%swap3A_293, %swap3A_294] : memref<64x32xf32, #tpu.memory_space<vmem>>, vector<1x32xf32>
    tpu.vector_store %arg16[%swap3A_293, %swap3A_294], %max3A_292 {strides = array<i32>} : memref<64x32xf32, #tpu.memory_space<vmem>>, vector<1x32xf32>,
    %eq3A_296 = arith.constant 14 : i32
    %eq3A_297 = vector.broadcast %eq3A_296 : i32 to vector<1024x1xi32>
    %eq3A_298 = arith.cmpi eq, %get3A_26, %eq3A_297 : vector<1024x1xi32>
    %jit3A_299 = arith.constant 0xFF800000 : f32
    %broadcast_in_dim3A_300 = vector.shape_cast %eq3A_298 : vector<1024x1xi1> to vector<1024x1xi1>
    %broadcast_in_dim3A_301 = vector.broadcast %broadcast_in_dim3A_300 : vector<1024x1xi1> to vector<1024x32xi1>
    %broadcast_in_dim3A_302 = vector.broadcast %jit3A_299 : f32 to vector<1024x32xf32>
    %select_n3A_303 = arith.select %broadcast_in_dim3A_301, %add3A_23, %broadcast_in_dim3A_302 : vector<1024x32xi1>, vector<1024x32xf32>
    %get3A_304 = arith.constant 14 : index
    %get3A_305 = arith.constant 0 : index
    %get3A_306 = vector.load %arg16[%get3A_304, %get3A_305] : memref<64x32xf32, #tpu.memory_space<vmem>>, vector<1x32xf32>
    %reduce_max3A_307 = arith.constant dense<0xFF800000> : vector<32xf32>
    %reduce_max3A_308 = vector.multi_reduction <maximumf>, %select_n3A_303, %reduce_max3A_307 [0] : vector<1024x32xf32> to vector<32xf32>
    %broadcast_in_dim3A_309 = vector.shape_cast %reduce_max3A_308 : vector<32xf32> to vector<1x32xf32>
    %max3A_310 = arith.maximumf %get3A_306, %broadcast_in_dim3A_309 : vector<1x32xf32>
    %swap3A_311 = arith.constant 14 : index
    %swap3A_312 = arith.constant 0 : index
    %swap3A_313 = vector.load %arg16[%swap3A_311, %swap3A_312] : memref<64x32xf32, #tpu.memory_space<vmem>>, vector<1x32xf32>
    tpu.vector_store %arg16[%swap3A_311, %swap3A_312], %max3A_310 {strides = array<i32>} : memref<64x32xf32, #tpu.memory_space<vmem>>, vector<1x32xf32>,
    %eq3A_314 = arith.constant 15 : i32
    %eq3A_315 = vector.broadcast %eq3A_314 : i32 to vector<1024x1xi32>
    %eq3A_316 = arith.cmpi eq, %get3A_26, %eq3A_315 : vector<1024x1xi32>
    %jit3A_317 = arith.constant 0xFF800000 : f32
    %broadcast_in_dim3A_318 = vector.shape_cast %eq3A_316 : vector<1024x1xi1> to vector<1024x1xi1>
    %broadcast_in_dim3A_319 = vector.broadcast %broadcast_in_dim3A_318 : vector<1024x1xi1> to vector<1024x32xi1>
    %broadcast_in_dim3A_320 = vector.broadcast %jit3A_317 : f32 to vector<1024x32xf32>
    %select_n3A_321 = arith.select %broadcast_in_dim3A_319, %add3A_23, %broadcast_in_dim3A_320 : vector<1024x32xi1>, vector<1024x32xf32>
    %get3A_322 = arith.constant 15 : index
    %get3A_323 = arith.constant 0 : index
    %get3A_324 = vector.load %arg16[%get3A_322, %get3A_323] : memref<64x32xf32, #tpu.memory_space<vmem>>, vector<1x32xf32>
    %reduce_max3A_325 = arith.constant dense<0xFF800000> : vector<32xf32>
    %reduce_max3A_326 = vector.multi_reduction <maximumf>, %select_n3A_321, %reduce_max3A_325 [0] : vector<1024x32xf32> to vector<32xf32>
    %broadcast_in_dim3A_327 = vector.shape_cast %reduce_max3A_326 : vector<32xf32> to vector<1x32xf32>
    %max3A_328 = arith.maximumf %get3A_324, %broadcast_in_dim3A_327 : vector<1x32xf32>
    %swap3A_329 = arith.constant 15 : index
    %swap3A_330 = arith.constant 0 : index
    %swap3A_331 = vector.load %arg16[%swap3A_329, %swap3A_330] : memref<64x32xf32, #tpu.memory_space<vmem>>, vector<1x32xf32>
    tpu.vector_store %arg16[%swap3A_329, %swap3A_330], %max3A_328 {strides = array<i32>} : memref<64x32xf32, #tpu.memory_space<vmem>>, vector<1x32xf32>,
    %eq3A_332 = arith.constant 16 : i32
    %eq3A_333 = vector.broadcast %eq3A_332 : i32 to vector<1024x1xi32>
    %eq3A_334 = arith.cmpi eq, %get3A_26, %eq3A_333 : vector<1024x1xi32>
    %jit3A_335 = arith.constant 0xFF800000 : f32
    %broadcast_in_dim3A_336 = vector.shape_cast %eq3A_334 : vector<1024x1xi1> to vector<1024x1xi1>
    %broadcast_in_dim3A_337 = vector.broadcast %broadcast_in_dim3A_336 : vector<1024x1xi1> to vector<1024x32xi1>
    %broadcast_in_dim3A_338 = vector.broadcast %jit3A_335 : f32 to vector<1024x32xf32>
    %select_n3A_339 = arith.select %broadcast_in_dim3A_337, %add3A_23, %broadcast_in_dim3A_338 : vector<1024x32xi1>, vector<1024x32xf32>
    %get3A_340 = arith.constant 16 : index
    %get3A_341 = arith.constant 0 : index
    %get3A_342 = vector.load %arg16[%get3A_340, %get3A_341] : memref<64x32xf32, #tpu.memory_space<vmem>>, vector<1x32xf32>
    %reduce_max3A_343 = arith.constant dense<0xFF800000> : vector<32xf32>
    %reduce_max3A_344 = vector.multi_reduction <maximumf>, %select_n3A_339, %reduce_max3A_343 [0] : vector<1024x32xf32> to vector<32xf32>
    %broadcast_in_dim3A_345 = vector.shape_cast %reduce_max3A_344 : vector<32xf32> to vector<1x32xf32>
    %max3A_346 = arith.maximumf %get3A_342, %broadcast_in_dim3A_345 : vector<1x32xf32>
    %swap3A_347 = arith.constant 16 : index
    %swap3A_348 = arith.constant 0 : index
    %swap3A_349 = vector.load %arg16[%swap3A_347, %swap3A_348] : memref<64x32xf32, #tpu.memory_space<vmem>>, vector<1x32xf32>
    tpu.vector_store %arg16[%swap3A_347, %swap3A_348], %max3A_346 {strides = array<i32>} : memref<64x32xf32, #tpu.memory_space<vmem>>, vector<1x32xf32>,
    %eq3A_350 = arith.constant 17 : i32
    %eq3A_351 = vector.broadcast %eq3A_350 : i32 to vector<1024x1xi32>
    %eq3A_352 = arith.cmpi eq, %get3A_26, %eq3A_351 : vector<1024x1xi32>
    %jit3A_353 = arith.constant 0xFF800000 : f32
    %broadcast_in_dim3A_354 = vector.shape_cast %eq3A_352 : vector<1024x1xi1> to vector<1024x1xi1>
    %broadcast_in_dim3A_355 = vector.broadcast %broadcast_in_dim3A_354 : vector<1024x1xi1> to vector<1024x32xi1>
    %broadcast_in_dim3A_356 = vector.broadcast %jit3A_353 : f32 to vector<1024x32xf32>
    %select_n3A_357 = arith.select %broadcast_in_dim3A_355, %add3A_23, %broadcast_in_dim3A_356 : vector<1024x32xi1>, vector<1024x32xf32>
    %get3A_358 = arith.constant 17 : index
    %get3A_359 = arith.constant 0 : index
    %get3A_360 = vector.load %arg16[%get3A_358, %get3A_359] : memref<64x32xf32, #tpu.memory_space<vmem>>, vector<1x32xf32>
    %reduce_max3A_361 = arith.constant dense<0xFF800000> : vector<32xf32>
    %reduce_max3A_362 = vector.multi_reduction <maximumf>, %select_n3A_357, %reduce_max3A_361 [0] : vector<1024x32xf32> to vector<32xf32>
    %broadcast_in_dim3A_363 = vector.shape_cast %reduce_max3A_362 : vector<32xf32> to vector<1x32xf32>
    %max3A_364 = arith.maximumf %get3A_360, %broadcast_in_dim3A_363 : vector<1x32xf32>
    %swap3A_365 = arith.constant 17 : index
    %swap3A_366 = arith.constant 0 : index
    %swap3A_367 = vector.load %arg16[%swap3A_365, %swap3A_366] : memref<64x32xf32, #tpu.memory_space<vmem>>, vector<1x32xf32>
    tpu.vector_store %arg16[%swap3A_365, %swap3A_366], %max3A_364 {strides = array<i32>} : memref<64x32xf32, #tpu.memory_space<vmem>>, vector<1x32xf32>,
    %eq3A_368 = arith.constant 18 : i32
    %eq3A_369 = vector.broadcast %eq3A_368 : i32 to vector<1024x1xi32>
    %eq3A_370 = arith.cmpi eq, %get3A_26, %eq3A_369 : vector<1024x1xi32>
    %jit3A_371 = arith.constant 0xFF800000 : f32
    %broadcast_in_dim3A_372 = vector.shape_cast %eq3A_370 : vector<1024x1xi1> to vector<1024x1xi1>
    %broadcast_in_dim3A_373 = vector.broadcast %broadcast_in_dim3A_372 : vector<1024x1xi1> to vector<1024x32xi1>
    %broadcast_in_dim3A_374 = vector.broadcast %jit3A_371 : f32 to vector<1024x32xf32>
    %select_n3A_375 = arith.select %broadcast_in_dim3A_373, %add3A_23, %broadcast_in_dim3A_374 : vector<1024x32xi1>, vector<1024x32xf32>
    %get3A_376 = arith.constant 18 : index
    %get3A_377 = arith.constant 0 : index
    %get3A_378 = vector.load %arg16[%get3A_376, %get3A_377] : memref<64x32xf32, #tpu.memory_space<vmem>>, vector<1x32xf32>
    %reduce_max3A_379 = arith.constant dense<0xFF800000> : vector<32xf32>
    %reduce_max3A_380 = vector.multi_reduction <maximumf>, %select_n3A_375, %reduce_max3A_379 [0] : vector<1024x32xf32> to vector<32xf32>
    %broadcast_in_dim3A_381 = vector.shape_cast %reduce_max3A_380 : vector<32xf32> to vector<1x32xf32>
    %max3A_382 = arith.maximumf %get3A_378, %broadcast_in_dim3A_381 : vector<1x32xf32>
    %swap3A_383 = arith.constant 18 : index
    %swap3A_384 = arith.constant 0 : index
    %swap3A_385 = vector.load %arg16[%swap3A_383, %swap3A_384] : memref<64x32xf32, #tpu.memory_space<vmem>>, vector<1x32xf32>
    tpu.vector_store %arg16[%swap3A_383, %swap3A_384], %max3A_382 {strides = array<i32>} : memref<64x32xf32, #tpu.memory_space<vmem>>, vector<1x32xf32>,
    %eq3A_386 = arith.constant 19 : i32
    %eq3A_387 = vector.broadcast %eq3A_386 : i32 to vector<1024x1xi32>
    %eq3A_388 = arith.cmpi eq, %get3A_26, %eq3A_387 : vector<1024x1xi32>
    %jit3A_389 = arith.constant 0xFF800000 : f32
    %broadcast_in_dim3A_390 = vector.shape_cast %eq3A_388 : vector<1024x1xi1> to vector<1024x1xi1>
    %broadcast_in_dim3A_391 = vector.broadcast %broadcast_in_dim3A_390 : vector<1024x1xi1> to vector<1024x32xi1>
    %broadcast_in_dim3A_392 = vector.broadcast %jit3A_389 : f32 to vector<1024x32xf32>
    %select_n3A_393 = arith.select %broadcast_in_dim3A_391, %add3A_23, %broadcast_in_dim3A_392 : vector<1024x32xi1>, vector<1024x32xf32>
    %get3A_394 = arith.constant 19 : index
    %get3A_395 = arith.constant 0 : index
    %get3A_396 = vector.load %arg16[%get3A_394, %get3A_395] : memref<64x32xf32, #tpu.memory_space<vmem>>, vector<1x32xf32>
    %reduce_max3A_397 = arith.constant dense<0xFF800000> : vector<32xf32>
    %reduce_max3A_398 = vector.multi_reduction <maximumf>, %select_n3A_393, %reduce_max3A_397 [0] : vector<1024x32xf32> to vector<32xf32>
    %broadcast_in_dim3A_399 = vector.shape_cast %reduce_max3A_398 : vector<32xf32> to vector<1x32xf32>
    %max3A_400 = arith.maximumf %get3A_396, %broadcast_in_dim3A_399 : vector<1x32xf32>
    %swap3A_401 = arith.constant 19 : index
    %swap3A_402 = arith.constant 0 : index
    %swap3A_403 = vector.load %arg16[%swap3A_401, %swap3A_402] : memref<64x32xf32, #tpu.memory_space<vmem>>, vector<1x32xf32>
    tpu.vector_store %arg16[%swap3A_401, %swap3A_402], %max3A_400 {strides = array<i32>} : memref<64x32xf32, #tpu.memory_space<vmem>>, vector<1x32xf32>,
    %eq3A_404 = arith.constant 20 : i32
    %eq3A_405 = vector.broadcast %eq3A_404 : i32 to vector<1024x1xi32>
    %eq3A_406 = arith.cmpi eq, %get3A_26, %eq3A_405 : vector<1024x1xi32>
    %jit3A_407 = arith.constant 0xFF800000 : f32
    %broadcast_in_dim3A_408 = vector.shape_cast %eq3A_406 : vector<1024x1xi1> to vector<1024x1xi1>
    %broadcast_in_dim3A_409 = vector.broadcast %broadcast_in_dim3A_408 : vector<1024x1xi1> to vector<1024x32xi1>
    %broadcast_in_dim3A_410 = vector.broadcast %jit3A_407 : f32 to vector<1024x32xf32>
    %select_n3A_411 = arith.select %broadcast_in_dim3A_409, %add3A_23, %broadcast_in_dim3A_410 : vector<1024x32xi1>, vector<1024x32xf32>
    %get3A_412 = arith.constant 20 : index
    %get3A_413 = arith.constant 0 : index
    %get3A_414 = vector.load %arg16[%get3A_412, %get3A_413] : memref<64x32xf32, #tpu.memory_space<vmem>>, vector<1x32xf32>
    %reduce_max3A_415 = arith.constant dense<0xFF800000> : vector<32xf32>
    %reduce_max3A_416 = vector.multi_reduction <maximumf>, %select_n3A_411, %reduce_max3A_415 [0] : vector<1024x32xf32> to vector<32xf32>
    %broadcast_in_dim3A_417 = vector.shape_cast %reduce_max3A_416 : vector<32xf32> to vector<1x32xf32>
    %max3A_418 = arith.maximumf %get3A_414, %broadcast_in_dim3A_417 : vector<1x32xf32>
    %swap3A_419 = arith.constant 20 : index
    %swap3A_420 = arith.constant 0 : index
    %swap3A_421 = vector.load %arg16[%swap3A_419, %swap3A_420] : memref<64x32xf32, #tpu.memory_space<vmem>>, vector<1x32xf32>
    tpu.vector_store %arg16[%swap3A_419, %swap3A_420], %max3A_418 {strides = array<i32>} : memref<64x32xf32, #tpu.memory_space<vmem>>, vector<1x32xf32>,
    %eq3A_422 = arith.constant 21 : i32
    %eq3A_423 = vector.broadcast %eq3A_422 : i32 to vector<1024x1xi32>
    %eq3A_424 = arith.cmpi eq, %get3A_26, %eq3A_423 : vector<1024x1xi32>
    %jit3A_425 = arith.constant 0xFF800000 : f32
    %broadcast_in_dim3A_426 = vector.shape_cast %eq3A_424 : vector<1024x1xi1> to vector<1024x1xi1>
    %broadcast_in_dim3A_427 = vector.broadcast %broadcast_in_dim3A_426 : vector<1024x1xi1> to vector<1024x32xi1>
    %broadcast_in_dim3A_428 = vector.broadcast %jit3A_425 : f32 to vector<1024x32xf32>
    %select_n3A_429 = arith.select %broadcast_in_dim3A_427, %add3A_23, %broadcast_in_dim3A_428 : vector<1024x32xi1>, vector<1024x32xf32>
    %get3A_430 = arith.constant 21 : index
    %get3A_431 = arith.constant 0 : index
    %get3A_432 = vector.load %arg16[%get3A_430, %get3A_431] : memref<64x32xf32, #tpu.memory_space<vmem>>, vector<1x32xf32>
    %reduce_max3A_433 = arith.constant dense<0xFF800000> : vector<32xf32>
    %reduce_max3A_434 = vector.multi_reduction <maximumf>, %select_n3A_429, %reduce_max3A_433 [0] : vector<1024x32xf32> to vector<32xf32>
    %broadcast_in_dim3A_435 = vector.shape_cast %reduce_max3A_434 : vector<32xf32> to vector<1x32xf32>
    %max3A_436 = arith.maximumf %get3A_432, %broadcast_in_dim3A_435 : vector<1x32xf32>
    %swap3A_437 = arith.constant 21 : index
    %swap3A_438 = arith.constant 0 : index
    %swap3A_439 = vector.load %arg16[%swap3A_437, %swap3A_438] : memref<64x32xf32, #tpu.memory_space<vmem>>, vector<1x32xf32>
    tpu.vector_store %arg16[%swap3A_437, %swap3A_438], %max3A_436 {strides = array<i32>} : memref<64x32xf32, #tpu.memory_space<vmem>>, vector<1x32xf32>,
    %eq3A_440 = arith.constant 22 : i32
    %eq3A_441 = vector.broadcast %eq3A_440 : i32 to vector<1024x1xi32>
    %eq3A_442 = arith.cmpi eq, %get3A_26, %eq3A_441 : vector<1024x1xi32>
    %jit3A_443 = arith.constant 0xFF800000 : f32
    %broadcast_in_dim3A_444 = vector.shape_cast %eq3A_442 : vector<1024x1xi1> to vector<1024x1xi1>
    %broadcast_in_dim3A_445 = vector.broadcast %broadcast_in_dim3A_444 : vector<1024x1xi1> to vector<1024x32xi1>
    %broadcast_in_dim3A_446 = vector.broadcast %jit3A_443 : f32 to vector<1024x32xf32>
    %select_n3A_447 = arith.select %broadcast_in_dim3A_445, %add3A_23, %broadcast_in_dim3A_446 : vector<1024x32xi1>, vector<1024x32xf32>
    %get3A_448 = arith.constant 22 : index
    %get3A_449 = arith.constant 0 : index
    %get3A_450 = vector.load %arg16[%get3A_448, %get3A_449] : memref<64x32xf32, #tpu.memory_space<vmem>>, vector<1x32xf32>
    %reduce_max3A_451 = arith.constant dense<0xFF800000> : vector<32xf32>
    %reduce_max3A_452 = vector.multi_reduction <maximumf>, %select_n3A_447, %reduce_max3A_451 [0] : vector<1024x32xf32> to vector<32xf32>
    %broadcast_in_dim3A_453 = vector.shape_cast %reduce_max3A_452 : vector<32xf32> to vector<1x32xf32>
    %max3A_454 = arith.maximumf %get3A_450, %broadcast_in_dim3A_453 : vector<1x32xf32>
    %swap3A_455 = arith.constant 22 : index
    %swap3A_456 = arith.constant 0 : index
    %swap3A_457 = vector.load %arg16[%swap3A_455, %swap3A_456] : memref<64x32xf32, #tpu.memory_space<vmem>>, vector<1x32xf32>
    tpu.vector_store %arg16[%swap3A_455, %swap3A_456], %max3A_454 {strides = array<i32>} : memref<64x32xf32, #tpu.memory_space<vmem>>, vector<1x32xf32>,
    %eq3A_458 = arith.constant 23 : i32
    %eq3A_459 = vector.broadcast %eq3A_458 : i32 to vector<1024x1xi32>
    %eq3A_460 = arith.cmpi eq, %get3A_26, %eq3A_459 : vector<1024x1xi32>
    %jit3A_461 = arith.constant 0xFF800000 : f32
    %broadcast_in_dim3A_462 = vector.shape_cast %eq3A_460 : vector<1024x1xi1> to vector<1024x1xi1>
    %broadcast_in_dim3A_463 = vector.broadcast %broadcast_in_dim3A_462 : vector<1024x1xi1> to vector<1024x32xi1>
    %broadcast_in_dim3A_464 = vector.broadcast %jit3A_461 : f32 to vector<1024x32xf32>
    %select_n3A_465 = arith.select %broadcast_in_dim3A_463, %add3A_23, %broadcast_in_dim3A_464 : vector<1024x32xi1>, vector<1024x32xf32>
    %get3A_466 = arith.constant 23 : index
    %get3A_467 = arith.constant 0 : index
    %get3A_468 = vector.load %arg16[%get3A_466, %get3A_467] : memref<64x32xf32, #tpu.memory_space<vmem>>, vector<1x32xf32>
    %reduce_max3A_469 = arith.constant dense<0xFF800000> : vector<32xf32>
    %reduce_max3A_470 = vector.multi_reduction <maximumf>, %select_n3A_465, %reduce_max3A_469 [0] : vector<1024x32xf32> to vector<32xf32>
    %broadcast_in_dim3A_471 = vector.shape_cast %reduce_max3A_470 : vector<32xf32> to vector<1x32xf32>
    %max3A_472 = arith.maximumf %get3A_468, %broadcast_in_dim3A_471 : vector<1x32xf32>
    %swap3A_473 = arith.constant 23 : index
    %swap3A_474 = arith.constant 0 : index
    %swap3A_475 = vector.load %arg16[%swap3A_473, %swap3A_474] : memref<64x32xf32, #tpu.memory_space<vmem>>, vector<1x32xf32>
    tpu.vector_store %arg16[%swap3A_473, %swap3A_474], %max3A_472 {strides = array<i32>} : memref<64x32xf32, #tpu.memory_space<vmem>>, vector<1x32xf32>,
    %eq3A_476 = arith.constant 24 : i32
    %eq3A_477 = vector.broadcast %eq3A_476 : i32 to vector<1024x1xi32>
    %eq3A_478 = arith.cmpi eq, %get3A_26, %eq3A_477 : vector<1024x1xi32>
    %jit3A_479 = arith.constant 0xFF800000 : f32
    %broadcast_in_dim3A_480 = vector.shape_cast %eq3A_478 : vector<1024x1xi1> to vector<1024x1xi1>
    %broadcast_in_dim3A_481 = vector.broadcast %broadcast_in_dim3A_480 : vector<1024x1xi1> to vector<1024x32xi1>
    %broadcast_in_dim3A_482 = vector.broadcast %jit3A_479 : f32 to vector<1024x32xf32>
    %select_n3A_483 = arith.select %broadcast_in_dim3A_481, %add3A_23, %broadcast_in_dim3A_482 : vector<1024x32xi1>, vector<1024x32xf32>
    %get3A_484 = arith.constant 24 : index
    %get3A_485 = arith.constant 0 : index
    %get3A_486 = vector.load %arg16[%get3A_484, %get3A_485] : memref<64x32xf32, #tpu.memory_space<vmem>>, vector<1x32xf32>
    %reduce_max3A_487 = arith.constant dense<0xFF800000> : vector<32xf32>
    %reduce_max3A_488 = vector.multi_reduction <maximumf>, %select_n3A_483, %reduce_max3A_487 [0] : vector<1024x32xf32> to vector<32xf32>
    %broadcast_in_dim3A_489 = vector.shape_cast %reduce_max3A_488 : vector<32xf32> to vector<1x32xf32>
    %max3A_490 = arith.maximumf %get3A_486, %broadcast_in_dim3A_489 : vector<1x32xf32>
    %swap3A_491 = arith.constant 24 : index
    %swap3A_492 = arith.constant 0 : index
    %swap3A_493 = vector.load %arg16[%swap3A_491, %swap3A_492] : memref<64x32xf32, #tpu.memory_space<vmem>>, vector<1x32xf32>
    tpu.vector_store %arg16[%swap3A_491, %swap3A_492], %max3A_490 {strides = array<i32>} : memref<64x32xf32, #tpu.memory_space<vmem>>, vector<1x32xf32>,
    %eq3A_494 = arith.constant 25 : i32
    %eq3A_495 = vector.broadcast %eq3A_494 : i32 to vector<1024x1xi32>
    %eq3A_496 = arith.cmpi eq, %get3A_26, %eq3A_495 : vector<1024x1xi32>
    %jit3A_497 = arith.constant 0xFF800000 : f32
    %broadcast_in_dim3A_498 = vector.shape_cast %eq3A_496 : vector<1024x1xi1> to vector<1024x1xi1>
    %broadcast_in_dim3A_499 = vector.broadcast %broadcast_in_dim3A_498 : vector<1024x1xi1> to vector<1024x32xi1>
    %broadcast_in_dim3A_500 = vector.broadcast %jit3A_497 : f32 to vector<1024x32xf32>
    %select_n3A_501 = arith.select %broadcast_in_dim3A_499, %add3A_23, %broadcast_in_dim3A_500 : vector<1024x32xi1>, vector<1024x32xf32>
    %get3A_502 = arith.constant 25 : index
    %get3A_503 = arith.constant 0 : index
    %get3A_504 = vector.load %arg16[%get3A_502, %get3A_503] : memref<64x32xf32, #tpu.memory_space<vmem>>, vector<1x32xf32>
    %reduce_max3A_505 = arith.constant dense<0xFF800000> : vector<32xf32>
    %reduce_max3A_506 = vector.multi_reduction <maximumf>, %select_n3A_501, %reduce_max3A_505 [0] : vector<1024x32xf32> to vector<32xf32>
    %broadcast_in_dim3A_507 = vector.shape_cast %reduce_max3A_506 : vector<32xf32> to vector<1x32xf32>
    %max3A_508 = arith.maximumf %get3A_504, %broadcast_in_dim3A_507 : vector<1x32xf32>
    %swap3A_509 = arith.constant 25 : index
    %swap3A_510 = arith.constant 0 : index
    %swap3A_511 = vector.load %arg16[%swap3A_509, %swap3A_510] : memref<64x32xf32, #tpu.memory_space<vmem>>, vector<1x32xf32>
    tpu.vector_store %arg16[%swap3A_509, %swap3A_510], %max3A_508 {strides = array<i32>} : memref<64x32xf32, #tpu.memory_space<vmem>>, vector<1x32xf32>,
    %eq3A_512 = arith.constant 26 : i32
    %eq3A_513 = vector.broadcast %eq3A_512 : i32 to vector<1024x1xi32>
    %eq3A_514 = arith.cmpi eq, %get3A_26, %eq3A_513 : vector<1024x1xi32>
    %jit3A_515 = arith.constant 0xFF800000 : f32
    %broadcast_in_dim3A_516 = vector.shape_cast %eq3A_514 : vector<1024x1xi1> to vector<1024x1xi1>
    %broadcast_in_dim3A_517 = vector.broadcast %broadcast_in_dim3A_516 : vector<1024x1xi1> to vector<1024x32xi1>
    %broadcast_in_dim3A_518 = vector.broadcast %jit3A_515 : f32 to vector<1024x32xf32>
    %select_n3A_519 = arith.select %broadcast_in_dim3A_517, %add3A_23, %broadcast_in_dim3A_518 : vector<1024x32xi1>, vector<1024x32xf32>
    %get3A_520 = arith.constant 26 : index
    %get3A_521 = arith.constant 0 : index
    %get3A_522 = vector.load %arg16[%get3A_520, %get3A_521] : memref<64x32xf32, #tpu.memory_space<vmem>>, vector<1x32xf32>
    %reduce_max3A_523 = arith.constant dense<0xFF800000> : vector<32xf32>
    %reduce_max3A_524 = vector.multi_reduction <maximumf>, %select_n3A_519, %reduce_max3A_523 [0] : vector<1024x32xf32> to vector<32xf32>
    %broadcast_in_dim3A_525 = vector.shape_cast %reduce_max3A_524 : vector<32xf32> to vector<1x32xf32>
    %max3A_526 = arith.maximumf %get3A_522, %broadcast_in_dim3A_525 : vector<1x32xf32>
    %swap3A_527 = arith.constant 26 : index
    %swap3A_528 = arith.constant 0 : index
    %swap3A_529 = vector.load %arg16[%swap3A_527, %swap3A_528] : memref<64x32xf32, #tpu.memory_space<vmem>>, vector<1x32xf32>
    tpu.vector_store %arg16[%swap3A_527, %swap3A_528], %max3A_526 {strides = array<i32>} : memref<64x32xf32, #tpu.memory_space<vmem>>, vector<1x32xf32>,
    %eq3A_530 = arith.constant 27 : i32
    %eq3A_531 = vector.broadcast %eq3A_530 : i32 to vector<1024x1xi32>
    %eq3A_532 = arith.cmpi eq, %get3A_26, %eq3A_531 : vector<1024x1xi32>
    %jit3A_533 = arith.constant 0xFF800000 : f32
    %broadcast_in_dim3A_534 = vector.shape_cast %eq3A_532 : vector<1024x1xi1> to vector<1024x1xi1>
    %broadcast_in_dim3A_535 = vector.broadcast %broadcast_in_dim3A_534 : vector<1024x1xi1> to vector<1024x32xi1>
    %broadcast_in_dim3A_536 = vector.broadcast %jit3A_533 : f32 to vector<1024x32xf32>
    %select_n3A_537 = arith.select %broadcast_in_dim3A_535, %add3A_23, %broadcast_in_dim3A_536 : vector<1024x32xi1>, vector<1024x32xf32>
    %get3A_538 = arith.constant 27 : index
    %get3A_539 = arith.constant 0 : index
    %get3A_540 = vector.load %arg16[%get3A_538, %get3A_539] : memref<64x32xf32, #tpu.memory_space<vmem>>, vector<1x32xf32>
    %reduce_max3A_541 = arith.constant dense<0xFF800000> : vector<32xf32>
    %reduce_max3A_542 = vector.multi_reduction <maximumf>, %select_n3A_537, %reduce_max3A_541 [0] : vector<1024x32xf32> to vector<32xf32>
    %broadcast_in_dim3A_543 = vector.shape_cast %reduce_max3A_542 : vector<32xf32> to vector<1x32xf32>
    %max3A_544 = arith.maximumf %get3A_540, %broadcast_in_dim3A_543 : vector<1x32xf32>
    %swap3A_545 = arith.constant 27 : index
    %swap3A_546 = arith.constant 0 : index
    %swap3A_547 = vector.load %arg16[%swap3A_545, %swap3A_546] : memref<64x32xf32, #tpu.memory_space<vmem>>, vector<1x32xf32>
    tpu.vector_store %arg16[%swap3A_545, %swap3A_546], %max3A_544 {strides = array<i32>} : memref<64x32xf32, #tpu.memory_space<vmem>>, vector<1x32xf32>,
    %eq3A_548 = arith.constant 28 : i32
    %eq3A_549 = vector.broadcast %eq3A_548 : i32 to vector<1024x1xi32>
    %eq3A_550 = arith.cmpi eq, %get3A_26, %eq3A_549 : vector<1024x1xi32>
    %jit3A_551 = arith.constant 0xFF800000 : f32
    %broadcast_in_dim3A_552 = vector.shape_cast %eq3A_550 : vector<1024x1xi1> to vector<1024x1xi1>
    %broadcast_in_dim3A_553 = vector.broadcast %broadcast_in_dim3A_552 : vector<1024x1xi1> to vector<1024x32xi1>
    %broadcast_in_dim3A_554 = vector.broadcast %jit3A_551 : f32 to vector<1024x32xf32>
    %select_n3A_555 = arith.select %broadcast_in_dim3A_553, %add3A_23, %broadcast_in_dim3A_554 : vector<1024x32xi1>, vector<1024x32xf32>
    %get3A_556 = arith.constant 28 : index
    %get3A_557 = arith.constant 0 : index
    %get3A_558 = vector.load %arg16[%get3A_556, %get3A_557] : memref<64x32xf32, #tpu.memory_space<vmem>>, vector<1x32xf32>
    %reduce_max3A_559 = arith.constant dense<0xFF800000> : vector<32xf32>
    %reduce_max3A_560 = vector.multi_reduction <maximumf>, %select_n3A_555, %reduce_max3A_559 [0] : vector<1024x32xf32> to vector<32xf32>
    %broadcast_in_dim3A_561 = vector.shape_cast %reduce_max3A_560 : vector<32xf32> to vector<1x32xf32>
    %max3A_562 = arith.maximumf %get3A_558, %broadcast_in_dim3A_561 : vector<1x32xf32>
    %swap3A_563 = arith.constant 28 : index
    %swap3A_564 = arith.constant 0 : index
    %swap3A_565 = vector.load %arg16[%swap3A_563, %swap3A_564] : memref<64x32xf32, #tpu.memory_space<vmem>>, vector<1x32xf32>
    tpu.vector_store %arg16[%swap3A_563, %swap3A_564], %max3A_562 {strides = array<i32>} : memref<64x32xf32, #tpu.memory_space<vmem>>, vector<1x32xf32>,
    %eq3A_566 = arith.constant 29 : i32
    %eq3A_567 = vector.broadcast %eq3A_566 : i32 to vector<1024x1xi32>
    %eq3A_568 = arith.cmpi eq, %get3A_26, %eq3A_567 : vector<1024x1xi32>
    %jit3A_569 = arith.constant 0xFF800000 : f32
    %broadcast_in_dim3A_570 = vector.shape_cast %eq3A_568 : vector<1024x1xi1> to vector<1024x1xi1>
    %broadcast_in_dim3A_571 = vector.broadcast %broadcast_in_dim3A_570 : vector<1024x1xi1> to vector<1024x32xi1>
    %broadcast_in_dim3A_572 = vector.broadcast %jit3A_569 : f32 to vector<1024x32xf32>
    %select_n3A_573 = arith.select %broadcast_in_dim3A_571, %add3A_23, %broadcast_in_dim3A_572 : vector<1024x32xi1>, vector<1024x32xf32>
    %get3A_574 = arith.constant 29 : index
    %get3A_575 = arith.constant 0 : index
    %get3A_576 = vector.load %arg16[%get3A_574, %get3A_575] : memref<64x32xf32, #tpu.memory_space<vmem>>, vector<1x32xf32>
    %reduce_max3A_577 = arith.constant dense<0xFF800000> : vector<32xf32>
    %reduce_max3A_578 = vector.multi_reduction <maximumf>, %select_n3A_573, %reduce_max3A_577 [0] : vector<1024x32xf32> to vector<32xf32>
    %broadcast_in_dim3A_579 = vector.shape_cast %reduce_max3A_578 : vector<32xf32> to vector<1x32xf32>
    %max3A_580 = arith.maximumf %get3A_576, %broadcast_in_dim3A_579 : vector<1x32xf32>
    %swap3A_581 = arith.constant 29 : index
    %swap3A_582 = arith.constant 0 : index
    %swap3A_583 = vector.load %arg16[%swap3A_581, %swap3A_582] : memref<64x32xf32, #tpu.memory_space<vmem>>, vector<1x32xf32>
    tpu.vector_store %arg16[%swap3A_581, %swap3A_582], %max3A_580 {strides = array<i32>} : memref<64x32xf32, #tpu.memory_space<vmem>>, vector<1x32xf32>,
    %eq3A_584 = arith.constant 30 : i32
    %eq3A_585 = vector.broadcast %eq3A_584 : i32 to vector<1024x1xi32>
    %eq3A_586 = arith.cmpi eq, %get3A_26, %eq3A_585 : vector<1024x1xi32>
    %jit3A_587 = arith.constant 0xFF800000 : f32
    %broadcast_in_dim3A_588 = vector.shape_cast %eq3A_586 : vector<1024x1xi1> to vector<1024x1xi1>
    %broadcast_in_dim3A_589 = vector.broadcast %broadcast_in_dim3A_588 : vector<1024x1xi1> to vector<1024x32xi1>
    %broadcast_in_dim3A_590 = vector.broadcast %jit3A_587 : f32 to vector<1024x32xf32>
    %select_n3A_591 = arith.select %broadcast_in_dim3A_589, %add3A_23, %broadcast_in_dim3A_590 : vector<1024x32xi1>, vector<1024x32xf32>
    %get3A_592 = arith.constant 30 : index
    %get3A_593 = arith.constant 0 : index
    %get3A_594 = vector.load %arg16[%get3A_592, %get3A_593] : memref<64x32xf32, #tpu.memory_space<vmem>>, vector<1x32xf32>
    %reduce_max3A_595 = arith.constant dense<0xFF800000> : vector<32xf32>
    %reduce_max3A_596 = vector.multi_reduction <maximumf>, %select_n3A_591, %reduce_max3A_595 [0] : vector<1024x32xf32> to vector<32xf32>
    %broadcast_in_dim3A_597 = vector.shape_cast %reduce_max3A_596 : vector<32xf32> to vector<1x32xf32>
    %max3A_598 = arith.maximumf %get3A_594, %broadcast_in_dim3A_597 : vector<1x32xf32>
    %swap3A_599 = arith.constant 30 : index
    %swap3A_600 = arith.constant 0 : index
    %swap3A_601 = vector.load %arg16[%swap3A_599, %swap3A_600] : memref<64x32xf32, #tpu.memory_space<vmem>>, vector<1x32xf32>
    tpu.vector_store %arg16[%swap3A_599, %swap3A_600], %max3A_598 {strides = array<i32>} : memref<64x32xf32, #tpu.memory_space<vmem>>, vector<1x32xf32>,
    %eq3A_602 = arith.constant 31 : i32
    %eq3A_603 = vector.broadcast %eq3A_602 : i32 to vector<1024x1xi32>
    %eq3A_604 = arith.cmpi eq, %get3A_26, %eq3A_603 : vector<1024x1xi32>
    %jit3A_605 = arith.constant 0xFF800000 : f32
    %broadcast_in_dim3A_606 = vector.shape_cast %eq3A_604 : vector<1024x1xi1> to vector<1024x1xi1>
    %broadcast_in_dim3A_607 = vector.broadcast %broadcast_in_dim3A_606 : vector<1024x1xi1> to vector<1024x32xi1>
    %broadcast_in_dim3A_608 = vector.broadcast %jit3A_605 : f32 to vector<1024x32xf32>
    %select_n3A_609 = arith.select %broadcast_in_dim3A_607, %add3A_23, %broadcast_in_dim3A_608 : vector<1024x32xi1>, vector<1024x32xf32>
    %get3A_610 = arith.constant 31 : index
    %get3A_611 = arith.constant 0 : index
    %get3A_612 = vector.load %arg16[%get3A_610, %get3A_611] : memref<64x32xf32, #tpu.memory_space<vmem>>, vector<1x32xf32>
    %reduce_max3A_613 = arith.constant dense<0xFF800000> : vector<32xf32>
    %reduce_max3A_614 = vector.multi_reduction <maximumf>, %select_n3A_609, %reduce_max3A_613 [0] : vector<1024x32xf32> to vector<32xf32>
    %broadcast_in_dim3A_615 = vector.shape_cast %reduce_max3A_614 : vector<32xf32> to vector<1x32xf32>
    %max3A_616 = arith.maximumf %get3A_612, %broadcast_in_dim3A_615 : vector<1x32xf32>
    %swap3A_617 = arith.constant 31 : index
    %swap3A_618 = arith.constant 0 : index
    %swap3A_619 = vector.load %arg16[%swap3A_617, %swap3A_618] : memref<64x32xf32, #tpu.memory_space<vmem>>, vector<1x32xf32>
    tpu.vector_store %arg16[%swap3A_617, %swap3A_618], %max3A_616 {strides = array<i32>} : memref<64x32xf32, #tpu.memory_space<vmem>>, vector<1x32xf32>,
    %eq3A_620 = arith.constant 32 : i32
    %eq3A_621 = vector.broadcast %eq3A_620 : i32 to vector<1024x1xi32>
    %eq3A_622 = arith.cmpi eq, %get3A_26, %eq3A_621 : vector<1024x1xi32>
    %jit3A_623 = arith.constant 0xFF800000 : f32
    %broadcast_in_dim3A_624 = vector.shape_cast %eq3A_622 : vector<1024x1xi1> to vector<1024x1xi1>
    %broadcast_in_dim3A_625 = vector.broadcast %broadcast_in_dim3A_624 : vector<1024x1xi1> to vector<1024x32xi1>
    %broadcast_in_dim3A_626 = vector.broadcast %jit3A_623 : f32 to vector<1024x32xf32>
    %select_n3A_627 = arith.select %broadcast_in_dim3A_625, %add3A_23, %broadcast_in_dim3A_626 : vector<1024x32xi1>, vector<1024x32xf32>
    %get3A_628 = arith.constant 32 : index
    %get3A_629 = arith.constant 0 : index
    %get3A_630 = vector.load %arg16[%get3A_628, %get3A_629] : memref<64x32xf32, #tpu.memory_space<vmem>>, vector<1x32xf32>
    %reduce_max3A_631 = arith.constant dense<0xFF800000> : vector<32xf32>
    %reduce_max3A_632 = vector.multi_reduction <maximumf>, %select_n3A_627, %reduce_max3A_631 [0] : vector<1024x32xf32> to vector<32xf32>
    %broadcast_in_dim3A_633 = vector.shape_cast %reduce_max3A_632 : vector<32xf32> to vector<1x32xf32>
    %max3A_634 = arith.maximumf %get3A_630, %broadcast_in_dim3A_633 : vector<1x32xf32>
    %swap3A_635 = arith.constant 32 : index
    %swap3A_636 = arith.constant 0 : index
    %swap3A_637 = vector.load %arg16[%swap3A_635, %swap3A_636] : memref<64x32xf32, #tpu.memory_space<vmem>>, vector<1x32xf32>
    tpu.vector_store %arg16[%swap3A_635, %swap3A_636], %max3A_634 {strides = array<i32>} : memref<64x32xf32, #tpu.memory_space<vmem>>, vector<1x32xf32>,
    %eq3A_638 = arith.constant 33 : i32
    %eq3A_639 = vector.broadcast %eq3A_638 : i32 to vector<1024x1xi32>
    %eq3A_640 = arith.cmpi eq, %get3A_26, %eq3A_639 : vector<1024x1xi32>
    %jit3A_641 = arith.constant 0xFF800000 : f32
    %broadcast_in_dim3A_642 = vector.shape_cast %eq3A_640 : vector<1024x1xi1> to vector<1024x1xi1>
    %broadcast_in_dim3A_643 = vector.broadcast %broadcast_in_dim3A_642 : vector<1024x1xi1> to vector<1024x32xi1>
    %broadcast_in_dim3A_644 = vector.broadcast %jit3A_641 : f32 to vector<1024x32xf32>
    %select_n3A_645 = arith.select %broadcast_in_dim3A_643, %add3A_23, %broadcast_in_dim3A_644 : vector<1024x32xi1>, vector<1024x32xf32>
    %get3A_646 = arith.constant 33 : index
    %get3A_647 = arith.constant 0 : index
    %get3A_648 = vector.load %arg16[%get3A_646, %get3A_647] : memref<64x32xf32, #tpu.memory_space<vmem>>, vector<1x32xf32>
    %reduce_max3A_649 = arith.constant dense<0xFF800000> : vector<32xf32>
    %reduce_max3A_650 = vector.multi_reduction <maximumf>, %select_n3A_645, %reduce_max3A_649 [0] : vector<1024x32xf32> to vector<32xf32>
    %broadcast_in_dim3A_651 = vector.shape_cast %reduce_max3A_650 : vector<32xf32> to vector<1x32xf32>
    %max3A_652 = arith.maximumf %get3A_648, %broadcast_in_dim3A_651 : vector<1x32xf32>
    %swap3A_653 = arith.constant 33 : index
    %swap3A_654 = arith.constant 0 : index
    %swap3A_655 = vector.load %arg16[%swap3A_653, %swap3A_654] : memref<64x32xf32, #tpu.memory_space<vmem>>, vector<1x32xf32>
    tpu.vector_store %arg16[%swap3A_653, %swap3A_654], %max3A_652 {strides = array<i32>} : memref<64x32xf32, #tpu.memory_space<vmem>>, vector<1x32xf32>,
    %eq3A_656 = arith.constant 34 : i32
    %eq3A_657 = vector.broadcast %eq3A_656 : i32 to vector<1024x1xi32>
    %eq3A_658 = arith.cmpi eq, %get3A_26, %eq3A_657 : vector<1024x1xi32>
    %jit3A_659 = arith.constant 0xFF800000 : f32
    %broadcast_in_dim3A_660 = vector.shape_cast %eq3A_658 : vector<1024x1xi1> to vector<1024x1xi1>
    %broadcast_in_dim3A_661 = vector.broadcast %broadcast_in_dim3A_660 : vector<1024x1xi1> to vector<1024x32xi1>
    %broadcast_in_dim3A_662 = vector.broadcast %jit3A_659 : f32 to vector<1024x32xf32>
    %select_n3A_663 = arith.select %broadcast_in_dim3A_661, %add3A_23, %broadcast_in_dim3A_662 : vector<1024x32xi1>, vector<1024x32xf32>
    %get3A_664 = arith.constant 34 : index
    %get3A_665 = arith.constant 0 : index
    %get3A_666 = vector.load %arg16[%get3A_664, %get3A_665] : memref<64x32xf32, #tpu.memory_space<vmem>>, vector<1x32xf32>
    %reduce_max3A_667 = arith.constant dense<0xFF800000> : vector<32xf32>
    %reduce_max3A_668 = vector.multi_reduction <maximumf>, %select_n3A_663, %reduce_max3A_667 [0] : vector<1024x32xf32> to vector<32xf32>
    %broadcast_in_dim3A_669 = vector.shape_cast %reduce_max3A_668 : vector<32xf32> to vector<1x32xf32>
    %max3A_670 = arith.maximumf %get3A_666, %broadcast_in_dim3A_669 : vector<1x32xf32>
    %swap3A_671 = arith.constant 34 : index
    %swap3A_672 = arith.constant 0 : index
    %swap3A_673 = vector.load %arg16[%swap3A_671, %swap3A_672] : memref<64x32xf32, #tpu.memory_space<vmem>>, vector<1x32xf32>
    tpu.vector_store %arg16[%swap3A_671, %swap3A_672], %max3A_670 {strides = array<i32>} : memref<64x32xf32, #tpu.memory_space<vmem>>, vector<1x32xf32>,
    %eq3A_674 = arith.constant 35 : i32
    %eq3A_675 = vector.broadcast %eq3A_674 : i32 to vector<1024x1xi32>
    %eq3A_676 = arith.cmpi eq, %get3A_26, %eq3A_675 : vector<1024x1xi32>
    %jit3A_677 = arith.constant 0xFF800000 : f32
    %broadcast_in_dim3A_678 = vector.shape_cast %eq3A_676 : vector<1024x1xi1> to vector<1024x1xi1>
    %broadcast_in_dim3A_679 = vector.broadcast %broadcast_in_dim3A_678 : vector<1024x1xi1> to vector<1024x32xi1>
    %broadcast_in_dim3A_680 = vector.broadcast %jit3A_677 : f32 to vector<1024x32xf32>
    %select_n3A_681 = arith.select %broadcast_in_dim3A_679, %add3A_23, %broadcast_in_dim3A_680 : vector<1024x32xi1>, vector<1024x32xf32>
    %get3A_682 = arith.constant 35 : index
    %get3A_683 = arith.constant 0 : index
    %get3A_684 = vector.load %arg16[%get3A_682, %get3A_683] : memref<64x32xf32, #tpu.memory_space<vmem>>, vector<1x32xf32>
    %reduce_max3A_685 = arith.constant dense<0xFF800000> : vector<32xf32>
    %reduce_max3A_686 = vector.multi_reduction <maximumf>, %select_n3A_681, %reduce_max3A_685 [0] : vector<1024x32xf32> to vector<32xf32>
    %broadcast_in_dim3A_687 = vector.shape_cast %reduce_max3A_686 : vector<32xf32> to vector<1x32xf32>
    %max3A_688 = arith.maximumf %get3A_684, %broadcast_in_dim3A_687 : vector<1x32xf32>
    %swap3A_689 = arith.constant 35 : index
    %swap3A_690 = arith.constant 0 : index
    %swap3A_691 = vector.load %arg16[%swap3A_689, %swap3A_690] : memref<64x32xf32, #tpu.memory_space<vmem>>, vector<1x32xf32>
    tpu.vector_store %arg16[%swap3A_689, %swap3A_690], %max3A_688 {strides = array<i32>} : memref<64x32xf32, #tpu.memory_space<vmem>>, vector<1x32xf32>,
    %eq3A_692 = arith.constant 36 : i32
    %eq3A_693 = vector.broadcast %eq3A_692 : i32 to vector<1024x1xi32>
    %eq3A_694 = arith.cmpi eq, %get3A_26, %eq3A_693 : vector<1024x1xi32>
    %jit3A_695 = arith.constant 0xFF800000 : f32
    %broadcast_in_dim3A_696 = vector.shape_cast %eq3A_694 : vector<1024x1xi1> to vector<1024x1xi1>
    %broadcast_in_dim3A_697 = vector.broadcast %broadcast_in_dim3A_696 : vector<1024x1xi1> to vector<1024x32xi1>
    %broadcast_in_dim3A_698 = vector.broadcast %jit3A_695 : f32 to vector<1024x32xf32>
    %select_n3A_699 = arith.select %broadcast_in_dim3A_697, %add3A_23, %broadcast_in_dim3A_698 : vector<1024x32xi1>, vector<1024x32xf32>
    %get3A_700 = arith.constant 36 : index
    %get3A_701 = arith.constant 0 : index
    %get3A_702 = vector.load %arg16[%get3A_700, %get3A_701] : memref<64x32xf32, #tpu.memory_space<vmem>>, vector<1x32xf32>
    %reduce_max3A_703 = arith.constant dense<0xFF800000> : vector<32xf32>
    %reduce_max3A_704 = vector.multi_reduction <maximumf>, %select_n3A_699, %reduce_max3A_703 [0] : vector<1024x32xf32> to vector<32xf32>
    %broadcast_in_dim3A_705 = vector.shape_cast %reduce_max3A_704 : vector<32xf32> to vector<1x32xf32>
    %max3A_706 = arith.maximumf %get3A_702, %broadcast_in_dim3A_705 : vector<1x32xf32>
    %swap3A_707 = arith.constant 36 : index
    %swap3A_708 = arith.constant 0 : index
    %swap3A_709 = vector.load %arg16[%swap3A_707, %swap3A_708] : memref<64x32xf32, #tpu.memory_space<vmem>>, vector<1x32xf32>
    tpu.vector_store %arg16[%swap3A_707, %swap3A_708], %max3A_706 {strides = array<i32>} : memref<64x32xf32, #tpu.memory_space<vmem>>, vector<1x32xf32>,
    %eq3A_710 = arith.constant 37 : i32
    %eq3A_711 = vector.broadcast %eq3A_710 : i32 to vector<1024x1xi32>
    %eq3A_712 = arith.cmpi eq, %get3A_26, %eq3A_711 : vector<1024x1xi32>
    %jit3A_713 = arith.constant 0xFF800000 : f32
    %broadcast_in_dim3A_714 = vector.shape_cast %eq3A_712 : vector<1024x1xi1> to vector<1024x1xi1>
    %broadcast_in_dim3A_715 = vector.broadcast %broadcast_in_dim3A_714 : vector<1024x1xi1> to vector<1024x32xi1>
    %broadcast_in_dim3A_716 = vector.broadcast %jit3A_713 : f32 to vector<1024x32xf32>
    %select_n3A_717 = arith.select %broadcast_in_dim3A_715, %add3A_23, %broadcast_in_dim3A_716 : vector<1024x32xi1>, vector<1024x32xf32>
    %get3A_718 = arith.constant 37 : index
    %get3A_719 = arith.constant 0 : index
    %get3A_720 = vector.load %arg16[%get3A_718, %get3A_719] : memref<64x32xf32, #tpu.memory_space<vmem>>, vector<1x32xf32>
    %reduce_max3A_721 = arith.constant dense<0xFF800000> : vector<32xf32>
    %reduce_max3A_722 = vector.multi_reduction <maximumf>, %select_n3A_717, %reduce_max3A_721 [0] : vector<1024x32xf32> to vector<32xf32>
    %broadcast_in_dim3A_723 = vector.shape_cast %reduce_max3A_722 : vector<32xf32> to vector<1x32xf32>
    %max3A_724 = arith.maximumf %get3A_720, %broadcast_in_dim3A_723 : vector<1x32xf32>
    %swap3A_725 = arith.constant 37 : index
    %swap3A_726 = arith.constant 0 : index
    %swap3A_727 = vector.load %arg16[%swap3A_725, %swap3A_726] : memref<64x32xf32, #tpu.memory_space<vmem>>, vector<1x32xf32>
    tpu.vector_store %arg16[%swap3A_725, %swap3A_726], %max3A_724 {strides = array<i32>} : memref<64x32xf32, #tpu.memory_space<vmem>>, vector<1x32xf32>,
    %eq3A_728 = arith.constant 38 : i32
    %eq3A_729 = vector.broadcast %eq3A_728 : i32 to vector<1024x1xi32>
    %eq3A_730 = arith.cmpi eq, %get3A_26, %eq3A_729 : vector<1024x1xi32>
    %jit3A_731 = arith.constant 0xFF800000 : f32
    %broadcast_in_dim3A_732 = vector.shape_cast %eq3A_730 : vector<1024x1xi1> to vector<1024x1xi1>
    %broadcast_in_dim3A_733 = vector.broadcast %broadcast_in_dim3A_732 : vector<1024x1xi1> to vector<1024x32xi1>
    %broadcast_in_dim3A_734 = vector.broadcast %jit3A_731 : f32 to vector<1024x32xf32>
    %select_n3A_735 = arith.select %broadcast_in_dim3A_733, %add3A_23, %broadcast_in_dim3A_734 : vector<1024x32xi1>, vector<1024x32xf32>
    %get3A_736 = arith.constant 38 : index
    %get3A_737 = arith.constant 0 : index
    %get3A_738 = vector.load %arg16[%get3A_736, %get3A_737] : memref<64x32xf32, #tpu.memory_space<vmem>>, vector<1x32xf32>
    %reduce_max3A_739 = arith.constant dense<0xFF800000> : vector<32xf32>
    %reduce_max3A_740 = vector.multi_reduction <maximumf>, %select_n3A_735, %reduce_max3A_739 [0] : vector<1024x32xf32> to vector<32xf32>
    %broadcast_in_dim3A_741 = vector.shape_cast %reduce_max3A_740 : vector<32xf32> to vector<1x32xf32>
    %max3A_742 = arith.maximumf %get3A_738, %broadcast_in_dim3A_741 : vector<1x32xf32>
    %swap3A_743 = arith.constant 38 : index
    %swap3A_744 = arith.constant 0 : index
    %swap3A_745 = vector.load %arg16[%swap3A_743, %swap3A_744] : memref<64x32xf32, #tpu.memory_space<vmem>>, vector<1x32xf32>
    tpu.vector_store %arg16[%swap3A_743, %swap3A_744], %max3A_742 {strides = array<i32>} : memref<64x32xf32, #tpu.memory_space<vmem>>, vector<1x32xf32>,
    %eq3A_746 = arith.constant 39 : i32
    %eq3A_747 = vector.broadcast %eq3A_746 : i32 to vector<1024x1xi32>
    %eq3A_748 = arith.cmpi eq, %get3A_26, %eq3A_747 : vector<1024x1xi32>
    %jit3A_749 = arith.constant 0xFF800000 : f32
    %broadcast_in_dim3A_750 = vector.shape_cast %eq3A_748 : vector<1024x1xi1> to vector<1024x1xi1>
    %broadcast_in_dim3A_751 = vector.broadcast %broadcast_in_dim3A_750 : vector<1024x1xi1> to vector<1024x32xi1>
    %broadcast_in_dim3A_752 = vector.broadcast %jit3A_749 : f32 to vector<1024x32xf32>
    %select_n3A_753 = arith.select %broadcast_in_dim3A_751, %add3A_23, %broadcast_in_dim3A_752 : vector<1024x32xi1>, vector<1024x32xf32>
    %get3A_754 = arith.constant 39 : index
    %get3A_755 = arith.constant 0 : index
    %get3A_756 = vector.load %arg16[%get3A_754, %get3A_755] : memref<64x32xf32, #tpu.memory_space<vmem>>, vector<1x32xf32>
    %reduce_max3A_757 = arith.constant dense<0xFF800000> : vector<32xf32>
    %reduce_max3A_758 = vector.multi_reduction <maximumf>, %select_n3A_753, %reduce_max3A_757 [0] : vector<1024x32xf32> to vector<32xf32>
    %broadcast_in_dim3A_759 = vector.shape_cast %reduce_max3A_758 : vector<32xf32> to vector<1x32xf32>
    %max3A_760 = arith.maximumf %get3A_756, %broadcast_in_dim3A_759 : vector<1x32xf32>
    %swap3A_761 = arith.constant 39 : index
    %swap3A_762 = arith.constant 0 : index
    %swap3A_763 = vector.load %arg16[%swap3A_761, %swap3A_762] : memref<64x32xf32, #tpu.memory_space<vmem>>, vector<1x32xf32>
    tpu.vector_store %arg16[%swap3A_761, %swap3A_762], %max3A_760 {strides = array<i32>} : memref<64x32xf32, #tpu.memory_space<vmem>>, vector<1x32xf32>,
    %eq3A_764 = arith.constant 40 : i32
    %eq3A_765 = vector.broadcast %eq3A_764 : i32 to vector<1024x1xi32>
    %eq3A_766 = arith.cmpi eq, %get3A_26, %eq3A_765 : vector<1024x1xi32>
    %jit3A_767 = arith.constant 0xFF800000 : f32
    %broadcast_in_dim3A_768 = vector.shape_cast %eq3A_766 : vector<1024x1xi1> to vector<1024x1xi1>
    %broadcast_in_dim3A_769 = vector.broadcast %broadcast_in_dim3A_768 : vector<1024x1xi1> to vector<1024x32xi1>
    %broadcast_in_dim3A_770 = vector.broadcast %jit3A_767 : f32 to vector<1024x32xf32>
    %select_n3A_771 = arith.select %broadcast_in_dim3A_769, %add3A_23, %broadcast_in_dim3A_770 : vector<1024x32xi1>, vector<1024x32xf32>
    %get3A_772 = arith.constant 40 : index
    %get3A_773 = arith.constant 0 : index
    %get3A_774 = vector.load %arg16[%get3A_772, %get3A_773] : memref<64x32xf32, #tpu.memory_space<vmem>>, vector<1x32xf32>
    %reduce_max3A_775 = arith.constant dense<0xFF800000> : vector<32xf32>
    %reduce_max3A_776 = vector.multi_reduction <maximumf>, %select_n3A_771, %reduce_max3A_775 [0] : vector<1024x32xf32> to vector<32xf32>
    %broadcast_in_dim3A_777 = vector.shape_cast %reduce_max3A_776 : vector<32xf32> to vector<1x32xf32>
    %max3A_778 = arith.maximumf %get3A_774, %broadcast_in_dim3A_777 : vector<1x32xf32>
    %swap3A_779 = arith.constant 40 : index
    %swap3A_780 = arith.constant 0 : index
    %swap3A_781 = vector.load %arg16[%swap3A_779, %swap3A_780] : memref<64x32xf32, #tpu.memory_space<vmem>>, vector<1x32xf32>
    tpu.vector_store %arg16[%swap3A_779, %swap3A_780], %max3A_778 {strides = array<i32>} : memref<64x32xf32, #tpu.memory_space<vmem>>, vector<1x32xf32>,
    %eq3A_782 = arith.constant 41 : i32
    %eq3A_783 = vector.broadcast %eq3A_782 : i32 to vector<1024x1xi32>
    %eq3A_784 = arith.cmpi eq, %get3A_26, %eq3A_783 : vector<1024x1xi32>
    %jit3A_785 = arith.constant 0xFF800000 : f32
    %broadcast_in_dim3A_786 = vector.shape_cast %eq3A_784 : vector<1024x1xi1> to vector<1024x1xi1>
    %broadcast_in_dim3A_787 = vector.broadcast %broadcast_in_dim3A_786 : vector<1024x1xi1> to vector<1024x32xi1>
    %broadcast_in_dim3A_788 = vector.broadcast %jit3A_785 : f32 to vector<1024x32xf32>
    %select_n3A_789 = arith.select %broadcast_in_dim3A_787, %add3A_23, %broadcast_in_dim3A_788 : vector<1024x32xi1>, vector<1024x32xf32>
    %get3A_790 = arith.constant 41 : index
    %get3A_791 = arith.constant 0 : index
    %get3A_792 = vector.load %arg16[%get3A_790, %get3A_791] : memref<64x32xf32, #tpu.memory_space<vmem>>, vector<1x32xf32>
    %reduce_max3A_793 = arith.constant dense<0xFF800000> : vector<32xf32>
    %reduce_max3A_794 = vector.multi_reduction <maximumf>, %select_n3A_789, %reduce_max3A_793 [0] : vector<1024x32xf32> to vector<32xf32>
    %broadcast_in_dim3A_795 = vector.shape_cast %reduce_max3A_794 : vector<32xf32> to vector<1x32xf32>
    %max3A_796 = arith.maximumf %get3A_792, %broadcast_in_dim3A_795 : vector<1x32xf32>
    %swap3A_797 = arith.constant 41 : index
    %swap3A_798 = arith.constant 0 : index
    %swap3A_799 = vector.load %arg16[%swap3A_797, %swap3A_798] : memref<64x32xf32, #tpu.memory_space<vmem>>, vector<1x32xf32>
    tpu.vector_store %arg16[%swap3A_797, %swap3A_798], %max3A_796 {strides = array<i32>} : memref<64x32xf32, #tpu.memory_space<vmem>>, vector<1x32xf32>,
    %eq3A_800 = arith.constant 42 : i32
    %eq3A_801 = vector.broadcast %eq3A_800 : i32 to vector<1024x1xi32>
    %eq3A_802 = arith.cmpi eq, %get3A_26, %eq3A_801 : vector<1024x1xi32>
    %jit3A_803 = arith.constant 0xFF800000 : f32
    %broadcast_in_dim3A_804 = vector.shape_cast %eq3A_802 : vector<1024x1xi1> to vector<1024x1xi1>
    %broadcast_in_dim3A_805 = vector.broadcast %broadcast_in_dim3A_804 : vector<1024x1xi1> to vector<1024x32xi1>
    %broadcast_in_dim3A_806 = vector.broadcast %jit3A_803 : f32 to vector<1024x32xf32>
    %select_n3A_807 = arith.select %broadcast_in_dim3A_805, %add3A_23, %broadcast_in_dim3A_806 : vector<1024x32xi1>, vector<1024x32xf32>
    %get3A_808 = arith.constant 42 : index
    %get3A_809 = arith.constant 0 : index
    %get3A_810 = vector.load %arg16[%get3A_808, %get3A_809] : memref<64x32xf32, #tpu.memory_space<vmem>>, vector<1x32xf32>
    %reduce_max3A_811 = arith.constant dense<0xFF800000> : vector<32xf32>
    %reduce_max3A_812 = vector.multi_reduction <maximumf>, %select_n3A_807, %reduce_max3A_811 [0] : vector<1024x32xf32> to vector<32xf32>
    %broadcast_in_dim3A_813 = vector.shape_cast %reduce_max3A_812 : vector<32xf32> to vector<1x32xf32>
    %max3A_814 = arith.maximumf %get3A_810, %broadcast_in_dim3A_813 : vector<1x32xf32>
    %swap3A_815 = arith.constant 42 : index
    %swap3A_816 = arith.constant 0 : index
    %swap3A_817 = vector.load %arg16[%swap3A_815, %swap3A_816] : memref<64x32xf32, #tpu.memory_space<vmem>>, vector<1x32xf32>
    tpu.vector_store %arg16[%swap3A_815, %swap3A_816], %max3A_814 {strides = array<i32>} : memref<64x32xf32, #tpu.memory_space<vmem>>, vector<1x32xf32>,
    %eq3A_818 = arith.constant 43 : i32
    %eq3A_819 = vector.broadcast %eq3A_818 : i32 to vector<1024x1xi32>
    %eq3A_820 = arith.cmpi eq, %get3A_26, %eq3A_819 : vector<1024x1xi32>
    %jit3A_821 = arith.constant 0xFF800000 : f32
    %broadcast_in_dim3A_822 = vector.shape_cast %eq3A_820 : vector<1024x1xi1> to vector<1024x1xi1>
    %broadcast_in_dim3A_823 = vector.broadcast %broadcast_in_dim3A_822 : vector<1024x1xi1> to vector<1024x32xi1>
    %broadcast_in_dim3A_824 = vector.broadcast %jit3A_821 : f32 to vector<1024x32xf32>
    %select_n3A_825 = arith.select %broadcast_in_dim3A_823, %add3A_23, %broadcast_in_dim3A_824 : vector<1024x32xi1>, vector<1024x32xf32>
    %get3A_826 = arith.constant 43 : index
    %get3A_827 = arith.constant 0 : index
    %get3A_828 = vector.load %arg16[%get3A_826, %get3A_827] : memref<64x32xf32, #tpu.memory_space<vmem>>, vector<1x32xf32>
    %reduce_max3A_829 = arith.constant dense<0xFF800000> : vector<32xf32>
    %reduce_max3A_830 = vector.multi_reduction <maximumf>, %select_n3A_825, %reduce_max3A_829 [0] : vector<1024x32xf32> to vector<32xf32>
    %broadcast_in_dim3A_831 = vector.shape_cast %reduce_max3A_830 : vector<32xf32> to vector<1x32xf32>
    %max3A_832 = arith.maximumf %get3A_828, %broadcast_in_dim3A_831 : vector<1x32xf32>
    %swap3A_833 = arith.constant 43 : index
    %swap3A_834 = arith.constant 0 : index
    %swap3A_835 = vector.load %arg16[%swap3A_833, %swap3A_834] : memref<64x32xf32, #tpu.memory_space<vmem>>, vector<1x32xf32>
    tpu.vector_store %arg16[%swap3A_833, %swap3A_834], %max3A_832 {strides = array<i32>} : memref<64x32xf32, #tpu.memory_space<vmem>>, vector<1x32xf32>,
    %eq3A_836 = arith.constant 44 : i32
    %eq3A_837 = vector.broadcast %eq3A_836 : i32 to vector<1024x1xi32>
    %eq3A_838 = arith.cmpi eq, %get3A_26, %eq3A_837 : vector<1024x1xi32>
    %jit3A_839 = arith.constant 0xFF800000 : f32
    %broadcast_in_dim3A_840 = vector.shape_cast %eq3A_838 : vector<1024x1xi1> to vector<1024x1xi1>
    %broadcast_in_dim3A_841 = vector.broadcast %broadcast_in_dim3A_840 : vector<1024x1xi1> to vector<1024x32xi1>
    %broadcast_in_dim3A_842 = vector.broadcast %jit3A_839 : f32 to vector<1024x32xf32>
    %select_n3A_843 = arith.select %broadcast_in_dim3A_841, %add3A_23, %broadcast_in_dim3A_842 : vector<1024x32xi1>, vector<1024x32xf32>
    %get3A_844 = arith.constant 44 : index
    %get3A_845 = arith.constant 0 : index
    %get3A_846 = vector.load %arg16[%get3A_844, %get3A_845] : memref<64x32xf32, #tpu.memory_space<vmem>>, vector<1x32xf32>
    %reduce_max3A_847 = arith.constant dense<0xFF800000> : vector<32xf32>
    %reduce_max3A_848 = vector.multi_reduction <maximumf>, %select_n3A_843, %reduce_max3A_847 [0] : vector<1024x32xf32> to vector<32xf32>
    %broadcast_in_dim3A_849 = vector.shape_cast %reduce_max3A_848 : vector<32xf32> to vector<1x32xf32>
    %max3A_850 = arith.maximumf %get3A_846, %broadcast_in_dim3A_849 : vector<1x32xf32>
    %swap3A_851 = arith.constant 44 : index
    %swap3A_852 = arith.constant 0 : index
    %swap3A_853 = vector.load %arg16[%swap3A_851, %swap3A_852] : memref<64x32xf32, #tpu.memory_space<vmem>>, vector<1x32xf32>
    tpu.vector_store %arg16[%swap3A_851, %swap3A_852], %max3A_850 {strides = array<i32>} : memref<64x32xf32, #tpu.memory_space<vmem>>, vector<1x32xf32>,
    %eq3A_854 = arith.constant 45 : i32
    %eq3A_855 = vector.broadcast %eq3A_854 : i32 to vector<1024x1xi32>
    %eq3A_856 = arith.cmpi eq, %get3A_26, %eq3A_855 : vector<1024x1xi32>
    %jit3A_857 = arith.constant 0xFF800000 : f32
    %broadcast_in_dim3A_858 = vector.shape_cast %eq3A_856 : vector<1024x1xi1> to vector<1024x1xi1>
    %broadcast_in_dim3A_859 = vector.broadcast %broadcast_in_dim3A_858 : vector<1024x1xi1> to vector<1024x32xi1>
    %broadcast_in_dim3A_860 = vector.broadcast %jit3A_857 : f32 to vector<1024x32xf32>
    %select_n3A_861 = arith.select %broadcast_in_dim3A_859, %add3A_23, %broadcast_in_dim3A_860 : vector<1024x32xi1>, vector<1024x32xf32>
    %get3A_862 = arith.constant 45 : index
    %get3A_863 = arith.constant 0 : index
    %get3A_864 = vector.load %arg16[%get3A_862, %get3A_863] : memref<64x32xf32, #tpu.memory_space<vmem>>, vector<1x32xf32>
    %reduce_max3A_865 = arith.constant dense<0xFF800000> : vector<32xf32>
    %reduce_max3A_866 = vector.multi_reduction <maximumf>, %select_n3A_861, %reduce_max3A_865 [0] : vector<1024x32xf32> to vector<32xf32>
    %broadcast_in_dim3A_867 = vector.shape_cast %reduce_max3A_866 : vector<32xf32> to vector<1x32xf32>
    %max3A_868 = arith.maximumf %get3A_864, %broadcast_in_dim3A_867 : vector<1x32xf32>
    %swap3A_869 = arith.constant 45 : index
    %swap3A_870 = arith.constant 0 : index
    %swap3A_871 = vector.load %arg16[%swap3A_869, %swap3A_870] : memref<64x32xf32, #tpu.memory_space<vmem>>, vector<1x32xf32>
    tpu.vector_store %arg16[%swap3A_869, %swap3A_870], %max3A_868 {strides = array<i32>} : memref<64x32xf32, #tpu.memory_space<vmem>>, vector<1x32xf32>,
    %eq3A_872 = arith.constant 46 : i32
    %eq3A_873 = vector.broadcast %eq3A_872 : i32 to vector<1024x1xi32>
    %eq3A_874 = arith.cmpi eq, %get3A_26, %eq3A_873 : vector<1024x1xi32>
    %jit3A_875 = arith.constant 0xFF800000 : f32
    %broadcast_in_dim3A_876 = vector.shape_cast %eq3A_874 : vector<1024x1xi1> to vector<1024x1xi1>
    %broadcast_in_dim3A_877 = vector.broadcast %broadcast_in_dim3A_876 : vector<1024x1xi1> to vector<1024x32xi1>
    %broadcast_in_dim3A_878 = vector.broadcast %jit3A_875 : f32 to vector<1024x32xf32>
    %select_n3A_879 = arith.select %broadcast_in_dim3A_877, %add3A_23, %broadcast_in_dim3A_878 : vector<1024x32xi1>, vector<1024x32xf32>
    %get3A_880 = arith.constant 46 : index
    %get3A_881 = arith.constant 0 : index
    %get3A_882 = vector.load %arg16[%get3A_880, %get3A_881] : memref<64x32xf32, #tpu.memory_space<vmem>>, vector<1x32xf32>
    %reduce_max3A_883 = arith.constant dense<0xFF800000> : vector<32xf32>
    %reduce_max3A_884 = vector.multi_reduction <maximumf>, %select_n3A_879, %reduce_max3A_883 [0] : vector<1024x32xf32> to vector<32xf32>
    %broadcast_in_dim3A_885 = vector.shape_cast %reduce_max3A_884 : vector<32xf32> to vector<1x32xf32>
    %max3A_886 = arith.maximumf %get3A_882, %broadcast_in_dim3A_885 : vector<1x32xf32>
    %swap3A_887 = arith.constant 46 : index
    %swap3A_888 = arith.constant 0 : index
    %swap3A_889 = vector.load %arg16[%swap3A_887, %swap3A_888] : memref<64x32xf32, #tpu.memory_space<vmem>>, vector<1x32xf32>
    tpu.vector_store %arg16[%swap3A_887, %swap3A_888], %max3A_886 {strides = array<i32>} : memref<64x32xf32, #tpu.memory_space<vmem>>, vector<1x32xf32>,
    %eq3A_890 = arith.constant 47 : i32
    %eq3A_891 = vector.broadcast %eq3A_890 : i32 to vector<1024x1xi32>
    %eq3A_892 = arith.cmpi eq, %get3A_26, %eq3A_891 : vector<1024x1xi32>
    %jit3A_893 = arith.constant 0xFF800000 : f32
    %broadcast_in_dim3A_894 = vector.shape_cast %eq3A_892 : vector<1024x1xi1> to vector<1024x1xi1>
    %broadcast_in_dim3A_895 = vector.broadcast %broadcast_in_dim3A_894 : vector<1024x1xi1> to vector<1024x32xi1>
    %broadcast_in_dim3A_896 = vector.broadcast %jit3A_893 : f32 to vector<1024x32xf32>
    %select_n3A_897 = arith.select %broadcast_in_dim3A_895, %add3A_23, %broadcast_in_dim3A_896 : vector<1024x32xi1>, vector<1024x32xf32>
    %get3A_898 = arith.constant 47 : index
    %get3A_899 = arith.constant 0 : index
    %get3A_900 = vector.load %arg16[%get3A_898, %get3A_899] : memref<64x32xf32, #tpu.memory_space<vmem>>, vector<1x32xf32>
    %reduce_max3A_901 = arith.constant dense<0xFF800000> : vector<32xf32>
    %reduce_max3A_902 = vector.multi_reduction <maximumf>, %select_n3A_897, %reduce_max3A_901 [0] : vector<1024x32xf32> to vector<32xf32>
    %broadcast_in_dim3A_903 = vector.shape_cast %reduce_max3A_902 : vector<32xf32> to vector<1x32xf32>
    %max3A_904 = arith.maximumf %get3A_900, %broadcast_in_dim3A_903 : vector<1x32xf32>
    %swap3A_905 = arith.constant 47 : index
    %swap3A_906 = arith.constant 0 : index
    %swap3A_907 = vector.load %arg16[%swap3A_905, %swap3A_906] : memref<64x32xf32, #tpu.memory_space<vmem>>, vector<1x32xf32>
    tpu.vector_store %arg16[%swap3A_905, %swap3A_906], %max3A_904 {strides = array<i32>} : memref<64x32xf32, #tpu.memory_space<vmem>>, vector<1x32xf32>,
    %eq3A_908 = arith.constant 48 : i32
    %eq3A_909 = vector.broadcast %eq3A_908 : i32 to vector<1024x1xi32>
    %eq3A_910 = arith.cmpi eq, %get3A_26, %eq3A_909 : vector<1024x1xi32>
    %jit3A_911 = arith.constant 0xFF800000 : f32
    %broadcast_in_dim3A_912 = vector.shape_cast %eq3A_910 : vector<1024x1xi1> to vector<1024x1xi1>
    %broadcast_in_dim3A_913 = vector.broadcast %broadcast_in_dim3A_912 : vector<1024x1xi1> to vector<1024x32xi1>
    %broadcast_in_dim3A_914 = vector.broadcast %jit3A_911 : f32 to vector<1024x32xf32>
    %select_n3A_915 = arith.select %broadcast_in_dim3A_913, %add3A_23, %broadcast_in_dim3A_914 : vector<1024x32xi1>, vector<1024x32xf32>
    %get3A_916 = arith.constant 48 : index
    %get3A_917 = arith.constant 0 : index
    %get3A_918 = vector.load %arg16[%get3A_916, %get3A_917] : memref<64x32xf32, #tpu.memory_space<vmem>>, vector<1x32xf32>
    %reduce_max3A_919 = arith.constant dense<0xFF800000> : vector<32xf32>
    %reduce_max3A_920 = vector.multi_reduction <maximumf>, %select_n3A_915, %reduce_max3A_919 [0] : vector<1024x32xf32> to vector<32xf32>
    %broadcast_in_dim3A_921 = vector.shape_cast %reduce_max3A_920 : vector<32xf32> to vector<1x32xf32>
    %max3A_922 = arith.maximumf %get3A_918, %broadcast_in_dim3A_921 : vector<1x32xf32>
    %swap3A_923 = arith.constant 48 : index
    %swap3A_924 = arith.constant 0 : index
    %swap3A_925 = vector.load %arg16[%swap3A_923, %swap3A_924] : memref<64x32xf32, #tpu.memory_space<vmem>>, vector<1x32xf32>
    tpu.vector_store %arg16[%swap3A_923, %swap3A_924], %max3A_922 {strides = array<i32>} : memref<64x32xf32, #tpu.memory_space<vmem>>, vector<1x32xf32>,
    %eq3A_926 = arith.constant 49 : i32
    %eq3A_927 = vector.broadcast %eq3A_926 : i32 to vector<1024x1xi32>
    %eq3A_928 = arith.cmpi eq, %get3A_26, %eq3A_927 : vector<1024x1xi32>
    %jit3A_929 = arith.constant 0xFF800000 : f32
    %broadcast_in_dim3A_930 = vector.shape_cast %eq3A_928 : vector<1024x1xi1> to vector<1024x1xi1>
    %broadcast_in_dim3A_931 = vector.broadcast %broadcast_in_dim3A_930 : vector<1024x1xi1> to vector<1024x32xi1>
    %broadcast_in_dim3A_932 = vector.broadcast %jit3A_929 : f32 to vector<1024x32xf32>
    %select_n3A_933 = arith.select %broadcast_in_dim3A_931, %add3A_23, %broadcast_in_dim3A_932 : vector<1024x32xi1>, vector<1024x32xf32>
    %get3A_934 = arith.constant 49 : index
    %get3A_935 = arith.constant 0 : index
    %get3A_936 = vector.load %arg16[%get3A_934, %get3A_935] : memref<64x32xf32, #tpu.memory_space<vmem>>, vector<1x32xf32>
    %reduce_max3A_937 = arith.constant dense<0xFF800000> : vector<32xf32>
    %reduce_max3A_938 = vector.multi_reduction <maximumf>, %select_n3A_933, %reduce_max3A_937 [0] : vector<1024x32xf32> to vector<32xf32>
    %broadcast_in_dim3A_939 = vector.shape_cast %reduce_max3A_938 : vector<32xf32> to vector<1x32xf32>
    %max3A_940 = arith.maximumf %get3A_936, %broadcast_in_dim3A_939 : vector<1x32xf32>
    %swap3A_941 = arith.constant 49 : index
    %swap3A_942 = arith.constant 0 : index
    %swap3A_943 = vector.load %arg16[%swap3A_941, %swap3A_942] : memref<64x32xf32, #tpu.memory_space<vmem>>, vector<1x32xf32>
    tpu.vector_store %arg16[%swap3A_941, %swap3A_942], %max3A_940 {strides = array<i32>} : memref<64x32xf32, #tpu.memory_space<vmem>>, vector<1x32xf32>,
    %eq3A_944 = arith.constant 50 : i32
    %eq3A_945 = vector.broadcast %eq3A_944 : i32 to vector<1024x1xi32>
    %eq3A_946 = arith.cmpi eq, %get3A_26, %eq3A_945 : vector<1024x1xi32>
    %jit3A_947 = arith.constant 0xFF800000 : f32
    %broadcast_in_dim3A_948 = vector.shape_cast %eq3A_946 : vector<1024x1xi1> to vector<1024x1xi1>
    %broadcast_in_dim3A_949 = vector.broadcast %broadcast_in_dim3A_948 : vector<1024x1xi1> to vector<1024x32xi1>
    %broadcast_in_dim3A_950 = vector.broadcast %jit3A_947 : f32 to vector<1024x32xf32>
    %select_n3A_951 = arith.select %broadcast_in_dim3A_949, %add3A_23, %broadcast_in_dim3A_950 : vector<1024x32xi1>, vector<1024x32xf32>
    %get3A_952 = arith.constant 50 : index
    %get3A_953 = arith.constant 0 : index
    %get3A_954 = vector.load %arg16[%get3A_952, %get3A_953] : memref<64x32xf32, #tpu.memory_space<vmem>>, vector<1x32xf32>
    %reduce_max3A_955 = arith.constant dense<0xFF800000> : vector<32xf32>
    %reduce_max3A_956 = vector.multi_reduction <maximumf>, %select_n3A_951, %reduce_max3A_955 [0] : vector<1024x32xf32> to vector<32xf32>
    %broadcast_in_dim3A_957 = vector.shape_cast %reduce_max3A_956 : vector<32xf32> to vector<1x32xf32>
    %max3A_958 = arith.maximumf %get3A_954, %broadcast_in_dim3A_957 : vector<1x32xf32>
    %swap3A_959 = arith.constant 50 : index
    %swap3A_960 = arith.constant 0 : index
    %swap3A_961 = vector.load %arg16[%swap3A_959, %swap3A_960] : memref<64x32xf32, #tpu.memory_space<vmem>>, vector<1x32xf32>
    tpu.vector_store %arg16[%swap3A_959, %swap3A_960], %max3A_958 {strides = array<i32>} : memref<64x32xf32, #tpu.memory_space<vmem>>, vector<1x32xf32>,
    %eq3A_962 = arith.constant 51 : i32
    %eq3A_963 = vector.broadcast %eq3A_962 : i32 to vector<1024x1xi32>
    %eq3A_964 = arith.cmpi eq, %get3A_26, %eq3A_963 : vector<1024x1xi32>
    %jit3A_965 = arith.constant 0xFF800000 : f32
    %broadcast_in_dim3A_966 = vector.shape_cast %eq3A_964 : vector<1024x1xi1> to vector<1024x1xi1>
    %broadcast_in_dim3A_967 = vector.broadcast %broadcast_in_dim3A_966 : vector<1024x1xi1> to vector<1024x32xi1>
    %broadcast_in_dim3A_968 = vector.broadcast %jit3A_965 : f32 to vector<1024x32xf32>
    %select_n3A_969 = arith.select %broadcast_in_dim3A_967, %add3A_23, %broadcast_in_dim3A_968 : vector<1024x32xi1>, vector<1024x32xf32>
    %get3A_970 = arith.constant 51 : index
    %get3A_971 = arith.constant 0 : index
    %get3A_972 = vector.load %arg16[%get3A_970, %get3A_971] : memref<64x32xf32, #tpu.memory_space<vmem>>, vector<1x32xf32>
    %reduce_max3A_973 = arith.constant dense<0xFF800000> : vector<32xf32>
    %reduce_max3A_974 = vector.multi_reduction <maximumf>, %select_n3A_969, %reduce_max3A_973 [0] : vector<1024x32xf32> to vector<32xf32>
    %broadcast_in_dim3A_975 = vector.shape_cast %reduce_max3A_974 : vector<32xf32> to vector<1x32xf32>
    %max3A_976 = arith.maximumf %get3A_972, %broadcast_in_dim3A_975 : vector<1x32xf32>
    %swap3A_977 = arith.constant 51 : index
    %swap3A_978 = arith.constant 0 : index
    %swap3A_979 = vector.load %arg16[%swap3A_977, %swap3A_978] : memref<64x32xf32, #tpu.memory_space<vmem>>, vector<1x32xf32>
    tpu.vector_store %arg16[%swap3A_977, %swap3A_978], %max3A_976 {strides = array<i32>} : memref<64x32xf32, #tpu.memory_space<vmem>>, vector<1x32xf32>,
    %eq3A_980 = arith.constant 52 : i32
    %eq3A_981 = vector.broadcast %eq3A_980 : i32 to vector<1024x1xi32>
    %eq3A_982 = arith.cmpi eq, %get3A_26, %eq3A_981 : vector<1024x1xi32>
    %jit3A_983 = arith.constant 0xFF800000 : f32
    %broadcast_in_dim3A_984 = vector.shape_cast %eq3A_982 : vector<1024x1xi1> to vector<1024x1xi1>
    %broadcast_in_dim3A_985 = vector.broadcast %broadcast_in_dim3A_984 : vector<1024x1xi1> to vector<1024x32xi1>
    %broadcast_in_dim3A_986 = vector.broadcast %jit3A_983 : f32 to vector<1024x32xf32>
    %select_n3A_987 = arith.select %broadcast_in_dim3A_985, %add3A_23, %broadcast_in_dim3A_986 : vector<1024x32xi1>, vector<1024x32xf32>
    %get3A_988 = arith.constant 52 : index
    %get3A_989 = arith.constant 0 : index
    %get3A_990 = vector.load %arg16[%get3A_988, %get3A_989] : memref<64x32xf32, #tpu.memory_space<vmem>>, vector<1x32xf32>
    %reduce_max3A_991 = arith.constant dense<0xFF800000> : vector<32xf32>
    %reduce_max3A_992 = vector.multi_reduction <maximumf>, %select_n3A_987, %reduce_max3A_991 [0] : vector<1024x32xf32> to vector<32xf32>
    %broadcast_in_dim3A_993 = vector.shape_cast %reduce_max3A_992 : vector<32xf32> to vector<1x32xf32>
    %max3A_994 = arith.maximumf %get3A_990, %broadcast_in_dim3A_993 : vector<1x32xf32>
    %swap3A_995 = arith.constant 52 : index
    %swap3A_996 = arith.constant 0 : index
    %swap3A_997 = vector.load %arg16[%swap3A_995, %swap3A_996] : memref<64x32xf32, #tpu.memory_space<vmem>>, vector<1x32xf32>
    tpu.vector_store %arg16[%swap3A_995, %swap3A_996], %max3A_994 {strides = array<i32>} : memref<64x32xf32, #tpu.memory_space<vmem>>, vector<1x32xf32>,
    %eq3A_998 = arith.constant 53 : i32
    %eq3A_999 = vector.broadcast %eq3A_998 : i32 to vector<1024x1xi32>
    %eq3A_1000 = arith.cmpi eq, %get3A_26, %eq3A_999 : vector<1024x1xi32>
    %jit3A_1001 = arith.constant 0xFF800000 : f32
    %broadcast_in_dim3A_1002 = vector.shape_cast %eq3A_1000 : vector<1024x1xi1> to vector<1024x1xi1>
    %broadcast_in_dim3A_1003 = vector.broadcast %broadcast_in_dim3A_1002 : vector<1024x1xi1> to vector<1024x32xi1>
    %broadcast_in_dim3A_1004 = vector.broadcast %jit3A_1001 : f32 to vector<1024x32xf32>
    %select_n3A_1005 = arith.select %broadcast_in_dim3A_1003, %add3A_23, %broadcast_in_dim3A_1004 : vector<1024x32xi1>, vector<1024x32xf32>
    %get3A_1006 = arith.constant 53 : index
    %get3A_1007 = arith.constant 0 : index
    %get3A_1008 = vector.load %arg16[%get3A_1006, %get3A_1007] : memref<64x32xf32, #tpu.memory_space<vmem>>, vector<1x32xf32>
    %reduce_max3A_1009 = arith.constant dense<0xFF800000> : vector<32xf32>
    %reduce_max3A_1010 = vector.multi_reduction <maximumf>, %select_n3A_1005, %reduce_max3A_1009 [0] : vector<1024x32xf32> to vector<32xf32>
    %broadcast_in_dim3A_1011 = vector.shape_cast %reduce_max3A_1010 : vector<32xf32> to vector<1x32xf32>
    %max3A_1012 = arith.maximumf %get3A_1008, %broadcast_in_dim3A_1011 : vector<1x32xf32>
    %swap3A_1013 = arith.constant 53 : index
    %swap3A_1014 = arith.constant 0 : index
    %swap3A_1015 = vector.load %arg16[%swap3A_1013, %swap3A_1014] : memref<64x32xf32, #tpu.memory_space<vmem>>, vector<1x32xf32>
    tpu.vector_store %arg16[%swap3A_1013, %swap3A_1014], %max3A_1012 {strides = array<i32>} : memref<64x32xf32, #tpu.memory_space<vmem>>, vector<1x32xf32>,
    %eq3A_1016 = arith.constant 54 : i32
    %eq3A_1017 = vector.broadcast %eq3A_1016 : i32 to vector<1024x1xi32>
    %eq3A_1018 = arith.cmpi eq, %get3A_26, %eq3A_1017 : vector<1024x1xi32>
    %jit3A_1019 = arith.constant 0xFF800000 : f32
    %broadcast_in_dim3A_1020 = vector.shape_cast %eq3A_1018 : vector<1024x1xi1> to vector<1024x1xi1>
    %broadcast_in_dim3A_1021 = vector.broadcast %broadcast_in_dim3A_1020 : vector<1024x1xi1> to vector<1024x32xi1>
    %broadcast_in_dim3A_1022 = vector.broadcast %jit3A_1019 : f32 to vector<1024x32xf32>
    %select_n3A_1023 = arith.select %broadcast_in_dim3A_1021, %add3A_23, %broadcast_in_dim3A_1022 : vector<1024x32xi1>, vector<1024x32xf32>
    %get3A_1024 = arith.constant 54 : index
    %get3A_1025 = arith.constant 0 : index
    %get3A_1026 = vector.load %arg16[%get3A_1024, %get3A_1025] : memref<64x32xf32, #tpu.memory_space<vmem>>, vector<1x32xf32>
    %reduce_max3A_1027 = arith.constant dense<0xFF800000> : vector<32xf32>
    %reduce_max3A_1028 = vector.multi_reduction <maximumf>, %select_n3A_1023, %reduce_max3A_1027 [0] : vector<1024x32xf32> to vector<32xf32>
    %broadcast_in_dim3A_1029 = vector.shape_cast %reduce_max3A_1028 : vector<32xf32> to vector<1x32xf32>
    %max3A_1030 = arith.maximumf %get3A_1026, %broadcast_in_dim3A_1029 : vector<1x32xf32>
    %swap3A_1031 = arith.constant 54 : index
    %swap3A_1032 = arith.constant 0 : index
    %swap3A_1033 = vector.load %arg16[%swap3A_1031, %swap3A_1032] : memref<64x32xf32, #tpu.memory_space<vmem>>, vector<1x32xf32>
    tpu.vector_store %arg16[%swap3A_1031, %swap3A_1032], %max3A_1030 {strides = array<i32>} : memref<64x32xf32, #tpu.memory_space<vmem>>, vector<1x32xf32>,
    %eq3A_1034 = arith.constant 55 : i32
    %eq3A_1035 = vector.broadcast %eq3A_1034 : i32 to vector<1024x1xi32>
    %eq3A_1036 = arith.cmpi eq, %get3A_26, %eq3A_1035 : vector<1024x1xi32>
    %jit3A_1037 = arith.constant 0xFF800000 : f32
    %broadcast_in_dim3A_1038 = vector.shape_cast %eq3A_1036 : vector<1024x1xi1> to vector<1024x1xi1>
    %broadcast_in_dim3A_1039 = vector.broadcast %broadcast_in_dim3A_1038 : vector<1024x1xi1> to vector<1024x32xi1>
    %broadcast_in_dim3A_1040 = vector.broadcast %jit3A_1037 : f32 to vector<1024x32xf32>
    %select_n3A_1041 = arith.select %broadcast_in_dim3A_1039, %add3A_23, %broadcast_in_dim3A_1040 : vector<1024x32xi1>, vector<1024x32xf32>
    %get3A_1042 = arith.constant 55 : index
    %get3A_1043 = arith.constant 0 : index
    %get3A_1044 = vector.load %arg16[%get3A_1042, %get3A_1043] : memref<64x32xf32, #tpu.memory_space<vmem>>, vector<1x32xf32>
    %reduce_max3A_1045 = arith.constant dense<0xFF800000> : vector<32xf32>
    %reduce_max3A_1046 = vector.multi_reduction <maximumf>, %select_n3A_1041, %reduce_max3A_1045 [0] : vector<1024x32xf32> to vector<32xf32>
    %broadcast_in_dim3A_1047 = vector.shape_cast %reduce_max3A_1046 : vector<32xf32> to vector<1x32xf32>
    %max3A_1048 = arith.maximumf %get3A_1044, %broadcast_in_dim3A_1047 : vector<1x32xf32>
    %swap3A_1049 = arith.constant 55 : index
    %swap3A_1050 = arith.constant 0 : index
    %swap3A_1051 = vector.load %arg16[%swap3A_1049, %swap3A_1050] : memref<64x32xf32, #tpu.memory_space<vmem>>, vector<1x32xf32>
    tpu.vector_store %arg16[%swap3A_1049, %swap3A_1050], %max3A_1048 {strides = array<i32>} : memref<64x32xf32, #tpu.memory_space<vmem>>, vector<1x32xf32>,
    %eq3A_1052 = arith.constant 56 : i32
    %eq3A_1053 = vector.broadcast %eq3A_1052 : i32 to vector<1024x1xi32>
    %eq3A_1054 = arith.cmpi eq, %get3A_26, %eq3A_1053 : vector<1024x1xi32>
    %jit3A_1055 = arith.constant 0xFF800000 : f32
    %broadcast_in_dim3A_1056 = vector.shape_cast %eq3A_1054 : vector<1024x1xi1> to vector<1024x1xi1>
    %broadcast_in_dim3A_1057 = vector.broadcast %broadcast_in_dim3A_1056 : vector<1024x1xi1> to vector<1024x32xi1>
    %broadcast_in_dim3A_1058 = vector.broadcast %jit3A_1055 : f32 to vector<1024x32xf32>
    %select_n3A_1059 = arith.select %broadcast_in_dim3A_1057, %add3A_23, %broadcast_in_dim3A_1058 : vector<1024x32xi1>, vector<1024x32xf32>
    %get3A_1060 = arith.constant 56 : index
    %get3A_1061 = arith.constant 0 : index
    %get3A_1062 = vector.load %arg16[%get3A_1060, %get3A_1061] : memref<64x32xf32, #tpu.memory_space<vmem>>, vector<1x32xf32>
    %reduce_max3A_1063 = arith.constant dense<0xFF800000> : vector<32xf32>
    %reduce_max3A_1064 = vector.multi_reduction <maximumf>, %select_n3A_1059, %reduce_max3A_1063 [0] : vector<1024x32xf32> to vector<32xf32>
    %broadcast_in_dim3A_1065 = vector.shape_cast %reduce_max3A_1064 : vector<32xf32> to vector<1x32xf32>
    %max3A_1066 = arith.maximumf %get3A_1062, %broadcast_in_dim3A_1065 : vector<1x32xf32>
    %swap3A_1067 = arith.constant 56 : index
    %swap3A_1068 = arith.constant 0 : index
    %swap3A_1069 = vector.load %arg16[%swap3A_1067, %swap3A_1068] : memref<64x32xf32, #tpu.memory_space<vmem>>, vector<1x32xf32>
    tpu.vector_store %arg16[%swap3A_1067, %swap3A_1068], %max3A_1066 {strides = array<i32>} : memref<64x32xf32, #tpu.memory_space<vmem>>, vector<1x32xf32>,
    %eq3A_1070 = arith.constant 57 : i32
    %eq3A_1071 = vector.broadcast %eq3A_1070 : i32 to vector<1024x1xi32>
    %eq3A_1072 = arith.cmpi eq, %get3A_26, %eq3A_1071 : vector<1024x1xi32>
    %jit3A_1073 = arith.constant 0xFF800000 : f32
    %broadcast_in_dim3A_1074 = vector.shape_cast %eq3A_1072 : vector<1024x1xi1> to vector<1024x1xi1>
    %broadcast_in_dim3A_1075 = vector.broadcast %broadcast_in_dim3A_1074 : vector<1024x1xi1> to vector<1024x32xi1>
    %broadcast_in_dim3A_1076 = vector.broadcast %jit3A_1073 : f32 to vector<1024x32xf32>
    %select_n3A_1077 = arith.select %broadcast_in_dim3A_1075, %add3A_23, %broadcast_in_dim3A_1076 : vector<1024x32xi1>, vector<1024x32xf32>
    %get3A_1078 = arith.constant 57 : index
    %get3A_1079 = arith.constant 0 : index
    %get3A_1080 = vector.load %arg16[%get3A_1078, %get3A_1079] : memref<64x32xf32, #tpu.memory_space<vmem>>, vector<1x32xf32>
    %reduce_max3A_1081 = arith.constant dense<0xFF800000> : vector<32xf32>
    %reduce_max3A_1082 = vector.multi_reduction <maximumf>, %select_n3A_1077, %reduce_max3A_1081 [0] : vector<1024x32xf32> to vector<32xf32>
    %broadcast_in_dim3A_1083 = vector.shape_cast %reduce_max3A_1082 : vector<32xf32> to vector<1x32xf32>
    %max3A_1084 = arith.maximumf %get3A_1080, %broadcast_in_dim3A_1083 : vector<1x32xf32>
    %swap3A_1085 = arith.constant 57 : index
    %swap3A_1086 = arith.constant 0 : index
    %swap3A_1087 = vector.load %arg16[%swap3A_1085, %swap3A_1086] : memref<64x32xf32, #tpu.memory_space<vmem>>, vector<1x32xf32>
    tpu.vector_store %arg16[%swap3A_1085, %swap3A_1086], %max3A_1084 {strides = array<i32>} : memref<64x32xf32, #tpu.memory_space<vmem>>, vector<1x32xf32>,
    %eq3A_1088 = arith.constant 58 : i32
    %eq3A_1089 = vector.broadcast %eq3A_1088 : i32 to vector<1024x1xi32>
    %eq3A_1090 = arith.cmpi eq, %get3A_26, %eq3A_1089 : vector<1024x1xi32>
    %jit3A_1091 = arith.constant 0xFF800000 : f32
    %broadcast_in_dim3A_1092 = vector.shape_cast %eq3A_1090 : vector<1024x1xi1> to vector<1024x1xi1>
    %broadcast_in_dim3A_1093 = vector.broadcast %broadcast_in_dim3A_1092 : vector<1024x1xi1> to vector<1024x32xi1>
    %broadcast_in_dim3A_1094 = vector.broadcast %jit3A_1091 : f32 to vector<1024x32xf32>
    %select_n3A_1095 = arith.select %broadcast_in_dim3A_1093, %add3A_23, %broadcast_in_dim3A_1094 : vector<1024x32xi1>, vector<1024x32xf32>
    %get3A_1096 = arith.constant 58 : index
    %get3A_1097 = arith.constant 0 : index
    %get3A_1098 = vector.load %arg16[%get3A_1096, %get3A_1097] : memref<64x32xf32, #tpu.memory_space<vmem>>, vector<1x32xf32>
    %reduce_max3A_1099 = arith.constant dense<0xFF800000> : vector<32xf32>
    %reduce_max3A_1100 = vector.multi_reduction <maximumf>, %select_n3A_1095, %reduce_max3A_1099 [0] : vector<1024x32xf32> to vector<32xf32>
    %broadcast_in_dim3A_1101 = vector.shape_cast %reduce_max3A_1100 : vector<32xf32> to vector<1x32xf32>
    %max3A_1102 = arith.maximumf %get3A_1098, %broadcast_in_dim3A_1101 : vector<1x32xf32>
    %swap3A_1103 = arith.constant 58 : index
    %swap3A_1104 = arith.constant 0 : index
    %swap3A_1105 = vector.load %arg16[%swap3A_1103, %swap3A_1104] : memref<64x32xf32, #tpu.memory_space<vmem>>, vector<1x32xf32>
    tpu.vector_store %arg16[%swap3A_1103, %swap3A_1104], %max3A_1102 {strides = array<i32>} : memref<64x32xf32, #tpu.memory_space<vmem>>, vector<1x32xf32>,
    %eq3A_1106 = arith.constant 59 : i32
    %eq3A_1107 = vector.broadcast %eq3A_1106 : i32 to vector<1024x1xi32>
    %eq3A_1108 = arith.cmpi eq, %get3A_26, %eq3A_1107 : vector<1024x1xi32>
    %jit3A_1109 = arith.constant 0xFF800000 : f32
    %broadcast_in_dim3A_1110 = vector.shape_cast %eq3A_1108 : vector<1024x1xi1> to vector<1024x1xi1>
    %broadcast_in_dim3A_1111 = vector.broadcast %broadcast_in_dim3A_1110 : vector<1024x1xi1> to vector<1024x32xi1>
    %broadcast_in_dim3A_1112 = vector.broadcast %jit3A_1109 : f32 to vector<1024x32xf32>
    %select_n3A_1113 = arith.select %broadcast_in_dim3A_1111, %add3A_23, %broadcast_in_dim3A_1112 : vector<1024x32xi1>, vector<1024x32xf32>
    %get3A_1114 = arith.constant 59 : index
    %get3A_1115 = arith.constant 0 : index
    %get3A_1116 = vector.load %arg16[%get3A_1114, %get3A_1115] : memref<64x32xf32, #tpu.memory_space<vmem>>, vector<1x32xf32>
    %reduce_max3A_1117 = arith.constant dense<0xFF800000> : vector<32xf32>
    %reduce_max3A_1118 = vector.multi_reduction <maximumf>, %select_n3A_1113, %reduce_max3A_1117 [0] : vector<1024x32xf32> to vector<32xf32>
    %broadcast_in_dim3A_1119 = vector.shape_cast %reduce_max3A_1118 : vector<32xf32> to vector<1x32xf32>
    %max3A_1120 = arith.maximumf %get3A_1116, %broadcast_in_dim3A_1119 : vector<1x32xf32>
    %swap3A_1121 = arith.constant 59 : index
    %swap3A_1122 = arith.constant 0 : index
    %swap3A_1123 = vector.load %arg16[%swap3A_1121, %swap3A_1122] : memref<64x32xf32, #tpu.memory_space<vmem>>, vector<1x32xf32>
    tpu.vector_store %arg16[%swap3A_1121, %swap3A_1122], %max3A_1120 {strides = array<i32>} : memref<64x32xf32, #tpu.memory_space<vmem>>, vector<1x32xf32>,
    %eq3A_1124 = arith.constant 60 : i32
    %eq3A_1125 = vector.broadcast %eq3A_1124 : i32 to vector<1024x1xi32>
    %eq3A_1126 = arith.cmpi eq, %get3A_26, %eq3A_1125 : vector<1024x1xi32>
    %jit3A_1127 = arith.constant 0xFF800000 : f32
    %broadcast_in_dim3A_1128 = vector.shape_cast %eq3A_1126 : vector<1024x1xi1> to vector<1024x1xi1>
    %broadcast_in_dim3A_1129 = vector.broadcast %broadcast_in_dim3A_1128 : vector<1024x1xi1> to vector<1024x32xi1>
    %broadcast_in_dim3A_1130 = vector.broadcast %jit3A_1127 : f32 to vector<1024x32xf32>
    %select_n3A_1131 = arith.select %broadcast_in_dim3A_1129, %add3A_23, %broadcast_in_dim3A_1130 : vector<1024x32xi1>, vector<1024x32xf32>
    %get3A_1132 = arith.constant 60 : index
    %get3A_1133 = arith.constant 0 : index
    %get3A_1134 = vector.load %arg16[%get3A_1132, %get3A_1133] : memref<64x32xf32, #tpu.memory_space<vmem>>, vector<1x32xf32>
    %reduce_max3A_1135 = arith.constant dense<0xFF800000> : vector<32xf32>
    %reduce_max3A_1136 = vector.multi_reduction <maximumf>, %select_n3A_1131, %reduce_max3A_1135 [0] : vector<1024x32xf32> to vector<32xf32>
    %broadcast_in_dim3A_1137 = vector.shape_cast %reduce_max3A_1136 : vector<32xf32> to vector<1x32xf32>
    %max3A_1138 = arith.maximumf %get3A_1134, %broadcast_in_dim3A_1137 : vector<1x32xf32>
    %swap3A_1139 = arith.constant 60 : index
    %swap3A_1140 = arith.constant 0 : index
    %swap3A_1141 = vector.load %arg16[%swap3A_1139, %swap3A_1140] : memref<64x32xf32, #tpu.memory_space<vmem>>, vector<1x32xf32>
    tpu.vector_store %arg16[%swap3A_1139, %swap3A_1140], %max3A_1138 {strides = array<i32>} : memref<64x32xf32, #tpu.memory_space<vmem>>, vector<1x32xf32>,
    %eq3A_1142 = arith.constant 61 : i32
    %eq3A_1143 = vector.broadcast %eq3A_1142 : i32 to vector<1024x1xi32>
    %eq3A_1144 = arith.cmpi eq, %get3A_26, %eq3A_1143 : vector<1024x1xi32>
    %jit3A_1145 = arith.constant 0xFF800000 : f32
    %broadcast_in_dim3A_1146 = vector.shape_cast %eq3A_1144 : vector<1024x1xi1> to vector<1024x1xi1>
    %broadcast_in_dim3A_1147 = vector.broadcast %broadcast_in_dim3A_1146 : vector<1024x1xi1> to vector<1024x32xi1>
    %broadcast_in_dim3A_1148 = vector.broadcast %jit3A_1145 : f32 to vector<1024x32xf32>
    %select_n3A_1149 = arith.select %broadcast_in_dim3A_1147, %add3A_23, %broadcast_in_dim3A_1148 : vector<1024x32xi1>, vector<1024x32xf32>
    %get3A_1150 = arith.constant 61 : index
    %get3A_1151 = arith.constant 0 : index
    %get3A_1152 = vector.load %arg16[%get3A_1150, %get3A_1151] : memref<64x32xf32, #tpu.memory_space<vmem>>, vector<1x32xf32>
    %reduce_max3A_1153 = arith.constant dense<0xFF800000> : vector<32xf32>
    %reduce_max3A_1154 = vector.multi_reduction <maximumf>, %select_n3A_1149, %reduce_max3A_1153 [0] : vector<1024x32xf32> to vector<32xf32>
    %broadcast_in_dim3A_1155 = vector.shape_cast %reduce_max3A_1154 : vector<32xf32> to vector<1x32xf32>
    %max3A_1156 = arith.maximumf %get3A_1152, %broadcast_in_dim3A_1155 : vector<1x32xf32>
    %swap3A_1157 = arith.constant 61 : index
    %swap3A_1158 = arith.constant 0 : index
    %swap3A_1159 = vector.load %arg16[%swap3A_1157, %swap3A_1158] : memref<64x32xf32, #tpu.memory_space<vmem>>, vector<1x32xf32>
    tpu.vector_store %arg16[%swap3A_1157, %swap3A_1158], %max3A_1156 {strides = array<i32>} : memref<64x32xf32, #tpu.memory_space<vmem>>, vector<1x32xf32>,
    %eq3A_1160 = arith.constant 62 : i32
    %eq3A_1161 = vector.broadcast %eq3A_1160 : i32 to vector<1024x1xi32>
    %eq3A_1162 = arith.cmpi eq, %get3A_26, %eq3A_1161 : vector<1024x1xi32>
    %jit3A_1163 = arith.constant 0xFF800000 : f32
    %broadcast_in_dim3A_1164 = vector.shape_cast %eq3A_1162 : vector<1024x1xi1> to vector<1024x1xi1>
    %broadcast_in_dim3A_1165 = vector.broadcast %broadcast_in_dim3A_1164 : vector<1024x1xi1> to vector<1024x32xi1>
    %broadcast_in_dim3A_1166 = vector.broadcast %jit3A_1163 : f32 to vector<1024x32xf32>
    %select_n3A_1167 = arith.select %broadcast_in_dim3A_1165, %add3A_23, %broadcast_in_dim3A_1166 : vector<1024x32xi1>, vector<1024x32xf32>
    %get3A_1168 = arith.constant 62 : index
    %get3A_1169 = arith.constant 0 : index
    %get3A_1170 = vector.load %arg16[%get3A_1168, %get3A_1169] : memref<64x32xf32, #tpu.memory_space<vmem>>, vector<1x32xf32>
    %reduce_max3A_1171 = arith.constant dense<0xFF800000> : vector<32xf32>
    %reduce_max3A_1172 = vector.multi_reduction <maximumf>, %select_n3A_1167, %reduce_max3A_1171 [0] : vector<1024x32xf32> to vector<32xf32>
    %broadcast_in_dim3A_1173 = vector.shape_cast %reduce_max3A_1172 : vector<32xf32> to vector<1x32xf32>
    %max3A_1174 = arith.maximumf %get3A_1170, %broadcast_in_dim3A_1173 : vector<1x32xf32>
    %swap3A_1175 = arith.constant 62 : index
    %swap3A_1176 = arith.constant 0 : index
    %swap3A_1177 = vector.load %arg16[%swap3A_1175, %swap3A_1176] : memref<64x32xf32, #tpu.memory_space<vmem>>, vector<1x32xf32>
    tpu.vector_store %arg16[%swap3A_1175, %swap3A_1176], %max3A_1174 {strides = array<i32>} : memref<64x32xf32, #tpu.memory_space<vmem>>, vector<1x32xf32>,
    %eq3A_1178 = arith.constant 63 : i32
    %eq3A_1179 = vector.broadcast %eq3A_1178 : i32 to vector<1024x1xi32>
    %eq3A_1180 = arith.cmpi eq, %get3A_26, %eq3A_1179 : vector<1024x1xi32>
    %jit3A_1181 = arith.constant 0xFF800000 : f32
    %broadcast_in_dim3A_1182 = vector.shape_cast %eq3A_1180 : vector<1024x1xi1> to vector<1024x1xi1>
    %broadcast_in_dim3A_1183 = vector.broadcast %broadcast_in_dim3A_1182 : vector<1024x1xi1> to vector<1024x32xi1>
    %broadcast_in_dim3A_1184 = vector.broadcast %jit3A_1181 : f32 to vector<1024x32xf32>
    %select_n3A_1185 = arith.select %broadcast_in_dim3A_1183, %add3A_23, %broadcast_in_dim3A_1184 : vector<1024x32xi1>, vector<1024x32xf32>
    %get3A_1186 = arith.constant 63 : index
    %get3A_1187 = arith.constant 0 : index
    %get3A_1188 = vector.load %arg16[%get3A_1186, %get3A_1187] : memref<64x32xf32, #tpu.memory_space<vmem>>, vector<1x32xf32>
    %reduce_max3A_1189 = arith.constant dense<0xFF800000> : vector<32xf32>
    %reduce_max3A_1190 = vector.multi_reduction <maximumf>, %select_n3A_1185, %reduce_max3A_1189 [0] : vector<1024x32xf32> to vector<32xf32>
    %broadcast_in_dim3A_1191 = vector.shape_cast %reduce_max3A_1190 : vector<32xf32> to vector<1x32xf32>
    %max3A_1192 = arith.maximumf %get3A_1188, %broadcast_in_dim3A_1191 : vector<1x32xf32>
    %swap3A_1193 = arith.constant 63 : index
    %swap3A_1194 = arith.constant 0 : index
    %swap3A_1195 = vector.load %arg16[%swap3A_1193, %swap3A_1194] : memref<64x32xf32, #tpu.memory_space<vmem>>, vector<1x32xf32>
    tpu.vector_store %arg16[%swap3A_1193, %swap3A_1194], %max3A_1192 {strides = array<i32>} : memref<64x32xf32, #tpu.memory_space<vmem>>, vector<1x32xf32>,
    %eq3A_1196 = arith.constant 9 : i32
    %eq3A_1197 = arith.cmpi eq, %arg0, %eq3A_1196 : i32
    %convert_element_type3A_1198 = arith.extui %eq3A_1197 : i1 to i32
    %cond3A_1199 = arith.constant 0 : i32
    %cond3A_1200 = arith.cmpi ne, %convert_element_type3A_1198, %cond3A_1199 : i32
    scf.if %cond3A_1200 {
      %get3A_1201 = arith.constant 0 : index
      %get3A_1202 = arith.constant 0 : index
      %get3A_1203 = vector.load %arg14[%get3A_1201, %get3A_1202] : memref<64x32xf32, #tpu.memory_space<vmem>>, vector<64x32xf32>
      %get3A_1204 = arith.constant 0 : index
      %get3A_1205 = arith.constant 0 : index
      %get3A_1206 = vector.load %arg15[%get3A_1204, %get3A_1205] : memref<64x1xf32, #tpu.memory_space<vmem>>, vector<64x1xf32>
      %max3A_1207 = arith.constant 1.000000e+00 : f32
      %max3A_1208 = vector.broadcast %max3A_1207 : f32 to vector<64x1xf32>
      %max3A_1209 = arith.maximumf %get3A_1206, %max3A_1208 : vector<64x1xf32>
      %div3A_1210 = vector.broadcast %max3A_1209 : vector<64x1xf32> to vector<64x32xf32>
      %div3A_1211 = arith.divf %get3A_1203, %div3A_1210 : vector<64x32xf32>
      %get3A_1212 = arith.constant 0 : index
      %get3A_1213 = arith.constant 0 : index
      %get3A_1214 = vector.load %arg16[%get3A_1212, %get3A_1213] : memref<64x32xf32, #tpu.memory_space<vmem>>, vector<64x32xf32>
      %is_finite3A = tpu.weird %get3A_1214 : vector<64x32xf32> -> vector<64x32xi1>
      %is_finite3A_1215 = arith.constant dense<true> : vector<64x32xi1>
      %is_finite3A_1216 = arith.xori %is_finite3A, %is_finite3A_1215 : vector<64x32xi1>
      %get3A_1217 = arith.constant 0 : index
      %get3A_1218 = arith.constant 0 : index
      %get3A_1219 = vector.load %arg16[%get3A_1217, %get3A_1218] : memref<64x32xf32, #tpu.memory_space<vmem>>, vector<64x32xf32>
      %jit3A_1220 = arith.constant 0.000000e+00 : f32
      %broadcast_in_dim3A_1221 = vector.broadcast %jit3A_1220 : f32 to vector<64x32xf32>
      %select_n3A_1222 = arith.select %is_finite3A_1216, %get3A_1219, %broadcast_in_dim3A_1221 : vector<64x32xi1>, vector<64x32xf32>
      %concatenate3A = tpu.concatenate %div3A_1211, %select_n3A_1222 in 1 : vector<64x32xf32>, vector<64x32xf32> -> vector<64x64xf32>
      %get3A_1223 = arith.constant 0 : index
      %get3A_1224 = arith.constant 0 : index
      %get3A_1225 = vector.load %arg5[%get3A_1223, %get3A_1224] : memref<64x32xf32, #tpu.memory_space<vmem>>, vector<64x32xf32>
      %dot_general3A_1226 = arith.constant dense<0.000000e+00> : vector<64x32xf32>
      %dot_general3A_1227 = tpu.matmul %concatenate3A, %get3A_1225, %dot_general3A_1226 {dimension_numbers = #tpu.dot_dimension_numbers<[1], [0], [0], [1], [0, 0, 1, 1], [], []>, transpose_lhs_hint = false} : vector<64x64xf32>, vector<64x32xf32>, vector<64x32xf32> -> vector<64x32xf32>
      %get3A_1228 = arith.constant 0 : index
      %get3A_1229 = arith.constant 0 : index
      %get3A_1230 = vector.load %arg6[%get3A_1228, %get3A_1229] : memref<1x32xf32, #tpu.memory_space<vmem>>, vector<1x32xf32>
      %add3A_1231 = vector.broadcast %get3A_1230 : vector<1x32xf32> to vector<64x32xf32>
      %add3A_1232 = arith.addf %dot_general3A_1227, %add3A_1231 : vector<64x32xf32>
      %get3A_1233 = arith.constant 0 : index
      %get3A_1234 = arith.constant 0 : index
      %get3A_1235 = vector.load %arg7[%get3A_1233, %get3A_1234] : memref<32x32xf32, #tpu.memory_space<vmem>>, vector<32x32xf32>
      %dot_general3A_1236 = arith.constant dense<0.000000e+00> : vector<64x32xf32>
      %dot_general3A_1237 = tpu.matmul %add3A_1232, %get3A_1235, %dot_general3A_1236 {dimension_numbers = #tpu.dot_dimension_numbers<[1], [0], [0], [1], [0, 0, 1, 1], [], []>, transpose_lhs_hint = false} : vector<64x32xf32>, vector<32x32xf32>, vector<64x32xf32> -> vector<64x32xf32>
      %get3A_1238 = arith.constant 0 : index
      %get3A_1239 = arith.constant 0 : index
      %get3A_1240 = vector.load %arg8[%get3A_1238, %get3A_1239] : memref<1x32xf32, #tpu.memory_space<vmem>>, vector<1x32xf32>
      %add3A_1241 = vector.broadcast %get3A_1240 : vector<1x32xf32> to vector<64x32xf32>
      %add3A_1242 = arith.addf %dot_general3A_1237, %add3A_1241 : vector<64x32xf32>
      %max3A_1243 = arith.constant 0.000000e+00 : f32
      %max3A_1244 = vector.broadcast %max3A_1243 : f32 to vector<64x32xf32>
      %max3A_1245 = arith.maximumf %add3A_1242, %max3A_1244 : vector<64x32xf32>
      %get3A_1246 = arith.constant 0 : index
      %get3A_1247 = arith.constant 0 : index
      %get3A_1248 = vector.load %arg9[%get3A_1246, %get3A_1247] : memref<32x32xf32, #tpu.memory_space<vmem>>, vector<32x32xf32>
      %dot_general3A_1249 = arith.constant dense<0.000000e+00> : vector<64x32xf32>
      %dot_general3A_1250 = tpu.matmul %max3A_1245, %get3A_1248, %dot_general3A_1249 {dimension_numbers = #tpu.dot_dimension_numbers<[1], [0], [0], [1], [0, 0, 1, 1], [], []>, transpose_lhs_hint = false} : vector<64x32xf32>, vector<32x32xf32>, vector<64x32xf32> -> vector<64x32xf32>
      %get3A_1251 = arith.constant 0 : index
      %get3A_1252 = arith.constant 0 : index
      %get3A_1253 = vector.load %arg10[%get3A_1251, %get3A_1252] : memref<1x32xf32, #tpu.memory_space<vmem>>, vector<1x32xf32>
      %add3A_1254 = vector.broadcast %get3A_1253 : vector<1x32xf32> to vector<64x32xf32>
      %add3A_1255 = arith.addf %dot_general3A_1250, %add3A_1254 : vector<64x32xf32>
      %max3A_1256 = arith.constant 0.000000e+00 : f32
      %max3A_1257 = vector.broadcast %max3A_1256 : f32 to vector<64x32xf32>
      %max3A_1258 = arith.maximumf %add3A_1255, %max3A_1257 : vector<64x32xf32>
      %get3A_1259 = arith.constant 0 : index
      %get3A_1260 = arith.constant 0 : index
      %get3A_1261 = vector.load %arg11[%get3A_1259, %get3A_1260] : memref<32x48xf32, #tpu.memory_space<vmem>>, vector<32x48xf32>
      %dot_general3A_1262 = arith.constant dense<0.000000e+00> : vector<64x48xf32>
      %dot_general3A_1263 = tpu.matmul %max3A_1258, %get3A_1261, %dot_general3A_1262 {dimension_numbers = #tpu.dot_dimension_numbers<[1], [0], [0], [1], [0, 0, 1, 1], [], []>, transpose_lhs_hint = false} : vector<64x32xf32>, vector<32x48xf32>, vector<64x48xf32> -> vector<64x48xf32>
      %get3A_1264 = arith.constant 0 : index
      %get3A_1265 = arith.constant 0 : index
      %get3A_1266 = vector.load %arg12[%get3A_1264, %get3A_1265] : memref<1x48xf32, #tpu.memory_space<vmem>>, vector<1x48xf32>
      %add3A_1267 = vector.broadcast %get3A_1266 : vector<1x48xf32> to vector<64x48xf32>
      %add3A_1268 = arith.addf %dot_general3A_1263, %add3A_1267 : vector<64x48xf32>
      %swap3A_1269 = arith.constant 0 : index
      %swap3A_1270 = arith.constant 0 : index
      %swap3A_1271 = vector.load %arg13[%swap3A_1269, %swap3A_1270] : memref<64x48xf32, #tpu.memory_space<vmem>>, vector<64x48xf32>
      tpu.vector_store %arg13[%swap3A_1269, %swap3A_1270], %add3A_1268 {strides = array<i32>} : memref<64x48xf32, #tpu.memory_space<vmem>>, vector<64x48xf32>,
    } else {
    }
    return
  }
  func.func @transform_0(%arg0: i32) -> (i32, i32, i32) {
    %c0_i32 = arith.constant 0 : i32
    %c0_i32_0 = arith.constant 0 : i32
    %c0_i32_1 = arith.constant 0 : i32
    return %c0_i32, %arg0, %c0_i32_0 : i32, i32, i32
  }
  func.func @transform_1(%arg0: i32) -> (i32, i32) {
    %c0_i32 = arith.constant 0 : i32
    %c0_i32_0 = arith.constant 0 : i32
    return %c0_i32, %arg0 : i32, i32
  }
  func.func @transform_2(%arg0: i32) -> (i32, i32) {
    %c0_i32 = arith.constant 0 : i32
    %c0_i32_0 = arith.constant 0 : i32
    return %arg0, %c0_i32 : i32, i32
  }
  func.func @transform_3(%arg0: i32) -> (i32, i32) {
    %c0_i32 = arith.constant 0 : i32
    %c0_i32_0 = arith.constant 0 : i32
    %c0_i32_1 = arith.constant 0 : i32
    return %c0_i32, %c0_i32_0 : i32, i32
  }
  func.func @transform_4(%arg0: i32) -> (i32, i32) {
    %c0_i32 = arith.constant 0 : i32
    %c0_i32_0 = arith.constant 0 : i32
    %c0_i32_1 = arith.constant 0 : i32
    return %c0_i32, %c0_i32_0 : i32, i32
  }
  func.func @transform_5(%arg0: i32) -> (i32, i32) {
    %c0_i32 = arith.constant 0 : i32
    %c0_i32_0 = arith.constant 0 : i32
    %c0_i32_1 = arith.constant 0 : i32
    return %c0_i32, %c0_i32_0 : i32, i32
  }
  func.func @transform_6(%arg0: i32) -> (i32, i32) {
    %c0_i32 = arith.constant 0 : i32
    %c0_i32_0 = arith.constant 0 : i32
    %c0_i32_1 = arith.constant 0 : i32
    return %c0_i32, %c0_i32_0 : i32, i32
  }
  func.func @transform_7(%arg0: i32) -> (i32, i32) {
    %c0_i32 = arith.constant 0 : i32
    %c0_i32_0 = arith.constant 0 : i32
    %c0_i32_1 = arith.constant 0 : i32
    return %c0_i32, %c0_i32_0 : i32, i32
  }
  func.func @transform_8(%arg0: i32) -> (i32, i32) {
    %c0_i32 = arith.constant 0 : i32
    %c0_i32_0 = arith.constant 0 : i32
    %c0_i32_1 = arith.constant 0 : i32
    return %c0_i32, %c0_i32_0 : i32, i32
  }
  func.func @transform_9(%arg0: i32) -> (i32, i32) {
    %c0_i32 = arith.constant 0 : i32
    %c0_i32_0 = arith.constant 0 : i32
    %c0_i32_1 = arith.constant 0 : i32
    return %c0_i32, %c0_i32_0 : i32, i32
  }
  func.func @transform_10(%arg0: i32) -> (i32, i32) {
    %c0_i32 = arith.constant 0 : i32
    %c0_i32_0 = arith.constant 0 : i32
    %c0_i32_1 = arith.constant 0 : i32
    return %c0_i32, %c0_i32_0 : i32, i32
  }
  func.func @transform_11(%arg0: i32) -> (i32, i32) {
    %c0_i32 = arith.constant 0 : i32
    %c0_i32_0 = arith.constant 0 : i32
    %c0_i32_1 = arith.constant 0 : i32
    return %c0_i32, %c0_i32_0 : i32, i32
  }
  func.func @transform_12(%arg0: i32) -> (i32, i32) {
    %c0_i32 = arith.constant 0 : i32
    %c0_i32_0 = arith.constant 0 : i32
    %c0_i32_1 = arith.constant 0 : i32
    return %c0_i32, %c0_i32_0 : i32, i32
  }
}

</mosaic_0001>

<sc_bundles>
// kernel: kernel.12.cloned.1.call-start
scs
__scs_entry_jumppad:
0x0: {  	(pc) =	sbr.rel $0x88, $3  }
0x1: {  	(tag) =	ssettag $0x0;
	lr =	simm.s32 $0x1  }
0x2: {  	[smem:$0x3F8A] =	sst lr;
	_ =	strace $0xD0000000  }
0x3: {  	_ = 	snop  }
0x4: {  	_ = 	snop  }
0x5: {  	_ = 	snop  }
0x6: {  	_ = 	snop  }
0x7: {  	_ = 	snop  }
__scs_overlays_trampoline_lowered:
0x8: {  	[smem:$0x3F99] =	sst s0  }
0x9: {  	[smem:$0x3F9A] =	sst s1  }
0xa: {  	[smem:$0x3F9B] =	sst s2  }
0xb: {  	[smem:$0x3F9C] =	sst s3  }
0xc: {  	[smem:$0x3F9D] =	sst s4  }
0xd: {  	[smem:$0x3F9E] =	sst s5  }
0xe: {  	[smem:$0x3F9F] =	sst s6  }
0xf: {  	[smem:$0x3FA0] =	sst s7  }
0x10: {  	[smem:$0x3FA1] =	sst s8  }
0x11: {  	[smem:$0x3FA2] =	sst s9;
	s0 =	simm.s32 @!p0 $0x0  }
0x12: {  	s1 =	sld [smem:$0x3F88];
	s0 =	simm.s32 @p0 $0x1  }
0x13: {  	[smem:$0x3FA3] =	sst s0;
	s0 =	simm.s32 @!p1 $0x0  }
0x14: {  	s2 =	sld [smem:$0x3F87];
	s0 =	simm.s32 @p1 $0x1  }
0x15: {  	[smem:$0x3FA4] =	sst s0;
	s0 =	simm.s32 @!p2 $0x0  }
0x16: {  	s3 =	sld [smem:$0x3FDB];
	s0 =	simm.s32 @p2 $0x1  }
0x17: {  	s4 =	simm.s32 $0x1BF5;
	[smem:$0x3FA6] =	sst s0  }
0x18: {  	s0 =	sld [smem:$0x3F89];
	_ =	swait.ge [sflag:s4], $0x0  }
0x19: {  	s7 =	sld [smem:$0x3F8A]  }
0x1a: {  	s8 =	sadd.s32 $0xFFFFE003, lr  }
0x1b: {  	s9 =	sadd.s32 $0xFFFFFEF7, lr;
	s5 =	simm.s32 $0xFFFFFFFF;
	p2 =	slt.u32 s8, $0xFFFFF086  }
0x1c: {  	p1 =	slt.u32 s9, $0xF7A;
	s5 =	simm.s32 @!p2 $0x0  }
0x1d: {  	s5 =	simm.s32 @p1 $0x1;
	p0 =	seq.s32 s7, s2  }
0x1e: {  	s7 =	smul.u32 @!p0 $0xF7A, s2;
	p2 =	seq.s32 @!p0 s5, $0x0  }
0x1f: {  	s9 =	smul.u32 $0xF7A, s1;
	s8 =	simm.s32 @!p0 $0x1BF5;
	p2 =	por !p2, p0  }
0x20: {  	[sflag:s8] =	ssyncset.s32 @!p0 $0xFFFFF086;
	s6 =	sadd.s32 @!p0 s3, s7;
	s7 =	simm.s32 @!p0 $0x108  }
0x21: {  	s3 =	sadd.s32 s3, s9;
	s6 =	sadd.s32 @!p0 $0x88, s6;
	s7 =	simm.s32 @p2 $0x1082  }
0x22: {  	[simem:s7], [sflag:s8] =	dma.local @!p0 [hbm:s6], $0xF7A  }
0x23: {  	s9 =	sor.u32 $0xD0000000, s2;
	s6 =	simm.s32 $0x108;
	_ =	swait.ge @!p0 [sflag:s8], $0x0  }
0x24: {  	s3 =	sadd.s32 $0x88, s3;
	s6 =	simm.s32 @!p1 $0x1082;
	[sflag:s4] =	ssyncset.s32 $0xFFFFF086  }
0x25: {  	[simem:s6], [sflag:s4] =	dma.local [hbm:s3], $0xF7A  }
0x26: {  	[smem:$0x3F8A] =	sst s1;
	(tag) =	ssettag s2;
	_ =	strace s9  }
0x27: {  	s1 =	sld [smem:$0x3F9A]  }
0x28: {  	s2 =	sld [smem:$0x3F9B]  }
0x29: {  	s4 =	sld [smem:$0x3F9D]  }
0x2a: {  	p0 =	seq.s32 s5, $0x0;
	s5 =	sld [smem:$0x3F9E]  }
0x2b: {  	s6 =	sld [smem:$0x3F9F]  }
0x2c: {  	s7 =	sld [smem:$0x3FA0]  }
0x2d: {  	s3 =	simm.s32 $0x108;
	s8 =	sld [smem:$0x3FA1]  }
0x2e: {  	s3 =	simm.s32 @!p0 $0x1082;
	s9 =	sld [smem:$0x3FA2]  }
0x2f: {  	lr =	sadd.s32 s0, s3;
	s0 =	sld [smem:$0x3F99]  }
0x30: {  	s3 =	sld [smem:$0x3F9C]  }
0x31: {  	[smem:$0x3FA5] =	sst s10  }
0x32: {  	s10 =	sld [smem:$0x3FA3];
	_ =	sdelay $0x3  }
0x33: {  	p0 =	seq.s32 s10, $0x1;
	s10 =	sld [smem:$0x3FA5];
	_ =	sdelay $0x3  }
0x34: {  	[smem:$0x3FA5] =	sst s10  }
0x35: {  	s10 =	sld [smem:$0x3FA4];
	_ =	sdelay $0x3  }
0x36: {  	p1 =	seq.s32 s10, $0x1;
	s10 =	sld [smem:$0x3FA5];
	_ =	sdelay $0x3  }
0x37: {  	[smem:$0x3FA5] =	sst s10  }
0x38: {  	s10 =	sld [smem:$0x3FA6]  }
0x39: {  	_ = 	snop;
	(pc) =	sbr.ind lr, $3  }
0x3a: {  	_ = 	snop  }
0x3b: {  	_ = 	snop  }
0x3c: {  	p2 =	seq.s32 s10, $0x1;
	s10 =	sld [smem:$0x3FA5]  }
0x3d: {  	_ =	shalt  }
0x3e: {  	_ =	shalt  }
0x3f: {  	_ =	shalt  }
0x40: {  	_ =	shalt  }
0x41: {  	_ =	shalt  }
0x42: {  	_ =	shalt  }
0x43: {  	_ =	shalt  }
0x44: {  	_ =	shalt  }
0x45: {  	_ =	shalt  }
0x46: {  	_ =	shalt  }
0x47: {  	_ =	shalt  }
0x48: {  	_ =	shalt  }
0x49: {  	_ =	shalt  }
0x4a: {  	_ =	shalt  }
0x4b: {  	_ =	shalt  }
0x4c: {  	_ =	shalt  }
0x4d: {  	_ =	shalt  }
0x4e: {  	_ =	shalt  }
0x4f: {  	_ =	shalt  }
0x50: {  	_ =	shalt  }
0x51: {  	_ =	shalt  }
0x52: {  	_ =	shalt  }
0x53: {  	_ =	shalt  }
0x54: {  	_ =	shalt  }
0x55: {  	_ =	shalt  }
0x56: {  	_ =	shalt  }
0x57: {  	_ =	shalt  }
0x58: {  	_ =	shalt  }
0x59: {  	_ =	shalt  }
0x5a: {  	_ =	shalt  }
0x5b: {  	_ =	shalt  }
0x5c: {  	_ =	shalt  }
0x5d: {  	_ =	shalt  }
0x5e: {  	_ =	shalt  }
0x5f: {  	_ =	shalt  }
0x60: {  	_ =	shalt  }
0x61: {  	_ =	shalt  }
0x62: {  	_ =	shalt  }
0x63: {  	_ =	shalt  }
0x64: {  	_ =	shalt  }
0x65: {  	_ =	shalt  }
0x66: {  	_ =	shalt  }
0x67: {  	_ =	shalt  }
0x68: {  	_ =	shalt  }
0x69: {  	_ =	shalt  }
0x6a: {  	_ =	shalt  }
0x6b: {  	_ =	shalt  }
0x6c: {  	_ =	shalt  }
0x6d: {  	_ =	shalt  }
0x6e: {  	_ =	shalt  }
0x6f: {  	_ =	shalt  }
0x70: {  	_ =	shalt  }
0x71: {  	_ =	shalt  }
0x72: {  	_ =	shalt  }
0x73: {  	_ =	shalt  }
0x74: {  	_ =	shalt  }
0x75: {  	_ =	shalt  }
0x76: {  	_ =	shalt  }
0x77: {  	_ =	shalt  }
0x78: {  	_ =	shalt  }
0x79: {  	_ =	shalt  }
0x7a: {  	_ =	shalt  }
0x7b: {  	_ =	shalt  }
0x7c: {  	_ =	shalt  }
0x7d: {  	_ =	shalt  }
0x7e: {  	_ =	shalt  }
0x7f: {  	_ =	shalt  }
0x80: {  	_ =	shalt  }
0x81: {  	_ =	shalt  }
0x82: {  	_ =	shalt  }
0x83: {  	_ =	shalt  }
0x84: {  	_ =	shalt  }
0x85: {  	_ =	shalt  }
0x86: {  	_ =	shalt  }
0x87: {  	_ =	shalt  }
.Lfunc_end0:
.L_simem_size_0:
called_computation.1_lowered:
.L_overlay_start_0:
0x88: {  	s2 =	sld [smem:$0x3FD9]  }
0x89: {  	s3 =	sld [smem:$0x3FFE];
	_ =	sdelay $0x1  }
0x8a: {  	s1 =	srdreg.scid  }
0x8b: {  	s0 =	sand.u32 $0x1, s1  }
0x8c: {  	s17 =	sshll.u32 s0, $0xA;
	s2 =	sadd.s32 s3, s2  }
0x8d: {  	s2 =	sadd.s32 s2, s17  }
0x8e: {  	[smem:$0x3FB1] =	sst s2  }
0x8f: {  	_ = 	snop  }
0x90: {  	s2 =	sld [smem:$0x3FD0];
	(tm) =	ssettm $0x1  }
0x91: {  	s18 =	sld [smem:$0x3FFB];
	_ =	sdelay $0x3  }
0x92: {  	_ =	strace s18  }
0x93: {  	s3 =	sld [smem:$0x3FFC];
	_ =	sdelay $0x3  }
0x94: {  	_ =	strace s3  }
0x95: {  	s3 =	sld [smem:$0x3FFD];
	_ =	sdelay $0x3  }
0x96: {  	_ =	strace s3  }
0x97: {  	_ =	strace $0x8FFFFFFF  }
0x98: {  	s19 =	sld [smem:$0x3FDB];
	_ =	sdelay $0x1  }
0x99: {  	s4 =	simm.s32 $_scs_section_size  }
0x9a: {  	s5 =	simm.s32 $_size__tile_overlayer_lowered;
	s6 =	simm.s32 $_tile_overlayer_lowered  }
0x9b: {  	s22 =	simm.s32 $0x1BFF;
	s21 =	sshll.u32 s6, $0x1;
	s3 =	sadd.s32 s4, s19  }
0x9c: {  	s7 =	simm.s32 $0x0;
	s20 =	sshll.u32 s5, $0x1;
	s5 =	sadd.s32 s21, s3  }
0x9d: {  	[timem:s7], [sflag:s22] =	dma.local [hbm:s5], s20  }
0x9e: {  	_ =	swait.ge [sflag:s22], s20  }
0x9f: {  	s4 =	ssub.s32 $0x0, s20;
	[sflag:s22] =	ssyncset.done $0x0  }
0xa0: {  	[sflag:s22] =	ssyncadd.s32 s4;
	_ =	sdelay $0x1  }
0xa1: {  	s23 =	simm.s32 $0x1B8B  }
0xa2: {  	_ =	swait.ge [sflag:s23], $0x1  }
0xa3: {  	[sflag:s23] =	ssyncset.done $0x0  }
0xa4: {  	s25 =	simm.s32 $0x1B8E;
	s24 =	sld [smem:$0x3FFE];
	[sflag:s23] =	ssyncadd.s32 $0xFFFFFFFF  }
0xa5: {  	s26 =	simm.s32 $execute0_lowered;
	[smem:$0x3FD2] =	sst s25  }
0xa6: {  	s5 =	sshll.u32 s26, $0x1;
	_ =	strace $0x80000049;
	[dreg:$0x1] =	wrdreg $0xFFFFFFFF  }
0xa7: {  	s28 =	simm.s32 $_size_execute0_lowered;
	s3 =	sadd.s32 s3, s5;
	[dreg:$0x0] =	wrdreg $0x0  }
0xa8: {  	s5 =	sshll.u32 s28, $0x1;
	[dreg:$0x2] =	wrdreg s3  }
0xa9: {  	[dreg:$0x3] =	wrdreg s5  }
0xaa: {  	[dreg:$0x4] =	wrdreg $0xC0  }
0xab: {  	_ =	task [dreg:s7], $0x5FFFF  }
0xac: {  	[dreg:$0x1] =	wrdreg $0xFFFFFFFF  }
0xad: {  	[dreg:$0x0] =	wrdreg $0x60  }
0xae: {  	[dreg:$0x2] =	wrdreg s24  }
0xaf: {  	[dreg:$0x3] =	wrdreg s2  }
0xb0: {  	[dreg:$0x4] =	wrdreg $0x104100  }
0xb1: {  	[dreg:$0x5] =	wrdreg $0xB4100  }
0xb2: {  	[dreg:$0x6] =	wrdreg $0x9  }
0xb3: {  	_ =	task.clear_ibuf [dreg:s7], $0x7FFFF;
	_ =	strace $0x90000049  }
0xb4: {  	s29 =	simm.s32 $0x9;
	_ =	strace $0x8000004B  }
0xb5: {  	_ =	swait.ge [sflag:s29], $0x1  }
0xb6: {  	[sflag:s29] =	ssyncadd.s32 $0xFFFFFFFF  }
0xb7: {  	_ =	strace $0x9000004B  }
0xb8: {  	_ =	sfence  }
0xb9: {  	s30 =	sld [smem:$0x0];
	_ =	sdelay $0x2  }
0xba: {  	s31 =	sshll.u32 s1, $0xD;
	s1 =	sshrl.u32 s1, $0x2  }
0xbb: {  	s3 =	sand.u32 $0x4000, s31;
	s1 =	sadd.s32 s1, s30  }
0xbc: {  	s0 =	sor.u32 s3, s0;
	s1 =	sshll.u32 s1, $0x11  }
0xbd: {  	s0 =	sor.u32 s1, s0  }
0xbe: {  	s0 =	sadd.s32 $0x8F2B, s0  }
0xbf: {  	[sflag:s0] =	ssyncadd.remote.s32 $0x1  }
0xc0: {  	_ =	sfence.sel $0xFFFF  }
0xc1: {  	[dreg:$0x0] =	wrdreg $0xFFFFFFFF;
	(pc) =	sbr.abs _section_cstart, $3  }
0xc2: {  	[dreg:$0x1] =	wrdreg $0xFFFFFFFF  }
0xc3: {  	_ =	task.clear_ibuf [dreg:s7], $0x2FFFF;
	_ =	strace $0x9FFFFFFF  }
0xc4: {  	(tm) =	ssettm $0x7FFFFFFF  }
0xc5: {  	_ =	shalt  }
tec
execute0_lowered:
.L_overlay_start_1:
0x0: {  	(tag) =	ssettag $0x1  }
0x1: {  	s0 =	rddreg [dreg:$0x0];
	s1 =	srdreg.scid  }
0x2: {  	s11 =	stileid.u32;
	s3 =	rddreg [dreg:$0x2]  }
0x3: {  	s4 =	rddreg [dreg:$0x3];
	s5 =	simm.s32 $0x0;
	s30 =	simm.s32 $0xB190  }
0x4: {  	s31 =	simm.s32 $0xA190;
	s28 =	simm.s32 $0x0;
	s1 =	sand.u32 $0x1, s1  }
0x5: {  	s2 =	sshll.u32 s11, $0x1;
	s6 =	smul.u32 $0x280, s11;
	[smem:$0x7FF] =	sst s5  }
0x6: {  	s8 =	sadd.s32 $0x20800, s0;
	s20 =	sadd.s32 $0x20200, s0;
	s9 =	sadd.s32 $0x20E00, s0  }
0x7: {  	s16 =	smul.u32 $0x5000, s11;
	_ =	strace $0x8000004A;
	[dreg:$0x5] =	wrdreg s8  }
0x8: {  	s2 =	sor.u32 s1, s2;
	s7 =	smul.u32 $0x2800, s1;
	[dreg:$0x6] =	wrdreg s20  }
0x9: {  	s8 =	sadd.s32 $0x16200, s0;
	s10 =	ssub.s32 $0x2, s1;
	s1 =	smul.u32 $0x50000, s1  }
0xa: {  	s2 =	smul.u32 $0x510, s2;
	s21 =	sshrl.u32 s10, $0x1;
	s11 =	sadd.s32 s6, s3  }
0xb: {  	s12 =	sadd.s32 s16, s4;
	s23 =	sadd.s32 $0x1000, s16;
	s24 =	sadd.s32 $0x2000, s16  }
0xc: {  	s25 =	sadd.s32 $0x3000, s16;
	s20 =	sadd.s32 $0x4000, s16;
	s7 =	sadd.s32 s6, s7  }
0xd: {  	s13 =	sadd.s32 s23, s4;
	s14 =	sadd.s32 s24, s4;
	s15 =	sadd.s32 s25, s4  }
0xe: {  	s17 =	sadd.s32 s16, s1;
	s16 =	sadd.s32 s20, s4;
	s26 =	sadd.s32 s1, s24  }
0xf: {  	s29 =	sadd.s32 s1, s25;
	s24 =	simm.s32 $0x2;
	s25 =	simm.s32 $0x2800  }
0x10: {  	s2 =	sadd.s32 s2, s0;
	s7 =	sshrl.u32 s7, $0x3;
	s18 =	sshrl.u32 s17, $0x3  }
0x11: {  	s0 =	sadd.s32 s7, s0;
	s7 =	ssub.s32 s10, s21;
	s22 =	sadd.s32 $0xC000, s2  }
0x12: {  	s2 =	sadd.s32 $0x1E00, s2;
	s18 =	sadd.s32 s9, s18;
	[dreg:$0x7] =	wrdreg s22  }
0x13: {  	[dreg:$0x8] =	wrdreg s2;
	s2 =	sadd.s32 s1, s23;
	s0 =	sadd.s32 $0x34E00, s0  }
0x14: {  	s1 =	sadd.s32 s1, s20;
	s23 =	smax.u32 s7, $0x1;
	s2 =	sshrl.u32 s2, $0x3  }
0x15: {  	[dreg:$0x9] =	wrdreg s0;
	s0 =	sshrl.u32 s26, $0x3;
	s1 =	sshrl.u32 s1, $0x3  }
0x16: {  	s26 =	simm.s32 $0x0;
	s19 =	sadd.s32 s9, s2;
	s2 =	sshrl.u32 s29, $0x3  }
0x17: {  	s20 =	sadd.s32 s9, s0;
	s22 =	sadd.s32 s9, s1;
	s0 =	simm.s32 $0x1  }
0x18: {  	v0 =	vimm.f32 $0.0e+00;
	s1 =	simm.s32 $0xA110;
	s21 =	sadd.s32 s9, s2;
	s2 =	simm.s32 $0x80  }
.LBB2_1:
0x19: {  	s6 =	simm.s32 $0x80;
	s7 =	simm.s32 $0x0  }
.LBB2_2:
0x1a: {  	p0 =	sne.s32 s6, $0x3F80;
	[tilespmem:s7+$0xA190] =	vst v0;
	s9 =	smov.u32 s6;
	s6 =	sadd.s32 $0x80, s6  }
.Ltmp0:
0x1b: {  	[tilespmem:s7+$0xA1A0] =	vst v0;
	(pc) =	sbr.rel @p0 .LBB2_2-.Ltmp0, $2  }
0x1c: {  	_ =	sdelay $0x2  }
0x1d: {  	s7 =	sshra.s32 s9, $0x2  }
0x1e: {  	[tilespmem:s7+$0xA190] =	vst v0  }
0x1f: {  	[tilespmem:s7+$0xA1A0] =	vst v0  }
0x20: {  	[tilespmem:$0xB190] =	vst v0  }
0x21: {  	[tilespmem:$0xB1A0] =	vst v0  }
0x22: {  	[tilespmem:$0xB1B0] =	vst v0  }
0x23: {  	[tilespmem:$0xB1C0] =	vst v0  }
0x24: {  	[tilespmem:$0xB1D0] =	vst v0  }
0x25: {  	[tilespmem:$0xB1E0] =	vst v0  }
0x26: {  	[tilespmem:$0xB1F0] =	vst v0  }
0x27: {  	[tilespmem:$0xB200] =	vst v0  }
0x28: {  	[tilespmem:$0xB210] =	vst v0  }
0x29: {  	[tilespmem:$0xB220] =	vst v0  }
0x2a: {  	[tilespmem:$0xB230] =	vst v0  }
0x2b: {  	[tilespmem:$0xB240] =	vst v0  }
0x2c: {  	[tilespmem:$0xB250] =	vst v0  }
0x2d: {  	[tilespmem:$0xB260] =	vst v0  }
0x2e: {  	[tilespmem:$0xB270] =	vst v0  }
0x2f: {  	[tilespmem:$0xB280] =	vst v0  }
0x30: {  	[tilespmem:$0xB290] =	vst v0  }
0x31: {  	[tilespmem:$0xB2A0] =	vst v0  }
0x32: {  	[tilespmem:$0xB2B0] =	vst v0  }
0x33: {  	[tilespmem:$0xB2C0] =	vst v0  }
0x34: {  	[tilespmem:$0xB2D0] =	vst v0  }
0x35: {  	[tilespmem:$0xB2E0] =	vst v0  }
0x36: {  	[tilespmem:$0xB2F0] =	vst v0  }
0x37: {  	[tilespmem:$0xB300] =	vst v0  }
0x38: {  	[tilespmem:$0xB310] =	vst v0  }
0x39: {  	[tilespmem:$0xB320] =	vst v0  }
0x3a: {  	[tilespmem:$0xB330] =	vst v0  }
0x3b: {  	[tilespmem:$0xB340] =	vst v0  }
0x3c: {  	[tilespmem:$0xB350] =	vst v0  }
0x3d: {  	[tilespmem:$0xB360] =	vst v0  }
0x3e: {  	[tilespmem:$0xB370] =	vst v0  }
0x3f: {  	[tilespmem:$0xB380] =	vst v0  }
0x40: {  	[tilespmem:$0xB390] =	vst v0  }
0x41: {  	[tilespmem:$0xB3A0] =	vst v0  }
0x42: {  	[tilespmem:$0xB3B0] =	vst v0  }
0x43: {  	[tilespmem:$0xB3C0] =	vst v0  }
0x44: {  	[tilespmem:$0xB3D0] =	vst v0  }
0x45: {  	[tilespmem:$0xB3E0] =	vst v0  }
0x46: {  	[tilespmem:$0xB3F0] =	vst v0  }
0x47: {  	s6 =	rddreg [dreg:$0x5];
	[tilespmem:$0xB400] =	vst v0  }
0x48: {  	[tilespmem:s28], [sflag:$0x2] =	stream.linear.gather [hbm4b:s6+s28], $0x2800, $0x38;
	[tilespmem:$0x10690] =	vst v63  }
0x49: {  	_ =	swait.ge [sflag:s24], $0x2800  }
0x4a: {  	[sflag:s24] =	ssyncset.done $0x0  }
0x4b: {  	s9 =	rddreg [dreg:$0x6];
	[sflag:s24] =	ssyncadd.s32 $0xFFFFD800  }
0x4c: {  	[tilespmem:s25], [sflag:$0x2] =	stream.linear.gather [hbm4b:s9+s28], $0x2800, $0x38;
	[tilespmem:$0x10690] =	vst v63  }
0x4d: {  	_ =	swait.ge [sflag:s24], $0x2800  }
0x4e: {  	[sflag:s24] =	ssyncset.done $0x0  }
0x4f: {  	[sflag:s24] =	ssyncadd.s32 $0xFFFFD800  }
0x50: {  	s17 =	simm.s32 $0x5000;
	s10 =	rddreg [dreg:$0x1]  }
0x51: {  	[tilespmem:s17], [sflag:$0x2] =	stream.linear.gather [hbm4b:s10+s28], $0x10, $0x38;
	[tilespmem:$0x10690] =	vst v63  }
0x52: {  	_ =	swait.ge [sflag:s24], $0x10  }
0x53: {  	[sflag:s24] =	ssyncset.done $0x0  }
0x54: {  	s9 =	simm.s32 $0x5010;
	s7 =	rddreg [dreg:$0x7];
	[sflag:s24] =	ssyncadd.s32 $0xFFFFFFF0  }
0x55: {  	[tilespmem:s9], [sflag:$0x2] =	stream.linear.gather [hbm4b:s7+s28], $0x2880, $0x38;
	[tilespmem:$0x10690] =	vst v63  }
0x56: {  	_ =	swait.ge [sflag:s24], $0x2880  }
0x57: {  	[sflag:s24] =	ssyncset.done $0x0  }
0x58: {  	s17 =	simm.s32 $0x7890;
	s10 =	rddreg [dreg:$0x8];
	[sflag:s24] =	ssyncadd.s32 $0xFFFFD780  }
0x59: {  	[tilespmem:s17], [sflag:$0x2] =	stream.linear.gather [hbm4b:s10+s28], $0x2880, $0x38;
	[tilespmem:$0x10690] =	vst v63  }
0x5a: {  	_ =	swait.ge [sflag:s24], $0x2880  }
0x5b: {  	[sflag:s24] =	ssyncset.done $0x0  }
0x5c: {  	[sflag:s24] =	ssyncadd.s32 $0xFFFFD780  }
0x5d: {  	[spmem:s11] =	stream.linear.scatter [tilespmem:s30], [sflag:$0x2], $0x280, $0x38;
	[tilespmem:$0x10690] =	vst v63  }
0x5e: {  	_ =	swait.ge [sflag:s24], $0x280  }
0x5f: {  	[sflag:s24] =	ssyncset.done $0x0  }
0x60: {  	[sflag:s24] =	ssyncadd.s32 $0xFFFFFD80  }
0x61: {  	[spmem:s12] =	stream.linear.scatter [tilespmem:s31], [sflag:$0x2], $0x1000, $0x38;
	[tilespmem:$0x10690] =	vst v63  }
0x62: {  	_ =	swait.ge [sflag:s24], $0x1000  }
0x63: {  	[sflag:s24] =	ssyncset.done $0x0  }
0x64: {  	[sflag:s24] =	ssyncadd.s32 $0xFFFFF000  }
0x65: {  	[spmem:s13] =	stream.linear.scatter [tilespmem:s31], [sflag:$0x2], $0x1000, $0x38;
	[tilespmem:$0x10690] =	vst v63  }
0x66: {  	_ =	swait.ge [sflag:s24], $0x1000  }
0x67: {  	[sflag:s24] =	ssyncset.done $0x0  }
0x68: {  	[sflag:s24] =	ssyncadd.s32 $0xFFFFF000  }
0x69: {  	[spmem:s14] =	stream.linear.scatter [tilespmem:s31], [sflag:$0x2], $0x1000, $0x38;
	[tilespmem:$0x10690] =	vst v63  }
0x6a: {  	_ =	swait.ge [sflag:s24], $0x1000  }
0x6b: {  	[sflag:s24] =	ssyncset.done $0x0  }
0x6c: {  	[sflag:s24] =	ssyncadd.s32 $0xFFFFF000  }
0x6d: {  	[spmem:s15] =	stream.linear.scatter [tilespmem:s31], [sflag:$0x2], $0x1000, $0x38;
	[tilespmem:$0x10690] =	vst v63  }
0x6e: {  	_ =	swait.ge [sflag:s24], $0x1000  }
0x6f: {  	[sflag:s24] =	ssyncset.done $0x0  }
0x70: {  	[sflag:s24] =	ssyncadd.s32 $0xFFFFF000  }
0x71: {  	[spmem:s16] =	stream.linear.scatter [tilespmem:s31], [sflag:$0x2], $0x1000, $0x38;
	[tilespmem:$0x10690] =	vst v63  }
0x72: {  	_ =	swait.ge [sflag:s24], $0x1000  }
0x73: {  	[sflag:s24] =	ssyncset.done $0x0  }
0x74: {  	[sflag:s24] =	ssyncadd.s32 $0xFFFFF000  }
0x75: {  	[bflag:$0x0] =	sbarrier.arrive $0xFFFF  }
0x76: {  	s29 =	simm.s32 $0x0;
	v1 =	vld [tilespmem:$0x5000]  }
.LBB2_4:
0x77: {  	s6 =	sshll.u32 s29, $0x7  }
0x78: {  	s7 =	sadd.s32 $0x5010, s6  }
0x79: {  	[tilespmem:s31], [sflag:$0x1] =	stream.indirect.gather [hbm4b:s8+s2], $0x20, s7, s2, $0xb8;
	[tilespmem:$0x10690] =	vst v63  }
0x7a: {  	v2 =	vld [tilespmem:s6+$0x5010]  }
0x7b: {  	v3 =	vld [tilespmem:s6+$0x7890];
	_ =	sdelay $0x6  }
0x7c: {  	v2 =	vld.idx.msk [tilespmem:v2+s28+$0x0], $0xffff  }
0x7d: {  	v3 =	vld.idx.msk [tilespmem:v3+s25+$0x0], $0xffff;
	_ =	sdelay $0x4  }
0x7e: {  	v2 =	vadd.f32 v3, v2;
	_ =	sdelay $0x1  }
0x7f: {  	v3 =	vmul.f32 $2.000000030e-01, v2;
	_ =	sdelay $0x1  }
0x80: {  	v2 =	vmax.f32 v2, v3  }
0x81: {  	v2 =	vsub.f32 v2, v1;
	_ =	sdelay $0x1  }
0x82: {  	v2 =	vmul.f32 $1.442695020e+00, v2;
	_ =	sdelay $0x1  }
0x83: {  	(erf) = vpow2.f32 v2;
	_ =	sdelay $0x8  }
0x84: {  	v2 =	vpop (erf)  }
0x85: {  	[tilespmem:$0xA110] =	vst v2  }
0x86: {  	v2 =	vld [tilespmem:s6+$0x5020]  }
0x87: {  	v3 =	vld [tilespmem:s6+$0x78A0];
	_ =	sdelay $0x6  }
0x88: {  	v2 =	vld.idx.msk [tilespmem:v2+s28+$0x0], $0xffff  }
0x89: {  	v3 =	vld.idx.msk [tilespmem:v3+s25+$0x0], $0xffff;
	_ =	sdelay $0x4  }
0x8a: {  	v2 =	vadd.f32 v3, v2;
	_ =	sdelay $0x1  }
0x8b: {  	v3 =	vmul.f32 $2.000000030e-01, v2;
	_ =	sdelay $0x1  }
0x8c: {  	v2 =	vmax.f32 v2, v3  }
0x8d: {  	v2 =	vsub.f32 v2, v1;
	_ =	sdelay $0x1  }
0x8e: {  	v2 =	vmul.f32 $1.442695020e+00, v2;
	_ =	sdelay $0x1  }
0x8f: {  	(erf) = vpow2.f32 v2;
	_ =	sdelay $0x8  }
0x90: {  	v2 =	vpop (erf)  }
0x91: {  	[tilespmem:$0xA120] =	vst v2  }
0x92: {  	v2 =	vld [tilespmem:s6+$0x5030]  }
0x93: {  	v3 =	vld [tilespmem:s6+$0x78B0];
	_ =	sdelay $0x6  }
0x94: {  	v2 =	vld.idx.msk [tilespmem:v2+s28+$0x0], $0xffff  }
0x95: {  	v3 =	vld.idx.msk [tilespmem:v3+s25+$0x0], $0xffff;
	_ =	sdelay $0x4  }
0x96: {  	v2 =	vadd.f32 v3, v2;
	_ =	sdelay $0x1  }
0x97: {  	v3 =	vmul.f32 $2.000000030e-01, v2;
	_ =	sdelay $0x1  }
0x98: {  	v2 =	vmax.f32 v2, v3  }
0x99: {  	v2 =	vsub.f32 v2, v1;
	_ =	sdelay $0x1  }
0x9a: {  	v2 =	vmul.f32 $1.442695020e+00, v2;
	_ =	sdelay $0x1  }
0x9b: {  	(erf) = vpow2.f32 v2;
	_ =	sdelay $0x8  }
0x9c: {  	v2 =	vpop (erf)  }
0x9d: {  	[tilespmem:$0xA130] =	vst v2  }
0x9e: {  	v2 =	vld [tilespmem:s6+$0x5040]  }
0x9f: {  	v3 =	vld [tilespmem:s6+$0x78C0];
	_ =	sdelay $0x6  }
0xa0: {  	v2 =	vld.idx.msk [tilespmem:v2+s28+$0x0], $0xffff  }
0xa1: {  	v3 =	vld.idx.msk [tilespmem:v3+s25+$0x0], $0xffff;
	_ =	sdelay $0x4  }
0xa2: {  	v2 =	vadd.f32 v3, v2;
	_ =	sdelay $0x1  }
0xa3: {  	v3 =	vmul.f32 $2.000000030e-01, v2;
	_ =	sdelay $0x1  }
0xa4: {  	v2 =	vmax.f32 v2, v3  }
0xa5: {  	v2 =	vsub.f32 v2, v1;
	_ =	sdelay $0x1  }
0xa6: {  	v2 =	vmul.f32 $1.442695020e+00, v2;
	_ =	sdelay $0x1  }
0xa7: {  	(erf) = vpow2.f32 v2;
	_ =	sdelay $0x8  }
0xa8: {  	v2 =	vpop (erf)  }
0xa9: {  	[tilespmem:$0xA140] =	vst v2  }
0xaa: {  	v2 =	vld [tilespmem:s6+$0x5050]  }
0xab: {  	v3 =	vld [tilespmem:s6+$0x78D0];
	_ =	sdelay $0x6  }
0xac: {  	v2 =	vld.idx.msk [tilespmem:v2+s28+$0x0], $0xffff  }
0xad: {  	v3 =	vld.idx.msk [tilespmem:v3+s25+$0x0], $0xffff;
	_ =	sdelay $0x4  }
0xae: {  	v2 =	vadd.f32 v3, v2;
	_ =	sdelay $0x1  }
0xaf: {  	v3 =	vmul.f32 $2.000000030e-01, v2;
	_ =	sdelay $0x1  }
0xb0: {  	v2 =	vmax.f32 v2, v3  }
0xb1: {  	v2 =	vsub.f32 v2, v1;
	_ =	sdelay $0x1  }
0xb2: {  	v2 =	vmul.f32 $1.442695020e+00, v2;
	_ =	sdelay $0x1  }
0xb3: {  	(erf) = vpow2.f32 v2;
	_ =	sdelay $0x8  }
0xb4: {  	v2 =	vpop (erf)  }
0xb5: {  	[tilespmem:$0xA150] =	vst v2  }
0xb6: {  	v2 =	vld [tilespmem:s6+$0x5060]  }
0xb7: {  	v3 =	vld [tilespmem:s6+$0x78E0];
	_ =	sdelay $0x6  }
0xb8: {  	v2 =	vld.idx.msk [tilespmem:v2+s28+$0x0], $0xffff  }
0xb9: {  	v3 =	vld.idx.msk [tilespmem:v3+s25+$0x0], $0xffff;
	_ =	sdelay $0x4  }
0xba: {  	v2 =	vadd.f32 v3, v2;
	_ =	sdelay $0x1  }
0xbb: {  	v3 =	vmul.f32 $2.000000030e-01, v2;
	_ =	sdelay $0x1  }
0xbc: {  	v2 =	vmax.f32 v2, v3  }
0xbd: {  	v2 =	vsub.f32 v2, v1;
	_ =	sdelay $0x1  }
0xbe: {  	v2 =	vmul.f32 $1.442695020e+00, v2;
	_ =	sdelay $0x1  }
0xbf: {  	(erf) = vpow2.f32 v2;
	_ =	sdelay $0x8  }
0xc0: {  	v2 =	vpop (erf)  }
0xc1: {  	[tilespmem:$0xA160] =	vst v2  }
0xc2: {  	v2 =	vld [tilespmem:s6+$0x5070]  }
0xc3: {  	v3 =	vld [tilespmem:s6+$0x78F0];
	_ =	sdelay $0x6  }
0xc4: {  	v2 =	vld.idx.msk [tilespmem:v2+s28+$0x0], $0xffff  }
0xc5: {  	v3 =	vld.idx.msk [tilespmem:v3+s25+$0x0], $0xffff;
	_ =	sdelay $0x4  }
0xc6: {  	v2 =	vadd.f32 v3, v2;
	_ =	sdelay $0x1  }
0xc7: {  	v3 =	vmul.f32 $2.000000030e-01, v2;
	_ =	sdelay $0x1  }
0xc8: {  	v2 =	vmax.f32 v2, v3  }
0xc9: {  	v2 =	vsub.f32 v2, v1;
	_ =	sdelay $0x1  }
0xca: {  	v2 =	vmul.f32 $1.442695020e+00, v2;
	_ =	sdelay $0x1  }
0xcb: {  	(erf) = vpow2.f32 v2;
	_ =	sdelay $0x8  }
0xcc: {  	v2 =	vpop (erf)  }
0xcd: {  	[tilespmem:$0xA170] =	vst v2  }
0xce: {  	v2 =	vld [tilespmem:s6+$0x5080]  }
0xcf: {  	v3 =	vld [tilespmem:s6+$0x7900];
	_ =	sdelay $0x6  }
0xd0: {  	v2 =	vld.idx.msk [tilespmem:v2+s28+$0x0], $0xffff  }
0xd1: {  	v3 =	vld.idx.msk [tilespmem:v3+s25+$0x0], $0xffff;
	_ =	sdelay $0x4  }
0xd2: {  	v2 =	vadd.f32 v3, v2;
	_ =	sdelay $0x1  }
0xd3: {  	v3 =	vmul.f32 $2.000000030e-01, v2;
	_ =	sdelay $0x1  }
0xd4: {  	v2 =	vmax.f32 v2, v3  }
0xd5: {  	v2 =	vsub.f32 v2, v1;
	_ =	sdelay $0x1  }
0xd6: {  	v2 =	vmul.f32 $1.442695020e+00, v2;
	_ =	sdelay $0x1  }
0xd7: {  	(erf) = vpow2.f32 v2;
	_ =	sdelay $0x5  }
0xd8: {  	v2 =	vmov s28  }
0xd9: {  	v2 =	vand.u32 $0xFFFFFFFC, v2  }
0xda: {  	v2 =	vbroadcast v2, $0x0  }
0xdb: {  	v3 =	vpop (erf)  }
0xdc: {  	[tilespmem:$0xA180] =	vst v3  }
0xdd: {  	_ =	swait.ge [sflag:s0], $0x1000  }
0xde: {  	[sflag:s0] =	ssyncset.done $0x0  }
0xdf: {  	[sflag:s0] =	ssyncadd.s32 $0xFFFFF000  }
0xe0: {  	s7 =	simm.s32 $0xA1D0;
	v2 =	vld.idx.msk [tilespmem:v2+s1+$0x0], $0xffff  }
0xe1: {  	s9 =	simm.s32 $0x1;
	v3 =	vld [tilespmem:s7+$0xFFFFFFC0]  }
0xe2: {  	v5 =	vmov s9;
	v4 =	vld [tilespmem:s7+$0xFFFFFFD0]  }
0xe3: {  	v5 =	vand.u32 $0xFFFFFFFD, v5  }
0xe4: {  	v5 =	vbroadcast v5, $0x0;
	_ =	sdelay $0x1  }
0xe5: {  	v3 =	vmul.f32 v3, v2  }
0xe6: {  	v2 =	vmul.f32 v4, v2  }
0xe7: {  	[tilespmem:s7+$0xFFFFFFC0] =	vst v3  }
0xe8: {  	[tilespmem:s7+$0xFFFFFFD0] =	vst v2;
	v3 =	vld [tilespmem:s7+$0xFFFFFFE0]  }
0xe9: {  	s10 =	simm.s32 $0x2;
	v2 =	vld.idx.msk [tilespmem:v5+s1+$0x0], $0xffff  }
0xea: {  	v4 =	vld [tilespmem:s7+$0xFFFFFFF0];
	v5 =	vmov s10  }
0xeb: {  	v5 =	vand.u32 $0xFFFFFFFE, v5  }
0xec: {  	v5 =	vbroadcast v5, $0x0;
	_ =	sdelay $0x1  }
0xed: {  	v3 =	vmul.f32 v3, v2  }
0xee: {  	v2 =	vmul.f32 v4, v2  }
0xef: {  	[tilespmem:s7+$0xFFFFFFE0] =	vst v3  }
0xf0: {  	[tilespmem:s7+$0xFFFFFFF0] =	vst v2;
	v2 =	vld [tilespmem:s7+$0x10]  }
0xf1: {  	v3 =	vld.idx.msk [tilespmem:v5+s1+$0x0], $0xffff  }
0xf2: {  	v4 =	vld [tilespmem:s7+$0x0];
	_ =	sdelay $0x1  }
0xf3: {  	s17 =	simm.s32 $0x3  }
0xf4: {  	v5 =	vmov s17  }
0xf5: {  	v2 =	vmul.f32 v2, v3  }
0xf6: {  	v3 =	vmul.f32 v4, v3  }
0xf7: {  	[tilespmem:s7+$0x10] =	vst v2  }
0xf8: {  	[tilespmem:s7+$0x0] =	vst v3;
	v2 =	vld [tilespmem:s7+$0x30]  }
0xf9: {  	v3 =	vld.idx.msk [tilespmem:v5+s1+$0x0], $0xffff  }
0xfa: {  	s9 =	simm.s32 $0x4;
	v5 =	vld [tilespmem:s7+$0x20]  }
0xfb: {  	v4 =	vmov s9  }
0xfc: {  	v4 =	vand.u32 $0xFFFFFFFC, v4  }
0xfd: {  	s6 =	sadd.s32 $0x7890, s6;
	s10 =	simm.s32 $0x8;
	v4 =	vbroadcast v4, $0x0  }
.LBB2_5:
0xfe: {  	p0 =	sne.s32 s10, $0x7C  }
0xff: {  	v2 =	vmul.f32 v2, v3;
	v5 =	vmul.f32 v5, v3;
	_ =	sdelay $0x1  }
0x100: {  	[tilespmem:s7+$0x20] =	vst v5  }
0x101: {  	[tilespmem:s7+$0x30] =	vst v2  }
0x102: {  	s7 =	sadd.s32 $0x80, s7;
	v2 =	vld.idx.msk [tilespmem:v4+s1+$0x0], $0xffff  }
0x103: {  	s17 =	sadd.s32 $0x1, s9;
	v3 =	vld [tilespmem:s7+$0xFFFFFFC0]  }
0x104: {  	v5 =	vmov s17;
	v4 =	vld [tilespmem:s7+$0xFFFFFFD0]  }
0x105: {  	v5 =	vand.u32 $0xFFFFFFFD, v5  }
0x106: {  	v5 =	vbroadcast v5, $0x0;
	_ =	sdelay $0x1  }
0x107: {  	v3 =	vmul.f32 v3, v2  }
0x108: {  	v2 =	vmul.f32 v4, v2  }
0x109: {  	[tilespmem:s7+$0xFFFFFFC0] =	vst v3  }
0x10a: {  	[tilespmem:s7+$0xFFFFFFD0] =	vst v2  }
0x10b: {  	v2 =	vld.idx.msk [tilespmem:v5+s1+$0x0], $0xffff  }
0x10c: {  	s17 =	sadd.s32 $0x2, s9;
	v3 =	vld [tilespmem:s7+$0xFFFFFFE0]  }
0x10d: {  	v5 =	vmov s17;
	v4 =	vld [tilespmem:s7+$0xFFFFFFF0]  }
0x10e: {  	v5 =	vand.u32 $0xFFFFFFFE, v5  }
0x10f: {  	v5 =	vbroadcast v5, $0x0;
	_ =	sdelay $0x1  }
0x110: {  	v3 =	vmul.f32 v3, v2  }
0x111: {  	v2 =	vmul.f32 v4, v2  }
0x112: {  	[tilespmem:s7+$0xFFFFFFE0] =	vst v3  }
0x113: {  	[tilespmem:s7+$0xFFFFFFF0] =	vst v2;
	v2 =	vld [tilespmem:s7+$0x10]  }
0x114: {  	v3 =	vld.idx.msk [tilespmem:v5+s1+$0x0], $0xffff  }
0x115: {  	v4 =	vld [tilespmem:s7+$0x0];
	_ =	sdelay $0x2  }
0x116: {  	s17 =	sadd.s32 $0x3, s9;
	s9 =	smov.u32 s10  }
0x117: {  	v5 =	vmov s17  }
0x118: {  	v2 =	vmul.f32 v2, v3;
	v4 =	vmul.f32 v4, v3;
	_ =	sdelay $0x1  }
0x119: {  	[tilespmem:s7+$0x10] =	vst v2  }
0x11a: {  	[tilespmem:s7+$0x0] =	vst v4;
	v2 =	vld [tilespmem:s7+$0x30]  }
.Ltmp1:
0x11b: {  	v3 =	vld.idx.msk [tilespmem:v5+s1+$0x0], $0xffff;
	(pc) =	sbr.rel @p0 .LBB2_5-.Ltmp1, $4  }
0x11c: {  	v5 =	vld [tilespmem:s7+$0x20]  }
0x11d: {  	v4 =	vmov s10  }
0x11e: {  	v4 =	vand.u32 $0xFFFFFFFC, v4  }
0x11f: {  	s10 =	sadd.s32 $0x4, s10;
	v4 =	vbroadcast v4, $0x0  }
0x120: {  	_ = 	snop  }
0x121: {  	v2 =	vmul.f32 v2, v3  }
0x122: {  	v5 =	vmul.f32 v5, v3  }
0x123: {  	[tilespmem:s7+$0x30] =	vst v2  }
0x124: {  	[tilespmem:s7+$0x20] =	vst v5  }
0x125: {  	s7 =	sadd.s32 $0x80, s7;
	v2 =	vld.idx.msk [tilespmem:v4+s1+$0x0], $0xffff  }
0x126: {  	s10 =	sadd.s32 $0x1, s9;
	v3 =	vld [tilespmem:s7+$0xFFFFFFC0]  }
0x127: {  	v58 =	vmov s10;
	v57 =	vld [tilespmem:s7+$0xFFFFFFD0]  }
0x128: {  	v5 =	vand.u32 $0xFFFFFFFD, v58  }
0x129: {  	v5 =	vbroadcast v5, $0x0;
	_ =	sdelay $0x1  }
0x12a: {  	v3 =	vmul.f32 v3, v2  }
0x12b: {  	v2 =	vmul.f32 v57, v2  }
0x12c: {  	[tilespmem:s7+$0xFFFFFFC0] =	vst v3  }
0x12d: {  	[tilespmem:s7+$0xFFFFFFD0] =	vst v2;
	v3 =	vld [tilespmem:s7+$0xFFFFFFE0]  }
0x12e: {  	s17 =	sadd.s32 $0x2, s9;
	v2 =	vld.idx.msk [tilespmem:v5+s1+$0x0], $0xffff  }
0x12f: {  	v60 =	vmov s17;
	v59 =	vld [tilespmem:s7+$0xFFFFFFF0]  }
0x130: {  	v5 =	vand.u32 $0xFFFFFFFE, v60  }
0x131: {  	v5 =	vbroadcast v5, $0x0;
	_ =	sdelay $0x1  }
0x132: {  	v3 =	vmul.f32 v3, v2  }
0x133: {  	v2 =	vmul.f32 v59, v2  }
0x134: {  	[tilespmem:s7+$0xFFFFFFE0] =	vst v3  }
0x135: {  	[tilespmem:s7+$0xFFFFFFF0] =	vst v2;
	v2 =	vld [tilespmem:s7+$0x10]  }
0x136: {  	v3 =	vld.idx.msk [tilespmem:v5+s1+$0x0], $0xffff  }
0x137: {  	v61 =	vld [tilespmem:s7+$0x0];
	_ =	sdelay $0x1  }
0x138: {  	s17 =	sadd.s32 $0x3, s9  }
0x139: {  	v62 =	vmov s17  }
0x13a: {  	v2 =	vmul.f32 v2, v3  }
0x13b: {  	v3 =	vmul.f32 v61, v3  }
0x13c: {  	[tilespmem:s7+$0x10] =	vst v2  }
0x13d: {  	[tilespmem:s7+$0x0] =	vst v3;
	v3 =	vld [tilespmem:s7+$0x20]  }
0x13e: {  	v2 =	vld.idx.msk [tilespmem:v62+s1+$0x0], $0xffff  }
0x13f: {  	v63 =	vld [tilespmem:s7+$0x30];
	_ =	sdelay $0x3  }
0x140: {  	v3 =	vmul.f32 v3, v2  }
0x141: {  	v2 =	vmul.f32 v63, v2  }
0x142: {  	[tilespmem:s7+$0x20] =	vst v3  }
0x143: {  	[tilespmem:s7+$0x30] =	vst v2  }
0x144: {  	[spmem:s3] =	stream.indirect.scatter.add.f32 [tilespmem:s1], [sflag:$0x2], $0x1, s6, s2, $0xb8;
	[tilespmem:$0x10690] =	vst v63  }
0x145: {  	s29 =	sadd.s32 $0x1, s29;
	_ =	swait.ge [sflag:s24], $0x80  }
0x146: {  	p0 =	sne.s32 s29, $0x51;
	[sflag:s24] =	ssyncset.done $0x0  }
.Ltmp2:
0x147: {  	[sflag:s24] =	ssyncadd.s32 $0xFFFFFF80;
	(pc) =	sbr.rel @p0 .LBB2_4-.Ltmp2, $4  }
0x148: {  	[spmem:s4] =	stream.indirect.scatter.add.f32 [tilespmem:s31], [sflag:$0x2], $0x20, s6, s2, $0xb8;
	[tilespmem:$0x10690] =	vst v63  }
0x149: {  	_ =	swait.ge [sflag:s24], $0x1000  }
0x14a: {  	[sflag:s24] =	ssyncset.done $0x0  }
0x14b: {  	[sflag:s24] =	ssyncadd.s32 $0xFFFFF000  }
0x14c: {  	[bflag:$0x0] =	sbarrier.arrive $0xFFFF  }
0x14d: {  	[tilespmem:s30], [sflag:$0x2] =	stream.linear.gather [spmem:s11], $0x280, $0x38;
	[tilespmem:$0x10690] =	vst v63  }
0x14e: {  	_ =	swait.ge [sflag:s24], $0x280  }
0x14f: {  	[sflag:s24] =	ssyncset.done $0x0  }
0x150: {  	s6 =	rddreg [dreg:$0x9];
	[sflag:s24] =	ssyncadd.s32 $0xFFFFFD80  }
0x151: {  	[hbm4b:s6+s5] =	stream.linear.scatter [tilespmem:s30], [sflag:$0x2], $0x280, $0x38;
	[tilespmem:$0x10690] =	vst v63  }
0x152: {  	_ =	swait.ge [sflag:s24], $0x280  }
0x153: {  	[sflag:s24] =	ssyncset.done $0x0  }
0x154: {  	[sflag:s24] =	ssyncadd.s32 $0xFFFFFD80  }
0x155: {  	[tilespmem:s31], [sflag:$0x2] =	stream.linear.gather [spmem:s12], $0x1000, $0x38;
	[tilespmem:$0x10690] =	vst v63  }
0x156: {  	_ =	swait.ge [sflag:s24], $0x1000  }
0x157: {  	[sflag:s24] =	ssyncset.done $0x0  }
0x158: {  	[sflag:s24] =	ssyncadd.s32 $0xFFFFF000  }
0x159: {  	[hbm4b:s18+s5] =	stream.linear.scatter [tilespmem:s31], [sflag:$0x2], $0x1000, $0x38;
	[tilespmem:$0x10690] =	vst v63  }
0x15a: {  	_ =	swait.ge [sflag:s24], $0x1000  }
0x15b: {  	[sflag:s24] =	ssyncset.done $0x0  }
0x15c: {  	[sflag:s24] =	ssyncadd.s32 $0xFFFFF000  }
0x15d: {  	[tilespmem:s31], [sflag:$0x2] =	stream.linear.gather [spmem:s13], $0x1000, $0x38;
	[tilespmem:$0x10690] =	vst v63  }
0x15e: {  	_ =	swait.ge [sflag:s24], $0x1000  }
0x15f: {  	[sflag:s24] =	ssyncset.done $0x0  }
0x160: {  	[sflag:s24] =	ssyncadd.s32 $0xFFFFF000  }
0x161: {  	[hbm4b:s19+s5] =	stream.linear.scatter [tilespmem:s31], [sflag:$0x2], $0x1000, $0x38;
	[tilespmem:$0x10690] =	vst v63  }
0x162: {  	_ =	swait.ge [sflag:s24], $0x1000  }
0x163: {  	[sflag:s24] =	ssyncset.done $0x0  }
0x164: {  	[sflag:s24] =	ssyncadd.s32 $0xFFFFF000  }
0x165: {  	[tilespmem:s31], [sflag:$0x2] =	stream.linear.gather [spmem:s14], $0x1000, $0x38;
	[tilespmem:$0x10690] =	vst v63  }
0x166: {  	_ =	swait.ge [sflag:s24], $0x1000  }
0x167: {  	[sflag:s24] =	ssyncset.done $0x0  }
0x168: {  	[sflag:s24] =	ssyncadd.s32 $0xFFFFF000  }
0x169: {  	[hbm4b:s20+s5] =	stream.linear.scatter [tilespmem:s31], [sflag:$0x2], $0x1000, $0x38;
	[tilespmem:$0x10690] =	vst v63  }
0x16a: {  	_ =	swait.ge [sflag:s24], $0x1000  }
0x16b: {  	[sflag:s24] =	ssyncset.done $0x0  }
0x16c: {  	[sflag:s24] =	ssyncadd.s32 $0xFFFFF000  }
0x16d: {  	[tilespmem:s31], [sflag:$0x2] =	stream.linear.gather [spmem:s15], $0x1000, $0x38;
	[tilespmem:$0x10690] =	vst v63  }
0x16e: {  	_ =	swait.ge [sflag:s24], $0x1000  }
0x16f: {  	[sflag:s24] =	ssyncset.done $0x0  }
0x170: {  	[sflag:s24] =	ssyncadd.s32 $0xFFFFF000  }
0x171: {  	[hbm4b:s21+s5] =	stream.linear.scatter [tilespmem:s31], [sflag:$0x2], $0x1000, $0x38;
	[tilespmem:$0x10690] =	vst v63  }
0x172: {  	_ =	swait.ge [sflag:s24], $0x1000  }
0x173: {  	[sflag:s24] =	ssyncset.done $0x0  }
0x174: {  	[sflag:s24] =	ssyncadd.s32 $0xFFFFF000  }
0x175: {  	[tilespmem:s31], [sflag:$0x2] =	stream.linear.gather [spmem:s16], $0x1000, $0x38;
	[tilespmem:$0x10690] =	vst v63  }
0x176: {  	s26 =	sadd.s32 $0x1, s26;
	_ =	swait.ge [sflag:s24], $0x1000  }
0x177: {  	p0 =	sne.s32 s26, s23;
	[sflag:s24] =	ssyncset.done $0x0  }
.Ltmp3:
0x178: {  	[sflag:s24] =	ssyncadd.s32 $0xFFFFF000;
	(pc) =	sbr.rel @p0 .LBB2_1-.Ltmp3, $4  }
0x179: {  	[hbm4b:s22+s5] =	stream.linear.scatter [tilespmem:s31], [sflag:$0x2], $0x1000, $0x38;
	[tilespmem:$0x10690] =	vst v63  }
0x17a: {  	_ =	swait.ge [sflag:s24], $0x1000  }
0x17b: {  	[sflag:s24] =	ssyncset.done $0x0  }
0x17c: {  	[sflag:s24] =	ssyncadd.s32 $0xFFFFF000  }
0x17d: {  	_ =	sfence.sel $0x180000  }
0x17e: {  	[bflag:$0x0] =	sbarrier.arrive $0xFFFF  }
0x17f: {  	_ =	strace $0x9000004A  }
0x180: {  	s0 =	stileid.u32;
	[bflag:$0x2] =	sbarrier.arrive $0xFFFF  }
0x181: {  	p0 =	sne.s32 s0, $0x0;
	s0 =	rddreg [dreg:$0x4]  }
0x182: {  	s0 =	sadd.s32 @!p0 $0x100000, s0  }
0x183: {  	[sflag:s0] =	ssyncadd.tile.s32 @!p0 $0x1;
	_ =	shalt  }
.Lfunc_end2:
_tile_overlayer_lowered:
.L_overlay_start_2:
0x184: {  	(tag) =	ssettag $0x2  }
0x185: {  	s0 =	rddreg [dreg:$0x0];
	s2 =	stileid.u32  }
0x186: {  	s1 =	rddreg [dreg:$0x1];
	p0 =	sne.s32 s2, $0x0  }
0x187: {  	s3 =	rddreg [dreg:$0x2];
	[bflag:$0x3] =	sbarrier.arrive $0xFFFF;
	s2 =	simm.s32 @!p0 $0x1C02  }
0x188: {  	[timem:s3], [sflag:s2] =	dma.local @!p0 [hbm:s0], s1  }
0x189: {  	s0 =	simm.s32 @!p0 $0x2  }
0x18a: {  	_ =	swait.ge @!p0 [sflag:s0], s1  }
0x18b: {  	s1 =	ssub.s32 @!p0 $0x0, s1;
	[sflag:s0] =	ssyncset.done @!p0 $0x0  }
0x18c: {  	[sflag:s0] =	ssyncadd.s32 @!p0 s1  }
0x18d: {  	[bflag:$0x3] =	sbarrier.arrive $0xFFFF  }
0x18e: {  	_ =	shalt  }

// kernel: kernel.15.cloned.1.call-start
scs
__scs_entry_jumppad:
0x0: {  	(pc) =	sbr.rel $0x88, $3  }
0x1: {  	(tag) =	ssettag $0x0;
	lr =	simm.s32 $0x1  }
0x2: {  	[smem:$0x3F8A] =	sst lr;
	_ =	strace $0xD0000000  }
0x3: {  	_ = 	snop  }
0x4: {  	_ = 	snop  }
0x5: {  	_ = 	snop  }
0x6: {  	_ = 	snop  }
0x7: {  	_ = 	snop  }
__scs_overlays_trampoline_lowered:
0x8: {  	[smem:$0x3F99] =	sst s0  }
0x9: {  	[smem:$0x3F9A] =	sst s1  }
0xa: {  	[smem:$0x3F9B] =	sst s2  }
0xb: {  	[smem:$0x3F9C] =	sst s3  }
0xc: {  	[smem:$0x3F9D] =	sst s4  }
0xd: {  	[smem:$0x3F9E] =	sst s5  }
0xe: {  	[smem:$0x3F9F] =	sst s6  }
0xf: {  	[smem:$0x3FA0] =	sst s7  }
0x10: {  	[smem:$0x3FA1] =	sst s8  }
0x11: {  	[smem:$0x3FA2] =	sst s9;
	s0 =	simm.s32 @!p0 $0x0  }
0x12: {  	s1 =	sld [smem:$0x3F88];
	s0 =	simm.s32 @p0 $0x1  }
0x13: {  	[smem:$0x3FA3] =	sst s0;
	s0 =	simm.s32 @!p1 $0x0  }
0x14: {  	s2 =	sld [smem:$0x3F87];
	s0 =	simm.s32 @p1 $0x1  }
0x15: {  	[smem:$0x3FA4] =	sst s0;
	s0 =	simm.s32 @!p2 $0x0  }
0x16: {  	s3 =	sld [smem:$0x3FDB];
	s0 =	simm.s32 @p2 $0x1  }
0x17: {  	s4 =	simm.s32 $0x1BF5;
	[smem:$0x3FA6] =	sst s0  }
0x18: {  	s0 =	sld [smem:$0x3F89];
	_ =	swait.ge [sflag:s4], $0x0  }
0x19: {  	s7 =	sld [smem:$0x3F8A]  }
0x1a: {  	s8 =	sadd.s32 $0xFFFFE003, lr  }
0x1b: {  	s9 =	sadd.s32 $0xFFFFFEF7, lr;
	s5 =	simm.s32 $0xFFFFFFFF;
	p2 =	slt.u32 s8, $0xFFFFF086  }
0x1c: {  	p1 =	slt.u32 s9, $0xF7A;
	s5 =	simm.s32 @!p2 $0x0  }
0x1d: {  	s5 =	simm.s32 @p1 $0x1;
	p0 =	seq.s32 s7, s2  }
0x1e: {  	s7 =	smul.u32 @!p0 $0xF7A, s2;
	p2 =	seq.s32 @!p0 s5, $0x0  }
0x1f: {  	s9 =	smul.u32 $0xF7A, s1;
	s8 =	simm.s32 @!p0 $0x1BF5;
	p2 =	por !p2, p0  }
0x20: {  	[sflag:s8] =	ssyncset.s32 @!p0 $0xFFFFF086;
	s6 =	sadd.s32 @!p0 s3, s7;
	s7 =	simm.s32 @!p0 $0x108  }
0x21: {  	s3 =	sadd.s32 s3, s9;
	s6 =	sadd.s32 @!p0 $0x88, s6;
	s7 =	simm.s32 @p2 $0x1082  }
0x22: {  	[simem:s7], [sflag:s8] =	dma.local @!p0 [hbm:s6], $0xF7A  }
0x23: {  	s9 =	sor.u32 $0xD0000000, s2;
	s6 =	simm.s32 $0x108;
	_ =	swait.ge @!p0 [sflag:s8], $0x0  }
0x24: {  	s3 =	sadd.s32 $0x88, s3;
	s6 =	simm.s32 @!p1 $0x1082;
	[sflag:s4] =	ssyncset.s32 $0xFFFFF086  }
0x25: {  	[simem:s6], [sflag:s4] =	dma.local [hbm:s3], $0xF7A  }
0x26: {  	[smem:$0x3F8A] =	sst s1;
	(tag) =	ssettag s2;
	_ =	strace s9  }
0x27: {  	s1 =	sld [smem:$0x3F9A]  }
0x28: {  	s2 =	sld [smem:$0x3F9B]  }
0x29: {  	s4 =	sld [smem:$0x3F9D]  }
0x2a: {  	p0 =	seq.s32 s5, $0x0;
	s5 =	sld [smem:$0x3F9E]  }
0x2b: {  	s6 =	sld [smem:$0x3F9F]  }
0x2c: {  	s7 =	sld [smem:$0x3FA0]  }
0x2d: {  	s3 =	simm.s32 $0x108;
	s8 =	sld [smem:$0x3FA1]  }
0x2e: {  	s3 =	simm.s32 @!p0 $0x1082;
	s9 =	sld [smem:$0x3FA2]  }
0x2f: {  	lr =	sadd.s32 s0, s3;
	s0 =	sld [smem:$0x3F99]  }
0x30: {  	s3 =	sld [smem:$0x3F9C]  }
0x31: {  	[smem:$0x3FA5] =	sst s10  }
0x32: {  	s10 =	sld [smem:$0x3FA3];
	_ =	sdelay $0x3  }
0x33: {  	p0 =	seq.s32 s10, $0x1;
	s10 =	sld [smem:$0x3FA5];
	_ =	sdelay $0x3  }
0x34: {  	[smem:$0x3FA5] =	sst s10  }
0x35: {  	s10 =	sld [smem:$0x3FA4];
	_ =	sdelay $0x3  }
0x36: {  	p1 =	seq.s32 s10, $0x1;
	s10 =	sld [smem:$0x3FA5];
	_ =	sdelay $0x3  }
0x37: {  	[smem:$0x3FA5] =	sst s10  }
0x38: {  	s10 =	sld [smem:$0x3FA6]  }
0x39: {  	_ = 	snop;
	(pc) =	sbr.ind lr, $3  }
0x3a: {  	_ = 	snop  }
0x3b: {  	_ = 	snop  }
0x3c: {  	p2 =	seq.s32 s10, $0x1;
	s10 =	sld [smem:$0x3FA5]  }
0x3d: {  	_ =	shalt  }
0x3e: {  	_ =	shalt  }
0x3f: {  	_ =	shalt  }
0x40: {  	_ =	shalt  }
0x41: {  	_ =	shalt  }
0x42: {  	_ =	shalt  }
0x43: {  	_ =	shalt  }
0x44: {  	_ =	shalt  }
0x45: {  	_ =	shalt  }
0x46: {  	_ =	shalt  }
0x47: {  	_ =	shalt  }
0x48: {  	_ =	shalt  }
0x49: {  	_ =	shalt  }
0x4a: {  	_ =	shalt  }
0x4b: {  	_ =	shalt  }
0x4c: {  	_ =	shalt  }
0x4d: {  	_ =	shalt  }
0x4e: {  	_ =	shalt  }
0x4f: {  	_ =	shalt  }
0x50: {  	_ =	shalt  }
0x51: {  	_ =	shalt  }
0x52: {  	_ =	shalt  }
0x53: {  	_ =	shalt  }
0x54: {  	_ =	shalt  }
0x55: {  	_ =	shalt  }
0x56: {  	_ =	shalt  }
0x57: {  	_ =	shalt  }
0x58: {  	_ =	shalt  }
0x59: {  	_ =	shalt  }
0x5a: {  	_ =	shalt  }
0x5b: {  	_ =	shalt  }
0x5c: {  	_ =	shalt  }
0x5d: {  	_ =	shalt  }
0x5e: {  	_ =	shalt  }
0x5f: {  	_ =	shalt  }
0x60: {  	_ =	shalt  }
0x61: {  	_ =	shalt  }
0x62: {  	_ =	shalt  }
0x63: {  	_ =	shalt  }
0x64: {  	_ =	shalt  }
0x65: {  	_ =	shalt  }
0x66: {  	_ =	shalt  }
0x67: {  	_ =	shalt  }
0x68: {  	_ =	shalt  }
0x69: {  	_ =	shalt  }
0x6a: {  	_ =	shalt  }
0x6b: {  	_ =	shalt  }
0x6c: {  	_ =	shalt  }
0x6d: {  	_ =	shalt  }
0x6e: {  	_ =	shalt  }
0x6f: {  	_ =	shalt  }
0x70: {  	_ =	shalt  }
0x71: {  	_ =	shalt  }
0x72: {  	_ =	shalt  }
0x73: {  	_ =	shalt  }
0x74: {  	_ =	shalt  }
0x75: {  	_ =	shalt  }
0x76: {  	_ =	shalt  }
0x77: {  	_ =	shalt  }
0x78: {  	_ =	shalt  }
0x79: {  	_ =	shalt  }
0x7a: {  	_ =	shalt  }
0x7b: {  	_ =	shalt  }
0x7c: {  	_ =	shalt  }
0x7d: {  	_ =	shalt  }
0x7e: {  	_ =	shalt  }
0x7f: {  	_ =	shalt  }
0x80: {  	_ =	shalt  }
0x81: {  	_ =	shalt  }
0x82: {  	_ =	shalt  }
0x83: {  	_ =	shalt  }
0x84: {  	_ =	shalt  }
0x85: {  	_ =	shalt  }
0x86: {  	_ =	shalt  }
0x87: {  	_ =	shalt  }
.Lfunc_end0:
.L_simem_size_0:
called_computation.2_lowered:
.L_overlay_start_0:
0x88: {  	s2 =	sld [smem:$0x3FD9]  }
0x89: {  	s3 =	sld [smem:$0x3FFE];
	_ =	sdelay $0x1  }
0x8a: {  	s1 =	srdreg.scid  }
0x8b: {  	s0 =	sand.u32 $0x1, s1  }
0x8c: {  	s17 =	sshll.u32 s0, $0xA;
	s2 =	sadd.s32 s3, s2  }
0x8d: {  	s2 =	sadd.s32 s2, s17  }
0x8e: {  	[smem:$0x3FB1] =	sst s2  }
0x8f: {  	_ = 	snop  }
0x90: {  	s2 =	sld [smem:$0x3FD0];
	(tm) =	ssettm $0x1  }
0x91: {  	s18 =	sld [smem:$0x3FFB];
	_ =	sdelay $0x3  }
0x92: {  	_ =	strace s18  }
0x93: {  	s3 =	sld [smem:$0x3FFC];
	_ =	sdelay $0x3  }
0x94: {  	_ =	strace s3  }
0x95: {  	s3 =	sld [smem:$0x3FFD];
	_ =	sdelay $0x3  }
0x96: {  	_ =	strace s3  }
0x97: {  	_ =	strace $0x8FFFFFFF  }
0x98: {  	s19 =	sld [smem:$0x3FDB];
	_ =	sdelay $0x1  }
0x99: {  	s4 =	simm.s32 $_scs_section_size  }
0x9a: {  	s5 =	simm.s32 $_size__tile_overlayer_lowered;
	s6 =	simm.s32 $_tile_overlayer_lowered  }
0x9b: {  	s22 =	simm.s32 $0x1BFF;
	s21 =	sshll.u32 s6, $0x1;
	s3 =	sadd.s32 s4, s19  }
0x9c: {  	s7 =	simm.s32 $0x0;
	s20 =	sshll.u32 s5, $0x1;
	s5 =	sadd.s32 s21, s3  }
0x9d: {  	[timem:s7], [sflag:s22] =	dma.local [hbm:s5], s20  }
0x9e: {  	_ =	swait.ge [sflag:s22], s20  }
0x9f: {  	s4 =	ssub.s32 $0x0, s20;
	[sflag:s22] =	ssyncset.done $0x0  }
0xa0: {  	[sflag:s22] =	ssyncadd.s32 s4;
	_ =	sdelay $0x1  }
0xa1: {  	s23 =	simm.s32 $0x1B8B  }
0xa2: {  	_ =	swait.ge [sflag:s23], $0x1  }
0xa3: {  	[sflag:s23] =	ssyncset.done $0x0  }
0xa4: {  	s25 =	simm.s32 $0x1B8E;
	s24 =	sld [smem:$0x3FFE];
	[sflag:s23] =	ssyncadd.s32 $0xFFFFFFFF  }
0xa5: {  	s26 =	simm.s32 $execute0_lowered;
	[smem:$0x3FD2] =	sst s25  }
0xa6: {  	s5 =	sshll.u32 s26, $0x1;
	_ =	strace $0x8000004C;
	[dreg:$0x1] =	wrdreg $0xFFFFFFFF  }
0xa7: {  	s28 =	simm.s32 $_size_execute0_lowered;
	s3 =	sadd.s32 s3, s5;
	[dreg:$0x0] =	wrdreg $0x0  }
0xa8: {  	s5 =	sshll.u32 s28, $0x1;
	[dreg:$0x2] =	wrdreg s3  }
0xa9: {  	[dreg:$0x3] =	wrdreg s5  }
0xaa: {  	[dreg:$0x4] =	wrdreg $0xC0  }
0xab: {  	_ =	task [dreg:s7], $0x5FFFF  }
0xac: {  	[dreg:$0x1] =	wrdreg $0xFFFFFFFF  }
0xad: {  	[dreg:$0x0] =	wrdreg $0x60  }
0xae: {  	[dreg:$0x2] =	wrdreg s24  }
0xaf: {  	[dreg:$0x3] =	wrdreg s2  }
0xb0: {  	[dreg:$0x4] =	wrdreg $0x104100  }
0xb1: {  	[dreg:$0x5] =	wrdreg $0xB4100  }
0xb2: {  	[dreg:$0x6] =	wrdreg $0x9  }
0xb3: {  	_ =	task.clear_ibuf [dreg:s7], $0x7FFFF;
	_ =	strace $0x9000004C  }
0xb4: {  	s29 =	simm.s32 $0x9;
	_ =	strace $0x8000004E  }
0xb5: {  	_ =	swait.ge [sflag:s29], $0x1  }
0xb6: {  	[sflag:s29] =	ssyncadd.s32 $0xFFFFFFFF  }
0xb7: {  	_ =	strace $0x9000004E  }
0xb8: {  	_ =	sfence  }
0xb9: {  	s30 =	sld [smem:$0x0];
	_ =	sdelay $0x2  }
0xba: {  	s31 =	sshll.u32 s1, $0xD;
	s1 =	sshrl.u32 s1, $0x2  }
0xbb: {  	s3 =	sand.u32 $0x4000, s31;
	s1 =	sadd.s32 s1, s30  }
0xbc: {  	s0 =	sor.u32 s3, s0;
	s1 =	sshll.u32 s1, $0x11  }
0xbd: {  	s0 =	sor.u32 s1, s0  }
0xbe: {  	s0 =	sadd.s32 $0x8F2B, s0  }
0xbf: {  	[sflag:s0] =	ssyncadd.remote.s32 $0x1  }
0xc0: {  	_ =	sfence.sel $0xFFFF  }
0xc1: {  	[dreg:$0x0] =	wrdreg $0xFFFFFFFF;
	(pc) =	sbr.abs _section_cstart, $3  }
0xc2: {  	[dreg:$0x1] =	wrdreg $0xFFFFFFFF  }
0xc3: {  	_ =	task.clear_ibuf [dreg:s7], $0x2FFFF;
	_ =	strace $0x9FFFFFFF  }
0xc4: {  	(tm) =	ssettm $0x7FFFFFFF  }
0xc5: {  	_ =	shalt  }
tec
execute0_lowered:
.L_overlay_start_1:
0x0: {  	(tag) =	ssettag $0x1  }
0x1: {  	s0 =	rddreg [dreg:$0x0];
	s1 =	srdreg.scid  }
0x2: {  	s11 =	stileid.u32;
	s3 =	rddreg [dreg:$0x2]  }
0x3: {  	s4 =	rddreg [dreg:$0x3];
	s5 =	simm.s32 $0x0;
	s30 =	simm.s32 $0xB190  }
0x4: {  	s31 =	simm.s32 $0xA190;
	s28 =	simm.s32 $0x0;
	s1 =	sand.u32 $0x1, s1  }
0x5: {  	s2 =	sshll.u32 s11, $0x1;
	s6 =	smul.u32 $0x280, s11;
	[smem:$0x7FF] =	sst s5  }
0x6: {  	s8 =	sadd.s32 $0x20800, s0;
	s20 =	sadd.s32 $0x20200, s0;
	s9 =	sadd.s32 $0x20E00, s0  }
0x7: {  	s16 =	smul.u32 $0x5000, s11;
	_ =	strace $0x8000004D;
	[dreg:$0x5] =	wrdreg s8  }
0x8: {  	s2 =	sor.u32 s1, s2;
	s7 =	smul.u32 $0x2800, s1;
	[dreg:$0x6] =	wrdreg s20  }
0x9: {  	s8 =	sadd.s32 $0x16200, s0;
	s10 =	ssub.s32 $0x2, s1;
	s1 =	smul.u32 $0x50000, s1  }
0xa: {  	s2 =	smul.u32 $0x510, s2;
	s21 =	sshrl.u32 s10, $0x1;
	s11 =	sadd.s32 s6, s3  }
0xb: {  	s12 =	sadd.s32 s16, s4;
	s23 =	sadd.s32 $0x1000, s16;
	s24 =	sadd.s32 $0x2000, s16  }
0xc: {  	s25 =	sadd.s32 $0x3000, s16;
	s20 =	sadd.s32 $0x4000, s16;
	s7 =	sadd.s32 s6, s7  }
0xd: {  	s13 =	sadd.s32 s23, s4;
	s14 =	sadd.s32 s24, s4;
	s15 =	sadd.s32 s25, s4  }
0xe: {  	s17 =	sadd.s32 s16, s1;
	s16 =	sadd.s32 s20, s4;
	s26 =	sadd.s32 s1, s24  }
0xf: {  	s29 =	sadd.s32 s1, s25;
	s24 =	simm.s32 $0x2;
	s25 =	simm.s32 $0x2800  }
0x10: {  	s2 =	sadd.s32 s2, s0;
	s7 =	sshrl.u32 s7, $0x3;
	s18 =	sshrl.u32 s17, $0x3  }
0x11: {  	s0 =	sadd.s32 s7, s0;
	s7 =	ssub.s32 s10, s21;
	s22 =	sadd.s32 $0xC000, s2  }
0x12: {  	s2 =	sadd.s32 $0x1E00, s2;
	s18 =	sadd.s32 s9, s18;
	[dreg:$0x7] =	wrdreg s22  }
0x13: {  	[dreg:$0x8] =	wrdreg s2;
	s2 =	sadd.s32 s1, s23;
	s0 =	sadd.s32 $0x34E00, s0  }
0x14: {  	s1 =	sadd.s32 s1, s20;
	s23 =	smax.u32 s7, $0x1;
	s2 =	sshrl.u32 s2, $0x3  }
0x15: {  	[dreg:$0x9] =	wrdreg s0;
	s0 =	sshrl.u32 s26, $0x3;
	s1 =	sshrl.u32 s1, $0x3  }
0x16: {  	s26 =	simm.s32 $0x0;
	s19 =	sadd.s32 s9, s2;
	s2 =	sshrl.u32 s29, $0x3  }
0x17: {  	s20 =	sadd.s32 s9, s0;
	s22 =	sadd.s32 s9, s1;
	s0 =	simm.s32 $0x1  }
0x18: {  	v0 =	vimm.f32 $0.0e+00;
	s1 =	simm.s32 $0xA110;
	s21 =	sadd.s32 s9, s2;
	s2 =	simm.s32 $0x80  }
.LBB2_1:
0x19: {  	s6 =	simm.s32 $0x80;
	s7 =	simm.s32 $0x0  }
.LBB2_2:
0x1a: {  	p0 =	sne.s32 s6, $0x3F80;
	[tilespmem:s7+$0xA190] =	vst v0;
	s9 =	smov.u32 s6;
	s6 =	sadd.s32 $0x80, s6  }
.Ltmp0:
0x1b: {  	[tilespmem:s7+$0xA1A0] =	vst v0;
	(pc) =	sbr.rel @p0 .LBB2_2-.Ltmp0, $2  }
0x1c: {  	_ =	sdelay $0x2  }
0x1d: {  	s7 =	sshra.s32 s9, $0x2  }
0x1e: {  	[tilespmem:s7+$0xA190] =	vst v0  }
0x1f: {  	[tilespmem:s7+$0xA1A0] =	vst v0  }
0x20: {  	[tilespmem:$0xB190] =	vst v0  }
0x21: {  	[tilespmem:$0xB1A0] =	vst v0  }
0x22: {  	[tilespmem:$0xB1B0] =	vst v0  }
0x23: {  	[tilespmem:$0xB1C0] =	vst v0  }
0x24: {  	[tilespmem:$0xB1D0] =	vst v0  }
0x25: {  	[tilespmem:$0xB1E0] =	vst v0  }
0x26: {  	[tilespmem:$0xB1F0] =	vst v0  }
0x27: {  	[tilespmem:$0xB200] =	vst v0  }
0x28: {  	[tilespmem:$0xB210] =	vst v0  }
0x29: {  	[tilespmem:$0xB220] =	vst v0  }
0x2a: {  	[tilespmem:$0xB230] =	vst v0  }
0x2b: {  	[tilespmem:$0xB240] =	vst v0  }
0x2c: {  	[tilespmem:$0xB250] =	vst v0  }
0x2d: {  	[tilespmem:$0xB260] =	vst v0  }
0x2e: {  	[tilespmem:$0xB270] =	vst v0  }
0x2f: {  	[tilespmem:$0xB280] =	vst v0  }
0x30: {  	[tilespmem:$0xB290] =	vst v0  }
0x31: {  	[tilespmem:$0xB2A0] =	vst v0  }
0x32: {  	[tilespmem:$0xB2B0] =	vst v0  }
0x33: {  	[tilespmem:$0xB2C0] =	vst v0  }
0x34: {  	[tilespmem:$0xB2D0] =	vst v0  }
0x35: {  	[tilespmem:$0xB2E0] =	vst v0  }
0x36: {  	[tilespmem:$0xB2F0] =	vst v0  }
0x37: {  	[tilespmem:$0xB300] =	vst v0  }
0x38: {  	[tilespmem:$0xB310] =	vst v0  }
0x39: {  	[tilespmem:$0xB320] =	vst v0  }
0x3a: {  	[tilespmem:$0xB330] =	vst v0  }
0x3b: {  	[tilespmem:$0xB340] =	vst v0  }
0x3c: {  	[tilespmem:$0xB350] =	vst v0  }
0x3d: {  	[tilespmem:$0xB360] =	vst v0  }
0x3e: {  	[tilespmem:$0xB370] =	vst v0  }
0x3f: {  	[tilespmem:$0xB380] =	vst v0  }
0x40: {  	[tilespmem:$0xB390] =	vst v0  }
0x41: {  	[tilespmem:$0xB3A0] =	vst v0  }
0x42: {  	[tilespmem:$0xB3B0] =	vst v0  }
0x43: {  	[tilespmem:$0xB3C0] =	vst v0  }
0x44: {  	[tilespmem:$0xB3D0] =	vst v0  }
0x45: {  	[tilespmem:$0xB3E0] =	vst v0  }
0x46: {  	[tilespmem:$0xB3F0] =	vst v0  }
0x47: {  	s6 =	rddreg [dreg:$0x5];
	[tilespmem:$0xB400] =	vst v0  }
0x48: {  	[tilespmem:s28], [sflag:$0x2] =	stream.linear.gather [hbm4b:s6+s28], $0x2800, $0x38;
	[tilespmem:$0x10690] =	vst v63  }
0x49: {  	_ =	swait.ge [sflag:s24], $0x2800  }
0x4a: {  	[sflag:s24] =	ssyncset.done $0x0  }
0x4b: {  	s9 =	rddreg [dreg:$0x6];
	[sflag:s24] =	ssyncadd.s32 $0xFFFFD800  }
0x4c: {  	[tilespmem:s25], [sflag:$0x2] =	stream.linear.gather [hbm4b:s9+s28], $0x2800, $0x38;
	[tilespmem:$0x10690] =	vst v63  }
0x4d: {  	_ =	swait.ge [sflag:s24], $0x2800  }
0x4e: {  	[sflag:s24] =	ssyncset.done $0x0  }
0x4f: {  	[sflag:s24] =	ssyncadd.s32 $0xFFFFD800  }
0x50: {  	s17 =	simm.s32 $0x5000;
	s10 =	rddreg [dreg:$0x1]  }
0x51: {  	[tilespmem:s17], [sflag:$0x2] =	stream.linear.gather [hbm4b:s10+s28], $0x10, $0x38;
	[tilespmem:$0x10690] =	vst v63  }
0x52: {  	_ =	swait.ge [sflag:s24], $0x10  }
0x53: {  	[sflag:s24] =	ssyncset.done $0x0  }
0x54: {  	s9 =	simm.s32 $0x5010;
	s7 =	rddreg [dreg:$0x7];
	[sflag:s24] =	ssyncadd.s32 $0xFFFFFFF0  }
0x55: {  	[tilespmem:s9], [sflag:$0x2] =	stream.linear.gather [hbm4b:s7+s28], $0x2880, $0x38;
	[tilespmem:$0x10690] =	vst v63  }
0x56: {  	_ =	swait.ge [sflag:s24], $0x2880  }
0x57: {  	[sflag:s24] =	ssyncset.done $0x0  }
0x58: {  	s17 =	simm.s32 $0x7890;
	s10 =	rddreg [dreg:$0x8];
	[sflag:s24] =	ssyncadd.s32 $0xFFFFD780  }
0x59: {  	[tilespmem:s17], [sflag:$0x2] =	stream.linear.gather [hbm4b:s10+s28], $0x2880, $0x38;
	[tilespmem:$0x10690] =	vst v63  }
0x5a: {  	_ =	swait.ge [sflag:s24], $0x2880  }
0x5b: {  	[sflag:s24] =	ssyncset.done $0x0  }
0x5c: {  	[sflag:s24] =	ssyncadd.s32 $0xFFFFD780  }
0x5d: {  	[spmem:s11] =	stream.linear.scatter [tilespmem:s30], [sflag:$0x2], $0x280, $0x38;
	[tilespmem:$0x10690] =	vst v63  }
0x5e: {  	_ =	swait.ge [sflag:s24], $0x280  }
0x5f: {  	[sflag:s24] =	ssyncset.done $0x0  }
0x60: {  	[sflag:s24] =	ssyncadd.s32 $0xFFFFFD80  }
0x61: {  	[spmem:s12] =	stream.linear.scatter [tilespmem:s31], [sflag:$0x2], $0x1000, $0x38;
	[tilespmem:$0x10690] =	vst v63  }
0x62: {  	_ =	swait.ge [sflag:s24], $0x1000  }
0x63: {  	[sflag:s24] =	ssyncset.done $0x0  }
0x64: {  	[sflag:s24] =	ssyncadd.s32 $0xFFFFF000  }
0x65: {  	[spmem:s13] =	stream.linear.scatter [tilespmem:s31], [sflag:$0x2], $0x1000, $0x38;
	[tilespmem:$0x10690] =	vst v63  }
0x66: {  	_ =	swait.ge [sflag:s24], $0x1000  }
0x67: {  	[sflag:s24] =	ssyncset.done $0x0  }
0x68: {  	[sflag:s24] =	ssyncadd.s32 $0xFFFFF000  }
0x69: {  	[spmem:s14] =	stream.linear.scatter [tilespmem:s31], [sflag:$0x2], $0x1000, $0x38;
	[tilespmem:$0x10690] =	vst v63  }
0x6a: {  	_ =	swait.ge [sflag:s24], $0x1000  }
0x6b: {  	[sflag:s24] =	ssyncset.done $0x0  }
0x6c: {  	[sflag:s24] =	ssyncadd.s32 $0xFFFFF000  }
0x6d: {  	[spmem:s15] =	stream.linear.scatter [tilespmem:s31], [sflag:$0x2], $0x1000, $0x38;
	[tilespmem:$0x10690] =	vst v63  }
0x6e: {  	_ =	swait.ge [sflag:s24], $0x1000  }
0x6f: {  	[sflag:s24] =	ssyncset.done $0x0  }
0x70: {  	[sflag:s24] =	ssyncadd.s32 $0xFFFFF000  }
0x71: {  	[spmem:s16] =	stream.linear.scatter [tilespmem:s31], [sflag:$0x2], $0x1000, $0x38;
	[tilespmem:$0x10690] =	vst v63  }
0x72: {  	_ =	swait.ge [sflag:s24], $0x1000  }
0x73: {  	[sflag:s24] =	ssyncset.done $0x0  }
0x74: {  	[sflag:s24] =	ssyncadd.s32 $0xFFFFF000  }
0x75: {  	[bflag:$0x0] =	sbarrier.arrive $0xFFFF  }
0x76: {  	s29 =	simm.s32 $0x0;
	v1 =	vld [tilespmem:$0x5000]  }
.LBB2_4:
0x77: {  	s6 =	sshll.u32 s29, $0x7  }
0x78: {  	s7 =	sadd.s32 $0x5010, s6  }
0x79: {  	[tilespmem:s31], [sflag:$0x1] =	stream.indirect.gather [hbm4b:s8+s2], $0x20, s7, s2, $0xb8;
	[tilespmem:$0x10690] =	vst v63  }
0x7a: {  	v2 =	vld [tilespmem:s6+$0x5010]  }
0x7b: {  	v3 =	vld [tilespmem:s6+$0x7890];
	_ =	sdelay $0x6  }
0x7c: {  	v2 =	vld.idx.msk [tilespmem:v2+s28+$0x0], $0xffff  }
0x7d: {  	v3 =	vld.idx.msk [tilespmem:v3+s25+$0x0], $0xffff;
	_ =	sdelay $0x4  }
0x7e: {  	v2 =	vadd.f32 v3, v2;
	_ =	sdelay $0x1  }
0x7f: {  	v3 =	vmul.f32 $2.000000030e-01, v2;
	_ =	sdelay $0x1  }
0x80: {  	v2 =	vmax.f32 v2, v3  }
0x81: {  	v2 =	vsub.f32 v2, v1;
	_ =	sdelay $0x1  }
0x82: {  	v2 =	vmul.f32 $1.442695020e+00, v2;
	_ =	sdelay $0x1  }
0x83: {  	(erf) = vpow2.f32 v2;
	_ =	sdelay $0x8  }
0x84: {  	v2 =	vpop (erf)  }
0x85: {  	[tilespmem:$0xA110] =	vst v2  }
0x86: {  	v2 =	vld [tilespmem:s6+$0x5020]  }
0x87: {  	v3 =	vld [tilespmem:s6+$0x78A0];
	_ =	sdelay $0x6  }
0x88: {  	v2 =	vld.idx.msk [tilespmem:v2+s28+$0x0], $0xffff  }
0x89: {  	v3 =	vld.idx.msk [tilespmem:v3+s25+$0x0], $0xffff;
	_ =	sdelay $0x4  }
0x8a: {  	v2 =	vadd.f32 v3, v2;
	_ =	sdelay $0x1  }
0x8b: {  	v3 =	vmul.f32 $2.000000030e-01, v2;
	_ =	sdelay $0x1  }
0x8c: {  	v2 =	vmax.f32 v2, v3  }
0x8d: {  	v2 =	vsub.f32 v2, v1;
	_ =	sdelay $0x1  }
0x8e: {  	v2 =	vmul.f32 $1.442695020e+00, v2;
	_ =	sdelay $0x1  }
0x8f: {  	(erf) = vpow2.f32 v2;
	_ =	sdelay $0x8  }
0x90: {  	v2 =	vpop (erf)  }
0x91: {  	[tilespmem:$0xA120] =	vst v2  }
0x92: {  	v2 =	vld [tilespmem:s6+$0x5030]  }
0x93: {  	v3 =	vld [tilespmem:s6+$0x78B0];
	_ =	sdelay $0x6  }
0x94: {  	v2 =	vld.idx.msk [tilespmem:v2+s28+$0x0], $0xffff  }
0x95: {  	v3 =	vld.idx.msk [tilespmem:v3+s25+$0x0], $0xffff;
	_ =	sdelay $0x4  }
0x96: {  	v2 =	vadd.f32 v3, v2;
	_ =	sdelay $0x1  }
0x97: {  	v3 =	vmul.f32 $2.000000030e-01, v2;
	_ =	sdelay $0x1  }
0x98: {  	v2 =	vmax.f32 v2, v3  }
0x99: {  	v2 =	vsub.f32 v2, v1;
	_ =	sdelay $0x1  }
0x9a: {  	v2 =	vmul.f32 $1.442695020e+00, v2;
	_ =	sdelay $0x1  }
0x9b: {  	(erf) = vpow2.f32 v2;
	_ =	sdelay $0x8  }
0x9c: {  	v2 =	vpop (erf)  }
0x9d: {  	[tilespmem:$0xA130] =	vst v2  }
0x9e: {  	v2 =	vld [tilespmem:s6+$0x5040]  }
0x9f: {  	v3 =	vld [tilespmem:s6+$0x78C0];
	_ =	sdelay $0x6  }
0xa0: {  	v2 =	vld.idx.msk [tilespmem:v2+s28+$0x0], $0xffff  }
0xa1: {  	v3 =	vld.idx.msk [tilespmem:v3+s25+$0x0], $0xffff;
	_ =	sdelay $0x4  }
0xa2: {  	v2 =	vadd.f32 v3, v2;
	_ =	sdelay $0x1  }
0xa3: {  	v3 =	vmul.f32 $2.000000030e-01, v2;
	_ =	sdelay $0x1  }
0xa4: {  	v2 =	vmax.f32 v2, v3  }
0xa5: {  	v2 =	vsub.f32 v2, v1;
	_ =	sdelay $0x1  }
0xa6: {  	v2 =	vmul.f32 $1.442695020e+00, v2;
	_ =	sdelay $0x1  }
0xa7: {  	(erf) = vpow2.f32 v2;
	_ =	sdelay $0x8  }
0xa8: {  	v2 =	vpop (erf)  }
0xa9: {  	[tilespmem:$0xA140] =	vst v2  }
0xaa: {  	v2 =	vld [tilespmem:s6+$0x5050]  }
0xab: {  	v3 =	vld [tilespmem:s6+$0x78D0];
	_ =	sdelay $0x6  }
0xac: {  	v2 =	vld.idx.msk [tilespmem:v2+s28+$0x0], $0xffff  }
0xad: {  	v3 =	vld.idx.msk [tilespmem:v3+s25+$0x0], $0xffff;
	_ =	sdelay $0x4  }
0xae: {  	v2 =	vadd.f32 v3, v2;
	_ =	sdelay $0x1  }
0xaf: {  	v3 =	vmul.f32 $2.000000030e-01, v2;
	_ =	sdelay $0x1  }
0xb0: {  	v2 =	vmax.f32 v2, v3  }
0xb1: {  	v2 =	vsub.f32 v2, v1;
	_ =	sdelay $0x1  }
0xb2: {  	v2 =	vmul.f32 $1.442695020e+00, v2;
	_ =	sdelay $0x1  }
0xb3: {  	(erf) = vpow2.f32 v2;
	_ =	sdelay $0x8  }
0xb4: {  	v2 =	vpop (erf)  }
0xb5: {  	[tilespmem:$0xA150] =	vst v2  }
0xb6: {  	v2 =	vld [tilespmem:s6+$0x5060]  }
0xb7: {  	v3 =	vld [tilespmem:s6+$0x78E0];
	_ =	sdelay $0x6  }
0xb8: {  	v2 =	vld.idx.msk [tilespmem:v2+s28+$0x0], $0xffff  }
0xb9: {  	v3 =	vld.idx.msk [tilespmem:v3+s25+$0x0], $0xffff;
	_ =	sdelay $0x4  }
0xba: {  	v2 =	vadd.f32 v3, v2;
	_ =	sdelay $0x1  }
0xbb: {  	v3 =	vmul.f32 $2.000000030e-01, v2;
	_ =	sdelay $0x1  }
0xbc: {  	v2 =	vmax.f32 v2, v3  }
0xbd: {  	v2 =	vsub.f32 v2, v1;
	_ =	sdelay $0x1  }
0xbe: {  	v2 =	vmul.f32 $1.442695020e+00, v2;
	_ =	sdelay $0x1  }
0xbf: {  	(erf) = vpow2.f32 v2;
	_ =	sdelay $0x8  }
0xc0: {  	v2 =	vpop (erf)  }
0xc1: {  	[tilespmem:$0xA160] =	vst v2  }
0xc2: {  	v2 =	vld [tilespmem:s6+$0x5070]  }
0xc3: {  	v3 =	vld [tilespmem:s6+$0x78F0];
	_ =	sdelay $0x6  }
0xc4: {  	v2 =	vld.idx.msk [tilespmem:v2+s28+$0x0], $0xffff  }
0xc5: {  	v3 =	vld.idx.msk [tilespmem:v3+s25+$0x0], $0xffff;
	_ =	sdelay $0x4  }
0xc6: {  	v2 =	vadd.f32 v3, v2;
	_ =	sdelay $0x1  }
0xc7: {  	v3 =	vmul.f32 $2.000000030e-01, v2;
	_ =	sdelay $0x1  }
0xc8: {  	v2 =	vmax.f32 v2, v3  }
0xc9: {  	v2 =	vsub.f32 v2, v1;
	_ =	sdelay $0x1  }
0xca: {  	v2 =	vmul.f32 $1.442695020e+00, v2;
	_ =	sdelay $0x1  }
0xcb: {  	(erf) = vpow2.f32 v2;
	_ =	sdelay $0x8  }
0xcc: {  	v2 =	vpop (erf)  }
0xcd: {  	[tilespmem:$0xA170] =	vst v2  }
0xce: {  	v2 =	vld [tilespmem:s6+$0x5080]  }
0xcf: {  	v3 =	vld [tilespmem:s6+$0x7900];
	_ =	sdelay $0x6  }
0xd0: {  	v2 =	vld.idx.msk [tilespmem:v2+s28+$0x0], $0xffff  }
0xd1: {  	v3 =	vld.idx.msk [tilespmem:v3+s25+$0x0], $0xffff;
	_ =	sdelay $0x4  }
0xd2: {  	v2 =	vadd.f32 v3, v2;
	_ =	sdelay $0x1  }
0xd3: {  	v3 =	vmul.f32 $2.000000030e-01, v2;
	_ =	sdelay $0x1  }
0xd4: {  	v2 =	vmax.f32 v2, v3  }
0xd5: {  	v2 =	vsub.f32 v2, v1;
	_ =	sdelay $0x1  }
0xd6: {  	v2 =	vmul.f32 $1.442695020e+00, v2;
	_ =	sdelay $0x1  }
0xd7: {  	(erf) = vpow2.f32 v2;
	_ =	sdelay $0x5  }
0xd8: {  	v2 =	vmov s28  }
0xd9: {  	v2 =	vand.u32 $0xFFFFFFFC, v2  }
0xda: {  	v2 =	vbroadcast v2, $0x0  }
0xdb: {  	v3 =	vpop (erf)  }
0xdc: {  	[tilespmem:$0xA180] =	vst v3  }
0xdd: {  	_ =	swait.ge [sflag:s0], $0x1000  }
0xde: {  	[sflag:s0] =	ssyncset.done $0x0  }
0xdf: {  	[sflag:s0] =	ssyncadd.s32 $0xFFFFF000  }
0xe0: {  	s7 =	simm.s32 $0xA1D0;
	v2 =	vld.idx.msk [tilespmem:v2+s1+$0x0], $0xffff  }
0xe1: {  	s9 =	simm.s32 $0x1;
	v3 =	vld [tilespmem:s7+$0xFFFFFFC0]  }
0xe2: {  	v5 =	vmov s9;
	v4 =	vld [tilespmem:s7+$0xFFFFFFD0]  }
0xe3: {  	v5 =	vand.u32 $0xFFFFFFFD, v5  }
0xe4: {  	v5 =	vbroadcast v5, $0x0;
	_ =	sdelay $0x1  }
0xe5: {  	v3 =	vmul.f32 v3, v2  }
0xe6: {  	v2 =	vmul.f32 v4, v2  }
0xe7: {  	[tilespmem:s7+$0xFFFFFFC0] =	vst v3  }
0xe8: {  	[tilespmem:s7+$0xFFFFFFD0] =	vst v2;
	v3 =	vld [tilespmem:s7+$0xFFFFFFE0]  }
0xe9: {  	s10 =	simm.s32 $0x2;
	v2 =	vld.idx.msk [tilespmem:v5+s1+$0x0], $0xffff  }
0xea: {  	v4 =	vld [tilespmem:s7+$0xFFFFFFF0];
	v5 =	vmov s10  }
0xeb: {  	v5 =	vand.u32 $0xFFFFFFFE, v5  }
0xec: {  	v5 =	vbroadcast v5, $0x0;
	_ =	sdelay $0x1  }
0xed: {  	v3 =	vmul.f32 v3, v2  }
0xee: {  	v2 =	vmul.f32 v4, v2  }
0xef: {  	[tilespmem:s7+$0xFFFFFFE0] =	vst v3  }
0xf0: {  	[tilespmem:s7+$0xFFFFFFF0] =	vst v2;
	v2 =	vld [tilespmem:s7+$0x10]  }
0xf1: {  	v3 =	vld.idx.msk [tilespmem:v5+s1+$0x0], $0xffff  }
0xf2: {  	v4 =	vld [tilespmem:s7+$0x0];
	_ =	sdelay $0x1  }
0xf3: {  	s17 =	simm.s32 $0x3  }
0xf4: {  	v5 =	vmov s17  }
0xf5: {  	v2 =	vmul.f32 v2, v3  }
0xf6: {  	v3 =	vmul.f32 v4, v3  }
0xf7: {  	[tilespmem:s7+$0x10] =	vst v2  }
0xf8: {  	[tilespmem:s7+$0x0] =	vst v3;
	v2 =	vld [tilespmem:s7+$0x30]  }
0xf9: {  	v3 =	vld.idx.msk [tilespmem:v5+s1+$0x0], $0xffff  }
0xfa: {  	s9 =	simm.s32 $0x4;
	v5 =	vld [tilespmem:s7+$0x20]  }
0xfb: {  	v4 =	vmov s9  }
0xfc: {  	v4 =	vand.u32 $0xFFFFFFFC, v4  }
0xfd: {  	s6 =	sadd.s32 $0x7890, s6;
	s10 =	simm.s32 $0x8;
	v4 =	vbroadcast v4, $0x0  }
.LBB2_5:
0xfe: {  	p0 =	sne.s32 s10, $0x7C  }
0xff: {  	v2 =	vmul.f32 v2, v3;
	v5 =	vmul.f32 v5, v3;
	_ =	sdelay $0x1  }
0x100: {  	[tilespmem:s7+$0x20] =	vst v5  }
0x101: {  	[tilespmem:s7+$0x30] =	vst v2  }
0x102: {  	s7 =	sadd.s32 $0x80, s7;
	v2 =	vld.idx.msk [tilespmem:v4+s1+$0x0], $0xffff  }
0x103: {  	s17 =	sadd.s32 $0x1, s9;
	v3 =	vld [tilespmem:s7+$0xFFFFFFC0]  }
0x104: {  	v5 =	vmov s17;
	v4 =	vld [tilespmem:s7+$0xFFFFFFD0]  }
0x105: {  	v5 =	vand.u32 $0xFFFFFFFD, v5  }
0x106: {  	v5 =	vbroadcast v5, $0x0;
	_ =	sdelay $0x1  }
0x107: {  	v3 =	vmul.f32 v3, v2  }
0x108: {  	v2 =	vmul.f32 v4, v2  }
0x109: {  	[tilespmem:s7+$0xFFFFFFC0] =	vst v3  }
0x10a: {  	[tilespmem:s7+$0xFFFFFFD0] =	vst v2  }
0x10b: {  	v2 =	vld.idx.msk [tilespmem:v5+s1+$0x0], $0xffff  }
0x10c: {  	s17 =	sadd.s32 $0x2, s9;
	v3 =	vld [tilespmem:s7+$0xFFFFFFE0]  }
0x10d: {  	v5 =	vmov s17;
	v4 =	vld [tilespmem:s7+$0xFFFFFFF0]  }
0x10e: {  	v5 =	vand.u32 $0xFFFFFFFE, v5  }
0x10f: {  	v5 =	vbroadcast v5, $0x0;
	_ =	sdelay $0x1  }
0x110: {  	v3 =	vmul.f32 v3, v2  }
0x111: {  	v2 =	vmul.f32 v4, v2  }
0x112: {  	[tilespmem:s7+$0xFFFFFFE0] =	vst v3  }
0x113: {  	[tilespmem:s7+$0xFFFFFFF0] =	vst v2;
	v2 =	vld [tilespmem:s7+$0x10]  }
0x114: {  	v3 =	vld.idx.msk [tilespmem:v5+s1+$0x0], $0xffff  }
0x115: {  	v4 =	vld [tilespmem:s7+$0x0];
	_ =	sdelay $0x2  }
0x116: {  	s17 =	sadd.s32 $0x3, s9;
	s9 =	smov.u32 s10  }
0x117: {  	v5 =	vmov s17  }
0x118: {  	v2 =	vmul.f32 v2, v3;
	v4 =	vmul.f32 v4, v3;
	_ =	sdelay $0x1  }
0x119: {  	[tilespmem:s7+$0x10] =	vst v2  }
0x11a: {  	[tilespmem:s7+$0x0] =	vst v4;
	v2 =	vld [tilespmem:s7+$0x30]  }
.Ltmp1:
0x11b: {  	v3 =	vld.idx.msk [tilespmem:v5+s1+$0x0], $0xffff;
	(pc) =	sbr.rel @p0 .LBB2_5-.Ltmp1, $4  }
0x11c: {  	v5 =	vld [tilespmem:s7+$0x20]  }
0x11d: {  	v4 =	vmov s10  }
0x11e: {  	v4 =	vand.u32 $0xFFFFFFFC, v4  }
0x11f: {  	s10 =	sadd.s32 $0x4, s10;
	v4 =	vbroadcast v4, $0x0  }
0x120: {  	_ = 	snop  }
0x121: {  	v2 =	vmul.f32 v2, v3  }
0x122: {  	v5 =	vmul.f32 v5, v3  }
0x123: {  	[tilespmem:s7+$0x30] =	vst v2  }
0x124: {  	[tilespmem:s7+$0x20] =	vst v5  }
0x125: {  	s7 =	sadd.s32 $0x80, s7;
	v2 =	vld.idx.msk [tilespmem:v4+s1+$0x0], $0xffff  }
0x126: {  	s10 =	sadd.s32 $0x1, s9;
	v3 =	vld [tilespmem:s7+$0xFFFFFFC0]  }
0x127: {  	v58 =	vmov s10;
	v57 =	vld [tilespmem:s7+$0xFFFFFFD0]  }
0x128: {  	v5 =	vand.u32 $0xFFFFFFFD, v58  }
0x129: {  	v5 =	vbroadcast v5, $0x0;
	_ =	sdelay $0x1  }
0x12a: {  	v3 =	vmul.f32 v3, v2  }
0x12b: {  	v2 =	vmul.f32 v57, v2  }
0x12c: {  	[tilespmem:s7+$0xFFFFFFC0] =	vst v3  }
0x12d: {  	[tilespmem:s7+$0xFFFFFFD0] =	vst v2;
	v3 =	vld [tilespmem:s7+$0xFFFFFFE0]  }
0x12e: {  	s17 =	sadd.s32 $0x2, s9;
	v2 =	vld.idx.msk [tilespmem:v5+s1+$0x0], $0xffff  }
0x12f: {  	v60 =	vmov s17;
	v59 =	vld [tilespmem:s7+$0xFFFFFFF0]  }
0x130: {  	v5 =	vand.u32 $0xFFFFFFFE, v60  }
0x131: {  	v5 =	vbroadcast v5, $0x0;
	_ =	sdelay $0x1  }
0x132: {  	v3 =	vmul.f32 v3, v2  }
0x133: {  	v2 =	vmul.f32 v59, v2  }
0x134: {  	[tilespmem:s7+$0xFFFFFFE0] =	vst v3  }
0x135: {  	[tilespmem:s7+$0xFFFFFFF0] =	vst v2;
	v2 =	vld [tilespmem:s7+$0x10]  }
0x136: {  	v3 =	vld.idx.msk [tilespmem:v5+s1+$0x0], $0xffff  }
0x137: {  	v61 =	vld [tilespmem:s7+$0x0];
	_ =	sdelay $0x1  }
0x138: {  	s17 =	sadd.s32 $0x3, s9  }
0x139: {  	v62 =	vmov s17  }
0x13a: {  	v2 =	vmul.f32 v2, v3  }
0x13b: {  	v3 =	vmul.f32 v61, v3  }
0x13c: {  	[tilespmem:s7+$0x10] =	vst v2  }
0x13d: {  	[tilespmem:s7+$0x0] =	vst v3;
	v3 =	vld [tilespmem:s7+$0x20]  }
0x13e: {  	v2 =	vld.idx.msk [tilespmem:v62+s1+$0x0], $0xffff  }
0x13f: {  	v63 =	vld [tilespmem:s7+$0x30];
	_ =	sdelay $0x3  }
0x140: {  	v3 =	vmul.f32 v3, v2  }
0x141: {  	v2 =	vmul.f32 v63, v2  }
0x142: {  	[tilespmem:s7+$0x20] =	vst v3  }
0x143: {  	[tilespmem:s7+$0x30] =	vst v2  }
0x144: {  	[spmem:s3] =	stream.indirect.scatter.add.f32 [tilespmem:s1], [sflag:$0x2], $0x1, s6, s2, $0xb8;
	[tilespmem:$0x10690] =	vst v63  }
0x145: {  	s29 =	sadd.s32 $0x1, s29;
	_ =	swait.ge [sflag:s24], $0x80  }
0x146: {  	p0 =	sne.s32 s29, $0x51;
	[sflag:s24] =	ssyncset.done $0x0  }
.Ltmp2:
0x147: {  	[sflag:s24] =	ssyncadd.s32 $0xFFFFFF80;
	(pc) =	sbr.rel @p0 .LBB2_4-.Ltmp2, $4  }
0x148: {  	[spmem:s4] =	stream.indirect.scatter.add.f32 [tilespmem:s31], [sflag:$0x2], $0x20, s6, s2, $0xb8;
	[tilespmem:$0x10690] =	vst v63  }
0x149: {  	_ =	swait.ge [sflag:s24], $0x1000  }
0x14a: {  	[sflag:s24] =	ssyncset.done $0x0  }
0x14b: {  	[sflag:s24] =	ssyncadd.s32 $0xFFFFF000  }
0x14c: {  	[bflag:$0x0] =	sbarrier.arrive $0xFFFF  }
0x14d: {  	[tilespmem:s30], [sflag:$0x2] =	stream.linear.gather [spmem:s11], $0x280, $0x38;
	[tilespmem:$0x10690] =	vst v63  }
0x14e: {  	_ =	swait.ge [sflag:s24], $0x280  }
0x14f: {  	[sflag:s24] =	ssyncset.done $0x0  }
0x150: {  	s6 =	rddreg [dreg:$0x9];
	[sflag:s24] =	ssyncadd.s32 $0xFFFFFD80  }
0x151: {  	[hbm4b:s6+s5] =	stream.linear.scatter [tilespmem:s30], [sflag:$0x2], $0x280, $0x38;
	[tilespmem:$0x10690] =	vst v63  }
0x152: {  	_ =	swait.ge [sflag:s24], $0x280  }
0x153: {  	[sflag:s24] =	ssyncset.done $0x0  }
0x154: {  	[sflag:s24] =	ssyncadd.s32 $0xFFFFFD80  }
0x155: {  	[tilespmem:s31], [sflag:$0x2] =	stream.linear.gather [spmem:s12], $0x1000, $0x38;
	[tilespmem:$0x10690] =	vst v63  }
0x156: {  	_ =	swait.ge [sflag:s24], $0x1000  }
0x157: {  	[sflag:s24] =	ssyncset.done $0x0  }
0x158: {  	[sflag:s24] =	ssyncadd.s32 $0xFFFFF000  }
0x159: {  	[hbm4b:s18+s5] =	stream.linear.scatter [tilespmem:s31], [sflag:$0x2], $0x1000, $0x38;
	[tilespmem:$0x10690] =	vst v63  }
0x15a: {  	_ =	swait.ge [sflag:s24], $0x1000  }
0x15b: {  	[sflag:s24] =	ssyncset.done $0x0  }
0x15c: {  	[sflag:s24] =	ssyncadd.s32 $0xFFFFF000  }
0x15d: {  	[tilespmem:s31], [sflag:$0x2] =	stream.linear.gather [spmem:s13], $0x1000, $0x38;
	[tilespmem:$0x10690] =	vst v63  }
0x15e: {  	_ =	swait.ge [sflag:s24], $0x1000  }
0x15f: {  	[sflag:s24] =	ssyncset.done $0x0  }
0x160: {  	[sflag:s24] =	ssyncadd.s32 $0xFFFFF000  }
0x161: {  	[hbm4b:s19+s5] =	stream.linear.scatter [tilespmem:s31], [sflag:$0x2], $0x1000, $0x38;
	[tilespmem:$0x10690] =	vst v63  }
0x162: {  	_ =	swait.ge [sflag:s24], $0x1000  }
0x163: {  	[sflag:s24] =	ssyncset.done $0x0  }
0x164: {  	[sflag:s24] =	ssyncadd.s32 $0xFFFFF000  }
0x165: {  	[tilespmem:s31], [sflag:$0x2] =	stream.linear.gather [spmem:s14], $0x1000, $0x38;
	[tilespmem:$0x10690] =	vst v63  }
0x166: {  	_ =	swait.ge [sflag:s24], $0x1000  }
0x167: {  	[sflag:s24] =	ssyncset.done $0x0  }
0x168: {  	[sflag:s24] =	ssyncadd.s32 $0xFFFFF000  }
0x169: {  	[hbm4b:s20+s5] =	stream.linear.scatter [tilespmem:s31], [sflag:$0x2], $0x1000, $0x38;
	[tilespmem:$0x10690] =	vst v63  }
0x16a: {  	_ =	swait.ge [sflag:s24], $0x1000  }
0x16b: {  	[sflag:s24] =	ssyncset.done $0x0  }
0x16c: {  	[sflag:s24] =	ssyncadd.s32 $0xFFFFF000  }
0x16d: {  	[tilespmem:s31], [sflag:$0x2] =	stream.linear.gather [spmem:s15], $0x1000, $0x38;
	[tilespmem:$0x10690] =	vst v63  }
0x16e: {  	_ =	swait.ge [sflag:s24], $0x1000  }
0x16f: {  	[sflag:s24] =	ssyncset.done $0x0  }
0x170: {  	[sflag:s24] =	ssyncadd.s32 $0xFFFFF000  }
0x171: {  	[hbm4b:s21+s5] =	stream.linear.scatter [tilespmem:s31], [sflag:$0x2], $0x1000, $0x38;
	[tilespmem:$0x10690] =	vst v63  }
0x172: {  	_ =	swait.ge [sflag:s24], $0x1000  }
0x173: {  	[sflag:s24] =	ssyncset.done $0x0  }
0x174: {  	[sflag:s24] =	ssyncadd.s32 $0xFFFFF000  }
0x175: {  	[tilespmem:s31], [sflag:$0x2] =	stream.linear.gather [spmem:s16], $0x1000, $0x38;
	[tilespmem:$0x10690] =	vst v63  }
0x176: {  	s26 =	sadd.s32 $0x1, s26;
	_ =	swait.ge [sflag:s24], $0x1000  }
0x177: {  	p0 =	sne.s32 s26, s23;
	[sflag:s24] =	ssyncset.done $0x0  }
.Ltmp3:
0x178: {  	[sflag:s24] =	ssyncadd.s32 $0xFFFFF000;
	(pc) =	sbr.rel @p0 .LBB2_1-.Ltmp3, $4  }
0x179: {  	[hbm4b:s22+s5] =	stream.linear.scatter [tilespmem:s31], [sflag:$0x2], $0x1000, $0x38;
	[tilespmem:$0x10690] =	vst v63  }
0x17a: {  	_ =	swait.ge [sflag:s24], $0x1000  }
0x17b: {  	[sflag:s24] =	ssyncset.done $0x0  }
0x17c: {  	[sflag:s24] =	ssyncadd.s32 $0xFFFFF000  }
0x17d: {  	_ =	sfence.sel $0x180000  }
0x17e: {  	[bflag:$0x0] =	sbarrier.arrive $0xFFFF  }
0x17f: {  	_ =	strace $0x9000004D  }
0x180: {  	s0 =	stileid.u32;
	[bflag:$0x2] =	sbarrier.arrive $0xFFFF  }
0x181: {  	p0 =	sne.s32 s0, $0x0;
	s0 =	rddreg [dreg:$0x4]  }
0x182: {  	s0 =	sadd.s32 @!p0 $0x100000, s0  }
0x183: {  	[sflag:s0] =	ssyncadd.tile.s32 @!p0 $0x1;
	_ =	shalt  }
.Lfunc_end2:
_tile_overlayer_lowered:
.L_overlay_start_2:
0x184: {  	(tag) =	ssettag $0x2  }
0x185: {  	s0 =	rddreg [dreg:$0x0];
	s2 =	stileid.u32  }
0x186: {  	s1 =	rddreg [dreg:$0x1];
	p0 =	sne.s32 s2, $0x0  }
0x187: {  	s3 =	rddreg [dreg:$0x2];
	[bflag:$0x3] =	sbarrier.arrive $0xFFFF;
	s2 =	simm.s32 @!p0 $0x1C02  }
0x188: {  	[timem:s3], [sflag:s2] =	dma.local @!p0 [hbm:s0], s1  }
0x189: {  	s0 =	simm.s32 @!p0 $0x2  }
0x18a: {  	_ =	swait.ge @!p0 [sflag:s0], s1  }
0x18b: {  	s1 =	ssub.s32 @!p0 $0x0, s1;
	[sflag:s0] =	ssyncset.done @!p0 $0x0  }
0x18c: {  	[sflag:s0] =	ssyncadd.s32 @!p0 s1  }
0x18d: {  	[bflag:$0x3] =	sbarrier.arrive $0xFFFF  }
0x18e: {  	_ =	shalt  }

// kernel: kernel.9.cloned.1.call-start
scs
__scs_entry_jumppad:
0x0: {  	(pc) =	sbr.rel $0x88, $3  }
0x1: {  	(tag) =	ssettag $0x0;
	lr =	simm.s32 $0x1  }
0x2: {  	[smem:$0x3F8A] =	sst lr;
	_ =	strace $0xD0000000  }
0x3: {  	_ = 	snop  }
0x4: {  	_ = 	snop  }
0x5: {  	_ = 	snop  }
0x6: {  	_ = 	snop  }
0x7: {  	_ = 	snop  }
__scs_overlays_trampoline_lowered:
0x8: {  	[smem:$0x3F99] =	sst s0  }
0x9: {  	[smem:$0x3F9A] =	sst s1  }
0xa: {  	[smem:$0x3F9B] =	sst s2  }
0xb: {  	[smem:$0x3F9C] =	sst s3  }
0xc: {  	[smem:$0x3F9D] =	sst s4  }
0xd: {  	[smem:$0x3F9E] =	sst s5  }
0xe: {  	[smem:$0x3F9F] =	sst s6  }
0xf: {  	[smem:$0x3FA0] =	sst s7  }
0x10: {  	[smem:$0x3FA1] =	sst s8  }
0x11: {  	[smem:$0x3FA2] =	sst s9;
	s0 =	simm.s32 @!p0 $0x0  }
0x12: {  	s1 =	sld [smem:$0x3F88];
	s0 =	simm.s32 @p0 $0x1  }
0x13: {  	[smem:$0x3FA3] =	sst s0;
	s0 =	simm.s32 @!p1 $0x0  }
0x14: {  	s2 =	sld [smem:$0x3F87];
	s0 =	simm.s32 @p1 $0x1  }
0x15: {  	[smem:$0x3FA4] =	sst s0;
	s0 =	simm.s32 @!p2 $0x0  }
0x16: {  	s3 =	sld [smem:$0x3FDB];
	s0 =	simm.s32 @p2 $0x1  }
0x17: {  	s4 =	simm.s32 $0x1BF5;
	[smem:$0x3FA6] =	sst s0  }
0x18: {  	s0 =	sld [smem:$0x3F89];
	_ =	swait.ge [sflag:s4], $0x0  }
0x19: {  	s7 =	sld [smem:$0x3F8A]  }
0x1a: {  	s8 =	sadd.s32 $0xFFFFE003, lr  }
0x1b: {  	s9 =	sadd.s32 $0xFFFFFEF7, lr;
	s5 =	simm.s32 $0xFFFFFFFF;
	p2 =	slt.u32 s8, $0xFFFFF086  }
0x1c: {  	p1 =	slt.u32 s9, $0xF7A;
	s5 =	simm.s32 @!p2 $0x0  }
0x1d: {  	s5 =	simm.s32 @p1 $0x1;
	p0 =	seq.s32 s7, s2  }
0x1e: {  	s7 =	smul.u32 @!p0 $0xF7A, s2;
	p2 =	seq.s32 @!p0 s5, $0x0  }
0x1f: {  	s9 =	smul.u32 $0xF7A, s1;
	s8 =	simm.s32 @!p0 $0x1BF5;
	p2 =	por !p2, p0  }
0x20: {  	[sflag:s8] =	ssyncset.s32 @!p0 $0xFFFFF086;
	s6 =	sadd.s32 @!p0 s3, s7;
	s7 =	simm.s32 @!p0 $0x108  }
0x21: {  	s3 =	sadd.s32 s3, s9;
	s6 =	sadd.s32 @!p0 $0x88, s6;
	s7 =	simm.s32 @p2 $0x1082  }
0x22: {  	[simem:s7], [sflag:s8] =	dma.local @!p0 [hbm:s6], $0xF7A  }
0x23: {  	s9 =	sor.u32 $0xD0000000, s2;
	s6 =	simm.s32 $0x108;
	_ =	swait.ge @!p0 [sflag:s8], $0x0  }
0x24: {  	s3 =	sadd.s32 $0x88, s3;
	s6 =	simm.s32 @!p1 $0x1082;
	[sflag:s4] =	ssyncset.s32 $0xFFFFF086  }
0x25: {  	[simem:s6], [sflag:s4] =	dma.local [hbm:s3], $0xF7A  }
0x26: {  	[smem:$0x3F8A] =	sst s1;
	(tag) =	ssettag s2;
	_ =	strace s9  }
0x27: {  	s1 =	sld [smem:$0x3F9A]  }
0x28: {  	s2 =	sld [smem:$0x3F9B]  }
0x29: {  	s4 =	sld [smem:$0x3F9D]  }
0x2a: {  	p0 =	seq.s32 s5, $0x0;
	s5 =	sld [smem:$0x3F9E]  }
0x2b: {  	s6 =	sld [smem:$0x3F9F]  }
0x2c: {  	s7 =	sld [smem:$0x3FA0]  }
0x2d: {  	s3 =	simm.s32 $0x108;
	s8 =	sld [smem:$0x3FA1]  }
0x2e: {  	s3 =	simm.s32 @!p0 $0x1082;
	s9 =	sld [smem:$0x3FA2]  }
0x2f: {  	lr =	sadd.s32 s0, s3;
	s0 =	sld [smem:$0x3F99]  }
0x30: {  	s3 =	sld [smem:$0x3F9C]  }
0x31: {  	[smem:$0x3FA5] =	sst s10  }
0x32: {  	s10 =	sld [smem:$0x3FA3];
	_ =	sdelay $0x3  }
0x33: {  	p0 =	seq.s32 s10, $0x1;
	s10 =	sld [smem:$0x3FA5];
	_ =	sdelay $0x3  }
0x34: {  	[smem:$0x3FA5] =	sst s10  }
0x35: {  	s10 =	sld [smem:$0x3FA4];
	_ =	sdelay $0x3  }
0x36: {  	p1 =	seq.s32 s10, $0x1;
	s10 =	sld [smem:$0x3FA5];
	_ =	sdelay $0x3  }
0x37: {  	[smem:$0x3FA5] =	sst s10  }
0x38: {  	s10 =	sld [smem:$0x3FA6]  }
0x39: {  	_ = 	snop;
	(pc) =	sbr.ind lr, $3  }
0x3a: {  	_ = 	snop  }
0x3b: {  	_ = 	snop  }
0x3c: {  	p2 =	seq.s32 s10, $0x1;
	s10 =	sld [smem:$0x3FA5]  }
0x3d: {  	_ =	shalt  }
0x3e: {  	_ =	shalt  }
0x3f: {  	_ =	shalt  }
0x40: {  	_ =	shalt  }
0x41: {  	_ =	shalt  }
0x42: {  	_ =	shalt  }
0x43: {  	_ =	shalt  }
0x44: {  	_ =	shalt  }
0x45: {  	_ =	shalt  }
0x46: {  	_ =	shalt  }
0x47: {  	_ =	shalt  }
0x48: {  	_ =	shalt  }
0x49: {  	_ =	shalt  }
0x4a: {  	_ =	shalt  }
0x4b: {  	_ =	shalt  }
0x4c: {  	_ =	shalt  }
0x4d: {  	_ =	shalt  }
0x4e: {  	_ =	shalt  }
0x4f: {  	_ =	shalt  }
0x50: {  	_ =	shalt  }
0x51: {  	_ =	shalt  }
0x52: {  	_ =	shalt  }
0x53: {  	_ =	shalt  }
0x54: {  	_ =	shalt  }
0x55: {  	_ =	shalt  }
0x56: {  	_ =	shalt  }
0x57: {  	_ =	shalt  }
0x58: {  	_ =	shalt  }
0x59: {  	_ =	shalt  }
0x5a: {  	_ =	shalt  }
0x5b: {  	_ =	shalt  }
0x5c: {  	_ =	shalt  }
0x5d: {  	_ =	shalt  }
0x5e: {  	_ =	shalt  }
0x5f: {  	_ =	shalt  }
0x60: {  	_ =	shalt  }
0x61: {  	_ =	shalt  }
0x62: {  	_ =	shalt  }
0x63: {  	_ =	shalt  }
0x64: {  	_ =	shalt  }
0x65: {  	_ =	shalt  }
0x66: {  	_ =	shalt  }
0x67: {  	_ =	shalt  }
0x68: {  	_ =	shalt  }
0x69: {  	_ =	shalt  }
0x6a: {  	_ =	shalt  }
0x6b: {  	_ =	shalt  }
0x6c: {  	_ =	shalt  }
0x6d: {  	_ =	shalt  }
0x6e: {  	_ =	shalt  }
0x6f: {  	_ =	shalt  }
0x70: {  	_ =	shalt  }
0x71: {  	_ =	shalt  }
0x72: {  	_ =	shalt  }
0x73: {  	_ =	shalt  }
0x74: {  	_ =	shalt  }
0x75: {  	_ =	shalt  }
0x76: {  	_ =	shalt  }
0x77: {  	_ =	shalt  }
0x78: {  	_ =	shalt  }
0x79: {  	_ =	shalt  }
0x7a: {  	_ =	shalt  }
0x7b: {  	_ =	shalt  }
0x7c: {  	_ =	shalt  }
0x7d: {  	_ =	shalt  }
0x7e: {  	_ =	shalt  }
0x7f: {  	_ =	shalt  }
0x80: {  	_ =	shalt  }
0x81: {  	_ =	shalt  }
0x82: {  	_ =	shalt  }
0x83: {  	_ =	shalt  }
0x84: {  	_ =	shalt  }
0x85: {  	_ =	shalt  }
0x86: {  	_ =	shalt  }
0x87: {  	_ =	shalt  }
.Lfunc_end0:
.L_simem_size_0:
called_computation_lowered:
.L_overlay_start_0:
0x88: {  	s2 =	sld [smem:$0x3FD9]  }
0x89: {  	s3 =	sld [smem:$0x3FFE];
	_ =	sdelay $0x1  }
0x8a: {  	s1 =	srdreg.scid  }
0x8b: {  	s0 =	sand.u32 $0x1, s1  }
0x8c: {  	s17 =	sshll.u32 s0, $0xA;
	s2 =	sadd.s32 s3, s2  }
0x8d: {  	s2 =	sadd.s32 s2, s17  }
0x8e: {  	[smem:$0x3FB1] =	sst s2  }
0x8f: {  	_ = 	snop  }
0x90: {  	s2 =	sld [smem:$0x3FD0];
	(tm) =	ssettm $0x1  }
0x91: {  	s18 =	sld [smem:$0x3FFB];
	_ =	sdelay $0x3  }
0x92: {  	_ =	strace s18  }
0x93: {  	s3 =	sld [smem:$0x3FFC];
	_ =	sdelay $0x3  }
0x94: {  	_ =	strace s3  }
0x95: {  	s3 =	sld [smem:$0x3FFD];
	_ =	sdelay $0x3  }
0x96: {  	_ =	strace s3  }
0x97: {  	_ =	strace $0x8FFFFFFF  }
0x98: {  	s19 =	sld [smem:$0x3FDB];
	_ =	sdelay $0x1  }
0x99: {  	s4 =	simm.s32 $_scs_section_size  }
0x9a: {  	s5 =	simm.s32 $_size__tile_overlayer_lowered;
	s6 =	simm.s32 $_tile_overlayer_lowered  }
0x9b: {  	s22 =	simm.s32 $0x1BFF;
	s21 =	sshll.u32 s6, $0x1;
	s3 =	sadd.s32 s4, s19  }
0x9c: {  	s7 =	simm.s32 $0x0;
	s20 =	sshll.u32 s5, $0x1;
	s5 =	sadd.s32 s21, s3  }
0x9d: {  	[timem:s7], [sflag:s22] =	dma.local [hbm:s5], s20  }
0x9e: {  	_ =	swait.ge [sflag:s22], s20  }
0x9f: {  	s4 =	ssub.s32 $0x0, s20;
	[sflag:s22] =	ssyncset.done $0x0  }
0xa0: {  	[sflag:s22] =	ssyncadd.s32 s4;
	_ =	sdelay $0x1  }
0xa1: {  	s23 =	simm.s32 $0x1B8B  }
0xa2: {  	_ =	swait.ge [sflag:s23], $0x1  }
0xa3: {  	[sflag:s23] =	ssyncset.done $0x0  }
0xa4: {  	s25 =	simm.s32 $0x1B8E;
	s24 =	sld [smem:$0x3FFE];
	[sflag:s23] =	ssyncadd.s32 $0xFFFFFFFF  }
0xa5: {  	s26 =	simm.s32 $execute0_lowered;
	[smem:$0x3FD2] =	sst s25  }
0xa6: {  	s5 =	sshll.u32 s26, $0x1;
	_ =	strace $0x80000046;
	[dreg:$0x1] =	wrdreg $0xFFFFFFFF  }
0xa7: {  	s28 =	simm.s32 $_size_execute0_lowered;
	s3 =	sadd.s32 s3, s5;
	[dreg:$0x0] =	wrdreg $0x0  }
0xa8: {  	s5 =	sshll.u32 s28, $0x1;
	[dreg:$0x2] =	wrdreg s3  }
0xa9: {  	[dreg:$0x3] =	wrdreg s5  }
0xaa: {  	[dreg:$0x4] =	wrdreg $0xC0  }
0xab: {  	_ =	task [dreg:s7], $0x5FFFF  }
0xac: {  	[dreg:$0x1] =	wrdreg $0xFFFFFFFF  }
0xad: {  	[dreg:$0x0] =	wrdreg $0x60  }
0xae: {  	[dreg:$0x2] =	wrdreg s24  }
0xaf: {  	[dreg:$0x3] =	wrdreg s2  }
0xb0: {  	[dreg:$0x4] =	wrdreg $0x104100  }
0xb1: {  	[dreg:$0x5] =	wrdreg $0xB4100  }
0xb2: {  	[dreg:$0x6] =	wrdreg $0x9  }
0xb3: {  	_ =	task.clear_ibuf [dreg:s7], $0x7FFFF;
	_ =	strace $0x90000046  }
0xb4: {  	s29 =	simm.s32 $0x9;
	_ =	strace $0x80000048  }
0xb5: {  	_ =	swait.ge [sflag:s29], $0x1  }
0xb6: {  	[sflag:s29] =	ssyncadd.s32 $0xFFFFFFFF  }
0xb7: {  	_ =	strace $0x90000048  }
0xb8: {  	_ =	sfence  }
0xb9: {  	s30 =	sld [smem:$0x0];
	_ =	sdelay $0x2  }
0xba: {  	s31 =	sshll.u32 s1, $0xD;
	s1 =	sshrl.u32 s1, $0x2  }
0xbb: {  	s3 =	sand.u32 $0x4000, s31;
	s1 =	sadd.s32 s1, s30  }
0xbc: {  	s0 =	sor.u32 s3, s0;
	s1 =	sshll.u32 s1, $0x11  }
0xbd: {  	s0 =	sor.u32 s1, s0  }
0xbe: {  	s0 =	sadd.s32 $0x8F2B, s0  }
0xbf: {  	[sflag:s0] =	ssyncadd.remote.s32 $0x1  }
0xc0: {  	_ =	sfence.sel $0xFFFF  }
0xc1: {  	[dreg:$0x0] =	wrdreg $0xFFFFFFFF;
	(pc) =	sbr.abs _section_cstart, $3  }
0xc2: {  	[dreg:$0x1] =	wrdreg $0xFFFFFFFF  }
0xc3: {  	_ =	task.clear_ibuf [dreg:s7], $0x2FFFF;
	_ =	strace $0x9FFFFFFF  }
0xc4: {  	(tm) =	ssettm $0x7FFFFFFF  }
0xc5: {  	_ =	shalt  }
tec
execute0_lowered:
.L_overlay_start_1:
0x0: {  	(tag) =	ssettag $0x1  }
0x1: {  	s0 =	rddreg [dreg:$0x0];
	s1 =	srdreg.scid  }
0x2: {  	s11 =	stileid.u32;
	s3 =	rddreg [dreg:$0x2]  }
0x3: {  	s4 =	rddreg [dreg:$0x3];
	s5 =	simm.s32 $0x0;
	s30 =	simm.s32 $0xB190  }
0x4: {  	s31 =	simm.s32 $0xA190;
	s28 =	simm.s32 $0x0;
	s1 =	sand.u32 $0x1, s1  }
0x5: {  	s2 =	sshll.u32 s11, $0x1;
	s6 =	smul.u32 $0x280, s11;
	[smem:$0x7FF] =	sst s5  }
0x6: {  	s8 =	sadd.s32 $0x20800, s0;
	s20 =	sadd.s32 $0x20200, s0;
	s9 =	sadd.s32 $0x20E00, s0  }
0x7: {  	s16 =	smul.u32 $0x5000, s11;
	_ =	strace $0x80000047;
	[dreg:$0x5] =	wrdreg s8  }
0x8: {  	s2 =	sor.u32 s1, s2;
	s7 =	smul.u32 $0x2800, s1;
	[dreg:$0x6] =	wrdreg s20  }
0x9: {  	s8 =	sadd.s32 $0x16200, s0;
	s10 =	ssub.s32 $0x2, s1;
	s1 =	smul.u32 $0x50000, s1  }
0xa: {  	s2 =	smul.u32 $0x510, s2;
	s21 =	sshrl.u32 s10, $0x1;
	s11 =	sadd.s32 s6, s3  }
0xb: {  	s12 =	sadd.s32 s16, s4;
	s23 =	sadd.s32 $0x1000, s16;
	s24 =	sadd.s32 $0x2000, s16  }
0xc: {  	s25 =	sadd.s32 $0x3000, s16;
	s20 =	sadd.s32 $0x4000, s16;
	s7 =	sadd.s32 s6, s7  }
0xd: {  	s13 =	sadd.s32 s23, s4;
	s14 =	sadd.s32 s24, s4;
	s15 =	sadd.s32 s25, s4  }
0xe: {  	s17 =	sadd.s32 s16, s1;
	s16 =	sadd.s32 s20, s4;
	s26 =	sadd.s32 s1, s24  }
0xf: {  	s29 =	sadd.s32 s1, s25;
	s24 =	simm.s32 $0x2;
	s25 =	simm.s32 $0x2800  }
0x10: {  	s2 =	sadd.s32 s2, s0;
	s7 =	sshrl.u32 s7, $0x3;
	s18 =	sshrl.u32 s17, $0x3  }
0x11: {  	s0 =	sadd.s32 s7, s0;
	s7 =	ssub.s32 s10, s21;
	s22 =	sadd.s32 $0xC000, s2  }
0x12: {  	s2 =	sadd.s32 $0x1E00, s2;
	s18 =	sadd.s32 s9, s18;
	[dreg:$0x7] =	wrdreg s22  }
0x13: {  	[dreg:$0x8] =	wrdreg s2;
	s2 =	sadd.s32 s1, s23;
	s0 =	sadd.s32 $0x34E00, s0  }
0x14: {  	s1 =	sadd.s32 s1, s20;
	s23 =	smax.u32 s7, $0x1;
	s2 =	sshrl.u32 s2, $0x3  }
0x15: {  	[dreg:$0x9] =	wrdreg s0;
	s0 =	sshrl.u32 s26, $0x3;
	s1 =	sshrl.u32 s1, $0x3  }
0x16: {  	s26 =	simm.s32 $0x0;
	s19 =	sadd.s32 s9, s2;
	s2 =	sshrl.u32 s29, $0x3  }
0x17: {  	s20 =	sadd.s32 s9, s0;
	s22 =	sadd.s32 s9, s1;
	s0 =	simm.s32 $0x1  }
0x18: {  	v0 =	vimm.f32 $0.0e+00;
	s1 =	simm.s32 $0xA110;
	s21 =	sadd.s32 s9, s2;
	s2 =	simm.s32 $0x80  }
.LBB2_1:
0x19: {  	s6 =	simm.s32 $0x80;
	s7 =	simm.s32 $0x0  }
.LBB2_2:
0x1a: {  	p0 =	sne.s32 s6, $0x3F80;
	[tilespmem:s7+$0xA190] =	vst v0;
	s9 =	smov.u32 s6;
	s6 =	sadd.s32 $0x80, s6  }
.Ltmp0:
0x1b: {  	[tilespmem:s7+$0xA1A0] =	vst v0;
	(pc) =	sbr.rel @p0 .LBB2_2-.Ltmp0, $2  }
0x1c: {  	_ =	sdelay $0x2  }
0x1d: {  	s7 =	sshra.s32 s9, $0x2  }
0x1e: {  	[tilespmem:s7+$0xA190] =	vst v0  }
0x1f: {  	[tilespmem:s7+$0xA1A0] =	vst v0  }
0x20: {  	[tilespmem:$0xB190] =	vst v0  }
0x21: {  	[tilespmem:$0xB1A0] =	vst v0  }
0x22: {  	[tilespmem:$0xB1B0] =	vst v0  }
0x23: {  	[tilespmem:$0xB1C0] =	vst v0  }
0x24: {  	[tilespmem:$0xB1D0] =	vst v0  }
0x25: {  	[tilespmem:$0xB1E0] =	vst v0  }
0x26: {  	[tilespmem:$0xB1F0] =	vst v0  }
0x27: {  	[tilespmem:$0xB200] =	vst v0  }
0x28: {  	[tilespmem:$0xB210] =	vst v0  }
0x29: {  	[tilespmem:$0xB220] =	vst v0  }
0x2a: {  	[tilespmem:$0xB230] =	vst v0  }
0x2b: {  	[tilespmem:$0xB240] =	vst v0  }
0x2c: {  	[tilespmem:$0xB250] =	vst v0  }
0x2d: {  	[tilespmem:$0xB260] =	vst v0  }
0x2e: {  	[tilespmem:$0xB270] =	vst v0  }
0x2f: {  	[tilespmem:$0xB280] =	vst v0  }
0x30: {  	[tilespmem:$0xB290] =	vst v0  }
0x31: {  	[tilespmem:$0xB2A0] =	vst v0  }
0x32: {  	[tilespmem:$0xB2B0] =	vst v0  }
0x33: {  	[tilespmem:$0xB2C0] =	vst v0  }
0x34: {  	[tilespmem:$0xB2D0] =	vst v0  }
0x35: {  	[tilespmem:$0xB2E0] =	vst v0  }
0x36: {  	[tilespmem:$0xB2F0] =	vst v0  }
0x37: {  	[tilespmem:$0xB300] =	vst v0  }
0x38: {  	[tilespmem:$0xB310] =	vst v0  }
0x39: {  	[tilespmem:$0xB320] =	vst v0  }
0x3a: {  	[tilespmem:$0xB330] =	vst v0  }
0x3b: {  	[tilespmem:$0xB340] =	vst v0  }
0x3c: {  	[tilespmem:$0xB350] =	vst v0  }
0x3d: {  	[tilespmem:$0xB360] =	vst v0  }
0x3e: {  	[tilespmem:$0xB370] =	vst v0  }
0x3f: {  	[tilespmem:$0xB380] =	vst v0  }
0x40: {  	[tilespmem:$0xB390] =	vst v0  }
0x41: {  	[tilespmem:$0xB3A0] =	vst v0  }
0x42: {  	[tilespmem:$0xB3B0] =	vst v0  }
0x43: {  	[tilespmem:$0xB3C0] =	vst v0  }
0x44: {  	[tilespmem:$0xB3D0] =	vst v0  }
0x45: {  	[tilespmem:$0xB3E0] =	vst v0  }
0x46: {  	[tilespmem:$0xB3F0] =	vst v0  }
0x47: {  	s6 =	rddreg [dreg:$0x5];
	[tilespmem:$0xB400] =	vst v0  }
0x48: {  	[tilespmem:s28], [sflag:$0x2] =	stream.linear.gather [hbm4b:s6+s28], $0x2800, $0x38;
	[tilespmem:$0x10690] =	vst v63  }
0x49: {  	_ =	swait.ge [sflag:s24], $0x2800  }
0x4a: {  	[sflag:s24] =	ssyncset.done $0x0  }
0x4b: {  	s9 =	rddreg [dreg:$0x6];
	[sflag:s24] =	ssyncadd.s32 $0xFFFFD800  }
0x4c: {  	[tilespmem:s25], [sflag:$0x2] =	stream.linear.gather [hbm4b:s9+s28], $0x2800, $0x38;
	[tilespmem:$0x10690] =	vst v63  }
0x4d: {  	_ =	swait.ge [sflag:s24], $0x2800  }
0x4e: {  	[sflag:s24] =	ssyncset.done $0x0  }
0x4f: {  	[sflag:s24] =	ssyncadd.s32 $0xFFFFD800  }
0x50: {  	s17 =	simm.s32 $0x5000;
	s10 =	rddreg [dreg:$0x1]  }
0x51: {  	[tilespmem:s17], [sflag:$0x2] =	stream.linear.gather [hbm4b:s10+s28], $0x10, $0x38;
	[tilespmem:$0x10690] =	vst v63  }
0x52: {  	_ =	swait.ge [sflag:s24], $0x10  }
0x53: {  	[sflag:s24] =	ssyncset.done $0x0  }
0x54: {  	s9 =	simm.s32 $0x5010;
	s7 =	rddreg [dreg:$0x7];
	[sflag:s24] =	ssyncadd.s32 $0xFFFFFFF0  }
0x55: {  	[tilespmem:s9], [sflag:$0x2] =	stream.linear.gather [hbm4b:s7+s28], $0x2880, $0x38;
	[tilespmem:$0x10690] =	vst v63  }
0x56: {  	_ =	swait.ge [sflag:s24], $0x2880  }
0x57: {  	[sflag:s24] =	ssyncset.done $0x0  }
0x58: {  	s17 =	simm.s32 $0x7890;
	s10 =	rddreg [dreg:$0x8];
	[sflag:s24] =	ssyncadd.s32 $0xFFFFD780  }
0x59: {  	[tilespmem:s17], [sflag:$0x2] =	stream.linear.gather [hbm4b:s10+s28], $0x2880, $0x38;
	[tilespmem:$0x10690] =	vst v63  }
0x5a: {  	_ =	swait.ge [sflag:s24], $0x2880  }
0x5b: {  	[sflag:s24] =	ssyncset.done $0x0  }
0x5c: {  	[sflag:s24] =	ssyncadd.s32 $0xFFFFD780  }
0x5d: {  	[spmem:s11] =	stream.linear.scatter [tilespmem:s30], [sflag:$0x2], $0x280, $0x38;
	[tilespmem:$0x10690] =	vst v63  }
0x5e: {  	_ =	swait.ge [sflag:s24], $0x280  }
0x5f: {  	[sflag:s24] =	ssyncset.done $0x0  }
0x60: {  	[sflag:s24] =	ssyncadd.s32 $0xFFFFFD80  }
0x61: {  	[spmem:s12] =	stream.linear.scatter [tilespmem:s31], [sflag:$0x2], $0x1000, $0x38;
	[tilespmem:$0x10690] =	vst v63  }
0x62: {  	_ =	swait.ge [sflag:s24], $0x1000  }
0x63: {  	[sflag:s24] =	ssyncset.done $0x0  }
0x64: {  	[sflag:s24] =	ssyncadd.s32 $0xFFFFF000  }
0x65: {  	[spmem:s13] =	stream.linear.scatter [tilespmem:s31], [sflag:$0x2], $0x1000, $0x38;
	[tilespmem:$0x10690] =	vst v63  }
0x66: {  	_ =	swait.ge [sflag:s24], $0x1000  }
0x67: {  	[sflag:s24] =	ssyncset.done $0x0  }
0x68: {  	[sflag:s24] =	ssyncadd.s32 $0xFFFFF000  }
0x69: {  	[spmem:s14] =	stream.linear.scatter [tilespmem:s31], [sflag:$0x2], $0x1000, $0x38;
	[tilespmem:$0x10690] =	vst v63  }
0x6a: {  	_ =	swait.ge [sflag:s24], $0x1000  }
0x6b: {  	[sflag:s24] =	ssyncset.done $0x0  }
0x6c: {  	[sflag:s24] =	ssyncadd.s32 $0xFFFFF000  }
0x6d: {  	[spmem:s15] =	stream.linear.scatter [tilespmem:s31], [sflag:$0x2], $0x1000, $0x38;
	[tilespmem:$0x10690] =	vst v63  }
0x6e: {  	_ =	swait.ge [sflag:s24], $0x1000  }
0x6f: {  	[sflag:s24] =	ssyncset.done $0x0  }
0x70: {  	[sflag:s24] =	ssyncadd.s32 $0xFFFFF000  }
0x71: {  	[spmem:s16] =	stream.linear.scatter [tilespmem:s31], [sflag:$0x2], $0x1000, $0x38;
	[tilespmem:$0x10690] =	vst v63  }
0x72: {  	_ =	swait.ge [sflag:s24], $0x1000  }
0x73: {  	[sflag:s24] =	ssyncset.done $0x0  }
0x74: {  	[sflag:s24] =	ssyncadd.s32 $0xFFFFF000  }
0x75: {  	[bflag:$0x0] =	sbarrier.arrive $0xFFFF  }
0x76: {  	s29 =	simm.s32 $0x0;
	v1 =	vld [tilespmem:$0x5000]  }
.LBB2_4:
0x77: {  	s6 =	sshll.u32 s29, $0x7  }
0x78: {  	s7 =	sadd.s32 $0x5010, s6  }
0x79: {  	[tilespmem:s31], [sflag:$0x1] =	stream.indirect.gather [hbm4b:s8+s2], $0x20, s7, s2, $0xb8;
	[tilespmem:$0x10690] =	vst v63  }
0x7a: {  	v2 =	vld [tilespmem:s6+$0x5010]  }
0x7b: {  	v3 =	vld [tilespmem:s6+$0x7890];
	_ =	sdelay $0x6  }
0x7c: {  	v2 =	vld.idx.msk [tilespmem:v2+s28+$0x0], $0xffff  }
0x7d: {  	v3 =	vld.idx.msk [tilespmem:v3+s25+$0x0], $0xffff;
	_ =	sdelay $0x4  }
0x7e: {  	v2 =	vadd.f32 v3, v2;
	_ =	sdelay $0x1  }
0x7f: {  	v3 =	vmul.f32 $2.000000030e-01, v2;
	_ =	sdelay $0x1  }
0x80: {  	v2 =	vmax.f32 v2, v3  }
0x81: {  	v2 =	vsub.f32 v2, v1;
	_ =	sdelay $0x1  }
0x82: {  	v2 =	vmul.f32 $1.442695020e+00, v2;
	_ =	sdelay $0x1  }
0x83: {  	(erf) = vpow2.f32 v2;
	_ =	sdelay $0x8  }
0x84: {  	v2 =	vpop (erf)  }
0x85: {  	[tilespmem:$0xA110] =	vst v2  }
0x86: {  	v2 =	vld [tilespmem:s6+$0x5020]  }
0x87: {  	v3 =	vld [tilespmem:s6+$0x78A0];
	_ =	sdelay $0x6  }
0x88: {  	v2 =	vld.idx.msk [tilespmem:v2+s28+$0x0], $0xffff  }
0x89: {  	v3 =	vld.idx.msk [tilespmem:v3+s25+$0x0], $0xffff;
	_ =	sdelay $0x4  }
0x8a: {  	v2 =	vadd.f32 v3, v2;
	_ =	sdelay $0x1  }
0x8b: {  	v3 =	vmul.f32 $2.000000030e-01, v2;
	_ =	sdelay $0x1  }
0x8c: {  	v2 =	vmax.f32 v2, v3  }
0x8d: {  	v2 =	vsub.f32 v2, v1;
	_ =	sdelay $0x1  }
0x8e: {  	v2 =	vmul.f32 $1.442695020e+00, v2;
	_ =	sdelay $0x1  }
0x8f: {  	(erf) = vpow2.f32 v2;
	_ =	sdelay $0x8  }
0x90: {  	v2 =	vpop (erf)  }
0x91: {  	[tilespmem:$0xA120] =	vst v2  }
0x92: {  	v2 =	vld [tilespmem:s6+$0x5030]  }
0x93: {  	v3 =	vld [tilespmem:s6+$0x78B0];
	_ =	sdelay $0x6  }
0x94: {  	v2 =	vld.idx.msk [tilespmem:v2+s28+$0x0], $0xffff  }
0x95: {  	v3 =	vld.idx.msk [tilespmem:v3+s25+$0x0], $0xffff;
	_ =	sdelay $0x4  }
0x96: {  	v2 =	vadd.f32 v3, v2;
	_ =	sdelay $0x1  }
0x97: {  	v3 =	vmul.f32 $2.000000030e-01, v2;
	_ =	sdelay $0x1  }
0x98: {  	v2 =	vmax.f32 v2, v3  }
0x99: {  	v2 =	vsub.f32 v2, v1;
	_ =	sdelay $0x1  }
0x9a: {  	v2 =	vmul.f32 $1.442695020e+00, v2;
	_ =	sdelay $0x1  }
0x9b: {  	(erf) = vpow2.f32 v2;
	_ =	sdelay $0x8  }
0x9c: {  	v2 =	vpop (erf)  }
0x9d: {  	[tilespmem:$0xA130] =	vst v2  }
0x9e: {  	v2 =	vld [tilespmem:s6+$0x5040]  }
0x9f: {  	v3 =	vld [tilespmem:s6+$0x78C0];
	_ =	sdelay $0x6  }
0xa0: {  	v2 =	vld.idx.msk [tilespmem:v2+s28+$0x0], $0xffff  }
0xa1: {  	v3 =	vld.idx.msk [tilespmem:v3+s25+$0x0], $0xffff;
	_ =	sdelay $0x4  }
0xa2: {  	v2 =	vadd.f32 v3, v2;
	_ =	sdelay $0x1  }
0xa3: {  	v3 =	vmul.f32 $2.000000030e-01, v2;
	_ =	sdelay $0x1  }
0xa4: {  	v2 =	vmax.f32 v2, v3  }
0xa5: {  	v2 =	vsub.f32 v2, v1;
	_ =	sdelay $0x1  }
0xa6: {  	v2 =	vmul.f32 $1.442695020e+00, v2;
	_ =	sdelay $0x1  }
0xa7: {  	(erf) = vpow2.f32 v2;
	_ =	sdelay $0x8  }
0xa8: {  	v2 =	vpop (erf)  }
0xa9: {  	[tilespmem:$0xA140] =	vst v2  }
0xaa: {  	v2 =	vld [tilespmem:s6+$0x5050]  }
0xab: {  	v3 =	vld [tilespmem:s6+$0x78D0];
	_ =	sdelay $0x6  }
0xac: {  	v2 =	vld.idx.msk [tilespmem:v2+s28+$0x0], $0xffff  }
0xad: {  	v3 =	vld.idx.msk [tilespmem:v3+s25+$0x0], $0xffff;
	_ =	sdelay $0x4  }
0xae: {  	v2 =	vadd.f32 v3, v2;
	_ =	sdelay $0x1  }
0xaf: {  	v3 =	vmul.f32 $2.000000030e-01, v2;
	_ =	sdelay $0x1  }
0xb0: {  	v2 =	vmax.f32 v2, v3  }
0xb1: {  	v2 =	vsub.f32 v2, v1;
	_ =	sdelay $0x1  }
0xb2: {  	v2 =	vmul.f32 $1.442695020e+00, v2;
	_ =	sdelay $0x1  }
0xb3: {  	(erf) = vpow2.f32 v2;
	_ =	sdelay $0x8  }
0xb4: {  	v2 =	vpop (erf)  }
0xb5: {  	[tilespmem:$0xA150] =	vst v2  }
0xb6: {  	v2 =	vld [tilespmem:s6+$0x5060]  }
0xb7: {  	v3 =	vld [tilespmem:s6+$0x78E0];
	_ =	sdelay $0x6  }
0xb8: {  	v2 =	vld.idx.msk [tilespmem:v2+s28+$0x0], $0xffff  }
0xb9: {  	v3 =	vld.idx.msk [tilespmem:v3+s25+$0x0], $0xffff;
	_ =	sdelay $0x4  }
0xba: {  	v2 =	vadd.f32 v3, v2;
	_ =	sdelay $0x1  }
0xbb: {  	v3 =	vmul.f32 $2.000000030e-01, v2;
	_ =	sdelay $0x1  }
0xbc: {  	v2 =	vmax.f32 v2, v3  }
0xbd: {  	v2 =	vsub.f32 v2, v1;
	_ =	sdelay $0x1  }
0xbe: {  	v2 =	vmul.f32 $1.442695020e+00, v2;
	_ =	sdelay $0x1  }
0xbf: {  	(erf) = vpow2.f32 v2;
	_ =	sdelay $0x8  }
0xc0: {  	v2 =	vpop (erf)  }
0xc1: {  	[tilespmem:$0xA160] =	vst v2  }
0xc2: {  	v2 =	vld [tilespmem:s6+$0x5070]  }
0xc3: {  	v3 =	vld [tilespmem:s6+$0x78F0];
	_ =	sdelay $0x6  }
0xc4: {  	v2 =	vld.idx.msk [tilespmem:v2+s28+$0x0], $0xffff  }
0xc5: {  	v3 =	vld.idx.msk [tilespmem:v3+s25+$0x0], $0xffff;
	_ =	sdelay $0x4  }
0xc6: {  	v2 =	vadd.f32 v3, v2;
	_ =	sdelay $0x1  }
0xc7: {  	v3 =	vmul.f32 $2.000000030e-01, v2;
	_ =	sdelay $0x1  }
0xc8: {  	v2 =	vmax.f32 v2, v3  }
0xc9: {  	v2 =	vsub.f32 v2, v1;
	_ =	sdelay $0x1  }
0xca: {  	v2 =	vmul.f32 $1.442695020e+00, v2;
	_ =	sdelay $0x1  }
0xcb: {  	(erf) = vpow2.f32 v2;
	_ =	sdelay $0x8  }
0xcc: {  	v2 =	vpop (erf)  }
0xcd: {  	[tilespmem:$0xA170] =	vst v2  }
0xce: {  	v2 =	vld [tilespmem:s6+$0x5080]  }
0xcf: {  	v3 =	vld [tilespmem:s6+$0x7900];
	_ =	sdelay $0x6  }
0xd0: {  	v2 =	vld.idx.msk [tilespmem:v2+s28+$0x0], $0xffff  }
0xd1: {  	v3 =	vld.idx.msk [tilespmem:v3+s25+$0x0], $0xffff;
	_ =	sdelay $0x4  }
0xd2: {  	v2 =	vadd.f32 v3, v2;
	_ =	sdelay $0x1  }
0xd3: {  	v3 =	vmul.f32 $2.000000030e-01, v2;
	_ =	sdelay $0x1  }
0xd4: {  	v2 =	vmax.f32 v2, v3  }
0xd5: {  	v2 =	vsub.f32 v2, v1;
	_ =	sdelay $0x1  }
0xd6: {  	v2 =	vmul.f32 $1.442695020e+00, v2;
	_ =	sdelay $0x1  }
0xd7: {  	(erf) = vpow2.f32 v2;
	_ =	sdelay $0x5  }
0xd8: {  	v2 =	vmov s28  }
0xd9: {  	v2 =	vand.u32 $0xFFFFFFFC, v2  }
0xda: {  	v2 =	vbroadcast v2, $0x0  }
0xdb: {  	v3 =	vpop (erf)  }
0xdc: {  	[tilespmem:$0xA180] =	vst v3  }
0xdd: {  	_ =	swait.ge [sflag:s0], $0x1000  }
0xde: {  	[sflag:s0] =	ssyncset.done $0x0  }
0xdf: {  	[sflag:s0] =	ssyncadd.s32 $0xFFFFF000  }
0xe0: {  	s7 =	simm.s32 $0xA1D0;
	v2 =	vld.idx.msk [tilespmem:v2+s1+$0x0], $0xffff  }
0xe1: {  	s9 =	simm.s32 $0x1;
	v3 =	vld [tilespmem:s7+$0xFFFFFFC0]  }
0xe2: {  	v5 =	vmov s9;
	v4 =	vld [tilespmem:s7+$0xFFFFFFD0]  }
0xe3: {  	v5 =	vand.u32 $0xFFFFFFFD, v5  }
0xe4: {  	v5 =	vbroadcast v5, $0x0;
	_ =	sdelay $0x1  }
0xe5: {  	v3 =	vmul.f32 v3, v2  }
0xe6: {  	v2 =	vmul.f32 v4, v2  }
0xe7: {  	[tilespmem:s7+$0xFFFFFFC0] =	vst v3  }
0xe8: {  	[tilespmem:s7+$0xFFFFFFD0] =	vst v2;
	v3 =	vld [tilespmem:s7+$0xFFFFFFE0]  }
0xe9: {  	s10 =	simm.s32 $0x2;
	v2 =	vld.idx.msk [tilespmem:v5+s1+$0x0], $0xffff  }
0xea: {  	v4 =	vld [tilespmem:s7+$0xFFFFFFF0];
	v5 =	vmov s10  }
0xeb: {  	v5 =	vand.u32 $0xFFFFFFFE, v5  }
0xec: {  	v5 =	vbroadcast v5, $0x0;
	_ =	sdelay $0x1  }
0xed: {  	v3 =	vmul.f32 v3, v2  }
0xee: {  	v2 =	vmul.f32 v4, v2  }
0xef: {  	[tilespmem:s7+$0xFFFFFFE0] =	vst v3  }
0xf0: {  	[tilespmem:s7+$0xFFFFFFF0] =	vst v2;
	v2 =	vld [tilespmem:s7+$0x10]  }
0xf1: {  	v3 =	vld.idx.msk [tilespmem:v5+s1+$0x0], $0xffff  }
0xf2: {  	v4 =	vld [tilespmem:s7+$0x0];
	_ =	sdelay $0x1  }
0xf3: {  	s17 =	simm.s32 $0x3  }
0xf4: {  	v5 =	vmov s17  }
0xf5: {  	v2 =	vmul.f32 v2, v3  }
0xf6: {  	v3 =	vmul.f32 v4, v3  }
0xf7: {  	[tilespmem:s7+$0x10] =	vst v2  }
0xf8: {  	[tilespmem:s7+$0x0] =	vst v3;
	v2 =	vld [tilespmem:s7+$0x30]  }
0xf9: {  	v3 =	vld.idx.msk [tilespmem:v5+s1+$0x0], $0xffff  }
0xfa: {  	s9 =	simm.s32 $0x4;
	v5 =	vld [tilespmem:s7+$0x20]  }
0xfb: {  	v4 =	vmov s9  }
0xfc: {  	v4 =	vand.u32 $0xFFFFFFFC, v4  }
0xfd: {  	s6 =	sadd.s32 $0x7890, s6;
	s10 =	simm.s32 $0x8;
	v4 =	vbroadcast v4, $0x0  }
.LBB2_5:
0xfe: {  	p0 =	sne.s32 s10, $0x7C  }
0xff: {  	v2 =	vmul.f32 v2, v3;
	v5 =	vmul.f32 v5, v3;
	_ =	sdelay $0x1  }
0x100: {  	[tilespmem:s7+$0x20] =	vst v5  }
0x101: {  	[tilespmem:s7+$0x30] =	vst v2  }
0x102: {  	s7 =	sadd.s32 $0x80, s7;
	v2 =	vld.idx.msk [tilespmem:v4+s1+$0x0], $0xffff  }
0x103: {  	s17 =	sadd.s32 $0x1, s9;
	v3 =	vld [tilespmem:s7+$0xFFFFFFC0]  }
0x104: {  	v5 =	vmov s17;
	v4 =	vld [tilespmem:s7+$0xFFFFFFD0]  }
0x105: {  	v5 =	vand.u32 $0xFFFFFFFD, v5  }
0x106: {  	v5 =	vbroadcast v5, $0x0;
	_ =	sdelay $0x1  }
0x107: {  	v3 =	vmul.f32 v3, v2  }
0x108: {  	v2 =	vmul.f32 v4, v2  }
0x109: {  	[tilespmem:s7+$0xFFFFFFC0] =	vst v3  }
0x10a: {  	[tilespmem:s7+$0xFFFFFFD0] =	vst v2  }
0x10b: {  	v2 =	vld.idx.msk [tilespmem:v5+s1+$0x0], $0xffff  }
0x10c: {  	s17 =	sadd.s32 $0x2, s9;
	v3 =	vld [tilespmem:s7+$0xFFFFFFE0]  }
0x10d: {  	v5 =	vmov s17;
	v4 =	vld [tilespmem:s7+$0xFFFFFFF0]  }
0x10e: {  	v5 =	vand.u32 $0xFFFFFFFE, v5  }
0x10f: {  	v5 =	vbroadcast v5, $0x0;
	_ =	sdelay $0x1  }
0x110: {  	v3 =	vmul.f32 v3, v2  }
0x111: {  	v2 =	vmul.f32 v4, v2  }
0x112: {  	[tilespmem:s7+$0xFFFFFFE0] =	vst v3  }
0x113: {  	[tilespmem:s7+$0xFFFFFFF0] =	vst v2;
	v2 =	vld [tilespmem:s7+$0x10]  }
0x114: {  	v3 =	vld.idx.msk [tilespmem:v5+s1+$0x0], $0xffff  }
0x115: {  	v4 =	vld [tilespmem:s7+$0x0];
	_ =	sdelay $0x2  }
0x116: {  	s17 =	sadd.s32 $0x3, s9;
	s9 =	smov.u32 s10  }
0x117: {  	v5 =	vmov s17  }
0x118: {  	v2 =	vmul.f32 v2, v3;
	v4 =	vmul.f32 v4, v3;
	_ =	sdelay $0x1  }
0x119: {  	[tilespmem:s7+$0x10] =	vst v2  }
0x11a: {  	[tilespmem:s7+$0x0] =	vst v4;
	v2 =	vld [tilespmem:s7+$0x30]  }
.Ltmp1:
0x11b: {  	v3 =	vld.idx.msk [tilespmem:v5+s1+$0x0], $0xffff;
	(pc) =	sbr.rel @p0 .LBB2_5-.Ltmp1, $4  }
0x11c: {  	v5 =	vld [tilespmem:s7+$0x20]  }
0x11d: {  	v4 =	vmov s10  }
0x11e: {  	v4 =	vand.u32 $0xFFFFFFFC, v4  }
0x11f: {  	s10 =	sadd.s32 $0x4, s10;
	v4 =	vbroadcast v4, $0x0  }
0x120: {  	_ = 	snop  }
0x121: {  	v2 =	vmul.f32 v2, v3  }
0x122: {  	v5 =	vmul.f32 v5, v3  }
0x123: {  	[tilespmem:s7+$0x30] =	vst v2  }
0x124: {  	[tilespmem:s7+$0x20] =	vst v5  }
0x125: {  	s7 =	sadd.s32 $0x80, s7;
	v2 =	vld.idx.msk [tilespmem:v4+s1+$0x0], $0xffff  }
0x126: {  	s10 =	sadd.s32 $0x1, s9;
	v3 =	vld [tilespmem:s7+$0xFFFFFFC0]  }
0x127: {  	v58 =	vmov s10;
	v57 =	vld [tilespmem:s7+$0xFFFFFFD0]  }
0x128: {  	v5 =	vand.u32 $0xFFFFFFFD, v58  }
0x129: {  	v5 =	vbroadcast v5, $0x0;
	_ =	sdelay $0x1  }
0x12a: {  	v3 =	vmul.f32 v3, v2  }
0x12b: {  	v2 =	vmul.f32 v57, v2  }
0x12c: {  	[tilespmem:s7+$0xFFFFFFC0] =	vst v3  }
0x12d: {  	[tilespmem:s7+$0xFFFFFFD0] =	vst v2;
	v3 =	vld [tilespmem:s7+$0xFFFFFFE0]  }
0x12e: {  	s17 =	sadd.s32 $0x2, s9;
	v2 =	vld.idx.msk [tilespmem:v5+s1+$0x0], $0xffff  }
0x12f: {  	v60 =	vmov s17;
	v59 =	vld [tilespmem:s7+$0xFFFFFFF0]  }
0x130: {  	v5 =	vand.u32 $0xFFFFFFFE, v60  }
0x131: {  	v5 =	vbroadcast v5, $0x0;
	_ =	sdelay $0x1  }
0x132: {  	v3 =	vmul.f32 v3, v2  }
0x133: {  	v2 =	vmul.f32 v59, v2  }
0x134: {  	[tilespmem:s7+$0xFFFFFFE0] =	vst v3  }
0x135: {  	[tilespmem:s7+$0xFFFFFFF0] =	vst v2;
	v2 =	vld [tilespmem:s7+$0x10]  }
0x136: {  	v3 =	vld.idx.msk [tilespmem:v5+s1+$0x0], $0xffff  }
0x137: {  	v61 =	vld [tilespmem:s7+$0x0];
	_ =	sdelay $0x1  }
0x138: {  	s17 =	sadd.s32 $0x3, s9  }
0x139: {  	v62 =	vmov s17  }
0x13a: {  	v2 =	vmul.f32 v2, v3  }
0x13b: {  	v3 =	vmul.f32 v61, v3  }
0x13c: {  	[tilespmem:s7+$0x10] =	vst v2  }
0x13d: {  	[tilespmem:s7+$0x0] =	vst v3;
	v3 =	vld [tilespmem:s7+$0x20]  }
0x13e: {  	v2 =	vld.idx.msk [tilespmem:v62+s1+$0x0], $0xffff  }
0x13f: {  	v63 =	vld [tilespmem:s7+$0x30];
	_ =	sdelay $0x3  }
0x140: {  	v3 =	vmul.f32 v3, v2  }
0x141: {  	v2 =	vmul.f32 v63, v2  }
0x142: {  	[tilespmem:s7+$0x20] =	vst v3  }
0x143: {  	[tilespmem:s7+$0x30] =	vst v2  }
0x144: {  	[spmem:s3] =	stream.indirect.scatter.add.f32 [tilespmem:s1], [sflag:$0x2], $0x1, s6, s2, $0xb8;
	[tilespmem:$0x10690] =	vst v63  }
0x145: {  	s29 =	sadd.s32 $0x1, s29;
	_ =	swait.ge [sflag:s24], $0x80  }
0x146: {  	p0 =	sne.s32 s29, $0x51;
	[sflag:s24] =	ssyncset.done $0x0  }
.Ltmp2:
0x147: {  	[sflag:s24] =	ssyncadd.s32 $0xFFFFFF80;
	(pc) =	sbr.rel @p0 .LBB2_4-.Ltmp2, $4  }
0x148: {  	[spmem:s4] =	stream.indirect.scatter.add.f32 [tilespmem:s31], [sflag:$0x2], $0x20, s6, s2, $0xb8;
	[tilespmem:$0x10690] =	vst v63  }
0x149: {  	_ =	swait.ge [sflag:s24], $0x1000  }
0x14a: {  	[sflag:s24] =	ssyncset.done $0x0  }
0x14b: {  	[sflag:s24] =	ssyncadd.s32 $0xFFFFF000  }
0x14c: {  	[bflag:$0x0] =	sbarrier.arrive $0xFFFF  }
0x14d: {  	[tilespmem:s30], [sflag:$0x2] =	stream.linear.gather [spmem:s11], $0x280, $0x38;
	[tilespmem:$0x10690] =	vst v63  }
0x14e: {  	_ =	swait.ge [sflag:s24], $0x280  }
0x14f: {  	[sflag:s24] =	ssyncset.done $0x0  }
0x150: {  	s6 =	rddreg [dreg:$0x9];
	[sflag:s24] =	ssyncadd.s32 $0xFFFFFD80  }
0x151: {  	[hbm4b:s6+s5] =	stream.linear.scatter [tilespmem:s30], [sflag:$0x2], $0x280, $0x38;
	[tilespmem:$0x10690] =	vst v63  }
0x152: {  	_ =	swait.ge [sflag:s24], $0x280  }
0x153: {  	[sflag:s24] =	ssyncset.done $0x0  }
0x154: {  	[sflag:s24] =	ssyncadd.s32 $0xFFFFFD80  }
0x155: {  	[tilespmem:s31], [sflag:$0x2] =	stream.linear.gather [spmem:s12], $0x1000, $0x38;
	[tilespmem:$0x10690] =	vst v63  }
0x156: {  	_ =	swait.ge [sflag:s24], $0x1000  }
0x157: {  	[sflag:s24] =	ssyncset.done $0x0  }
0x158: {  	[sflag:s24] =	ssyncadd.s32 $0xFFFFF000  }
0x159: {  	[hbm4b:s18+s5] =	stream.linear.scatter [tilespmem:s31], [sflag:$0x2], $0x1000, $0x38;
	[tilespmem:$0x10690] =	vst v63  }
0x15a: {  	_ =	swait.ge [sflag:s24], $0x1000  }
0x15b: {  	[sflag:s24] =	ssyncset.done $0x0  }
0x15c: {  	[sflag:s24] =	ssyncadd.s32 $0xFFFFF000  }
0x15d: {  	[tilespmem:s31], [sflag:$0x2] =	stream.linear.gather [spmem:s13], $0x1000, $0x38;
	[tilespmem:$0x10690] =	vst v63  }
0x15e: {  	_ =	swait.ge [sflag:s24], $0x1000  }
0x15f: {  	[sflag:s24] =	ssyncset.done $0x0  }
0x160: {  	[sflag:s24] =	ssyncadd.s32 $0xFFFFF000  }
0x161: {  	[hbm4b:s19+s5] =	stream.linear.scatter [tilespmem:s31], [sflag:$0x2], $0x1000, $0x38;
	[tilespmem:$0x10690] =	vst v63  }
0x162: {  	_ =	swait.ge [sflag:s24], $0x1000  }
0x163: {  	[sflag:s24] =	ssyncset.done $0x0  }
0x164: {  	[sflag:s24] =	ssyncadd.s32 $0xFFFFF000  }
0x165: {  	[tilespmem:s31], [sflag:$0x2] =	stream.linear.gather [spmem:s14], $0x1000, $0x38;
	[tilespmem:$0x10690] =	vst v63  }
0x166: {  	_ =	swait.ge [sflag:s24], $0x1000  }
0x167: {  	[sflag:s24] =	ssyncset.done $0x0  }
0x168: {  	[sflag:s24] =	ssyncadd.s32 $0xFFFFF000  }
0x169: {  	[hbm4b:s20+s5] =	stream.linear.scatter [tilespmem:s31], [sflag:$0x2], $0x1000, $0x38;
	[tilespmem:$0x10690] =	vst v63  }
0x16a: {  	_ =	swait.ge [sflag:s24], $0x1000  }
0x16b: {  	[sflag:s24] =	ssyncset.done $0x0  }
0x16c: {  	[sflag:s24] =	ssyncadd.s32 $0xFFFFF000  }
0x16d: {  	[tilespmem:s31], [sflag:$0x2] =	stream.linear.gather [spmem:s15], $0x1000, $0x38;
	[tilespmem:$0x10690] =	vst v63  }
0x16e: {  	_ =	swait.ge [sflag:s24], $0x1000  }
0x16f: {  	[sflag:s24] =	ssyncset.done $0x0  }
0x170: {  	[sflag:s24] =	ssyncadd.s32 $0xFFFFF000  }
0x171: {  	[hbm4b:s21+s5] =	stream.linear.scatter [tilespmem:s31], [sflag:$0x2], $0x1000, $0x38;
	[tilespmem:$0x10690] =	vst v63  }
0x172: {  	_ =	swait.ge [sflag:s24], $0x1000  }
0x173: {  	[sflag:s24] =	ssyncset.done $0x0  }
0x174: {  	[sflag:s24] =	ssyncadd.s32 $0xFFFFF000  }
0x175: {  	[tilespmem:s31], [sflag:$0x2] =	stream.linear.gather [spmem:s16], $0x1000, $0x38;
	[tilespmem:$0x10690] =	vst v63  }
0x176: {  	s26 =	sadd.s32 $0x1, s26;
	_ =	swait.ge [sflag:s24], $0x1000  }
0x177: {  	p0 =	sne.s32 s26, s23;
	[sflag:s24] =	ssyncset.done $0x0  }
.Ltmp3:
0x178: {  	[sflag:s24] =	ssyncadd.s32 $0xFFFFF000;
	(pc) =	sbr.rel @p0 .LBB2_1-.Ltmp3, $4  }
0x179: {  	[hbm4b:s22+s5] =	stream.linear.scatter [tilespmem:s31], [sflag:$0x2], $0x1000, $0x38;
	[tilespmem:$0x10690] =	vst v63  }
0x17a: {  	_ =	swait.ge [sflag:s24], $0x1000  }
0x17b: {  	[sflag:s24] =	ssyncset.done $0x0  }
0x17c: {  	[sflag:s24] =	ssyncadd.s32 $0xFFFFF000  }
0x17d: {  	_ =	sfence.sel $0x180000  }
0x17e: {  	[bflag:$0x0] =	sbarrier.arrive $0xFFFF  }
0x17f: {  	_ =	strace $0x90000047  }
0x180: {  	s0 =	stileid.u32;
	[bflag:$0x2] =	sbarrier.arrive $0xFFFF  }
0x181: {  	p0 =	sne.s32 s0, $0x0;
	s0 =	rddreg [dreg:$0x4]  }
0x182: {  	s0 =	sadd.s32 @!p0 $0x100000, s0  }
0x183: {  	[sflag:s0] =	ssyncadd.tile.s32 @!p0 $0x1;
	_ =	shalt  }
.Lfunc_end2:
_tile_overlayer_lowered:
.L_overlay_start_2:
0x184: {  	(tag) =	ssettag $0x2  }
0x185: {  	s0 =	rddreg [dreg:$0x0];
	s2 =	stileid.u32  }
0x186: {  	s1 =	rddreg [dreg:$0x1];
	p0 =	sne.s32 s2, $0x0  }
0x187: {  	s3 =	rddreg [dreg:$0x2];
	[bflag:$0x3] =	sbarrier.arrive $0xFFFF;
	s2 =	simm.s32 @!p0 $0x1C02  }
0x188: {  	[timem:s3], [sflag:s2] =	dma.local @!p0 [hbm:s0], s1  }
0x189: {  	s0 =	simm.s32 @!p0 $0x2  }
0x18a: {  	_ =	swait.ge @!p0 [sflag:s0], s1  }
0x18b: {  	s1 =	ssub.s32 @!p0 $0x0, s1;
	[sflag:s0] =	ssyncset.done @!p0 $0x0  }
0x18c: {  	[sflag:s0] =	ssyncadd.s32 @!p0 s1  }
0x18d: {  	[bflag:$0x3] =	sbarrier.arrive $0xFFFF  }
0x18e: {  	_ =	shalt  }

</sc_bundles>
